<compile_context>
chip_gen: v7x
topology: tpu7x:2x2x1
jax: 0.10.2.dev20260603
libtpu: 0.0.44.dev20260713+nightly
codegen_flags: <defaults>
</compile_context>

<pallas_src>
import functools

import jax
import jax.numpy as jnp
from jax import lax
from jax.experimental import pallas as pl
from jax.experimental.pallas import tpu as pltpu
from jax.experimental.pallas import tpu_sc as plsc

N = 1 << 21
RES = 128
C = 128
R = N // C
BR = 512
NBLK = R // BR

_KS0 = 0
_KS1 = 42
_KS2 = _KS0 ^ _KS1 ^ 0x1BD11BDA
_ROTS = ((13, 15, 26, 6), (17, 29, 16, 24))


def _rotl(v, r):
    return (v << jnp.uint32(r)) | (v >> jnp.uint32(32 - r))


def _threefry_bits(g):
    ks = (jnp.uint32(_KS0), jnp.uint32(_KS1), jnp.uint32(_KS2))
    x0 = jnp.zeros_like(g) + ks[0]
    x1 = g + ks[1]
    for r in range(5):
        for d in _ROTS[r % 2]:
            x0 = x0 + x1
            x1 = _rotl(x1, d)
            x1 = x0 ^ x1
        x0 = x0 + ks[(r + 1) % 3]
        x1 = x1 + ks[(r + 2) % 3] + jnp.uint32(r + 1)
    return x0 ^ x1


def _tcb_body(thr_ref):
    i = pl.program_id(0)
    row = lax.broadcasted_iota(jnp.uint32, (BR, C), 0)
    col = lax.broadcasted_iota(jnp.uint32, (BR, C), 1)
    g = (jnp.uint32(BR) * i.astype(jnp.uint32) + row) * jnp.uint32(C) + col
    bits = _threefry_bits(g)
    fb = (bits >> jnp.uint32(9)) | jnp.uint32(0x3F800000)
    u = lax.bitcast_convert_type(fb, jnp.float32) - 1.0
    t_u = -jnp.log1p(-u) - 1e-4
    thr_ref[...] = jnp.minimum(jnp.float32(0.01), t_u)


_tcb = pl.pallas_call(
    _tcb_body,
    grid=(NBLK,),
    out_specs=pl.BlockSpec((BR, C), lambda i: (i, 0)),
    out_shape=jax.ShapeDtypeStruct((R, C), jnp.float32),
)


def _tcc_body(d_ref, thr_ref, o_ref):
    o_ref[...] = (d_ref[...] > thr_ref[...]).astype(jnp.uint8)


_tcc = pl.pallas_call(
    _tcc_body,
    grid=(NBLK,),
    in_specs=[pl.BlockSpec((BR, C), lambda i: (i, 0)),
              pl.BlockSpec((BR, C), lambda i: (i, 0))],
    out_specs=pl.BlockSpec((BR, C), lambda i: (i, 0)),
    out_shape=jax.ShapeDtypeStruct((R, C), jnp.uint8),
)

_NC = 2
_NS = 16
_NW = _NC * _NS
_NP = N // _NW
_CH = 8192
_CROWS = _CH // C
_NCH = _NP // _CH
_RM = 12582912.0


def _voxf(v):
    f = (v + 1.0) * 64.0 - 0.5
    f = (f + _RM) - _RM
    return jnp.minimum(jnp.maximum(f, 0.0), 127.0)


def _sc_compute_chunk(sv, idx_v, pen_v):
    @plsc.parallel_loop(0, _CH, step=16, unroll=4)
    def _(p):
        row = p >> 7
        co = p & 127
        x = sv[0, row, pl.ds(co, 16)]
        y = sv[1, row, pl.ds(co, 16)]
        z = sv[2, row, pl.ds(co, 16)]
        linf = (_voxf(z) * 128.0 + _voxf(y)) * 128.0 + _voxf(x)
        idx_v[pl.ds(p, 16)] = linf.astype(jnp.int32)
        m = jnp.maximum(jnp.maximum(jnp.abs(x), jnp.abs(y)), jnp.abs(z))
        pen_v[pl.ds(p, 16)] = jnp.where(m <= 1.0, jnp.zeros_like(x),
                                        jnp.full_like(x, -2.0))


def _sc_pass2(d_v, pen_v):
    @plsc.parallel_loop(0, _CH, step=16, unroll=4)
    def _(p):
        d_v[pl.ds(p, 16)] = d_v[pl.ds(p, 16)] + pen_v[pl.ds(p, 16)]


@functools.cache
def _make_sc_gather():
    mesh = plsc.VectorSubcoreMesh(core_axis_name="c", subcore_axis_name="s")

    slab3 = pltpu.VMEM((3, _CROWS, C), jnp.float32)
    flat_i = pltpu.VMEM((_CH,), jnp.int32)
    flat_f = pltpu.VMEM((_CH,), jnp.float32)

    @functools.partial(
        pl.kernel,
        mesh=mesh,
        out_type=jax.ShapeDtypeStruct((N,), jnp.float32),
        scratch_types=[slab3, slab3,
                       flat_i, flat_i, flat_f, flat_f, flat_f, flat_f,
                       pltpu.SemaphoreType.DMA, pltpu.SemaphoreType.DMA,
                       pltpu.SemaphoreType.DMA, pltpu.SemaphoreType.DMA,
                       pltpu.SemaphoreType.DMA],
    )
    def _sc_gather(xt_hbm, grid_hbm, d_hbm,
                   sv0, sv1, idx0, idx1, pen0, pen1, dv0, dv1,
                   s0, s1, o0, o1, sp):
        wid = lax.axis_index("s") * _NC + lax.axis_index("c")
        base0 = wid * _NP
        svs = (sv0, sv1)
        idxs, pens, dvs = (idx0, idx1), (pen0, pen1), (dv0, dv1)
        sems, osems = (s0, s1), (o0, o1)

        row0 = wid * (_NP // C)

        def slab_src(k):
            return xt_hbm.at[:, pl.ds(row0 + k * _CROWS, _CROWS), :]

        pltpu.sync_copy(slab_src(0), sv0)
        pf = pltpu.async_copy(slab_src(1), sv1, sp)
        _sc_compute_chunk(sv0, idx0, pen0)
        cps = [pltpu.async_copy(grid_hbm.at[idx0], dv0, s0)]
        wrs = [None] * _NCH
        for k in range(1, _NCH):
            b = k % 2
            pf.wait()
            if k + 1 < _NCH:
                pf = pltpu.async_copy(slab_src(k + 1), svs[1 - b], sp)
            _sc_compute_chunk(svs[b], idxs[b], pens[b])
            if k >= 2:
                wrs[k - 2].wait()
            cps.append(pltpu.async_copy(grid_hbm.at[idxs[b]], dvs[b], sems[b]))
            cps[k - 1].wait()
            _sc_pass2(dvs[1 - b], pens[1 - b])
            wrs[k - 1] = pltpu.async_copy(
                dvs[1 - b], d_hbm.at[pl.ds(base0 + (k - 1) * _CH, _CH)],
                osems[1 - b])
        last = _NCH - 1
        cps[last].wait()
        _sc_pass2(dvs[last % 2], pens[last % 2])
        wrs[last - 1].wait()
        wrs[last] = pltpu.async_copy(
            dvs[last % 2], d_hbm.at[pl.ds(base0 + last * _CH, _CH)],
            osems[last % 2])
        wrs[last].wait()

    return _sc_gather


def kernel(xyz_ndc, grid):
    xt = jnp.transpose(xyz_ndc).reshape(3, R, C)
    d = _make_sc_gather()(xt, grid.reshape(N))
    thr = _tcb()
    out8 = _tcc(d.reshape(R, C), thr)
    return out8.reshape(N).view(jnp.bool_)

# --- scband reference (transcript-rebuilt; emitter-appended) ---
"""Pipeline reference for scband-occupancy-grid-filter-55190329754361 (READ-ONLY COPY).

The authoritative reference and input builder live on the scoring server;
editing this copy changes nothing except your own understanding.
"""

import jax, jax.numpy as jnp
import numpy as np

RES = 128
DENSITY_THRESHOLD = 0.01


def setup_inputs(seed: int = 0) -> dict:
    key = jax.random.key(seed)
    k1, k2 = jax.random.split(key)
    # points in NDC, slightly outside [-1,1] so the bounds mask is exercised
    xyz_ndc = jax.random.uniform(k1, (2097152, 3), jnp.float32, minval=-1.05, maxval=1.05)
    # grid buffer: randomized around the threshold so both branches of d_mask occur
    grid = jax.random.uniform(k2, (RES, RES, RES), jnp.float32, minval=0.0, maxval=0.04)
    return {"xyz_ndc": xyz_ndc, "grid": grid}


def reference(xyz_ndc, grid):
    res = grid.shape[0]
    # in-bounds mask
    mask = jnp.all((xyz_ndc >= -1.0) & (xyz_ndc <= 1.0), axis=-1)
    # ndc -> voxel indices
    ijk = (xyz_ndc + 1.0) * res * 0.5 - 0.5
    ijk = jnp.clip(jnp.round(ijk), 0, res - 1).astype(jnp.int32)
    # gather densities (z, y, x indexing, matching torch)
    d = grid[ijk[..., 2], ijk[..., 1], ijk[..., 0]]
    d_mask = d > DENSITY_THRESHOLD
    # stochastic test: bernoulli(1 - exp(-(d + 1e-4))) with a fixed key
    p = 1.0 - jnp.exp(-(d + 1e-4))
    d_stoch_mask = jax.random.bernoulli(jax.random.key(42), p)
    d_mask = d_mask | d_stoch_mask
    return mask & d_mask

if __name__ == "__main__":
    import jax
    _d = setup_inputs()
    print(jax.jit(kernel)(*tuple(_d.values())))

</pallas_src>

<mosaic_0001>
#map = affine_map<(d0, d1) -> (0, 0, 0)>
#map1 = affine_map<(d0, d1) -> (0)>
module attributes {stable_mosaic.version = 14 : i64} {
  func.func @_sc_gather(%arg0: i32, %arg1: i32, %arg2: memref<3x16384x128xf32, #tpu.memory_space<hbm>>, %arg3: memref<2097152xf32, #tpu.memory_space<hbm>>, %arg4: memref<2097152xf32, #tpu.memory_space<hbm>>, %arg5: memref<3x64x128xf32, #tpu.memory_space<vmem>>, %arg6: memref<3x64x128xf32, #tpu.memory_space<vmem>>, %arg7: memref<8192xi32, #tpu.memory_space<vmem>>, %arg8: memref<8192xi32, #tpu.memory_space<vmem>>, %arg9: memref<8192xf32, #tpu.memory_space<vmem>>, %arg10: memref<8192xf32, #tpu.memory_space<vmem>>, %arg11: memref<8192xf32, #tpu.memory_space<vmem>>, %arg12: memref<8192xf32, #tpu.memory_space<vmem>>, %arg13: memref<!tpu.dma_semaphore, #tpu.memory_space<semaphore_mem>>, %arg14: memref<!tpu.dma_semaphore, #tpu.memory_space<semaphore_mem>>, %arg15: memref<!tpu.dma_semaphore, #tpu.memory_space<semaphore_mem>>, %arg16: memref<!tpu.dma_semaphore, #tpu.memory_space<semaphore_mem>>, %arg17: memref<!tpu.dma_semaphore, #tpu.memory_space<semaphore_mem>>) attributes {dimension_semantics = [#tpu.dimension_semantics<core_parallel>, #tpu.dimension_semantics<subcore_parallel>], iteration_bounds = array<i64: 2, 16>, scalar_prefetch = 0 : i64, scratch_operands = 13 : i64, tpu.core_type = #tpu.core_type<sc_vector_subcore>, window_params = [{transform_indices = #map}, {transform_indices = #map1}, {transform_indices = #map1}]} {
    %mul3A = arith.constant 2 : i32
    %mul3A_0 = arith.muli %arg1, %mul3A : i32
    %add3A = arith.addi %mul3A_0, %arg0 : i32
    %mul3A_1 = arith.constant 65536 : i32
    %mul3A_2 = arith.muli %add3A, %mul3A_1 : i32
    %mul3A_3 = arith.constant 512 : i32
    %mul3A_4 = arith.muli %add3A, %mul3A_3 : i32
    %add3A_5 = arith.constant 0 : i32
    %add3A_6 = arith.addi %mul3A_4, %add3A_5 : i32
    "tpu.region"() ({
      %run_scoped3A = tpu.sem_alloc : memref<!tpu.dma_semaphore, #tpu.memory_space<semaphore_mem>>
      %dma_start3A_230 = arith.constant 0 : i32
      %dma_start3A_231 = arith.constant 0 : i32
      %dma_start3A_232 = tpu.memref_slice %arg2[%dma_start3A_230, %add3A_6, %dma_start3A_231] : memref<3x16384x128xf32, #tpu.memory_space<hbm>> -> memref<3x64x128xf32, #tpu.memory_space<hbm>>
      %dma_start3A_233 = arith.constant 0 : i32
      %dma_start3A_234 = arith.constant 0 : i32
      %dma_start3A_235 = tpu.memref_slice %arg2[%dma_start3A_233, %add3A_6, %dma_start3A_234] : memref<3x16384x128xf32, #tpu.memory_space<hbm>> -> memref<3x64x128xf32, #tpu.memory_space<hbm>>
      tpu.enqueue_dma source(%dma_start3A_235 : memref<3x64x128xf32, #tpu.memory_space<hbm>>) target(%arg5 : memref<3x64x128xf32, #tpu.memory_space<vmem>>) target_semaphore(%run_scoped3A : memref<!tpu.dma_semaphore, #tpu.memory_space<semaphore_mem>>)
      %dma_wait3A_236 = arith.constant 0 : i32
      %dma_wait3A_237 = arith.constant 0 : i32
      %dma_wait3A_238 = tpu.memref_slice %arg2[%dma_wait3A_236, %add3A_6, %dma_wait3A_237] : memref<3x16384x128xf32, #tpu.memory_space<hbm>> -> memref<3x64x128xf32, #tpu.memory_space<hbm>>
      %dma_wait3A_239 = arith.constant 0 : i32
      %dma_wait3A_240 = arith.constant 0 : i32
      %dma_wait3A_241 = tpu.memref_slice %arg2[%dma_wait3A_239, %add3A_6, %dma_wait3A_240] : memref<3x16384x128xf32, #tpu.memory_space<hbm>> -> memref<3x64x128xf32, #tpu.memory_space<hbm>>
      tpu.wait_dma2 semaphore(%run_scoped3A : memref<!tpu.dma_semaphore, #tpu.memory_space<semaphore_mem>>) src(%dma_wait3A_241 : memref<3x64x128xf32, #tpu.memory_space<hbm>>) dst(%arg5 : memref<3x64x128xf32, #tpu.memory_space<vmem>>)
      tpu.yield
    }) : () -> ()
    %add3A_7 = arith.constant 64 : i32
    %add3A_8 = arith.addi %mul3A_4, %add3A_7 : i32
    %dma_start3A = arith.constant 0 : i32
    %dma_start3A_9 = arith.constant 0 : i32
    %dma_start3A_10 = tpu.memref_slice %arg2[%dma_start3A, %add3A_8, %dma_start3A_9] : memref<3x16384x128xf32, #tpu.memory_space<hbm>> -> memref<3x64x128xf32, #tpu.memory_space<hbm>>
    %dma_start3A_11 = arith.constant 0 : i32
    %dma_start3A_12 = arith.constant 0 : i32
    %dma_start3A_13 = tpu.memref_slice %arg2[%dma_start3A_11, %add3A_8, %dma_start3A_12] : memref<3x16384x128xf32, #tpu.memory_space<hbm>> -> memref<3x64x128xf32, #tpu.memory_space<hbm>>
    tpu.enqueue_dma source(%dma_start3A_13 : memref<3x64x128xf32, #tpu.memory_space<hbm>>) target(%arg6 : memref<3x64x128xf32, #tpu.memory_space<vmem>>) target_semaphore(%arg17 : memref<!tpu.dma_semaphore, #tpu.memory_space<semaphore_mem>>)
    %parallel_loop3A = arith.constant 0 : i32
    %parallel_loop3A_14 = arith.constant 8192 : i32
    %parallel_loop3A_15 = arith.constant 16 : i32
    scf.for %parallel_loop3A_230 = %parallel_loop3A to %parallel_loop3A_14 step %parallel_loop3A_15  : i32 {
      %parallel_loop3A_231 = arith.constant 7 : i32
      %parallel_loop3A_232 = arith.shrsi %parallel_loop3A_230, %parallel_loop3A_231 : i32
      %parallel_loop3A_233 = arith.constant 127 : i32
      %parallel_loop3A_234 = arith.andi %parallel_loop3A_230, %parallel_loop3A_233 : i32
      %parallel_loop3A_235 = arith.constant 0 : i32
      %parallel_loop3A_236 = arith.index_cast %parallel_loop3A_235 : i32 to index
      %parallel_loop3A_237 = arith.index_cast %parallel_loop3A_232 : i32 to index
      %parallel_loop3A_238 = arith.index_cast %parallel_loop3A_234 : i32 to index
      %parallel_loop3A_239 = tpu.vector_load %arg5[%parallel_loop3A_236, %parallel_loop3A_237, %parallel_loop3A_238] {strides = array<i32>} : memref<3x64x128xf32, #tpu.memory_space<vmem>>, vector<1x1x16xf32>,
      %parallel_loop3A_240 = vector.shape_cast %parallel_loop3A_239 : vector<1x1x16xf32> to vector<16xf32>
      %parallel_loop3A_241 = arith.constant 1 : i32
      %parallel_loop3A_242 = arith.index_cast %parallel_loop3A_241 : i32 to index
      %parallel_loop3A_243 = arith.index_cast %parallel_loop3A_232 : i32 to index
      %parallel_loop3A_244 = arith.index_cast %parallel_loop3A_234 : i32 to index
      %parallel_loop3A_245 = tpu.vector_load %arg5[%parallel_loop3A_242, %parallel_loop3A_243, %parallel_loop3A_244] {strides = array<i32>} : memref<3x64x128xf32, #tpu.memory_space<vmem>>, vector<1x1x16xf32>,
      %parallel_loop3A_246 = vector.shape_cast %parallel_loop3A_245 : vector<1x1x16xf32> to vector<16xf32>
      %parallel_loop3A_247 = arith.constant 2 : i32
      %parallel_loop3A_248 = arith.index_cast %parallel_loop3A_247 : i32 to index
      %parallel_loop3A_249 = arith.index_cast %parallel_loop3A_232 : i32 to index
      %parallel_loop3A_250 = arith.index_cast %parallel_loop3A_234 : i32 to index
      %parallel_loop3A_251 = tpu.vector_load %arg5[%parallel_loop3A_248, %parallel_loop3A_249, %parallel_loop3A_250] {strides = array<i32>} : memref<3x64x128xf32, #tpu.memory_space<vmem>>, vector<1x1x16xf32>,
      %parallel_loop3A_252 = vector.shape_cast %parallel_loop3A_251 : vector<1x1x16xf32> to vector<16xf32>
      %parallel_loop3A_253 = arith.constant 1.000000e+00 : f32
      %parallel_loop3A_254 = vector.broadcast %parallel_loop3A_253 : f32 to vector<16xf32>
      %parallel_loop3A_255 = arith.addf %parallel_loop3A_252, %parallel_loop3A_254 : vector<16xf32>
      %parallel_loop3A_256 = arith.constant 6.400000e+01 : f32
      %parallel_loop3A_257 = vector.broadcast %parallel_loop3A_256 : f32 to vector<16xf32>
      %parallel_loop3A_258 = arith.mulf %parallel_loop3A_255, %parallel_loop3A_257 : vector<16xf32>
      %parallel_loop3A_259 = arith.constant 5.000000e-01 : f32
      %parallel_loop3A_260 = vector.broadcast %parallel_loop3A_259 : f32 to vector<16xf32>
      %parallel_loop3A_261 = arith.subf %parallel_loop3A_258, %parallel_loop3A_260 : vector<16xf32>
      %parallel_loop3A_262 = arith.constant 0x4B400000 : f32
      %parallel_loop3A_263 = vector.broadcast %parallel_loop3A_262 : f32 to vector<16xf32>
      %parallel_loop3A_264 = arith.addf %parallel_loop3A_261, %parallel_loop3A_263 : vector<16xf32>
      %parallel_loop3A_265 = arith.constant 0x4B400000 : f32
      %parallel_loop3A_266 = vector.broadcast %parallel_loop3A_265 : f32 to vector<16xf32>
      %parallel_loop3A_267 = arith.subf %parallel_loop3A_264, %parallel_loop3A_266 : vector<16xf32>
      %parallel_loop3A_268 = arith.constant 0.000000e+00 : f32
      %parallel_loop3A_269 = vector.broadcast %parallel_loop3A_268 : f32 to vector<16xf32>
      %parallel_loop3A_270 = arith.maximumf %parallel_loop3A_267, %parallel_loop3A_269 : vector<16xf32>
      %parallel_loop3A_271 = arith.constant 1.270000e+02 : f32
      %parallel_loop3A_272 = vector.broadcast %parallel_loop3A_271 : f32 to vector<16xf32>
      %parallel_loop3A_273 = arith.minimumf %parallel_loop3A_270, %parallel_loop3A_272 : vector<16xf32>
      %parallel_loop3A_274 = arith.constant 1.280000e+02 : f32
      %parallel_loop3A_275 = vector.broadcast %parallel_loop3A_274 : f32 to vector<16xf32>
      %parallel_loop3A_276 = arith.mulf %parallel_loop3A_273, %parallel_loop3A_275 : vector<16xf32>
      %parallel_loop3A_277 = arith.constant 1.000000e+00 : f32
      %parallel_loop3A_278 = vector.broadcast %parallel_loop3A_277 : f32 to vector<16xf32>
      %parallel_loop3A_279 = arith.addf %parallel_loop3A_246, %parallel_loop3A_278 : vector<16xf32>
      %parallel_loop3A_280 = arith.constant 6.400000e+01 : f32
      %parallel_loop3A_281 = vector.broadcast %parallel_loop3A_280 : f32 to vector<16xf32>
      %parallel_loop3A_282 = arith.mulf %parallel_loop3A_279, %parallel_loop3A_281 : vector<16xf32>
      %parallel_loop3A_283 = arith.constant 5.000000e-01 : f32
      %parallel_loop3A_284 = vector.broadcast %parallel_loop3A_283 : f32 to vector<16xf32>
      %parallel_loop3A_285 = arith.subf %parallel_loop3A_282, %parallel_loop3A_284 : vector<16xf32>
      %parallel_loop3A_286 = arith.constant 0x4B400000 : f32
      %parallel_loop3A_287 = vector.broadcast %parallel_loop3A_286 : f32 to vector<16xf32>
      %parallel_loop3A_288 = arith.addf %parallel_loop3A_285, %parallel_loop3A_287 : vector<16xf32>
      %parallel_loop3A_289 = arith.constant 0x4B400000 : f32
      %parallel_loop3A_290 = vector.broadcast %parallel_loop3A_289 : f32 to vector<16xf32>
      %parallel_loop3A_291 = arith.subf %parallel_loop3A_288, %parallel_loop3A_290 : vector<16xf32>
      %parallel_loop3A_292 = arith.constant 0.000000e+00 : f32
      %parallel_loop3A_293 = vector.broadcast %parallel_loop3A_292 : f32 to vector<16xf32>
      %parallel_loop3A_294 = arith.maximumf %parallel_loop3A_291, %parallel_loop3A_293 : vector<16xf32>
      %parallel_loop3A_295 = arith.constant 1.270000e+02 : f32
      %parallel_loop3A_296 = vector.broadcast %parallel_loop3A_295 : f32 to vector<16xf32>
      %parallel_loop3A_297 = arith.minimumf %parallel_loop3A_294, %parallel_loop3A_296 : vector<16xf32>
      %parallel_loop3A_298 = arith.addf %parallel_loop3A_276, %parallel_loop3A_297 : vector<16xf32>
      %parallel_loop3A_299 = arith.constant 1.280000e+02 : f32
      %parallel_loop3A_300 = vector.broadcast %parallel_loop3A_299 : f32 to vector<16xf32>
      %parallel_loop3A_301 = arith.mulf %parallel_loop3A_298, %parallel_loop3A_300 : vector<16xf32>
      %parallel_loop3A_302 = arith.constant 1.000000e+00 : f32
      %parallel_loop3A_303 = vector.broadcast %parallel_loop3A_302 : f32 to vector<16xf32>
      %parallel_loop3A_304 = arith.addf %parallel_loop3A_240, %parallel_loop3A_303 : vector<16xf32>
      %parallel_loop3A_305 = arith.constant 6.400000e+01 : f32
      %parallel_loop3A_306 = vector.broadcast %parallel_loop3A_305 : f32 to vector<16xf32>
      %parallel_loop3A_307 = arith.mulf %parallel_loop3A_304, %parallel_loop3A_306 : vector<16xf32>
      %parallel_loop3A_308 = arith.constant 5.000000e-01 : f32
      %parallel_loop3A_309 = vector.broadcast %parallel_loop3A_308 : f32 to vector<16xf32>
      %parallel_loop3A_310 = arith.subf %parallel_loop3A_307, %parallel_loop3A_309 : vector<16xf32>
      %parallel_loop3A_311 = arith.constant 0x4B400000 : f32
      %parallel_loop3A_312 = vector.broadcast %parallel_loop3A_311 : f32 to vector<16xf32>
      %parallel_loop3A_313 = arith.addf %parallel_loop3A_310, %parallel_loop3A_312 : vector<16xf32>
      %parallel_loop3A_314 = arith.constant 0x4B400000 : f32
      %parallel_loop3A_315 = vector.broadcast %parallel_loop3A_314 : f32 to vector<16xf32>
      %parallel_loop3A_316 = arith.subf %parallel_loop3A_313, %parallel_loop3A_315 : vector<16xf32>
      %parallel_loop3A_317 = arith.constant 0.000000e+00 : f32
      %parallel_loop3A_318 = vector.broadcast %parallel_loop3A_317 : f32 to vector<16xf32>
      %parallel_loop3A_319 = arith.maximumf %parallel_loop3A_316, %parallel_loop3A_318 : vector<16xf32>
      %parallel_loop3A_320 = arith.constant 1.270000e+02 : f32
      %parallel_loop3A_321 = vector.broadcast %parallel_loop3A_320 : f32 to vector<16xf32>
      %parallel_loop3A_322 = arith.minimumf %parallel_loop3A_319, %parallel_loop3A_321 : vector<16xf32>
      %parallel_loop3A_323 = arith.addf %parallel_loop3A_301, %parallel_loop3A_322 : vector<16xf32>
      %parallel_loop3A_324 = arith.fptosi %parallel_loop3A_323 : vector<16xf32> to vector<16xi32>
      %parallel_loop3A_325 = arith.index_cast %parallel_loop3A_230 : i32 to index
      %parallel_loop3A_326 = tpu.vector_load %arg7[%parallel_loop3A_325] {strides = array<i32>} : memref<8192xi32, #tpu.memory_space<vmem>>, vector<16xi32>,
      %parallel_loop3A_327 = vector.shape_cast %parallel_loop3A_326 : vector<16xi32> to vector<16xi32>
      %parallel_loop3A_328 = vector.shape_cast %parallel_loop3A_324 : vector<16xi32> to vector<16xi32>
      tpu.vector_store %arg7[%parallel_loop3A_325], %parallel_loop3A_328 {strides = array<i32>} : memref<8192xi32, #tpu.memory_space<vmem>>, vector<16xi32>,
      %parallel_loop3A_329 = math.absf %parallel_loop3A_240 : vector<16xf32>
      %parallel_loop3A_330 = math.absf %parallel_loop3A_246 : vector<16xf32>
      %parallel_loop3A_331 = arith.maximumf %parallel_loop3A_329, %parallel_loop3A_330 : vector<16xf32>
      %parallel_loop3A_332 = math.absf %parallel_loop3A_252 : vector<16xf32>
      %parallel_loop3A_333 = arith.maximumf %parallel_loop3A_331, %parallel_loop3A_332 : vector<16xf32>
      %parallel_loop3A_334 = arith.constant 1.000000e+00 : f32
      %parallel_loop3A_335 = vector.broadcast %parallel_loop3A_334 : f32 to vector<16xf32>
      %parallel_loop3A_336 = arith.cmpf ole, %parallel_loop3A_333, %parallel_loop3A_335 : vector<16xf32>
      %parallel_loop3A_337 = arith.constant 0.000000e+00 : f32
      %parallel_loop3A_338 = vector.broadcast %parallel_loop3A_337 : f32 to vector<16xf32>
      %parallel_loop3A_339 = arith.constant -2.000000e+00 : f32
      %parallel_loop3A_340 = vector.broadcast %parallel_loop3A_339 : f32 to vector<16xf32>
      %parallel_loop3A_341 = arith.select %parallel_loop3A_336, %parallel_loop3A_338, %parallel_loop3A_340 : vector<16xi1>, vector<16xf32>
      %parallel_loop3A_342 = arith.index_cast %parallel_loop3A_230 : i32 to index
      %parallel_loop3A_343 = tpu.vector_load %arg9[%parallel_loop3A_342] {strides = array<i32>} : memref<8192xf32, #tpu.memory_space<vmem>>, vector<16xf32>,
      %parallel_loop3A_344 = vector.shape_cast %parallel_loop3A_343 : vector<16xf32> to vector<16xf32>
      %parallel_loop3A_345 = vector.shape_cast %parallel_loop3A_341 : vector<16xf32> to vector<16xf32>
      tpu.vector_store %arg9[%parallel_loop3A_342], %parallel_loop3A_345 {strides = array<i32>} : memref<8192xf32, #tpu.memory_space<vmem>>, vector<16xf32>,
    } {sc.loop_unroll_factor = 4 : i64, sc.parallel_access}
    %dma_start3A_16 = arith.constant 0 : i32
    %dma_start3A_17 = tpu.memref_slice %arg3[%dma_start3A_16] : memref<2097152xf32, #tpu.memory_space<hbm>> -> memref<2097152xf32, #tpu.memory_space<hbm>>
    tpu.enqueue_indirect_dma source(%dma_start3A_17 : memref<2097152xf32, #tpu.memory_space<hbm>>) target(%arg11 : memref<8192xf32, #tpu.memory_space<vmem>>) offsets(%arg7 : memref<8192xi32, #tpu.memory_space<vmem>>) semaphore(%arg13 : memref<!tpu.dma_semaphore, #tpu.memory_space<semaphore_mem>>)
    %dma_wait3A = arith.constant 0 : i32
    %dma_wait3A_18 = arith.constant 0 : i32
    %dma_wait3A_19 = tpu.memref_slice %arg2[%dma_wait3A, %add3A_8, %dma_wait3A_18] : memref<3x16384x128xf32, #tpu.memory_space<hbm>> -> memref<3x64x128xf32, #tpu.memory_space<hbm>>
    %dma_wait3A_20 = arith.constant 0 : i32
    %dma_wait3A_21 = arith.constant 0 : i32
    %dma_wait3A_22 = tpu.memref_slice %arg2[%dma_wait3A_20, %add3A_8, %dma_wait3A_21] : memref<3x16384x128xf32, #tpu.memory_space<hbm>> -> memref<3x64x128xf32, #tpu.memory_space<hbm>>
    tpu.wait_dma2 semaphore(%arg17 : memref<!tpu.dma_semaphore, #tpu.memory_space<semaphore_mem>>) src(%dma_wait3A_22 : memref<3x64x128xf32, #tpu.memory_space<hbm>>) dst(%arg6 : memref<3x64x128xf32, #tpu.memory_space<vmem>>)
    %add3A_23 = arith.constant 128 : i32
    %add3A_24 = arith.addi %mul3A_4, %add3A_23 : i32
    %dma_start3A_25 = arith.constant 0 : i32
    %dma_start3A_26 = arith.constant 0 : i32
    %dma_start3A_27 = tpu.memref_slice %arg2[%dma_start3A_25, %add3A_24, %dma_start3A_26] : memref<3x16384x128xf32, #tpu.memory_space<hbm>> -> memref<3x64x128xf32, #tpu.memory_space<hbm>>
    %dma_start3A_28 = arith.constant 0 : i32
    %dma_start3A_29 = arith.constant 0 : i32
    %dma_start3A_30 = tpu.memref_slice %arg2[%dma_start3A_28, %add3A_24, %dma_start3A_29] : memref<3x16384x128xf32, #tpu.memory_space<hbm>> -> memref<3x64x128xf32, #tpu.memory_space<hbm>>
    tpu.enqueue_dma source(%dma_start3A_30 : memref<3x64x128xf32, #tpu.memory_space<hbm>>) target(%arg5 : memref<3x64x128xf32, #tpu.memory_space<vmem>>) target_semaphore(%arg17 : memref<!tpu.dma_semaphore, #tpu.memory_space<semaphore_mem>>)
    %parallel_loop3A_31 = arith.constant 0 : i32
    %parallel_loop3A_32 = arith.constant 8192 : i32
    %parallel_loop3A_33 = arith.constant 16 : i32
    scf.for %parallel_loop3A_230 = %parallel_loop3A_31 to %parallel_loop3A_32 step %parallel_loop3A_33  : i32 {
      %parallel_loop3A_231 = arith.constant 7 : i32
      %parallel_loop3A_232 = arith.shrsi %parallel_loop3A_230, %parallel_loop3A_231 : i32
      %parallel_loop3A_233 = arith.constant 127 : i32
      %parallel_loop3A_234 = arith.andi %parallel_loop3A_230, %parallel_loop3A_233 : i32
      %parallel_loop3A_235 = arith.constant 0 : i32
      %parallel_loop3A_236 = arith.index_cast %parallel_loop3A_235 : i32 to index
      %parallel_loop3A_237 = arith.index_cast %parallel_loop3A_232 : i32 to index
      %parallel_loop3A_238 = arith.index_cast %parallel_loop3A_234 : i32 to index
      %parallel_loop3A_239 = tpu.vector_load %arg6[%parallel_loop3A_236, %parallel_loop3A_237, %parallel_loop3A_238] {strides = array<i32>} : memref<3x64x128xf32, #tpu.memory_space<vmem>>, vector<1x1x16xf32>,
      %parallel_loop3A_240 = vector.shape_cast %parallel_loop3A_239 : vector<1x1x16xf32> to vector<16xf32>
      %parallel_loop3A_241 = arith.constant 1 : i32
      %parallel_loop3A_242 = arith.index_cast %parallel_loop3A_241 : i32 to index
      %parallel_loop3A_243 = arith.index_cast %parallel_loop3A_232 : i32 to index
      %parallel_loop3A_244 = arith.index_cast %parallel_loop3A_234 : i32 to index
      %parallel_loop3A_245 = tpu.vector_load %arg6[%parallel_loop3A_242, %parallel_loop3A_243, %parallel_loop3A_244] {strides = array<i32>} : memref<3x64x128xf32, #tpu.memory_space<vmem>>, vector<1x1x16xf32>,
      %parallel_loop3A_246 = vector.shape_cast %parallel_loop3A_245 : vector<1x1x16xf32> to vector<16xf32>
      %parallel_loop3A_247 = arith.constant 2 : i32
      %parallel_loop3A_248 = arith.index_cast %parallel_loop3A_247 : i32 to index
      %parallel_loop3A_249 = arith.index_cast %parallel_loop3A_232 : i32 to index
      %parallel_loop3A_250 = arith.index_cast %parallel_loop3A_234 : i32 to index
      %parallel_loop3A_251 = tpu.vector_load %arg6[%parallel_loop3A_248, %parallel_loop3A_249, %parallel_loop3A_250] {strides = array<i32>} : memref<3x64x128xf32, #tpu.memory_space<vmem>>, vector<1x1x16xf32>,
      %parallel_loop3A_252 = vector.shape_cast %parallel_loop3A_251 : vector<1x1x16xf32> to vector<16xf32>
      %parallel_loop3A_253 = arith.constant 1.000000e+00 : f32
      %parallel_loop3A_254 = vector.broadcast %parallel_loop3A_253 : f32 to vector<16xf32>
      %parallel_loop3A_255 = arith.addf %parallel_loop3A_252, %parallel_loop3A_254 : vector<16xf32>
      %parallel_loop3A_256 = arith.constant 6.400000e+01 : f32
      %parallel_loop3A_257 = vector.broadcast %parallel_loop3A_256 : f32 to vector<16xf32>
      %parallel_loop3A_258 = arith.mulf %parallel_loop3A_255, %parallel_loop3A_257 : vector<16xf32>
      %parallel_loop3A_259 = arith.constant 5.000000e-01 : f32
      %parallel_loop3A_260 = vector.broadcast %parallel_loop3A_259 : f32 to vector<16xf32>
      %parallel_loop3A_261 = arith.subf %parallel_loop3A_258, %parallel_loop3A_260 : vector<16xf32>
      %parallel_loop3A_262 = arith.constant 0x4B400000 : f32
      %parallel_loop3A_263 = vector.broadcast %parallel_loop3A_262 : f32 to vector<16xf32>
      %parallel_loop3A_264 = arith.addf %parallel_loop3A_261, %parallel_loop3A_263 : vector<16xf32>
      %parallel_loop3A_265 = arith.constant 0x4B400000 : f32
      %parallel_loop3A_266 = vector.broadcast %parallel_loop3A_265 : f32 to vector<16xf32>
      %parallel_loop3A_267 = arith.subf %parallel_loop3A_264, %parallel_loop3A_266 : vector<16xf32>
      %parallel_loop3A_268 = arith.constant 0.000000e+00 : f32
      %parallel_loop3A_269 = vector.broadcast %parallel_loop3A_268 : f32 to vector<16xf32>
      %parallel_loop3A_270 = arith.maximumf %parallel_loop3A_267, %parallel_loop3A_269 : vector<16xf32>
      %parallel_loop3A_271 = arith.constant 1.270000e+02 : f32
      %parallel_loop3A_272 = vector.broadcast %parallel_loop3A_271 : f32 to vector<16xf32>
      %parallel_loop3A_273 = arith.minimumf %parallel_loop3A_270, %parallel_loop3A_272 : vector<16xf32>
      %parallel_loop3A_274 = arith.constant 1.280000e+02 : f32
      %parallel_loop3A_275 = vector.broadcast %parallel_loop3A_274 : f32 to vector<16xf32>
      %parallel_loop3A_276 = arith.mulf %parallel_loop3A_273, %parallel_loop3A_275 : vector<16xf32>
      %parallel_loop3A_277 = arith.constant 1.000000e+00 : f32
      %parallel_loop3A_278 = vector.broadcast %parallel_loop3A_277 : f32 to vector<16xf32>
      %parallel_loop3A_279 = arith.addf %parallel_loop3A_246, %parallel_loop3A_278 : vector<16xf32>
      %parallel_loop3A_280 = arith.constant 6.400000e+01 : f32
      %parallel_loop3A_281 = vector.broadcast %parallel_loop3A_280 : f32 to vector<16xf32>
      %parallel_loop3A_282 = arith.mulf %parallel_loop3A_279, %parallel_loop3A_281 : vector<16xf32>
      %parallel_loop3A_283 = arith.constant 5.000000e-01 : f32
      %parallel_loop3A_284 = vector.broadcast %parallel_loop3A_283 : f32 to vector<16xf32>
      %parallel_loop3A_285 = arith.subf %parallel_loop3A_282, %parallel_loop3A_284 : vector<16xf32>
      %parallel_loop3A_286 = arith.constant 0x4B400000 : f32
      %parallel_loop3A_287 = vector.broadcast %parallel_loop3A_286 : f32 to vector<16xf32>
      %parallel_loop3A_288 = arith.addf %parallel_loop3A_285, %parallel_loop3A_287 : vector<16xf32>
      %parallel_loop3A_289 = arith.constant 0x4B400000 : f32
      %parallel_loop3A_290 = vector.broadcast %parallel_loop3A_289 : f32 to vector<16xf32>
      %parallel_loop3A_291 = arith.subf %parallel_loop3A_288, %parallel_loop3A_290 : vector<16xf32>
      %parallel_loop3A_292 = arith.constant 0.000000e+00 : f32
      %parallel_loop3A_293 = vector.broadcast %parallel_loop3A_292 : f32 to vector<16xf32>
      %parallel_loop3A_294 = arith.maximumf %parallel_loop3A_291, %parallel_loop3A_293 : vector<16xf32>
      %parallel_loop3A_295 = arith.constant 1.270000e+02 : f32
      %parallel_loop3A_296 = vector.broadcast %parallel_loop3A_295 : f32 to vector<16xf32>
      %parallel_loop3A_297 = arith.minimumf %parallel_loop3A_294, %parallel_loop3A_296 : vector<16xf32>
      %parallel_loop3A_298 = arith.addf %parallel_loop3A_276, %parallel_loop3A_297 : vector<16xf32>
      %parallel_loop3A_299 = arith.constant 1.280000e+02 : f32
      %parallel_loop3A_300 = vector.broadcast %parallel_loop3A_299 : f32 to vector<16xf32>
      %parallel_loop3A_301 = arith.mulf %parallel_loop3A_298, %parallel_loop3A_300 : vector<16xf32>
      %parallel_loop3A_302 = arith.constant 1.000000e+00 : f32
      %parallel_loop3A_303 = vector.broadcast %parallel_loop3A_302 : f32 to vector<16xf32>
      %parallel_loop3A_304 = arith.addf %parallel_loop3A_240, %parallel_loop3A_303 : vector<16xf32>
      %parallel_loop3A_305 = arith.constant 6.400000e+01 : f32
      %parallel_loop3A_306 = vector.broadcast %parallel_loop3A_305 : f32 to vector<16xf32>
      %parallel_loop3A_307 = arith.mulf %parallel_loop3A_304, %parallel_loop3A_306 : vector<16xf32>
      %parallel_loop3A_308 = arith.constant 5.000000e-01 : f32
      %parallel_loop3A_309 = vector.broadcast %parallel_loop3A_308 : f32 to vector<16xf32>
      %parallel_loop3A_310 = arith.subf %parallel_loop3A_307, %parallel_loop3A_309 : vector<16xf32>
      %parallel_loop3A_311 = arith.constant 0x4B400000 : f32
      %parallel_loop3A_312 = vector.broadcast %parallel_loop3A_311 : f32 to vector<16xf32>
      %parallel_loop3A_313 = arith.addf %parallel_loop3A_310, %parallel_loop3A_312 : vector<16xf32>
      %parallel_loop3A_314 = arith.constant 0x4B400000 : f32
      %parallel_loop3A_315 = vector.broadcast %parallel_loop3A_314 : f32 to vector<16xf32>
      %parallel_loop3A_316 = arith.subf %parallel_loop3A_313, %parallel_loop3A_315 : vector<16xf32>
      %parallel_loop3A_317 = arith.constant 0.000000e+00 : f32
      %parallel_loop3A_318 = vector.broadcast %parallel_loop3A_317 : f32 to vector<16xf32>
      %parallel_loop3A_319 = arith.maximumf %parallel_loop3A_316, %parallel_loop3A_318 : vector<16xf32>
      %parallel_loop3A_320 = arith.constant 1.270000e+02 : f32
      %parallel_loop3A_321 = vector.broadcast %parallel_loop3A_320 : f32 to vector<16xf32>
      %parallel_loop3A_322 = arith.minimumf %parallel_loop3A_319, %parallel_loop3A_321 : vector<16xf32>
      %parallel_loop3A_323 = arith.addf %parallel_loop3A_301, %parallel_loop3A_322 : vector<16xf32>
      %parallel_loop3A_324 = arith.fptosi %parallel_loop3A_323 : vector<16xf32> to vector<16xi32>
      %parallel_loop3A_325 = arith.index_cast %parallel_loop3A_230 : i32 to index
      %parallel_loop3A_326 = tpu.vector_load %arg8[%parallel_loop3A_325] {strides = array<i32>} : memref<8192xi32, #tpu.memory_space<vmem>>, vector<16xi32>,
      %parallel_loop3A_327 = vector.shape_cast %parallel_loop3A_326 : vector<16xi32> to vector<16xi32>
      %parallel_loop3A_328 = vector.shape_cast %parallel_loop3A_324 : vector<16xi32> to vector<16xi32>
      tpu.vector_store %arg8[%parallel_loop3A_325], %parallel_loop3A_328 {strides = array<i32>} : memref<8192xi32, #tpu.memory_space<vmem>>, vector<16xi32>,
      %parallel_loop3A_329 = math.absf %parallel_loop3A_240 : vector<16xf32>
      %parallel_loop3A_330 = math.absf %parallel_loop3A_246 : vector<16xf32>
      %parallel_loop3A_331 = arith.maximumf %parallel_loop3A_329, %parallel_loop3A_330 : vector<16xf32>
      %parallel_loop3A_332 = math.absf %parallel_loop3A_252 : vector<16xf32>
      %parallel_loop3A_333 = arith.maximumf %parallel_loop3A_331, %parallel_loop3A_332 : vector<16xf32>
      %parallel_loop3A_334 = arith.constant 1.000000e+00 : f32
      %parallel_loop3A_335 = vector.broadcast %parallel_loop3A_334 : f32 to vector<16xf32>
      %parallel_loop3A_336 = arith.cmpf ole, %parallel_loop3A_333, %parallel_loop3A_335 : vector<16xf32>
      %parallel_loop3A_337 = arith.constant 0.000000e+00 : f32
      %parallel_loop3A_338 = vector.broadcast %parallel_loop3A_337 : f32 to vector<16xf32>
      %parallel_loop3A_339 = arith.constant -2.000000e+00 : f32
      %parallel_loop3A_340 = vector.broadcast %parallel_loop3A_339 : f32 to vector<16xf32>
      %parallel_loop3A_341 = arith.select %parallel_loop3A_336, %parallel_loop3A_338, %parallel_loop3A_340 : vector<16xi1>, vector<16xf32>
      %parallel_loop3A_342 = arith.index_cast %parallel_loop3A_230 : i32 to index
      %parallel_loop3A_343 = tpu.vector_load %arg10[%parallel_loop3A_342] {strides = array<i32>} : memref<8192xf32, #tpu.memory_space<vmem>>, vector<16xf32>,
      %parallel_loop3A_344 = vector.shape_cast %parallel_loop3A_343 : vector<16xf32> to vector<16xf32>
      %parallel_loop3A_345 = vector.shape_cast %parallel_loop3A_341 : vector<16xf32> to vector<16xf32>
      tpu.vector_store %arg10[%parallel_loop3A_342], %parallel_loop3A_345 {strides = array<i32>} : memref<8192xf32, #tpu.memory_space<vmem>>, vector<16xf32>,
    } {sc.loop_unroll_factor = 4 : i64, sc.parallel_access}
    %dma_start3A_34 = arith.constant 0 : i32
    %dma_start3A_35 = tpu.memref_slice %arg3[%dma_start3A_34] : memref<2097152xf32, #tpu.memory_space<hbm>> -> memref<2097152xf32, #tpu.memory_space<hbm>>
    tpu.enqueue_indirect_dma source(%dma_start3A_35 : memref<2097152xf32, #tpu.memory_space<hbm>>) target(%arg12 : memref<8192xf32, #tpu.memory_space<vmem>>) offsets(%arg8 : memref<8192xi32, #tpu.memory_space<vmem>>) semaphore(%arg14 : memref<!tpu.dma_semaphore, #tpu.memory_space<semaphore_mem>>)
    %dma_wait3A_36 = arith.constant 0 : i32
    %dma_wait3A_37 = tpu.memref_slice %arg3[%dma_wait3A_36] : memref<2097152xf32, #tpu.memory_space<hbm>> -> memref<2097152xf32, #tpu.memory_space<hbm>>
    tpu.wait_indirect_dma semaphore(%arg13 : memref<!tpu.dma_semaphore, #tpu.memory_space<semaphore_mem>>) src(%dma_wait3A_37 : memref<2097152xf32, #tpu.memory_space<hbm>>) dst(%arg11 : memref<8192xf32, #tpu.memory_space<vmem>>)
    %parallel_loop3A_38 = arith.constant 0 : i32
    %parallel_loop3A_39 = arith.constant 8192 : i32
    %parallel_loop3A_40 = arith.constant 16 : i32
    scf.for %parallel_loop3A_230 = %parallel_loop3A_38 to %parallel_loop3A_39 step %parallel_loop3A_40  : i32 {
      %parallel_loop3A_231 = arith.index_cast %parallel_loop3A_230 : i32 to index
      %parallel_loop3A_232 = tpu.vector_load %arg11[%parallel_loop3A_231] {strides = array<i32>} : memref<8192xf32, #tpu.memory_space<vmem>>, vector<16xf32>,
      %parallel_loop3A_233 = vector.shape_cast %parallel_loop3A_232 : vector<16xf32> to vector<16xf32>
      %parallel_loop3A_234 = arith.index_cast %parallel_loop3A_230 : i32 to index
      %parallel_loop3A_235 = tpu.vector_load %arg9[%parallel_loop3A_234] {strides = array<i32>} : memref<8192xf32, #tpu.memory_space<vmem>>, vector<16xf32>,
      %parallel_loop3A_236 = vector.shape_cast %parallel_loop3A_235 : vector<16xf32> to vector<16xf32>
      %parallel_loop3A_237 = arith.addf %parallel_loop3A_233, %parallel_loop3A_236 : vector<16xf32>
      %parallel_loop3A_238 = arith.index_cast %parallel_loop3A_230 : i32 to index
      %parallel_loop3A_239 = tpu.vector_load %arg11[%parallel_loop3A_238] {strides = array<i32>} : memref<8192xf32, #tpu.memory_space<vmem>>, vector<16xf32>,
      %parallel_loop3A_240 = vector.shape_cast %parallel_loop3A_239 : vector<16xf32> to vector<16xf32>
      %parallel_loop3A_241 = vector.shape_cast %parallel_loop3A_237 : vector<16xf32> to vector<16xf32>
      tpu.vector_store %arg11[%parallel_loop3A_238], %parallel_loop3A_241 {strides = array<i32>} : memref<8192xf32, #tpu.memory_space<vmem>>, vector<16xf32>,
    } {sc.loop_unroll_factor = 4 : i64, sc.parallel_access}
    %add3A_41 = arith.constant 0 : i32
    %add3A_42 = arith.addi %mul3A_2, %add3A_41 : i32
    %dma_start3A_43 = tpu.memref_slice %arg4[%add3A_42] : memref<2097152xf32, #tpu.memory_space<hbm>> -> memref<8192xf32, #tpu.memory_space<hbm>>
    %dma_start3A_44 = tpu.memref_slice %arg4[%add3A_42] : memref<2097152xf32, #tpu.memory_space<hbm>> -> memref<8192xf32, #tpu.memory_space<hbm>>
    tpu.enqueue_dma source(%arg11 : memref<8192xf32, #tpu.memory_space<vmem>>) target(%dma_start3A_44 : memref<8192xf32, #tpu.memory_space<hbm>>) target_semaphore(%arg15 : memref<!tpu.dma_semaphore, #tpu.memory_space<semaphore_mem>>)
    %dma_wait3A_45 = arith.constant 0 : i32
    %dma_wait3A_46 = arith.constant 0 : i32
    %dma_wait3A_47 = tpu.memref_slice %arg2[%dma_wait3A_45, %add3A_24, %dma_wait3A_46] : memref<3x16384x128xf32, #tpu.memory_space<hbm>> -> memref<3x64x128xf32, #tpu.memory_space<hbm>>
    %dma_wait3A_48 = arith.constant 0 : i32
    %dma_wait3A_49 = arith.constant 0 : i32
    %dma_wait3A_50 = tpu.memref_slice %arg2[%dma_wait3A_48, %add3A_24, %dma_wait3A_49] : memref<3x16384x128xf32, #tpu.memory_space<hbm>> -> memref<3x64x128xf32, #tpu.memory_space<hbm>>
    tpu.wait_dma2 semaphore(%arg17 : memref<!tpu.dma_semaphore, #tpu.memory_space<semaphore_mem>>) src(%dma_wait3A_50 : memref<3x64x128xf32, #tpu.memory_space<hbm>>) dst(%arg5 : memref<3x64x128xf32, #tpu.memory_space<vmem>>)
    %add3A_51 = arith.constant 192 : i32
    %add3A_52 = arith.addi %mul3A_4, %add3A_51 : i32
    %dma_start3A_53 = arith.constant 0 : i32
    %dma_start3A_54 = arith.constant 0 : i32
    %dma_start3A_55 = tpu.memref_slice %arg2[%dma_start3A_53, %add3A_52, %dma_start3A_54] : memref<3x16384x128xf32, #tpu.memory_space<hbm>> -> memref<3x64x128xf32, #tpu.memory_space<hbm>>
    %dma_start3A_56 = arith.constant 0 : i32
    %dma_start3A_57 = arith.constant 0 : i32
    %dma_start3A_58 = tpu.memref_slice %arg2[%dma_start3A_56, %add3A_52, %dma_start3A_57] : memref<3x16384x128xf32, #tpu.memory_space<hbm>> -> memref<3x64x128xf32, #tpu.memory_space<hbm>>
    tpu.enqueue_dma source(%dma_start3A_58 : memref<3x64x128xf32, #tpu.memory_space<hbm>>) target(%arg6 : memref<3x64x128xf32, #tpu.memory_space<vmem>>) target_semaphore(%arg17 : memref<!tpu.dma_semaphore, #tpu.memory_space<semaphore_mem>>)
    %parallel_loop3A_59 = arith.constant 0 : i32
    %parallel_loop3A_60 = arith.constant 8192 : i32
    %parallel_loop3A_61 = arith.constant 16 : i32
    scf.for %parallel_loop3A_230 = %parallel_loop3A_59 to %parallel_loop3A_60 step %parallel_loop3A_61  : i32 {
      %parallel_loop3A_231 = arith.constant 7 : i32
      %parallel_loop3A_232 = arith.shrsi %parallel_loop3A_230, %parallel_loop3A_231 : i32
      %parallel_loop3A_233 = arith.constant 127 : i32
      %parallel_loop3A_234 = arith.andi %parallel_loop3A_230, %parallel_loop3A_233 : i32
      %parallel_loop3A_235 = arith.constant 0 : i32
      %parallel_loop3A_236 = arith.index_cast %parallel_loop3A_235 : i32 to index
      %parallel_loop3A_237 = arith.index_cast %parallel_loop3A_232 : i32 to index
      %parallel_loop3A_238 = arith.index_cast %parallel_loop3A_234 : i32 to index
      %parallel_loop3A_239 = tpu.vector_load %arg5[%parallel_loop3A_236, %parallel_loop3A_237, %parallel_loop3A_238] {strides = array<i32>} : memref<3x64x128xf32, #tpu.memory_space<vmem>>, vector<1x1x16xf32>,
      %parallel_loop3A_240 = vector.shape_cast %parallel_loop3A_239 : vector<1x1x16xf32> to vector<16xf32>
      %parallel_loop3A_241 = arith.constant 1 : i32
      %parallel_loop3A_242 = arith.index_cast %parallel_loop3A_241 : i32 to index
      %parallel_loop3A_243 = arith.index_cast %parallel_loop3A_232 : i32 to index
      %parallel_loop3A_244 = arith.index_cast %parallel_loop3A_234 : i32 to index
      %parallel_loop3A_245 = tpu.vector_load %arg5[%parallel_loop3A_242, %parallel_loop3A_243, %parallel_loop3A_244] {strides = array<i32>} : memref<3x64x128xf32, #tpu.memory_space<vmem>>, vector<1x1x16xf32>,
      %parallel_loop3A_246 = vector.shape_cast %parallel_loop3A_245 : vector<1x1x16xf32> to vector<16xf32>
      %parallel_loop3A_247 = arith.constant 2 : i32
      %parallel_loop3A_248 = arith.index_cast %parallel_loop3A_247 : i32 to index
      %parallel_loop3A_249 = arith.index_cast %parallel_loop3A_232 : i32 to index
      %parallel_loop3A_250 = arith.index_cast %parallel_loop3A_234 : i32 to index
      %parallel_loop3A_251 = tpu.vector_load %arg5[%parallel_loop3A_248, %parallel_loop3A_249, %parallel_loop3A_250] {strides = array<i32>} : memref<3x64x128xf32, #tpu.memory_space<vmem>>, vector<1x1x16xf32>,
      %parallel_loop3A_252 = vector.shape_cast %parallel_loop3A_251 : vector<1x1x16xf32> to vector<16xf32>
      %parallel_loop3A_253 = arith.constant 1.000000e+00 : f32
      %parallel_loop3A_254 = vector.broadcast %parallel_loop3A_253 : f32 to vector<16xf32>
      %parallel_loop3A_255 = arith.addf %parallel_loop3A_252, %parallel_loop3A_254 : vector<16xf32>
      %parallel_loop3A_256 = arith.constant 6.400000e+01 : f32
      %parallel_loop3A_257 = vector.broadcast %parallel_loop3A_256 : f32 to vector<16xf32>
      %parallel_loop3A_258 = arith.mulf %parallel_loop3A_255, %parallel_loop3A_257 : vector<16xf32>
      %parallel_loop3A_259 = arith.constant 5.000000e-01 : f32
      %parallel_loop3A_260 = vector.broadcast %parallel_loop3A_259 : f32 to vector<16xf32>
      %parallel_loop3A_261 = arith.subf %parallel_loop3A_258, %parallel_loop3A_260 : vector<16xf32>
      %parallel_loop3A_262 = arith.constant 0x4B400000 : f32
      %parallel_loop3A_263 = vector.broadcast %parallel_loop3A_262 : f32 to vector<16xf32>
      %parallel_loop3A_264 = arith.addf %parallel_loop3A_261, %parallel_loop3A_263 : vector<16xf32>
      %parallel_loop3A_265 = arith.constant 0x4B400000 : f32
      %parallel_loop3A_266 = vector.broadcast %parallel_loop3A_265 : f32 to vector<16xf32>
      %parallel_loop3A_267 = arith.subf %parallel_loop3A_264, %parallel_loop3A_266 : vector<16xf32>
      %parallel_loop3A_268 = arith.constant 0.000000e+00 : f32
      %parallel_loop3A_269 = vector.broadcast %parallel_loop3A_268 : f32 to vector<16xf32>
      %parallel_loop3A_270 = arith.maximumf %parallel_loop3A_267, %parallel_loop3A_269 : vector<16xf32>
      %parallel_loop3A_271 = arith.constant 1.270000e+02 : f32
      %parallel_loop3A_272 = vector.broadcast %parallel_loop3A_271 : f32 to vector<16xf32>
      %parallel_loop3A_273 = arith.minimumf %parallel_loop3A_270, %parallel_loop3A_272 : vector<16xf32>
      %parallel_loop3A_274 = arith.constant 1.280000e+02 : f32
      %parallel_loop3A_275 = vector.broadcast %parallel_loop3A_274 : f32 to vector<16xf32>
      %parallel_loop3A_276 = arith.mulf %parallel_loop3A_273, %parallel_loop3A_275 : vector<16xf32>
      %parallel_loop3A_277 = arith.constant 1.000000e+00 : f32
      %parallel_loop3A_278 = vector.broadcast %parallel_loop3A_277 : f32 to vector<16xf32>
      %parallel_loop3A_279 = arith.addf %parallel_loop3A_246, %parallel_loop3A_278 : vector<16xf32>
      %parallel_loop3A_280 = arith.constant 6.400000e+01 : f32
      %parallel_loop3A_281 = vector.broadcast %parallel_loop3A_280 : f32 to vector<16xf32>
      %parallel_loop3A_282 = arith.mulf %parallel_loop3A_279, %parallel_loop3A_281 : vector<16xf32>
      %parallel_loop3A_283 = arith.constant 5.000000e-01 : f32
      %parallel_loop3A_284 = vector.broadcast %parallel_loop3A_283 : f32 to vector<16xf32>
      %parallel_loop3A_285 = arith.subf %parallel_loop3A_282, %parallel_loop3A_284 : vector<16xf32>
      %parallel_loop3A_286 = arith.constant 0x4B400000 : f32
      %parallel_loop3A_287 = vector.broadcast %parallel_loop3A_286 : f32 to vector<16xf32>
      %parallel_loop3A_288 = arith.addf %parallel_loop3A_285, %parallel_loop3A_287 : vector<16xf32>
      %parallel_loop3A_289 = arith.constant 0x4B400000 : f32
      %parallel_loop3A_290 = vector.broadcast %parallel_loop3A_289 : f32 to vector<16xf32>
      %parallel_loop3A_291 = arith.subf %parallel_loop3A_288, %parallel_loop3A_290 : vector<16xf32>
      %parallel_loop3A_292 = arith.constant 0.000000e+00 : f32
      %parallel_loop3A_293 = vector.broadcast %parallel_loop3A_292 : f32 to vector<16xf32>
      %parallel_loop3A_294 = arith.maximumf %parallel_loop3A_291, %parallel_loop3A_293 : vector<16xf32>
      %parallel_loop3A_295 = arith.constant 1.270000e+02 : f32
      %parallel_loop3A_296 = vector.broadcast %parallel_loop3A_295 : f32 to vector<16xf32>
      %parallel_loop3A_297 = arith.minimumf %parallel_loop3A_294, %parallel_loop3A_296 : vector<16xf32>
      %parallel_loop3A_298 = arith.addf %parallel_loop3A_276, %parallel_loop3A_297 : vector<16xf32>
      %parallel_loop3A_299 = arith.constant 1.280000e+02 : f32
      %parallel_loop3A_300 = vector.broadcast %parallel_loop3A_299 : f32 to vector<16xf32>
      %parallel_loop3A_301 = arith.mulf %parallel_loop3A_298, %parallel_loop3A_300 : vector<16xf32>
      %parallel_loop3A_302 = arith.constant 1.000000e+00 : f32
      %parallel_loop3A_303 = vector.broadcast %parallel_loop3A_302 : f32 to vector<16xf32>
      %parallel_loop3A_304 = arith.addf %parallel_loop3A_240, %parallel_loop3A_303 : vector<16xf32>
      %parallel_loop3A_305 = arith.constant 6.400000e+01 : f32
      %parallel_loop3A_306 = vector.broadcast %parallel_loop3A_305 : f32 to vector<16xf32>
      %parallel_loop3A_307 = arith.mulf %parallel_loop3A_304, %parallel_loop3A_306 : vector<16xf32>
      %parallel_loop3A_308 = arith.constant 5.000000e-01 : f32
      %parallel_loop3A_309 = vector.broadcast %parallel_loop3A_308 : f32 to vector<16xf32>
      %parallel_loop3A_310 = arith.subf %parallel_loop3A_307, %parallel_loop3A_309 : vector<16xf32>
      %parallel_loop3A_311 = arith.constant 0x4B400000 : f32
      %parallel_loop3A_312 = vector.broadcast %parallel_loop3A_311 : f32 to vector<16xf32>
      %parallel_loop3A_313 = arith.addf %parallel_loop3A_310, %parallel_loop3A_312 : vector<16xf32>
      %parallel_loop3A_314 = arith.constant 0x4B400000 : f32
      %parallel_loop3A_315 = vector.broadcast %parallel_loop3A_314 : f32 to vector<16xf32>
      %parallel_loop3A_316 = arith.subf %parallel_loop3A_313, %parallel_loop3A_315 : vector<16xf32>
      %parallel_loop3A_317 = arith.constant 0.000000e+00 : f32
      %parallel_loop3A_318 = vector.broadcast %parallel_loop3A_317 : f32 to vector<16xf32>
      %parallel_loop3A_319 = arith.maximumf %parallel_loop3A_316, %parallel_loop3A_318 : vector<16xf32>
      %parallel_loop3A_320 = arith.constant 1.270000e+02 : f32
      %parallel_loop3A_321 = vector.broadcast %parallel_loop3A_320 : f32 to vector<16xf32>
      %parallel_loop3A_322 = arith.minimumf %parallel_loop3A_319, %parallel_loop3A_321 : vector<16xf32>
      %parallel_loop3A_323 = arith.addf %parallel_loop3A_301, %parallel_loop3A_322 : vector<16xf32>
      %parallel_loop3A_324 = arith.fptosi %parallel_loop3A_323 : vector<16xf32> to vector<16xi32>
      %parallel_loop3A_325 = arith.index_cast %parallel_loop3A_230 : i32 to index
      %parallel_loop3A_326 = tpu.vector_load %arg7[%parallel_loop3A_325] {strides = array<i32>} : memref<8192xi32, #tpu.memory_space<vmem>>, vector<16xi32>,
      %parallel_loop3A_327 = vector.shape_cast %parallel_loop3A_326 : vector<16xi32> to vector<16xi32>
      %parallel_loop3A_328 = vector.shape_cast %parallel_loop3A_324 : vector<16xi32> to vector<16xi32>
      tpu.vector_store %arg7[%parallel_loop3A_325], %parallel_loop3A_328 {strides = array<i32>} : memref<8192xi32, #tpu.memory_space<vmem>>, vector<16xi32>,
      %parallel_loop3A_329 = math.absf %parallel_loop3A_240 : vector<16xf32>
      %parallel_loop3A_330 = math.absf %parallel_loop3A_246 : vector<16xf32>
      %parallel_loop3A_331 = arith.maximumf %parallel_loop3A_329, %parallel_loop3A_330 : vector<16xf32>
      %parallel_loop3A_332 = math.absf %parallel_loop3A_252 : vector<16xf32>
      %parallel_loop3A_333 = arith.maximumf %parallel_loop3A_331, %parallel_loop3A_332 : vector<16xf32>
      %parallel_loop3A_334 = arith.constant 1.000000e+00 : f32
      %parallel_loop3A_335 = vector.broadcast %parallel_loop3A_334 : f32 to vector<16xf32>
      %parallel_loop3A_336 = arith.cmpf ole, %parallel_loop3A_333, %parallel_loop3A_335 : vector<16xf32>
      %parallel_loop3A_337 = arith.constant 0.000000e+00 : f32
      %parallel_loop3A_338 = vector.broadcast %parallel_loop3A_337 : f32 to vector<16xf32>
      %parallel_loop3A_339 = arith.constant -2.000000e+00 : f32
      %parallel_loop3A_340 = vector.broadcast %parallel_loop3A_339 : f32 to vector<16xf32>
      %parallel_loop3A_341 = arith.select %parallel_loop3A_336, %parallel_loop3A_338, %parallel_loop3A_340 : vector<16xi1>, vector<16xf32>
      %parallel_loop3A_342 = arith.index_cast %parallel_loop3A_230 : i32 to index
      %parallel_loop3A_343 = tpu.vector_load %arg9[%parallel_loop3A_342] {strides = array<i32>} : memref<8192xf32, #tpu.memory_space<vmem>>, vector<16xf32>,
      %parallel_loop3A_344 = vector.shape_cast %parallel_loop3A_343 : vector<16xf32> to vector<16xf32>
      %parallel_loop3A_345 = vector.shape_cast %parallel_loop3A_341 : vector<16xf32> to vector<16xf32>
      tpu.vector_store %arg9[%parallel_loop3A_342], %parallel_loop3A_345 {strides = array<i32>} : memref<8192xf32, #tpu.memory_space<vmem>>, vector<16xf32>,
    } {sc.loop_unroll_factor = 4 : i64, sc.parallel_access}
    %dma_wait3A_62 = tpu.memref_slice %arg4[%add3A_42] : memref<2097152xf32, #tpu.memory_space<hbm>> -> memref<8192xf32, #tpu.memory_space<hbm>>
    %dma_wait3A_63 = tpu.memref_slice %arg4[%add3A_42] : memref<2097152xf32, #tpu.memory_space<hbm>> -> memref<8192xf32, #tpu.memory_space<hbm>>
    tpu.wait_dma2 semaphore(%arg15 : memref<!tpu.dma_semaphore, #tpu.memory_space<semaphore_mem>>) src(%arg11 : memref<8192xf32, #tpu.memory_space<vmem>>) dst(%dma_wait3A_63 : memref<8192xf32, #tpu.memory_space<hbm>>)
    %dma_start3A_64 = arith.constant 0 : i32
    %dma_start3A_65 = tpu.memref_slice %arg3[%dma_start3A_64] : memref<2097152xf32, #tpu.memory_space<hbm>> -> memref<2097152xf32, #tpu.memory_space<hbm>>
    tpu.enqueue_indirect_dma source(%dma_start3A_65 : memref<2097152xf32, #tpu.memory_space<hbm>>) target(%arg11 : memref<8192xf32, #tpu.memory_space<vmem>>) offsets(%arg7 : memref<8192xi32, #tpu.memory_space<vmem>>) semaphore(%arg13 : memref<!tpu.dma_semaphore, #tpu.memory_space<semaphore_mem>>)
    %dma_wait3A_66 = arith.constant 0 : i32
    %dma_wait3A_67 = tpu.memref_slice %arg3[%dma_wait3A_66] : memref<2097152xf32, #tpu.memory_space<hbm>> -> memref<2097152xf32, #tpu.memory_space<hbm>>
    tpu.wait_indirect_dma semaphore(%arg14 : memref<!tpu.dma_semaphore, #tpu.memory_space<semaphore_mem>>) src(%dma_wait3A_67 : memref<2097152xf32, #tpu.memory_space<hbm>>) dst(%arg12 : memref<8192xf32, #tpu.memory_space<vmem>>)
    %parallel_loop3A_68 = arith.constant 0 : i32
    %parallel_loop3A_69 = arith.constant 8192 : i32
    %parallel_loop3A_70 = arith.constant 16 : i32
    scf.for %parallel_loop3A_230 = %parallel_loop3A_68 to %parallel_loop3A_69 step %parallel_loop3A_70  : i32 {
      %parallel_loop3A_231 = arith.index_cast %parallel_loop3A_230 : i32 to index
      %parallel_loop3A_232 = tpu.vector_load %arg12[%parallel_loop3A_231] {strides = array<i32>} : memref<8192xf32, #tpu.memory_space<vmem>>, vector<16xf32>,
      %parallel_loop3A_233 = vector.shape_cast %parallel_loop3A_232 : vector<16xf32> to vector<16xf32>
      %parallel_loop3A_234 = arith.index_cast %parallel_loop3A_230 : i32 to index
      %parallel_loop3A_235 = tpu.vector_load %arg10[%parallel_loop3A_234] {strides = array<i32>} : memref<8192xf32, #tpu.memory_space<vmem>>, vector<16xf32>,
      %parallel_loop3A_236 = vector.shape_cast %parallel_loop3A_235 : vector<16xf32> to vector<16xf32>
      %parallel_loop3A_237 = arith.addf %parallel_loop3A_233, %parallel_loop3A_236 : vector<16xf32>
      %parallel_loop3A_238 = arith.index_cast %parallel_loop3A_230 : i32 to index
      %parallel_loop3A_239 = tpu.vector_load %arg12[%parallel_loop3A_238] {strides = array<i32>} : memref<8192xf32, #tpu.memory_space<vmem>>, vector<16xf32>,
      %parallel_loop3A_240 = vector.shape_cast %parallel_loop3A_239 : vector<16xf32> to vector<16xf32>
      %parallel_loop3A_241 = vector.shape_cast %parallel_loop3A_237 : vector<16xf32> to vector<16xf32>
      tpu.vector_store %arg12[%parallel_loop3A_238], %parallel_loop3A_241 {strides = array<i32>} : memref<8192xf32, #tpu.memory_space<vmem>>, vector<16xf32>,
    } {sc.loop_unroll_factor = 4 : i64, sc.parallel_access}
    %add3A_71 = arith.constant 8192 : i32
    %add3A_72 = arith.addi %mul3A_2, %add3A_71 : i32
    %dma_start3A_73 = tpu.memref_slice %arg4[%add3A_72] : memref<2097152xf32, #tpu.memory_space<hbm>> -> memref<8192xf32, #tpu.memory_space<hbm>>
    %dma_start3A_74 = tpu.memref_slice %arg4[%add3A_72] : memref<2097152xf32, #tpu.memory_space<hbm>> -> memref<8192xf32, #tpu.memory_space<hbm>>
    tpu.enqueue_dma source(%arg12 : memref<8192xf32, #tpu.memory_space<vmem>>) target(%dma_start3A_74 : memref<8192xf32, #tpu.memory_space<hbm>>) target_semaphore(%arg16 : memref<!tpu.dma_semaphore, #tpu.memory_space<semaphore_mem>>)
    %dma_wait3A_75 = arith.constant 0 : i32
    %dma_wait3A_76 = arith.constant 0 : i32
    %dma_wait3A_77 = tpu.memref_slice %arg2[%dma_wait3A_75, %add3A_52, %dma_wait3A_76] : memref<3x16384x128xf32, #tpu.memory_space<hbm>> -> memref<3x64x128xf32, #tpu.memory_space<hbm>>
    %dma_wait3A_78 = arith.constant 0 : i32
    %dma_wait3A_79 = arith.constant 0 : i32
    %dma_wait3A_80 = tpu.memref_slice %arg2[%dma_wait3A_78, %add3A_52, %dma_wait3A_79] : memref<3x16384x128xf32, #tpu.memory_space<hbm>> -> memref<3x64x128xf32, #tpu.memory_space<hbm>>
    tpu.wait_dma2 semaphore(%arg17 : memref<!tpu.dma_semaphore, #tpu.memory_space<semaphore_mem>>) src(%dma_wait3A_80 : memref<3x64x128xf32, #tpu.memory_space<hbm>>) dst(%arg6 : memref<3x64x128xf32, #tpu.memory_space<vmem>>)
    %add3A_81 = arith.constant 256 : i32
    %add3A_82 = arith.addi %mul3A_4, %add3A_81 : i32
    %dma_start3A_83 = arith.constant 0 : i32
    %dma_start3A_84 = arith.constant 0 : i32
    %dma_start3A_85 = tpu.memref_slice %arg2[%dma_start3A_83, %add3A_82, %dma_start3A_84] : memref<3x16384x128xf32, #tpu.memory_space<hbm>> -> memref<3x64x128xf32, #tpu.memory_space<hbm>>
    %dma_start3A_86 = arith.constant 0 : i32
    %dma_start3A_87 = arith.constant 0 : i32
    %dma_start3A_88 = tpu.memref_slice %arg2[%dma_start3A_86, %add3A_82, %dma_start3A_87] : memref<3x16384x128xf32, #tpu.memory_space<hbm>> -> memref<3x64x128xf32, #tpu.memory_space<hbm>>
    tpu.enqueue_dma source(%dma_start3A_88 : memref<3x64x128xf32, #tpu.memory_space<hbm>>) target(%arg5 : memref<3x64x128xf32, #tpu.memory_space<vmem>>) target_semaphore(%arg17 : memref<!tpu.dma_semaphore, #tpu.memory_space<semaphore_mem>>)
    %parallel_loop3A_89 = arith.constant 0 : i32
    %parallel_loop3A_90 = arith.constant 8192 : i32
    %parallel_loop3A_91 = arith.constant 16 : i32
    scf.for %parallel_loop3A_230 = %parallel_loop3A_89 to %parallel_loop3A_90 step %parallel_loop3A_91  : i32 {
      %parallel_loop3A_231 = arith.constant 7 : i32
      %parallel_loop3A_232 = arith.shrsi %parallel_loop3A_230, %parallel_loop3A_231 : i32
      %parallel_loop3A_233 = arith.constant 127 : i32
      %parallel_loop3A_234 = arith.andi %parallel_loop3A_230, %parallel_loop3A_233 : i32
      %parallel_loop3A_235 = arith.constant 0 : i32
      %parallel_loop3A_236 = arith.index_cast %parallel_loop3A_235 : i32 to index
      %parallel_loop3A_237 = arith.index_cast %parallel_loop3A_232 : i32 to index
      %parallel_loop3A_238 = arith.index_cast %parallel_loop3A_234 : i32 to index
      %parallel_loop3A_239 = tpu.vector_load %arg6[%parallel_loop3A_236, %parallel_loop3A_237, %parallel_loop3A_238] {strides = array<i32>} : memref<3x64x128xf32, #tpu.memory_space<vmem>>, vector<1x1x16xf32>,
      %parallel_loop3A_240 = vector.shape_cast %parallel_loop3A_239 : vector<1x1x16xf32> to vector<16xf32>
      %parallel_loop3A_241 = arith.constant 1 : i32
      %parallel_loop3A_242 = arith.index_cast %parallel_loop3A_241 : i32 to index
      %parallel_loop3A_243 = arith.index_cast %parallel_loop3A_232 : i32 to index
      %parallel_loop3A_244 = arith.index_cast %parallel_loop3A_234 : i32 to index
      %parallel_loop3A_245 = tpu.vector_load %arg6[%parallel_loop3A_242, %parallel_loop3A_243, %parallel_loop3A_244] {strides = array<i32>} : memref<3x64x128xf32, #tpu.memory_space<vmem>>, vector<1x1x16xf32>,
      %parallel_loop3A_246 = vector.shape_cast %parallel_loop3A_245 : vector<1x1x16xf32> to vector<16xf32>
      %parallel_loop3A_247 = arith.constant 2 : i32
      %parallel_loop3A_248 = arith.index_cast %parallel_loop3A_247 : i32 to index
      %parallel_loop3A_249 = arith.index_cast %parallel_loop3A_232 : i32 to index
      %parallel_loop3A_250 = arith.index_cast %parallel_loop3A_234 : i32 to index
      %parallel_loop3A_251 = tpu.vector_load %arg6[%parallel_loop3A_248, %parallel_loop3A_249, %parallel_loop3A_250] {strides = array<i32>} : memref<3x64x128xf32, #tpu.memory_space<vmem>>, vector<1x1x16xf32>,
      %parallel_loop3A_252 = vector.shape_cast %parallel_loop3A_251 : vector<1x1x16xf32> to vector<16xf32>
      %parallel_loop3A_253 = arith.constant 1.000000e+00 : f32
      %parallel_loop3A_254 = vector.broadcast %parallel_loop3A_253 : f32 to vector<16xf32>
      %parallel_loop3A_255 = arith.addf %parallel_loop3A_252, %parallel_loop3A_254 : vector<16xf32>
      %parallel_loop3A_256 = arith.constant 6.400000e+01 : f32
      %parallel_loop3A_257 = vector.broadcast %parallel_loop3A_256 : f32 to vector<16xf32>
      %parallel_loop3A_258 = arith.mulf %parallel_loop3A_255, %parallel_loop3A_257 : vector<16xf32>
      %parallel_loop3A_259 = arith.constant 5.000000e-01 : f32
      %parallel_loop3A_260 = vector.broadcast %parallel_loop3A_259 : f32 to vector<16xf32>
      %parallel_loop3A_261 = arith.subf %parallel_loop3A_258, %parallel_loop3A_260 : vector<16xf32>
      %parallel_loop3A_262 = arith.constant 0x4B400000 : f32
      %parallel_loop3A_263 = vector.broadcast %parallel_loop3A_262 : f32 to vector<16xf32>
      %parallel_loop3A_264 = arith.addf %parallel_loop3A_261, %parallel_loop3A_263 : vector<16xf32>
      %parallel_loop3A_265 = arith.constant 0x4B400000 : f32
      %parallel_loop3A_266 = vector.broadcast %parallel_loop3A_265 : f32 to vector<16xf32>
      %parallel_loop3A_267 = arith.subf %parallel_loop3A_264, %parallel_loop3A_266 : vector<16xf32>
      %parallel_loop3A_268 = arith.constant 0.000000e+00 : f32
      %parallel_loop3A_269 = vector.broadcast %parallel_loop3A_268 : f32 to vector<16xf32>
      %parallel_loop3A_270 = arith.maximumf %parallel_loop3A_267, %parallel_loop3A_269 : vector<16xf32>
      %parallel_loop3A_271 = arith.constant 1.270000e+02 : f32
      %parallel_loop3A_272 = vector.broadcast %parallel_loop3A_271 : f32 to vector<16xf32>
      %parallel_loop3A_273 = arith.minimumf %parallel_loop3A_270, %parallel_loop3A_272 : vector<16xf32>
      %parallel_loop3A_274 = arith.constant 1.280000e+02 : f32
      %parallel_loop3A_275 = vector.broadcast %parallel_loop3A_274 : f32 to vector<16xf32>
      %parallel_loop3A_276 = arith.mulf %parallel_loop3A_273, %parallel_loop3A_275 : vector<16xf32>
      %parallel_loop3A_277 = arith.constant 1.000000e+00 : f32
      %parallel_loop3A_278 = vector.broadcast %parallel_loop3A_277 : f32 to vector<16xf32>
      %parallel_loop3A_279 = arith.addf %parallel_loop3A_246, %parallel_loop3A_278 : vector<16xf32>
      %parallel_loop3A_280 = arith.constant 6.400000e+01 : f32
      %parallel_loop3A_281 = vector.broadcast %parallel_loop3A_280 : f32 to vector<16xf32>
      %parallel_loop3A_282 = arith.mulf %parallel_loop3A_279, %parallel_loop3A_281 : vector<16xf32>
      %parallel_loop3A_283 = arith.constant 5.000000e-01 : f32
      %parallel_loop3A_284 = vector.broadcast %parallel_loop3A_283 : f32 to vector<16xf32>
      %parallel_loop3A_285 = arith.subf %parallel_loop3A_282, %parallel_loop3A_284 : vector<16xf32>
      %parallel_loop3A_286 = arith.constant 0x4B400000 : f32
      %parallel_loop3A_287 = vector.broadcast %parallel_loop3A_286 : f32 to vector<16xf32>
      %parallel_loop3A_288 = arith.addf %parallel_loop3A_285, %parallel_loop3A_287 : vector<16xf32>
      %parallel_loop3A_289 = arith.constant 0x4B400000 : f32
      %parallel_loop3A_290 = vector.broadcast %parallel_loop3A_289 : f32 to vector<16xf32>
      %parallel_loop3A_291 = arith.subf %parallel_loop3A_288, %parallel_loop3A_290 : vector<16xf32>
      %parallel_loop3A_292 = arith.constant 0.000000e+00 : f32
      %parallel_loop3A_293 = vector.broadcast %parallel_loop3A_292 : f32 to vector<16xf32>
      %parallel_loop3A_294 = arith.maximumf %parallel_loop3A_291, %parallel_loop3A_293 : vector<16xf32>
      %parallel_loop3A_295 = arith.constant 1.270000e+02 : f32
      %parallel_loop3A_296 = vector.broadcast %parallel_loop3A_295 : f32 to vector<16xf32>
      %parallel_loop3A_297 = arith.minimumf %parallel_loop3A_294, %parallel_loop3A_296 : vector<16xf32>
      %parallel_loop3A_298 = arith.addf %parallel_loop3A_276, %parallel_loop3A_297 : vector<16xf32>
      %parallel_loop3A_299 = arith.constant 1.280000e+02 : f32
      %parallel_loop3A_300 = vector.broadcast %parallel_loop3A_299 : f32 to vector<16xf32>
      %parallel_loop3A_301 = arith.mulf %parallel_loop3A_298, %parallel_loop3A_300 : vector<16xf32>
      %parallel_loop3A_302 = arith.constant 1.000000e+00 : f32
      %parallel_loop3A_303 = vector.broadcast %parallel_loop3A_302 : f32 to vector<16xf32>
      %parallel_loop3A_304 = arith.addf %parallel_loop3A_240, %parallel_loop3A_303 : vector<16xf32>
      %parallel_loop3A_305 = arith.constant 6.400000e+01 : f32
      %parallel_loop3A_306 = vector.broadcast %parallel_loop3A_305 : f32 to vector<16xf32>
      %parallel_loop3A_307 = arith.mulf %parallel_loop3A_304, %parallel_loop3A_306 : vector<16xf32>
      %parallel_loop3A_308 = arith.constant 5.000000e-01 : f32
      %parallel_loop3A_309 = vector.broadcast %parallel_loop3A_308 : f32 to vector<16xf32>
      %parallel_loop3A_310 = arith.subf %parallel_loop3A_307, %parallel_loop3A_309 : vector<16xf32>
      %parallel_loop3A_311 = arith.constant 0x4B400000 : f32
      %parallel_loop3A_312 = vector.broadcast %parallel_loop3A_311 : f32 to vector<16xf32>
      %parallel_loop3A_313 = arith.addf %parallel_loop3A_310, %parallel_loop3A_312 : vector<16xf32>
      %parallel_loop3A_314 = arith.constant 0x4B400000 : f32
      %parallel_loop3A_315 = vector.broadcast %parallel_loop3A_314 : f32 to vector<16xf32>
      %parallel_loop3A_316 = arith.subf %parallel_loop3A_313, %parallel_loop3A_315 : vector<16xf32>
      %parallel_loop3A_317 = arith.constant 0.000000e+00 : f32
      %parallel_loop3A_318 = vector.broadcast %parallel_loop3A_317 : f32 to vector<16xf32>
      %parallel_loop3A_319 = arith.maximumf %parallel_loop3A_316, %parallel_loop3A_318 : vector<16xf32>
      %parallel_loop3A_320 = arith.constant 1.270000e+02 : f32
      %parallel_loop3A_321 = vector.broadcast %parallel_loop3A_320 : f32 to vector<16xf32>
      %parallel_loop3A_322 = arith.minimumf %parallel_loop3A_319, %parallel_loop3A_321 : vector<16xf32>
      %parallel_loop3A_323 = arith.addf %parallel_loop3A_301, %parallel_loop3A_322 : vector<16xf32>
      %parallel_loop3A_324 = arith.fptosi %parallel_loop3A_323 : vector<16xf32> to vector<16xi32>
      %parallel_loop3A_325 = arith.index_cast %parallel_loop3A_230 : i32 to index
      %parallel_loop3A_326 = tpu.vector_load %arg8[%parallel_loop3A_325] {strides = array<i32>} : memref<8192xi32, #tpu.memory_space<vmem>>, vector<16xi32>,
      %parallel_loop3A_327 = vector.shape_cast %parallel_loop3A_326 : vector<16xi32> to vector<16xi32>
      %parallel_loop3A_328 = vector.shape_cast %parallel_loop3A_324 : vector<16xi32> to vector<16xi32>
      tpu.vector_store %arg8[%parallel_loop3A_325], %parallel_loop3A_328 {strides = array<i32>} : memref<8192xi32, #tpu.memory_space<vmem>>, vector<16xi32>,
      %parallel_loop3A_329 = math.absf %parallel_loop3A_240 : vector<16xf32>
      %parallel_loop3A_330 = math.absf %parallel_loop3A_246 : vector<16xf32>
      %parallel_loop3A_331 = arith.maximumf %parallel_loop3A_329, %parallel_loop3A_330 : vector<16xf32>
      %parallel_loop3A_332 = math.absf %parallel_loop3A_252 : vector<16xf32>
      %parallel_loop3A_333 = arith.maximumf %parallel_loop3A_331, %parallel_loop3A_332 : vector<16xf32>
      %parallel_loop3A_334 = arith.constant 1.000000e+00 : f32
      %parallel_loop3A_335 = vector.broadcast %parallel_loop3A_334 : f32 to vector<16xf32>
      %parallel_loop3A_336 = arith.cmpf ole, %parallel_loop3A_333, %parallel_loop3A_335 : vector<16xf32>
      %parallel_loop3A_337 = arith.constant 0.000000e+00 : f32
      %parallel_loop3A_338 = vector.broadcast %parallel_loop3A_337 : f32 to vector<16xf32>
      %parallel_loop3A_339 = arith.constant -2.000000e+00 : f32
      %parallel_loop3A_340 = vector.broadcast %parallel_loop3A_339 : f32 to vector<16xf32>
      %parallel_loop3A_341 = arith.select %parallel_loop3A_336, %parallel_loop3A_338, %parallel_loop3A_340 : vector<16xi1>, vector<16xf32>
      %parallel_loop3A_342 = arith.index_cast %parallel_loop3A_230 : i32 to index
      %parallel_loop3A_343 = tpu.vector_load %arg10[%parallel_loop3A_342] {strides = array<i32>} : memref<8192xf32, #tpu.memory_space<vmem>>, vector<16xf32>,
      %parallel_loop3A_344 = vector.shape_cast %parallel_loop3A_343 : vector<16xf32> to vector<16xf32>
      %parallel_loop3A_345 = vector.shape_cast %parallel_loop3A_341 : vector<16xf32> to vector<16xf32>
      tpu.vector_store %arg10[%parallel_loop3A_342], %parallel_loop3A_345 {strides = array<i32>} : memref<8192xf32, #tpu.memory_space<vmem>>, vector<16xf32>,
    } {sc.loop_unroll_factor = 4 : i64, sc.parallel_access}
    %dma_wait3A_92 = tpu.memref_slice %arg4[%add3A_72] : memref<2097152xf32, #tpu.memory_space<hbm>> -> memref<8192xf32, #tpu.memory_space<hbm>>
    %dma_wait3A_93 = tpu.memref_slice %arg4[%add3A_72] : memref<2097152xf32, #tpu.memory_space<hbm>> -> memref<8192xf32, #tpu.memory_space<hbm>>
    tpu.wait_dma2 semaphore(%arg16 : memref<!tpu.dma_semaphore, #tpu.memory_space<semaphore_mem>>) src(%arg12 : memref<8192xf32, #tpu.memory_space<vmem>>) dst(%dma_wait3A_93 : memref<8192xf32, #tpu.memory_space<hbm>>)
    %dma_start3A_94 = arith.constant 0 : i32
    %dma_start3A_95 = tpu.memref_slice %arg3[%dma_start3A_94] : memref<2097152xf32, #tpu.memory_space<hbm>> -> memref<2097152xf32, #tpu.memory_space<hbm>>
    tpu.enqueue_indirect_dma source(%dma_start3A_95 : memref<2097152xf32, #tpu.memory_space<hbm>>) target(%arg12 : memref<8192xf32, #tpu.memory_space<vmem>>) offsets(%arg8 : memref<8192xi32, #tpu.memory_space<vmem>>) semaphore(%arg14 : memref<!tpu.dma_semaphore, #tpu.memory_space<semaphore_mem>>)
    %dma_wait3A_96 = arith.constant 0 : i32
    %dma_wait3A_97 = tpu.memref_slice %arg3[%dma_wait3A_96] : memref<2097152xf32, #tpu.memory_space<hbm>> -> memref<2097152xf32, #tpu.memory_space<hbm>>
    tpu.wait_indirect_dma semaphore(%arg13 : memref<!tpu.dma_semaphore, #tpu.memory_space<semaphore_mem>>) src(%dma_wait3A_97 : memref<2097152xf32, #tpu.memory_space<hbm>>) dst(%arg11 : memref<8192xf32, #tpu.memory_space<vmem>>)
    %parallel_loop3A_98 = arith.constant 0 : i32
    %parallel_loop3A_99 = arith.constant 8192 : i32
    %parallel_loop3A_100 = arith.constant 16 : i32
    scf.for %parallel_loop3A_230 = %parallel_loop3A_98 to %parallel_loop3A_99 step %parallel_loop3A_100  : i32 {
      %parallel_loop3A_231 = arith.index_cast %parallel_loop3A_230 : i32 to index
      %parallel_loop3A_232 = tpu.vector_load %arg11[%parallel_loop3A_231] {strides = array<i32>} : memref<8192xf32, #tpu.memory_space<vmem>>, vector<16xf32>,
      %parallel_loop3A_233 = vector.shape_cast %parallel_loop3A_232 : vector<16xf32> to vector<16xf32>
      %parallel_loop3A_234 = arith.index_cast %parallel_loop3A_230 : i32 to index
      %parallel_loop3A_235 = tpu.vector_load %arg9[%parallel_loop3A_234] {strides = array<i32>} : memref<8192xf32, #tpu.memory_space<vmem>>, vector<16xf32>,
      %parallel_loop3A_236 = vector.shape_cast %parallel_loop3A_235 : vector<16xf32> to vector<16xf32>
      %parallel_loop3A_237 = arith.addf %parallel_loop3A_233, %parallel_loop3A_236 : vector<16xf32>
      %parallel_loop3A_238 = arith.index_cast %parallel_loop3A_230 : i32 to index
      %parallel_loop3A_239 = tpu.vector_load %arg11[%parallel_loop3A_238] {strides = array<i32>} : memref<8192xf32, #tpu.memory_space<vmem>>, vector<16xf32>,
      %parallel_loop3A_240 = vector.shape_cast %parallel_loop3A_239 : vector<16xf32> to vector<16xf32>
      %parallel_loop3A_241 = vector.shape_cast %parallel_loop3A_237 : vector<16xf32> to vector<16xf32>
      tpu.vector_store %arg11[%parallel_loop3A_238], %parallel_loop3A_241 {strides = array<i32>} : memref<8192xf32, #tpu.memory_space<vmem>>, vector<16xf32>,
    } {sc.loop_unroll_factor = 4 : i64, sc.parallel_access}
    %add3A_101 = arith.constant 16384 : i32
    %add3A_102 = arith.addi %mul3A_2, %add3A_101 : i32
    %dma_start3A_103 = tpu.memref_slice %arg4[%add3A_102] : memref<2097152xf32, #tpu.memory_space<hbm>> -> memref<8192xf32, #tpu.memory_space<hbm>>
    %dma_start3A_104 = tpu.memref_slice %arg4[%add3A_102] : memref<2097152xf32, #tpu.memory_space<hbm>> -> memref<8192xf32, #tpu.memory_space<hbm>>
    tpu.enqueue_dma source(%arg11 : memref<8192xf32, #tpu.memory_space<vmem>>) target(%dma_start3A_104 : memref<8192xf32, #tpu.memory_space<hbm>>) target_semaphore(%arg15 : memref<!tpu.dma_semaphore, #tpu.memory_space<semaphore_mem>>)
    %dma_wait3A_105 = arith.constant 0 : i32
    %dma_wait3A_106 = arith.constant 0 : i32
    %dma_wait3A_107 = tpu.memref_slice %arg2[%dma_wait3A_105, %add3A_82, %dma_wait3A_106] : memref<3x16384x128xf32, #tpu.memory_space<hbm>> -> memref<3x64x128xf32, #tpu.memory_space<hbm>>
    %dma_wait3A_108 = arith.constant 0 : i32
    %dma_wait3A_109 = arith.constant 0 : i32
    %dma_wait3A_110 = tpu.memref_slice %arg2[%dma_wait3A_108, %add3A_82, %dma_wait3A_109] : memref<3x16384x128xf32, #tpu.memory_space<hbm>> -> memref<3x64x128xf32, #tpu.memory_space<hbm>>
    tpu.wait_dma2 semaphore(%arg17 : memref<!tpu.dma_semaphore, #tpu.memory_space<semaphore_mem>>) src(%dma_wait3A_110 : memref<3x64x128xf32, #tpu.memory_space<hbm>>) dst(%arg5 : memref<3x64x128xf32, #tpu.memory_space<vmem>>)
    %add3A_111 = arith.constant 320 : i32
    %add3A_112 = arith.addi %mul3A_4, %add3A_111 : i32
    %dma_start3A_113 = arith.constant 0 : i32
    %dma_start3A_114 = arith.constant 0 : i32
    %dma_start3A_115 = tpu.memref_slice %arg2[%dma_start3A_113, %add3A_112, %dma_start3A_114] : memref<3x16384x128xf32, #tpu.memory_space<hbm>> -> memref<3x64x128xf32, #tpu.memory_space<hbm>>
    %dma_start3A_116 = arith.constant 0 : i32
    %dma_start3A_117 = arith.constant 0 : i32
    %dma_start3A_118 = tpu.memref_slice %arg2[%dma_start3A_116, %add3A_112, %dma_start3A_117] : memref<3x16384x128xf32, #tpu.memory_space<hbm>> -> memref<3x64x128xf32, #tpu.memory_space<hbm>>
    tpu.enqueue_dma source(%dma_start3A_118 : memref<3x64x128xf32, #tpu.memory_space<hbm>>) target(%arg6 : memref<3x64x128xf32, #tpu.memory_space<vmem>>) target_semaphore(%arg17 : memref<!tpu.dma_semaphore, #tpu.memory_space<semaphore_mem>>)
    %parallel_loop3A_119 = arith.constant 0 : i32
    %parallel_loop3A_120 = arith.constant 8192 : i32
    %parallel_loop3A_121 = arith.constant 16 : i32
    scf.for %parallel_loop3A_230 = %parallel_loop3A_119 to %parallel_loop3A_120 step %parallel_loop3A_121  : i32 {
      %parallel_loop3A_231 = arith.constant 7 : i32
      %parallel_loop3A_232 = arith.shrsi %parallel_loop3A_230, %parallel_loop3A_231 : i32
      %parallel_loop3A_233 = arith.constant 127 : i32
      %parallel_loop3A_234 = arith.andi %parallel_loop3A_230, %parallel_loop3A_233 : i32
      %parallel_loop3A_235 = arith.constant 0 : i32
      %parallel_loop3A_236 = arith.index_cast %parallel_loop3A_235 : i32 to index
      %parallel_loop3A_237 = arith.index_cast %parallel_loop3A_232 : i32 to index
      %parallel_loop3A_238 = arith.index_cast %parallel_loop3A_234 : i32 to index
      %parallel_loop3A_239 = tpu.vector_load %arg5[%parallel_loop3A_236, %parallel_loop3A_237, %parallel_loop3A_238] {strides = array<i32>} : memref<3x64x128xf32, #tpu.memory_space<vmem>>, vector<1x1x16xf32>,
      %parallel_loop3A_240 = vector.shape_cast %parallel_loop3A_239 : vector<1x1x16xf32> to vector<16xf32>
      %parallel_loop3A_241 = arith.constant 1 : i32
      %parallel_loop3A_242 = arith.index_cast %parallel_loop3A_241 : i32 to index
      %parallel_loop3A_243 = arith.index_cast %parallel_loop3A_232 : i32 to index
      %parallel_loop3A_244 = arith.index_cast %parallel_loop3A_234 : i32 to index
      %parallel_loop3A_245 = tpu.vector_load %arg5[%parallel_loop3A_242, %parallel_loop3A_243, %parallel_loop3A_244] {strides = array<i32>} : memref<3x64x128xf32, #tpu.memory_space<vmem>>, vector<1x1x16xf32>,
      %parallel_loop3A_246 = vector.shape_cast %parallel_loop3A_245 : vector<1x1x16xf32> to vector<16xf32>
      %parallel_loop3A_247 = arith.constant 2 : i32
      %parallel_loop3A_248 = arith.index_cast %parallel_loop3A_247 : i32 to index
      %parallel_loop3A_249 = arith.index_cast %parallel_loop3A_232 : i32 to index
      %parallel_loop3A_250 = arith.index_cast %parallel_loop3A_234 : i32 to index
      %parallel_loop3A_251 = tpu.vector_load %arg5[%parallel_loop3A_248, %parallel_loop3A_249, %parallel_loop3A_250] {strides = array<i32>} : memref<3x64x128xf32, #tpu.memory_space<vmem>>, vector<1x1x16xf32>,
      %parallel_loop3A_252 = vector.shape_cast %parallel_loop3A_251 : vector<1x1x16xf32> to vector<16xf32>
      %parallel_loop3A_253 = arith.constant 1.000000e+00 : f32
      %parallel_loop3A_254 = vector.broadcast %parallel_loop3A_253 : f32 to vector<16xf32>
      %parallel_loop3A_255 = arith.addf %parallel_loop3A_252, %parallel_loop3A_254 : vector<16xf32>
      %parallel_loop3A_256 = arith.constant 6.400000e+01 : f32
      %parallel_loop3A_257 = vector.broadcast %parallel_loop3A_256 : f32 to vector<16xf32>
      %parallel_loop3A_258 = arith.mulf %parallel_loop3A_255, %parallel_loop3A_257 : vector<16xf32>
      %parallel_loop3A_259 = arith.constant 5.000000e-01 : f32
      %parallel_loop3A_260 = vector.broadcast %parallel_loop3A_259 : f32 to vector<16xf32>
      %parallel_loop3A_261 = arith.subf %parallel_loop3A_258, %parallel_loop3A_260 : vector<16xf32>
      %parallel_loop3A_262 = arith.constant 0x4B400000 : f32
      %parallel_loop3A_263 = vector.broadcast %parallel_loop3A_262 : f32 to vector<16xf32>
      %parallel_loop3A_264 = arith.addf %parallel_loop3A_261, %parallel_loop3A_263 : vector<16xf32>
      %parallel_loop3A_265 = arith.constant 0x4B400000 : f32
      %parallel_loop3A_266 = vector.broadcast %parallel_loop3A_265 : f32 to vector<16xf32>
      %parallel_loop3A_267 = arith.subf %parallel_loop3A_264, %parallel_loop3A_266 : vector<16xf32>
      %parallel_loop3A_268 = arith.constant 0.000000e+00 : f32
      %parallel_loop3A_269 = vector.broadcast %parallel_loop3A_268 : f32 to vector<16xf32>
      %parallel_loop3A_270 = arith.maximumf %parallel_loop3A_267, %parallel_loop3A_269 : vector<16xf32>
      %parallel_loop3A_271 = arith.constant 1.270000e+02 : f32
      %parallel_loop3A_272 = vector.broadcast %parallel_loop3A_271 : f32 to vector<16xf32>
      %parallel_loop3A_273 = arith.minimumf %parallel_loop3A_270, %parallel_loop3A_272 : vector<16xf32>
      %parallel_loop3A_274 = arith.constant 1.280000e+02 : f32
      %parallel_loop3A_275 = vector.broadcast %parallel_loop3A_274 : f32 to vector<16xf32>
      %parallel_loop3A_276 = arith.mulf %parallel_loop3A_273, %parallel_loop3A_275 : vector<16xf32>
      %parallel_loop3A_277 = arith.constant 1.000000e+00 : f32
      %parallel_loop3A_278 = vector.broadcast %parallel_loop3A_277 : f32 to vector<16xf32>
      %parallel_loop3A_279 = arith.addf %parallel_loop3A_246, %parallel_loop3A_278 : vector<16xf32>
      %parallel_loop3A_280 = arith.constant 6.400000e+01 : f32
      %parallel_loop3A_281 = vector.broadcast %parallel_loop3A_280 : f32 to vector<16xf32>
      %parallel_loop3A_282 = arith.mulf %parallel_loop3A_279, %parallel_loop3A_281 : vector<16xf32>
      %parallel_loop3A_283 = arith.constant 5.000000e-01 : f32
      %parallel_loop3A_284 = vector.broadcast %parallel_loop3A_283 : f32 to vector<16xf32>
      %parallel_loop3A_285 = arith.subf %parallel_loop3A_282, %parallel_loop3A_284 : vector<16xf32>
      %parallel_loop3A_286 = arith.constant 0x4B400000 : f32
      %parallel_loop3A_287 = vector.broadcast %parallel_loop3A_286 : f32 to vector<16xf32>
      %parallel_loop3A_288 = arith.addf %parallel_loop3A_285, %parallel_loop3A_287 : vector<16xf32>
      %parallel_loop3A_289 = arith.constant 0x4B400000 : f32
      %parallel_loop3A_290 = vector.broadcast %parallel_loop3A_289 : f32 to vector<16xf32>
      %parallel_loop3A_291 = arith.subf %parallel_loop3A_288, %parallel_loop3A_290 : vector<16xf32>
      %parallel_loop3A_292 = arith.constant 0.000000e+00 : f32
      %parallel_loop3A_293 = vector.broadcast %parallel_loop3A_292 : f32 to vector<16xf32>
      %parallel_loop3A_294 = arith.maximumf %parallel_loop3A_291, %parallel_loop3A_293 : vector<16xf32>
      %parallel_loop3A_295 = arith.constant 1.270000e+02 : f32
      %parallel_loop3A_296 = vector.broadcast %parallel_loop3A_295 : f32 to vector<16xf32>
      %parallel_loop3A_297 = arith.minimumf %parallel_loop3A_294, %parallel_loop3A_296 : vector<16xf32>
      %parallel_loop3A_298 = arith.addf %parallel_loop3A_276, %parallel_loop3A_297 : vector<16xf32>
      %parallel_loop3A_299 = arith.constant 1.280000e+02 : f32
      %parallel_loop3A_300 = vector.broadcast %parallel_loop3A_299 : f32 to vector<16xf32>
      %parallel_loop3A_301 = arith.mulf %parallel_loop3A_298, %parallel_loop3A_300 : vector<16xf32>
      %parallel_loop3A_302 = arith.constant 1.000000e+00 : f32
      %parallel_loop3A_303 = vector.broadcast %parallel_loop3A_302 : f32 to vector<16xf32>
      %parallel_loop3A_304 = arith.addf %parallel_loop3A_240, %parallel_loop3A_303 : vector<16xf32>
      %parallel_loop3A_305 = arith.constant 6.400000e+01 : f32
      %parallel_loop3A_306 = vector.broadcast %parallel_loop3A_305 : f32 to vector<16xf32>
      %parallel_loop3A_307 = arith.mulf %parallel_loop3A_304, %parallel_loop3A_306 : vector<16xf32>
      %parallel_loop3A_308 = arith.constant 5.000000e-01 : f32
      %parallel_loop3A_309 = vector.broadcast %parallel_loop3A_308 : f32 to vector<16xf32>
      %parallel_loop3A_310 = arith.subf %parallel_loop3A_307, %parallel_loop3A_309 : vector<16xf32>
      %parallel_loop3A_311 = arith.constant 0x4B400000 : f32
      %parallel_loop3A_312 = vector.broadcast %parallel_loop3A_311 : f32 to vector<16xf32>
      %parallel_loop3A_313 = arith.addf %parallel_loop3A_310, %parallel_loop3A_312 : vector<16xf32>
      %parallel_loop3A_314 = arith.constant 0x4B400000 : f32
      %parallel_loop3A_315 = vector.broadcast %parallel_loop3A_314 : f32 to vector<16xf32>
      %parallel_loop3A_316 = arith.subf %parallel_loop3A_313, %parallel_loop3A_315 : vector<16xf32>
      %parallel_loop3A_317 = arith.constant 0.000000e+00 : f32
      %parallel_loop3A_318 = vector.broadcast %parallel_loop3A_317 : f32 to vector<16xf32>
      %parallel_loop3A_319 = arith.maximumf %parallel_loop3A_316, %parallel_loop3A_318 : vector<16xf32>
      %parallel_loop3A_320 = arith.constant 1.270000e+02 : f32
      %parallel_loop3A_321 = vector.broadcast %parallel_loop3A_320 : f32 to vector<16xf32>
      %parallel_loop3A_322 = arith.minimumf %parallel_loop3A_319, %parallel_loop3A_321 : vector<16xf32>
      %parallel_loop3A_323 = arith.addf %parallel_loop3A_301, %parallel_loop3A_322 : vector<16xf32>
      %parallel_loop3A_324 = arith.fptosi %parallel_loop3A_323 : vector<16xf32> to vector<16xi32>
      %parallel_loop3A_325 = arith.index_cast %parallel_loop3A_230 : i32 to index
      %parallel_loop3A_326 = tpu.vector_load %arg7[%parallel_loop3A_325] {strides = array<i32>} : memref<8192xi32, #tpu.memory_space<vmem>>, vector<16xi32>,
      %parallel_loop3A_327 = vector.shape_cast %parallel_loop3A_326 : vector<16xi32> to vector<16xi32>
      %parallel_loop3A_328 = vector.shape_cast %parallel_loop3A_324 : vector<16xi32> to vector<16xi32>
      tpu.vector_store %arg7[%parallel_loop3A_325], %parallel_loop3A_328 {strides = array<i32>} : memref<8192xi32, #tpu.memory_space<vmem>>, vector<16xi32>,
      %parallel_loop3A_329 = math.absf %parallel_loop3A_240 : vector<16xf32>
      %parallel_loop3A_330 = math.absf %parallel_loop3A_246 : vector<16xf32>
      %parallel_loop3A_331 = arith.maximumf %parallel_loop3A_329, %parallel_loop3A_330 : vector<16xf32>
      %parallel_loop3A_332 = math.absf %parallel_loop3A_252 : vector<16xf32>
      %parallel_loop3A_333 = arith.maximumf %parallel_loop3A_331, %parallel_loop3A_332 : vector<16xf32>
      %parallel_loop3A_334 = arith.constant 1.000000e+00 : f32
      %parallel_loop3A_335 = vector.broadcast %parallel_loop3A_334 : f32 to vector<16xf32>
      %parallel_loop3A_336 = arith.cmpf ole, %parallel_loop3A_333, %parallel_loop3A_335 : vector<16xf32>
      %parallel_loop3A_337 = arith.constant 0.000000e+00 : f32
      %parallel_loop3A_338 = vector.broadcast %parallel_loop3A_337 : f32 to vector<16xf32>
      %parallel_loop3A_339 = arith.constant -2.000000e+00 : f32
      %parallel_loop3A_340 = vector.broadcast %parallel_loop3A_339 : f32 to vector<16xf32>
      %parallel_loop3A_341 = arith.select %parallel_loop3A_336, %parallel_loop3A_338, %parallel_loop3A_340 : vector<16xi1>, vector<16xf32>
      %parallel_loop3A_342 = arith.index_cast %parallel_loop3A_230 : i32 to index
      %parallel_loop3A_343 = tpu.vector_load %arg9[%parallel_loop3A_342] {strides = array<i32>} : memref<8192xf32, #tpu.memory_space<vmem>>, vector<16xf32>,
      %parallel_loop3A_344 = vector.shape_cast %parallel_loop3A_343 : vector<16xf32> to vector<16xf32>
      %parallel_loop3A_345 = vector.shape_cast %parallel_loop3A_341 : vector<16xf32> to vector<16xf32>
      tpu.vector_store %arg9[%parallel_loop3A_342], %parallel_loop3A_345 {strides = array<i32>} : memref<8192xf32, #tpu.memory_space<vmem>>, vector<16xf32>,
    } {sc.loop_unroll_factor = 4 : i64, sc.parallel_access}
    %dma_wait3A_122 = tpu.memref_slice %arg4[%add3A_102] : memref<2097152xf32, #tpu.memory_space<hbm>> -> memref<8192xf32, #tpu.memory_space<hbm>>
    %dma_wait3A_123 = tpu.memref_slice %arg4[%add3A_102] : memref<2097152xf32, #tpu.memory_space<hbm>> -> memref<8192xf32, #tpu.memory_space<hbm>>
    tpu.wait_dma2 semaphore(%arg15 : memref<!tpu.dma_semaphore, #tpu.memory_space<semaphore_mem>>) src(%arg11 : memref<8192xf32, #tpu.memory_space<vmem>>) dst(%dma_wait3A_123 : memref<8192xf32, #tpu.memory_space<hbm>>)
    %dma_start3A_124 = arith.constant 0 : i32
    %dma_start3A_125 = tpu.memref_slice %arg3[%dma_start3A_124] : memref<2097152xf32, #tpu.memory_space<hbm>> -> memref<2097152xf32, #tpu.memory_space<hbm>>
    tpu.enqueue_indirect_dma source(%dma_start3A_125 : memref<2097152xf32, #tpu.memory_space<hbm>>) target(%arg11 : memref<8192xf32, #tpu.memory_space<vmem>>) offsets(%arg7 : memref<8192xi32, #tpu.memory_space<vmem>>) semaphore(%arg13 : memref<!tpu.dma_semaphore, #tpu.memory_space<semaphore_mem>>)
    %dma_wait3A_126 = arith.constant 0 : i32
    %dma_wait3A_127 = tpu.memref_slice %arg3[%dma_wait3A_126] : memref<2097152xf32, #tpu.memory_space<hbm>> -> memref<2097152xf32, #tpu.memory_space<hbm>>
    tpu.wait_indirect_dma semaphore(%arg14 : memref<!tpu.dma_semaphore, #tpu.memory_space<semaphore_mem>>) src(%dma_wait3A_127 : memref<2097152xf32, #tpu.memory_space<hbm>>) dst(%arg12 : memref<8192xf32, #tpu.memory_space<vmem>>)
    %parallel_loop3A_128 = arith.constant 0 : i32
    %parallel_loop3A_129 = arith.constant 8192 : i32
    %parallel_loop3A_130 = arith.constant 16 : i32
    scf.for %parallel_loop3A_230 = %parallel_loop3A_128 to %parallel_loop3A_129 step %parallel_loop3A_130  : i32 {
      %parallel_loop3A_231 = arith.index_cast %parallel_loop3A_230 : i32 to index
      %parallel_loop3A_232 = tpu.vector_load %arg12[%parallel_loop3A_231] {strides = array<i32>} : memref<8192xf32, #tpu.memory_space<vmem>>, vector<16xf32>,
      %parallel_loop3A_233 = vector.shape_cast %parallel_loop3A_232 : vector<16xf32> to vector<16xf32>
      %parallel_loop3A_234 = arith.index_cast %parallel_loop3A_230 : i32 to index
      %parallel_loop3A_235 = tpu.vector_load %arg10[%parallel_loop3A_234] {strides = array<i32>} : memref<8192xf32, #tpu.memory_space<vmem>>, vector<16xf32>,
      %parallel_loop3A_236 = vector.shape_cast %parallel_loop3A_235 : vector<16xf32> to vector<16xf32>
      %parallel_loop3A_237 = arith.addf %parallel_loop3A_233, %parallel_loop3A_236 : vector<16xf32>
      %parallel_loop3A_238 = arith.index_cast %parallel_loop3A_230 : i32 to index
      %parallel_loop3A_239 = tpu.vector_load %arg12[%parallel_loop3A_238] {strides = array<i32>} : memref<8192xf32, #tpu.memory_space<vmem>>, vector<16xf32>,
      %parallel_loop3A_240 = vector.shape_cast %parallel_loop3A_239 : vector<16xf32> to vector<16xf32>
      %parallel_loop3A_241 = vector.shape_cast %parallel_loop3A_237 : vector<16xf32> to vector<16xf32>
      tpu.vector_store %arg12[%parallel_loop3A_238], %parallel_loop3A_241 {strides = array<i32>} : memref<8192xf32, #tpu.memory_space<vmem>>, vector<16xf32>,
    } {sc.loop_unroll_factor = 4 : i64, sc.parallel_access}
    %add3A_131 = arith.constant 24576 : i32
    %add3A_132 = arith.addi %mul3A_2, %add3A_131 : i32
    %dma_start3A_133 = tpu.memref_slice %arg4[%add3A_132] : memref<2097152xf32, #tpu.memory_space<hbm>> -> memref<8192xf32, #tpu.memory_space<hbm>>
    %dma_start3A_134 = tpu.memref_slice %arg4[%add3A_132] : memref<2097152xf32, #tpu.memory_space<hbm>> -> memref<8192xf32, #tpu.memory_space<hbm>>
    tpu.enqueue_dma source(%arg12 : memref<8192xf32, #tpu.memory_space<vmem>>) target(%dma_start3A_134 : memref<8192xf32, #tpu.memory_space<hbm>>) target_semaphore(%arg16 : memref<!tpu.dma_semaphore, #tpu.memory_space<semaphore_mem>>)
    %dma_wait3A_135 = arith.constant 0 : i32
    %dma_wait3A_136 = arith.constant 0 : i32
    %dma_wait3A_137 = tpu.memref_slice %arg2[%dma_wait3A_135, %add3A_112, %dma_wait3A_136] : memref<3x16384x128xf32, #tpu.memory_space<hbm>> -> memref<3x64x128xf32, #tpu.memory_space<hbm>>
    %dma_wait3A_138 = arith.constant 0 : i32
    %dma_wait3A_139 = arith.constant 0 : i32
    %dma_wait3A_140 = tpu.memref_slice %arg2[%dma_wait3A_138, %add3A_112, %dma_wait3A_139] : memref<3x16384x128xf32, #tpu.memory_space<hbm>> -> memref<3x64x128xf32, #tpu.memory_space<hbm>>
    tpu.wait_dma2 semaphore(%arg17 : memref<!tpu.dma_semaphore, #tpu.memory_space<semaphore_mem>>) src(%dma_wait3A_140 : memref<3x64x128xf32, #tpu.memory_space<hbm>>) dst(%arg6 : memref<3x64x128xf32, #tpu.memory_space<vmem>>)
    %add3A_141 = arith.constant 384 : i32
    %add3A_142 = arith.addi %mul3A_4, %add3A_141 : i32
    %dma_start3A_143 = arith.constant 0 : i32
    %dma_start3A_144 = arith.constant 0 : i32
    %dma_start3A_145 = tpu.memref_slice %arg2[%dma_start3A_143, %add3A_142, %dma_start3A_144] : memref<3x16384x128xf32, #tpu.memory_space<hbm>> -> memref<3x64x128xf32, #tpu.memory_space<hbm>>
    %dma_start3A_146 = arith.constant 0 : i32
    %dma_start3A_147 = arith.constant 0 : i32
    %dma_start3A_148 = tpu.memref_slice %arg2[%dma_start3A_146, %add3A_142, %dma_start3A_147] : memref<3x16384x128xf32, #tpu.memory_space<hbm>> -> memref<3x64x128xf32, #tpu.memory_space<hbm>>
    tpu.enqueue_dma source(%dma_start3A_148 : memref<3x64x128xf32, #tpu.memory_space<hbm>>) target(%arg5 : memref<3x64x128xf32, #tpu.memory_space<vmem>>) target_semaphore(%arg17 : memref<!tpu.dma_semaphore, #tpu.memory_space<semaphore_mem>>)
    %parallel_loop3A_149 = arith.constant 0 : i32
    %parallel_loop3A_150 = arith.constant 8192 : i32
    %parallel_loop3A_151 = arith.constant 16 : i32
    scf.for %parallel_loop3A_230 = %parallel_loop3A_149 to %parallel_loop3A_150 step %parallel_loop3A_151  : i32 {
      %parallel_loop3A_231 = arith.constant 7 : i32
      %parallel_loop3A_232 = arith.shrsi %parallel_loop3A_230, %parallel_loop3A_231 : i32
      %parallel_loop3A_233 = arith.constant 127 : i32
      %parallel_loop3A_234 = arith.andi %parallel_loop3A_230, %parallel_loop3A_233 : i32
      %parallel_loop3A_235 = arith.constant 0 : i32
      %parallel_loop3A_236 = arith.index_cast %parallel_loop3A_235 : i32 to index
      %parallel_loop3A_237 = arith.index_cast %parallel_loop3A_232 : i32 to index
      %parallel_loop3A_238 = arith.index_cast %parallel_loop3A_234 : i32 to index
      %parallel_loop3A_239 = tpu.vector_load %arg6[%parallel_loop3A_236, %parallel_loop3A_237, %parallel_loop3A_238] {strides = array<i32>} : memref<3x64x128xf32, #tpu.memory_space<vmem>>, vector<1x1x16xf32>,
      %parallel_loop3A_240 = vector.shape_cast %parallel_loop3A_239 : vector<1x1x16xf32> to vector<16xf32>
      %parallel_loop3A_241 = arith.constant 1 : i32
      %parallel_loop3A_242 = arith.index_cast %parallel_loop3A_241 : i32 to index
      %parallel_loop3A_243 = arith.index_cast %parallel_loop3A_232 : i32 to index
      %parallel_loop3A_244 = arith.index_cast %parallel_loop3A_234 : i32 to index
      %parallel_loop3A_245 = tpu.vector_load %arg6[%parallel_loop3A_242, %parallel_loop3A_243, %parallel_loop3A_244] {strides = array<i32>} : memref<3x64x128xf32, #tpu.memory_space<vmem>>, vector<1x1x16xf32>,
      %parallel_loop3A_246 = vector.shape_cast %parallel_loop3A_245 : vector<1x1x16xf32> to vector<16xf32>
      %parallel_loop3A_247 = arith.constant 2 : i32
      %parallel_loop3A_248 = arith.index_cast %parallel_loop3A_247 : i32 to index
      %parallel_loop3A_249 = arith.index_cast %parallel_loop3A_232 : i32 to index
      %parallel_loop3A_250 = arith.index_cast %parallel_loop3A_234 : i32 to index
      %parallel_loop3A_251 = tpu.vector_load %arg6[%parallel_loop3A_248, %parallel_loop3A_249, %parallel_loop3A_250] {strides = array<i32>} : memref<3x64x128xf32, #tpu.memory_space<vmem>>, vector<1x1x16xf32>,
      %parallel_loop3A_252 = vector.shape_cast %parallel_loop3A_251 : vector<1x1x16xf32> to vector<16xf32>
      %parallel_loop3A_253 = arith.constant 1.000000e+00 : f32
      %parallel_loop3A_254 = vector.broadcast %parallel_loop3A_253 : f32 to vector<16xf32>
      %parallel_loop3A_255 = arith.addf %parallel_loop3A_252, %parallel_loop3A_254 : vector<16xf32>
      %parallel_loop3A_256 = arith.constant 6.400000e+01 : f32
      %parallel_loop3A_257 = vector.broadcast %parallel_loop3A_256 : f32 to vector<16xf32>
      %parallel_loop3A_258 = arith.mulf %parallel_loop3A_255, %parallel_loop3A_257 : vector<16xf32>
      %parallel_loop3A_259 = arith.constant 5.000000e-01 : f32
      %parallel_loop3A_260 = vector.broadcast %parallel_loop3A_259 : f32 to vector<16xf32>
      %parallel_loop3A_261 = arith.subf %parallel_loop3A_258, %parallel_loop3A_260 : vector<16xf32>
      %parallel_loop3A_262 = arith.constant 0x4B400000 : f32
      %parallel_loop3A_263 = vector.broadcast %parallel_loop3A_262 : f32 to vector<16xf32>
      %parallel_loop3A_264 = arith.addf %parallel_loop3A_261, %parallel_loop3A_263 : vector<16xf32>
      %parallel_loop3A_265 = arith.constant 0x4B400000 : f32
      %parallel_loop3A_266 = vector.broadcast %parallel_loop3A_265 : f32 to vector<16xf32>
      %parallel_loop3A_267 = arith.subf %parallel_loop3A_264, %parallel_loop3A_266 : vector<16xf32>
      %parallel_loop3A_268 = arith.constant 0.000000e+00 : f32
      %parallel_loop3A_269 = vector.broadcast %parallel_loop3A_268 : f32 to vector<16xf32>
      %parallel_loop3A_270 = arith.maximumf %parallel_loop3A_267, %parallel_loop3A_269 : vector<16xf32>
      %parallel_loop3A_271 = arith.constant 1.270000e+02 : f32
      %parallel_loop3A_272 = vector.broadcast %parallel_loop3A_271 : f32 to vector<16xf32>
      %parallel_loop3A_273 = arith.minimumf %parallel_loop3A_270, %parallel_loop3A_272 : vector<16xf32>
      %parallel_loop3A_274 = arith.constant 1.280000e+02 : f32
      %parallel_loop3A_275 = vector.broadcast %parallel_loop3A_274 : f32 to vector<16xf32>
      %parallel_loop3A_276 = arith.mulf %parallel_loop3A_273, %parallel_loop3A_275 : vector<16xf32>
      %parallel_loop3A_277 = arith.constant 1.000000e+00 : f32
      %parallel_loop3A_278 = vector.broadcast %parallel_loop3A_277 : f32 to vector<16xf32>
      %parallel_loop3A_279 = arith.addf %parallel_loop3A_246, %parallel_loop3A_278 : vector<16xf32>
      %parallel_loop3A_280 = arith.constant 6.400000e+01 : f32
      %parallel_loop3A_281 = vector.broadcast %parallel_loop3A_280 : f32 to vector<16xf32>
      %parallel_loop3A_282 = arith.mulf %parallel_loop3A_279, %parallel_loop3A_281 : vector<16xf32>
      %parallel_loop3A_283 = arith.constant 5.000000e-01 : f32
      %parallel_loop3A_284 = vector.broadcast %parallel_loop3A_283 : f32 to vector<16xf32>
      %parallel_loop3A_285 = arith.subf %parallel_loop3A_282, %parallel_loop3A_284 : vector<16xf32>
      %parallel_loop3A_286 = arith.constant 0x4B400000 : f32
      %parallel_loop3A_287 = vector.broadcast %parallel_loop3A_286 : f32 to vector<16xf32>
      %parallel_loop3A_288 = arith.addf %parallel_loop3A_285, %parallel_loop3A_287 : vector<16xf32>
      %parallel_loop3A_289 = arith.constant 0x4B400000 : f32
      %parallel_loop3A_290 = vector.broadcast %parallel_loop3A_289 : f32 to vector<16xf32>
      %parallel_loop3A_291 = arith.subf %parallel_loop3A_288, %parallel_loop3A_290 : vector<16xf32>
      %parallel_loop3A_292 = arith.constant 0.000000e+00 : f32
      %parallel_loop3A_293 = vector.broadcast %parallel_loop3A_292 : f32 to vector<16xf32>
      %parallel_loop3A_294 = arith.maximumf %parallel_loop3A_291, %parallel_loop3A_293 : vector<16xf32>
      %parallel_loop3A_295 = arith.constant 1.270000e+02 : f32
      %parallel_loop3A_296 = vector.broadcast %parallel_loop3A_295 : f32 to vector<16xf32>
      %parallel_loop3A_297 = arith.minimumf %parallel_loop3A_294, %parallel_loop3A_296 : vector<16xf32>
      %parallel_loop3A_298 = arith.addf %parallel_loop3A_276, %parallel_loop3A_297 : vector<16xf32>
      %parallel_loop3A_299 = arith.constant 1.280000e+02 : f32
      %parallel_loop3A_300 = vector.broadcast %parallel_loop3A_299 : f32 to vector<16xf32>
      %parallel_loop3A_301 = arith.mulf %parallel_loop3A_298, %parallel_loop3A_300 : vector<16xf32>
      %parallel_loop3A_302 = arith.constant 1.000000e+00 : f32
      %parallel_loop3A_303 = vector.broadcast %parallel_loop3A_302 : f32 to vector<16xf32>
      %parallel_loop3A_304 = arith.addf %parallel_loop3A_240, %parallel_loop3A_303 : vector<16xf32>
      %parallel_loop3A_305 = arith.constant 6.400000e+01 : f32
      %parallel_loop3A_306 = vector.broadcast %parallel_loop3A_305 : f32 to vector<16xf32>
      %parallel_loop3A_307 = arith.mulf %parallel_loop3A_304, %parallel_loop3A_306 : vector<16xf32>
      %parallel_loop3A_308 = arith.constant 5.000000e-01 : f32
      %parallel_loop3A_309 = vector.broadcast %parallel_loop3A_308 : f32 to vector<16xf32>
      %parallel_loop3A_310 = arith.subf %parallel_loop3A_307, %parallel_loop3A_309 : vector<16xf32>
      %parallel_loop3A_311 = arith.constant 0x4B400000 : f32
      %parallel_loop3A_312 = vector.broadcast %parallel_loop3A_311 : f32 to vector<16xf32>
      %parallel_loop3A_313 = arith.addf %parallel_loop3A_310, %parallel_loop3A_312 : vector<16xf32>
      %parallel_loop3A_314 = arith.constant 0x4B400000 : f32
      %parallel_loop3A_315 = vector.broadcast %parallel_loop3A_314 : f32 to vector<16xf32>
      %parallel_loop3A_316 = arith.subf %parallel_loop3A_313, %parallel_loop3A_315 : vector<16xf32>
      %parallel_loop3A_317 = arith.constant 0.000000e+00 : f32
      %parallel_loop3A_318 = vector.broadcast %parallel_loop3A_317 : f32 to vector<16xf32>
      %parallel_loop3A_319 = arith.maximumf %parallel_loop3A_316, %parallel_loop3A_318 : vector<16xf32>
      %parallel_loop3A_320 = arith.constant 1.270000e+02 : f32
      %parallel_loop3A_321 = vector.broadcast %parallel_loop3A_320 : f32 to vector<16xf32>
      %parallel_loop3A_322 = arith.minimumf %parallel_loop3A_319, %parallel_loop3A_321 : vector<16xf32>
      %parallel_loop3A_323 = arith.addf %parallel_loop3A_301, %parallel_loop3A_322 : vector<16xf32>
      %parallel_loop3A_324 = arith.fptosi %parallel_loop3A_323 : vector<16xf32> to vector<16xi32>
      %parallel_loop3A_325 = arith.index_cast %parallel_loop3A_230 : i32 to index
      %parallel_loop3A_326 = tpu.vector_load %arg8[%parallel_loop3A_325] {strides = array<i32>} : memref<8192xi32, #tpu.memory_space<vmem>>, vector<16xi32>,
      %parallel_loop3A_327 = vector.shape_cast %parallel_loop3A_326 : vector<16xi32> to vector<16xi32>
      %parallel_loop3A_328 = vector.shape_cast %parallel_loop3A_324 : vector<16xi32> to vector<16xi32>
      tpu.vector_store %arg8[%parallel_loop3A_325], %parallel_loop3A_328 {strides = array<i32>} : memref<8192xi32, #tpu.memory_space<vmem>>, vector<16xi32>,
      %parallel_loop3A_329 = math.absf %parallel_loop3A_240 : vector<16xf32>
      %parallel_loop3A_330 = math.absf %parallel_loop3A_246 : vector<16xf32>
      %parallel_loop3A_331 = arith.maximumf %parallel_loop3A_329, %parallel_loop3A_330 : vector<16xf32>
      %parallel_loop3A_332 = math.absf %parallel_loop3A_252 : vector<16xf32>
      %parallel_loop3A_333 = arith.maximumf %parallel_loop3A_331, %parallel_loop3A_332 : vector<16xf32>
      %parallel_loop3A_334 = arith.constant 1.000000e+00 : f32
      %parallel_loop3A_335 = vector.broadcast %parallel_loop3A_334 : f32 to vector<16xf32>
      %parallel_loop3A_336 = arith.cmpf ole, %parallel_loop3A_333, %parallel_loop3A_335 : vector<16xf32>
      %parallel_loop3A_337 = arith.constant 0.000000e+00 : f32
      %parallel_loop3A_338 = vector.broadcast %parallel_loop3A_337 : f32 to vector<16xf32>
      %parallel_loop3A_339 = arith.constant -2.000000e+00 : f32
      %parallel_loop3A_340 = vector.broadcast %parallel_loop3A_339 : f32 to vector<16xf32>
      %parallel_loop3A_341 = arith.select %parallel_loop3A_336, %parallel_loop3A_338, %parallel_loop3A_340 : vector<16xi1>, vector<16xf32>
      %parallel_loop3A_342 = arith.index_cast %parallel_loop3A_230 : i32 to index
      %parallel_loop3A_343 = tpu.vector_load %arg10[%parallel_loop3A_342] {strides = array<i32>} : memref<8192xf32, #tpu.memory_space<vmem>>, vector<16xf32>,
      %parallel_loop3A_344 = vector.shape_cast %parallel_loop3A_343 : vector<16xf32> to vector<16xf32>
      %parallel_loop3A_345 = vector.shape_cast %parallel_loop3A_341 : vector<16xf32> to vector<16xf32>
      tpu.vector_store %arg10[%parallel_loop3A_342], %parallel_loop3A_345 {strides = array<i32>} : memref<8192xf32, #tpu.memory_space<vmem>>, vector<16xf32>,
    } {sc.loop_unroll_factor = 4 : i64, sc.parallel_access}
    %dma_wait3A_152 = tpu.memref_slice %arg4[%add3A_132] : memref<2097152xf32, #tpu.memory_space<hbm>> -> memref<8192xf32, #tpu.memory_space<hbm>>
    %dma_wait3A_153 = tpu.memref_slice %arg4[%add3A_132] : memref<2097152xf32, #tpu.memory_space<hbm>> -> memref<8192xf32, #tpu.memory_space<hbm>>
    tpu.wait_dma2 semaphore(%arg16 : memref<!tpu.dma_semaphore, #tpu.memory_space<semaphore_mem>>) src(%arg12 : memref<8192xf32, #tpu.memory_space<vmem>>) dst(%dma_wait3A_153 : memref<8192xf32, #tpu.memory_space<hbm>>)
    %dma_start3A_154 = arith.constant 0 : i32
    %dma_start3A_155 = tpu.memref_slice %arg3[%dma_start3A_154] : memref<2097152xf32, #tpu.memory_space<hbm>> -> memref<2097152xf32, #tpu.memory_space<hbm>>
    tpu.enqueue_indirect_dma source(%dma_start3A_155 : memref<2097152xf32, #tpu.memory_space<hbm>>) target(%arg12 : memref<8192xf32, #tpu.memory_space<vmem>>) offsets(%arg8 : memref<8192xi32, #tpu.memory_space<vmem>>) semaphore(%arg14 : memref<!tpu.dma_semaphore, #tpu.memory_space<semaphore_mem>>)
    %dma_wait3A_156 = arith.constant 0 : i32
    %dma_wait3A_157 = tpu.memref_slice %arg3[%dma_wait3A_156] : memref<2097152xf32, #tpu.memory_space<hbm>> -> memref<2097152xf32, #tpu.memory_space<hbm>>
    tpu.wait_indirect_dma semaphore(%arg13 : memref<!tpu.dma_semaphore, #tpu.memory_space<semaphore_mem>>) src(%dma_wait3A_157 : memref<2097152xf32, #tpu.memory_space<hbm>>) dst(%arg11 : memref<8192xf32, #tpu.memory_space<vmem>>)
    %parallel_loop3A_158 = arith.constant 0 : i32
    %parallel_loop3A_159 = arith.constant 8192 : i32
    %parallel_loop3A_160 = arith.constant 16 : i32
    scf.for %parallel_loop3A_230 = %parallel_loop3A_158 to %parallel_loop3A_159 step %parallel_loop3A_160  : i32 {
      %parallel_loop3A_231 = arith.index_cast %parallel_loop3A_230 : i32 to index
      %parallel_loop3A_232 = tpu.vector_load %arg11[%parallel_loop3A_231] {strides = array<i32>} : memref<8192xf32, #tpu.memory_space<vmem>>, vector<16xf32>,
      %parallel_loop3A_233 = vector.shape_cast %parallel_loop3A_232 : vector<16xf32> to vector<16xf32>
      %parallel_loop3A_234 = arith.index_cast %parallel_loop3A_230 : i32 to index
      %parallel_loop3A_235 = tpu.vector_load %arg9[%parallel_loop3A_234] {strides = array<i32>} : memref<8192xf32, #tpu.memory_space<vmem>>, vector<16xf32>,
      %parallel_loop3A_236 = vector.shape_cast %parallel_loop3A_235 : vector<16xf32> to vector<16xf32>
      %parallel_loop3A_237 = arith.addf %parallel_loop3A_233, %parallel_loop3A_236 : vector<16xf32>
      %parallel_loop3A_238 = arith.index_cast %parallel_loop3A_230 : i32 to index
      %parallel_loop3A_239 = tpu.vector_load %arg11[%parallel_loop3A_238] {strides = array<i32>} : memref<8192xf32, #tpu.memory_space<vmem>>, vector<16xf32>,
      %parallel_loop3A_240 = vector.shape_cast %parallel_loop3A_239 : vector<16xf32> to vector<16xf32>
      %parallel_loop3A_241 = vector.shape_cast %parallel_loop3A_237 : vector<16xf32> to vector<16xf32>
      tpu.vector_store %arg11[%parallel_loop3A_238], %parallel_loop3A_241 {strides = array<i32>} : memref<8192xf32, #tpu.memory_space<vmem>>, vector<16xf32>,
    } {sc.loop_unroll_factor = 4 : i64, sc.parallel_access}
    %add3A_161 = arith.constant 32768 : i32
    %add3A_162 = arith.addi %mul3A_2, %add3A_161 : i32
    %dma_start3A_163 = tpu.memref_slice %arg4[%add3A_162] : memref<2097152xf32, #tpu.memory_space<hbm>> -> memref<8192xf32, #tpu.memory_space<hbm>>
    %dma_start3A_164 = tpu.memref_slice %arg4[%add3A_162] : memref<2097152xf32, #tpu.memory_space<hbm>> -> memref<8192xf32, #tpu.memory_space<hbm>>
    tpu.enqueue_dma source(%arg11 : memref<8192xf32, #tpu.memory_space<vmem>>) target(%dma_start3A_164 : memref<8192xf32, #tpu.memory_space<hbm>>) target_semaphore(%arg15 : memref<!tpu.dma_semaphore, #tpu.memory_space<semaphore_mem>>)
    %dma_wait3A_165 = arith.constant 0 : i32
    %dma_wait3A_166 = arith.constant 0 : i32
    %dma_wait3A_167 = tpu.memref_slice %arg2[%dma_wait3A_165, %add3A_142, %dma_wait3A_166] : memref<3x16384x128xf32, #tpu.memory_space<hbm>> -> memref<3x64x128xf32, #tpu.memory_space<hbm>>
    %dma_wait3A_168 = arith.constant 0 : i32
    %dma_wait3A_169 = arith.constant 0 : i32
    %dma_wait3A_170 = tpu.memref_slice %arg2[%dma_wait3A_168, %add3A_142, %dma_wait3A_169] : memref<3x16384x128xf32, #tpu.memory_space<hbm>> -> memref<3x64x128xf32, #tpu.memory_space<hbm>>
    tpu.wait_dma2 semaphore(%arg17 : memref<!tpu.dma_semaphore, #tpu.memory_space<semaphore_mem>>) src(%dma_wait3A_170 : memref<3x64x128xf32, #tpu.memory_space<hbm>>) dst(%arg5 : memref<3x64x128xf32, #tpu.memory_space<vmem>>)
    %add3A_171 = arith.constant 448 : i32
    %add3A_172 = arith.addi %mul3A_4, %add3A_171 : i32
    %dma_start3A_173 = arith.constant 0 : i32
    %dma_start3A_174 = arith.constant 0 : i32
    %dma_start3A_175 = tpu.memref_slice %arg2[%dma_start3A_173, %add3A_172, %dma_start3A_174] : memref<3x16384x128xf32, #tpu.memory_space<hbm>> -> memref<3x64x128xf32, #tpu.memory_space<hbm>>
    %dma_start3A_176 = arith.constant 0 : i32
    %dma_start3A_177 = arith.constant 0 : i32
    %dma_start3A_178 = tpu.memref_slice %arg2[%dma_start3A_176, %add3A_172, %dma_start3A_177] : memref<3x16384x128xf32, #tpu.memory_space<hbm>> -> memref<3x64x128xf32, #tpu.memory_space<hbm>>
    tpu.enqueue_dma source(%dma_start3A_178 : memref<3x64x128xf32, #tpu.memory_space<hbm>>) target(%arg6 : memref<3x64x128xf32, #tpu.memory_space<vmem>>) target_semaphore(%arg17 : memref<!tpu.dma_semaphore, #tpu.memory_space<semaphore_mem>>)
    %parallel_loop3A_179 = arith.constant 0 : i32
    %parallel_loop3A_180 = arith.constant 8192 : i32
    %parallel_loop3A_181 = arith.constant 16 : i32
    scf.for %parallel_loop3A_230 = %parallel_loop3A_179 to %parallel_loop3A_180 step %parallel_loop3A_181  : i32 {
      %parallel_loop3A_231 = arith.constant 7 : i32
      %parallel_loop3A_232 = arith.shrsi %parallel_loop3A_230, %parallel_loop3A_231 : i32
      %parallel_loop3A_233 = arith.constant 127 : i32
      %parallel_loop3A_234 = arith.andi %parallel_loop3A_230, %parallel_loop3A_233 : i32
      %parallel_loop3A_235 = arith.constant 0 : i32
      %parallel_loop3A_236 = arith.index_cast %parallel_loop3A_235 : i32 to index
      %parallel_loop3A_237 = arith.index_cast %parallel_loop3A_232 : i32 to index
      %parallel_loop3A_238 = arith.index_cast %parallel_loop3A_234 : i32 to index
      %parallel_loop3A_239 = tpu.vector_load %arg5[%parallel_loop3A_236, %parallel_loop3A_237, %parallel_loop3A_238] {strides = array<i32>} : memref<3x64x128xf32, #tpu.memory_space<vmem>>, vector<1x1x16xf32>,
      %parallel_loop3A_240 = vector.shape_cast %parallel_loop3A_239 : vector<1x1x16xf32> to vector<16xf32>
      %parallel_loop3A_241 = arith.constant 1 : i32
      %parallel_loop3A_242 = arith.index_cast %parallel_loop3A_241 : i32 to index
      %parallel_loop3A_243 = arith.index_cast %parallel_loop3A_232 : i32 to index
      %parallel_loop3A_244 = arith.index_cast %parallel_loop3A_234 : i32 to index
      %parallel_loop3A_245 = tpu.vector_load %arg5[%parallel_loop3A_242, %parallel_loop3A_243, %parallel_loop3A_244] {strides = array<i32>} : memref<3x64x128xf32, #tpu.memory_space<vmem>>, vector<1x1x16xf32>,
      %parallel_loop3A_246 = vector.shape_cast %parallel_loop3A_245 : vector<1x1x16xf32> to vector<16xf32>
      %parallel_loop3A_247 = arith.constant 2 : i32
      %parallel_loop3A_248 = arith.index_cast %parallel_loop3A_247 : i32 to index
      %parallel_loop3A_249 = arith.index_cast %parallel_loop3A_232 : i32 to index
      %parallel_loop3A_250 = arith.index_cast %parallel_loop3A_234 : i32 to index
      %parallel_loop3A_251 = tpu.vector_load %arg5[%parallel_loop3A_248, %parallel_loop3A_249, %parallel_loop3A_250] {strides = array<i32>} : memref<3x64x128xf32, #tpu.memory_space<vmem>>, vector<1x1x16xf32>,
      %parallel_loop3A_252 = vector.shape_cast %parallel_loop3A_251 : vector<1x1x16xf32> to vector<16xf32>
      %parallel_loop3A_253 = arith.constant 1.000000e+00 : f32
      %parallel_loop3A_254 = vector.broadcast %parallel_loop3A_253 : f32 to vector<16xf32>
      %parallel_loop3A_255 = arith.addf %parallel_loop3A_252, %parallel_loop3A_254 : vector<16xf32>
      %parallel_loop3A_256 = arith.constant 6.400000e+01 : f32
      %parallel_loop3A_257 = vector.broadcast %parallel_loop3A_256 : f32 to vector<16xf32>
      %parallel_loop3A_258 = arith.mulf %parallel_loop3A_255, %parallel_loop3A_257 : vector<16xf32>
      %parallel_loop3A_259 = arith.constant 5.000000e-01 : f32
      %parallel_loop3A_260 = vector.broadcast %parallel_loop3A_259 : f32 to vector<16xf32>
      %parallel_loop3A_261 = arith.subf %parallel_loop3A_258, %parallel_loop3A_260 : vector<16xf32>
      %parallel_loop3A_262 = arith.constant 0x4B400000 : f32
      %parallel_loop3A_263 = vector.broadcast %parallel_loop3A_262 : f32 to vector<16xf32>
      %parallel_loop3A_264 = arith.addf %parallel_loop3A_261, %parallel_loop3A_263 : vector<16xf32>
      %parallel_loop3A_265 = arith.constant 0x4B400000 : f32
      %parallel_loop3A_266 = vector.broadcast %parallel_loop3A_265 : f32 to vector<16xf32>
      %parallel_loop3A_267 = arith.subf %parallel_loop3A_264, %parallel_loop3A_266 : vector<16xf32>
      %parallel_loop3A_268 = arith.constant 0.000000e+00 : f32
      %parallel_loop3A_269 = vector.broadcast %parallel_loop3A_268 : f32 to vector<16xf32>
      %parallel_loop3A_270 = arith.maximumf %parallel_loop3A_267, %parallel_loop3A_269 : vector<16xf32>
      %parallel_loop3A_271 = arith.constant 1.270000e+02 : f32
      %parallel_loop3A_272 = vector.broadcast %parallel_loop3A_271 : f32 to vector<16xf32>
      %parallel_loop3A_273 = arith.minimumf %parallel_loop3A_270, %parallel_loop3A_272 : vector<16xf32>
      %parallel_loop3A_274 = arith.constant 1.280000e+02 : f32
      %parallel_loop3A_275 = vector.broadcast %parallel_loop3A_274 : f32 to vector<16xf32>
      %parallel_loop3A_276 = arith.mulf %parallel_loop3A_273, %parallel_loop3A_275 : vector<16xf32>
      %parallel_loop3A_277 = arith.constant 1.000000e+00 : f32
      %parallel_loop3A_278 = vector.broadcast %parallel_loop3A_277 : f32 to vector<16xf32>
      %parallel_loop3A_279 = arith.addf %parallel_loop3A_246, %parallel_loop3A_278 : vector<16xf32>
      %parallel_loop3A_280 = arith.constant 6.400000e+01 : f32
      %parallel_loop3A_281 = vector.broadcast %parallel_loop3A_280 : f32 to vector<16xf32>
      %parallel_loop3A_282 = arith.mulf %parallel_loop3A_279, %parallel_loop3A_281 : vector<16xf32>
      %parallel_loop3A_283 = arith.constant 5.000000e-01 : f32
      %parallel_loop3A_284 = vector.broadcast %parallel_loop3A_283 : f32 to vector<16xf32>
      %parallel_loop3A_285 = arith.subf %parallel_loop3A_282, %parallel_loop3A_284 : vector<16xf32>
      %parallel_loop3A_286 = arith.constant 0x4B400000 : f32
      %parallel_loop3A_287 = vector.broadcast %parallel_loop3A_286 : f32 to vector<16xf32>
      %parallel_loop3A_288 = arith.addf %parallel_loop3A_285, %parallel_loop3A_287 : vector<16xf32>
      %parallel_loop3A_289 = arith.constant 0x4B400000 : f32
      %parallel_loop3A_290 = vector.broadcast %parallel_loop3A_289 : f32 to vector<16xf32>
      %parallel_loop3A_291 = arith.subf %parallel_loop3A_288, %parallel_loop3A_290 : vector<16xf32>
      %parallel_loop3A_292 = arith.constant 0.000000e+00 : f32
      %parallel_loop3A_293 = vector.broadcast %parallel_loop3A_292 : f32 to vector<16xf32>
      %parallel_loop3A_294 = arith.maximumf %parallel_loop3A_291, %parallel_loop3A_293 : vector<16xf32>
      %parallel_loop3A_295 = arith.constant 1.270000e+02 : f32
      %parallel_loop3A_296 = vector.broadcast %parallel_loop3A_295 : f32 to vector<16xf32>
      %parallel_loop3A_297 = arith.minimumf %parallel_loop3A_294, %parallel_loop3A_296 : vector<16xf32>
      %parallel_loop3A_298 = arith.addf %parallel_loop3A_276, %parallel_loop3A_297 : vector<16xf32>
      %parallel_loop3A_299 = arith.constant 1.280000e+02 : f32
      %parallel_loop3A_300 = vector.broadcast %parallel_loop3A_299 : f32 to vector<16xf32>
      %parallel_loop3A_301 = arith.mulf %parallel_loop3A_298, %parallel_loop3A_300 : vector<16xf32>
      %parallel_loop3A_302 = arith.constant 1.000000e+00 : f32
      %parallel_loop3A_303 = vector.broadcast %parallel_loop3A_302 : f32 to vector<16xf32>
      %parallel_loop3A_304 = arith.addf %parallel_loop3A_240, %parallel_loop3A_303 : vector<16xf32>
      %parallel_loop3A_305 = arith.constant 6.400000e+01 : f32
      %parallel_loop3A_306 = vector.broadcast %parallel_loop3A_305 : f32 to vector<16xf32>
      %parallel_loop3A_307 = arith.mulf %parallel_loop3A_304, %parallel_loop3A_306 : vector<16xf32>
      %parallel_loop3A_308 = arith.constant 5.000000e-01 : f32
      %parallel_loop3A_309 = vector.broadcast %parallel_loop3A_308 : f32 to vector<16xf32>
      %parallel_loop3A_310 = arith.subf %parallel_loop3A_307, %parallel_loop3A_309 : vector<16xf32>
      %parallel_loop3A_311 = arith.constant 0x4B400000 : f32
      %parallel_loop3A_312 = vector.broadcast %parallel_loop3A_311 : f32 to vector<16xf32>
      %parallel_loop3A_313 = arith.addf %parallel_loop3A_310, %parallel_loop3A_312 : vector<16xf32>
      %parallel_loop3A_314 = arith.constant 0x4B400000 : f32
      %parallel_loop3A_315 = vector.broadcast %parallel_loop3A_314 : f32 to vector<16xf32>
      %parallel_loop3A_316 = arith.subf %parallel_loop3A_313, %parallel_loop3A_315 : vector<16xf32>
      %parallel_loop3A_317 = arith.constant 0.000000e+00 : f32
      %parallel_loop3A_318 = vector.broadcast %parallel_loop3A_317 : f32 to vector<16xf32>
      %parallel_loop3A_319 = arith.maximumf %parallel_loop3A_316, %parallel_loop3A_318 : vector<16xf32>
      %parallel_loop3A_320 = arith.constant 1.270000e+02 : f32
      %parallel_loop3A_321 = vector.broadcast %parallel_loop3A_320 : f32 to vector<16xf32>
      %parallel_loop3A_322 = arith.minimumf %parallel_loop3A_319, %parallel_loop3A_321 : vector<16xf32>
      %parallel_loop3A_323 = arith.addf %parallel_loop3A_301, %parallel_loop3A_322 : vector<16xf32>
      %parallel_loop3A_324 = arith.fptosi %parallel_loop3A_323 : vector<16xf32> to vector<16xi32>
      %parallel_loop3A_325 = arith.index_cast %parallel_loop3A_230 : i32 to index
      %parallel_loop3A_326 = tpu.vector_load %arg7[%parallel_loop3A_325] {strides = array<i32>} : memref<8192xi32, #tpu.memory_space<vmem>>, vector<16xi32>,
      %parallel_loop3A_327 = vector.shape_cast %parallel_loop3A_326 : vector<16xi32> to vector<16xi32>
      %parallel_loop3A_328 = vector.shape_cast %parallel_loop3A_324 : vector<16xi32> to vector<16xi32>
      tpu.vector_store %arg7[%parallel_loop3A_325], %parallel_loop3A_328 {strides = array<i32>} : memref<8192xi32, #tpu.memory_space<vmem>>, vector<16xi32>,
      %parallel_loop3A_329 = math.absf %parallel_loop3A_240 : vector<16xf32>
      %parallel_loop3A_330 = math.absf %parallel_loop3A_246 : vector<16xf32>
      %parallel_loop3A_331 = arith.maximumf %parallel_loop3A_329, %parallel_loop3A_330 : vector<16xf32>
      %parallel_loop3A_332 = math.absf %parallel_loop3A_252 : vector<16xf32>
      %parallel_loop3A_333 = arith.maximumf %parallel_loop3A_331, %parallel_loop3A_332 : vector<16xf32>
      %parallel_loop3A_334 = arith.constant 1.000000e+00 : f32
      %parallel_loop3A_335 = vector.broadcast %parallel_loop3A_334 : f32 to vector<16xf32>
      %parallel_loop3A_336 = arith.cmpf ole, %parallel_loop3A_333, %parallel_loop3A_335 : vector<16xf32>
      %parallel_loop3A_337 = arith.constant 0.000000e+00 : f32
      %parallel_loop3A_338 = vector.broadcast %parallel_loop3A_337 : f32 to vector<16xf32>
      %parallel_loop3A_339 = arith.constant -2.000000e+00 : f32
      %parallel_loop3A_340 = vector.broadcast %parallel_loop3A_339 : f32 to vector<16xf32>
      %parallel_loop3A_341 = arith.select %parallel_loop3A_336, %parallel_loop3A_338, %parallel_loop3A_340 : vector<16xi1>, vector<16xf32>
      %parallel_loop3A_342 = arith.index_cast %parallel_loop3A_230 : i32 to index
      %parallel_loop3A_343 = tpu.vector_load %arg9[%parallel_loop3A_342] {strides = array<i32>} : memref<8192xf32, #tpu.memory_space<vmem>>, vector<16xf32>,
      %parallel_loop3A_344 = vector.shape_cast %parallel_loop3A_343 : vector<16xf32> to vector<16xf32>
      %parallel_loop3A_345 = vector.shape_cast %parallel_loop3A_341 : vector<16xf32> to vector<16xf32>
      tpu.vector_store %arg9[%parallel_loop3A_342], %parallel_loop3A_345 {strides = array<i32>} : memref<8192xf32, #tpu.memory_space<vmem>>, vector<16xf32>,
    } {sc.loop_unroll_factor = 4 : i64, sc.parallel_access}
    %dma_wait3A_182 = tpu.memref_slice %arg4[%add3A_162] : memref<2097152xf32, #tpu.memory_space<hbm>> -> memref<8192xf32, #tpu.memory_space<hbm>>
    %dma_wait3A_183 = tpu.memref_slice %arg4[%add3A_162] : memref<2097152xf32, #tpu.memory_space<hbm>> -> memref<8192xf32, #tpu.memory_space<hbm>>
    tpu.wait_dma2 semaphore(%arg15 : memref<!tpu.dma_semaphore, #tpu.memory_space<semaphore_mem>>) src(%arg11 : memref<8192xf32, #tpu.memory_space<vmem>>) dst(%dma_wait3A_183 : memref<8192xf32, #tpu.memory_space<hbm>>)
    %dma_start3A_184 = arith.constant 0 : i32
    %dma_start3A_185 = tpu.memref_slice %arg3[%dma_start3A_184] : memref<2097152xf32, #tpu.memory_space<hbm>> -> memref<2097152xf32, #tpu.memory_space<hbm>>
    tpu.enqueue_indirect_dma source(%dma_start3A_185 : memref<2097152xf32, #tpu.memory_space<hbm>>) target(%arg11 : memref<8192xf32, #tpu.memory_space<vmem>>) offsets(%arg7 : memref<8192xi32, #tpu.memory_space<vmem>>) semaphore(%arg13 : memref<!tpu.dma_semaphore, #tpu.memory_space<semaphore_mem>>)
    %dma_wait3A_186 = arith.constant 0 : i32
    %dma_wait3A_187 = tpu.memref_slice %arg3[%dma_wait3A_186] : memref<2097152xf32, #tpu.memory_space<hbm>> -> memref<2097152xf32, #tpu.memory_space<hbm>>
    tpu.wait_indirect_dma semaphore(%arg14 : memref<!tpu.dma_semaphore, #tpu.memory_space<semaphore_mem>>) src(%dma_wait3A_187 : memref<2097152xf32, #tpu.memory_space<hbm>>) dst(%arg12 : memref<8192xf32, #tpu.memory_space<vmem>>)
    %parallel_loop3A_188 = arith.constant 0 : i32
    %parallel_loop3A_189 = arith.constant 8192 : i32
    %parallel_loop3A_190 = arith.constant 16 : i32
    scf.for %parallel_loop3A_230 = %parallel_loop3A_188 to %parallel_loop3A_189 step %parallel_loop3A_190  : i32 {
      %parallel_loop3A_231 = arith.index_cast %parallel_loop3A_230 : i32 to index
      %parallel_loop3A_232 = tpu.vector_load %arg12[%parallel_loop3A_231] {strides = array<i32>} : memref<8192xf32, #tpu.memory_space<vmem>>, vector<16xf32>,
      %parallel_loop3A_233 = vector.shape_cast %parallel_loop3A_232 : vector<16xf32> to vector<16xf32>
      %parallel_loop3A_234 = arith.index_cast %parallel_loop3A_230 : i32 to index
      %parallel_loop3A_235 = tpu.vector_load %arg10[%parallel_loop3A_234] {strides = array<i32>} : memref<8192xf32, #tpu.memory_space<vmem>>, vector<16xf32>,
      %parallel_loop3A_236 = vector.shape_cast %parallel_loop3A_235 : vector<16xf32> to vector<16xf32>
      %parallel_loop3A_237 = arith.addf %parallel_loop3A_233, %parallel_loop3A_236 : vector<16xf32>
      %parallel_loop3A_238 = arith.index_cast %parallel_loop3A_230 : i32 to index
      %parallel_loop3A_239 = tpu.vector_load %arg12[%parallel_loop3A_238] {strides = array<i32>} : memref<8192xf32, #tpu.memory_space<vmem>>, vector<16xf32>,
      %parallel_loop3A_240 = vector.shape_cast %parallel_loop3A_239 : vector<16xf32> to vector<16xf32>
      %parallel_loop3A_241 = vector.shape_cast %parallel_loop3A_237 : vector<16xf32> to vector<16xf32>
      tpu.vector_store %arg12[%parallel_loop3A_238], %parallel_loop3A_241 {strides = array<i32>} : memref<8192xf32, #tpu.memory_space<vmem>>, vector<16xf32>,
    } {sc.loop_unroll_factor = 4 : i64, sc.parallel_access}
    %add3A_191 = arith.constant 40960 : i32
    %add3A_192 = arith.addi %mul3A_2, %add3A_191 : i32
    %dma_start3A_193 = tpu.memref_slice %arg4[%add3A_192] : memref<2097152xf32, #tpu.memory_space<hbm>> -> memref<8192xf32, #tpu.memory_space<hbm>>
    %dma_start3A_194 = tpu.memref_slice %arg4[%add3A_192] : memref<2097152xf32, #tpu.memory_space<hbm>> -> memref<8192xf32, #tpu.memory_space<hbm>>
    tpu.enqueue_dma source(%arg12 : memref<8192xf32, #tpu.memory_space<vmem>>) target(%dma_start3A_194 : memref<8192xf32, #tpu.memory_space<hbm>>) target_semaphore(%arg16 : memref<!tpu.dma_semaphore, #tpu.memory_space<semaphore_mem>>)
    %dma_wait3A_195 = arith.constant 0 : i32
    %dma_wait3A_196 = arith.constant 0 : i32
    %dma_wait3A_197 = tpu.memref_slice %arg2[%dma_wait3A_195, %add3A_172, %dma_wait3A_196] : memref<3x16384x128xf32, #tpu.memory_space<hbm>> -> memref<3x64x128xf32, #tpu.memory_space<hbm>>
    %dma_wait3A_198 = arith.constant 0 : i32
    %dma_wait3A_199 = arith.constant 0 : i32
    %dma_wait3A_200 = tpu.memref_slice %arg2[%dma_wait3A_198, %add3A_172, %dma_wait3A_199] : memref<3x16384x128xf32, #tpu.memory_space<hbm>> -> memref<3x64x128xf32, #tpu.memory_space<hbm>>
    tpu.wait_dma2 semaphore(%arg17 : memref<!tpu.dma_semaphore, #tpu.memory_space<semaphore_mem>>) src(%dma_wait3A_200 : memref<3x64x128xf32, #tpu.memory_space<hbm>>) dst(%arg6 : memref<3x64x128xf32, #tpu.memory_space<vmem>>)
    %parallel_loop3A_201 = arith.constant 0 : i32
    %parallel_loop3A_202 = arith.constant 8192 : i32
    %parallel_loop3A_203 = arith.constant 16 : i32
    scf.for %parallel_loop3A_230 = %parallel_loop3A_201 to %parallel_loop3A_202 step %parallel_loop3A_203  : i32 {
      %parallel_loop3A_231 = arith.constant 7 : i32
      %parallel_loop3A_232 = arith.shrsi %parallel_loop3A_230, %parallel_loop3A_231 : i32
      %parallel_loop3A_233 = arith.constant 127 : i32
      %parallel_loop3A_234 = arith.andi %parallel_loop3A_230, %parallel_loop3A_233 : i32
      %parallel_loop3A_235 = arith.constant 0 : i32
      %parallel_loop3A_236 = arith.index_cast %parallel_loop3A_235 : i32 to index
      %parallel_loop3A_237 = arith.index_cast %parallel_loop3A_232 : i32 to index
      %parallel_loop3A_238 = arith.index_cast %parallel_loop3A_234 : i32 to index
      %parallel_loop3A_239 = tpu.vector_load %arg6[%parallel_loop3A_236, %parallel_loop3A_237, %parallel_loop3A_238] {strides = array<i32>} : memref<3x64x128xf32, #tpu.memory_space<vmem>>, vector<1x1x16xf32>,
      %parallel_loop3A_240 = vector.shape_cast %parallel_loop3A_239 : vector<1x1x16xf32> to vector<16xf32>
      %parallel_loop3A_241 = arith.constant 1 : i32
      %parallel_loop3A_242 = arith.index_cast %parallel_loop3A_241 : i32 to index
      %parallel_loop3A_243 = arith.index_cast %parallel_loop3A_232 : i32 to index
      %parallel_loop3A_244 = arith.index_cast %parallel_loop3A_234 : i32 to index
      %parallel_loop3A_245 = tpu.vector_load %arg6[%parallel_loop3A_242, %parallel_loop3A_243, %parallel_loop3A_244] {strides = array<i32>} : memref<3x64x128xf32, #tpu.memory_space<vmem>>, vector<1x1x16xf32>,
      %parallel_loop3A_246 = vector.shape_cast %parallel_loop3A_245 : vector<1x1x16xf32> to vector<16xf32>
      %parallel_loop3A_247 = arith.constant 2 : i32
      %parallel_loop3A_248 = arith.index_cast %parallel_loop3A_247 : i32 to index
      %parallel_loop3A_249 = arith.index_cast %parallel_loop3A_232 : i32 to index
      %parallel_loop3A_250 = arith.index_cast %parallel_loop3A_234 : i32 to index
      %parallel_loop3A_251 = tpu.vector_load %arg6[%parallel_loop3A_248, %parallel_loop3A_249, %parallel_loop3A_250] {strides = array<i32>} : memref<3x64x128xf32, #tpu.memory_space<vmem>>, vector<1x1x16xf32>,
      %parallel_loop3A_252 = vector.shape_cast %parallel_loop3A_251 : vector<1x1x16xf32> to vector<16xf32>
      %parallel_loop3A_253 = arith.constant 1.000000e+00 : f32
      %parallel_loop3A_254 = vector.broadcast %parallel_loop3A_253 : f32 to vector<16xf32>
      %parallel_loop3A_255 = arith.addf %parallel_loop3A_252, %parallel_loop3A_254 : vector<16xf32>
      %parallel_loop3A_256 = arith.constant 6.400000e+01 : f32
      %parallel_loop3A_257 = vector.broadcast %parallel_loop3A_256 : f32 to vector<16xf32>
      %parallel_loop3A_258 = arith.mulf %parallel_loop3A_255, %parallel_loop3A_257 : vector<16xf32>
      %parallel_loop3A_259 = arith.constant 5.000000e-01 : f32
      %parallel_loop3A_260 = vector.broadcast %parallel_loop3A_259 : f32 to vector<16xf32>
      %parallel_loop3A_261 = arith.subf %parallel_loop3A_258, %parallel_loop3A_260 : vector<16xf32>
      %parallel_loop3A_262 = arith.constant 0x4B400000 : f32
      %parallel_loop3A_263 = vector.broadcast %parallel_loop3A_262 : f32 to vector<16xf32>
      %parallel_loop3A_264 = arith.addf %parallel_loop3A_261, %parallel_loop3A_263 : vector<16xf32>
      %parallel_loop3A_265 = arith.constant 0x4B400000 : f32
      %parallel_loop3A_266 = vector.broadcast %parallel_loop3A_265 : f32 to vector<16xf32>
      %parallel_loop3A_267 = arith.subf %parallel_loop3A_264, %parallel_loop3A_266 : vector<16xf32>
      %parallel_loop3A_268 = arith.constant 0.000000e+00 : f32
      %parallel_loop3A_269 = vector.broadcast %parallel_loop3A_268 : f32 to vector<16xf32>
      %parallel_loop3A_270 = arith.maximumf %parallel_loop3A_267, %parallel_loop3A_269 : vector<16xf32>
      %parallel_loop3A_271 = arith.constant 1.270000e+02 : f32
      %parallel_loop3A_272 = vector.broadcast %parallel_loop3A_271 : f32 to vector<16xf32>
      %parallel_loop3A_273 = arith.minimumf %parallel_loop3A_270, %parallel_loop3A_272 : vector<16xf32>
      %parallel_loop3A_274 = arith.constant 1.280000e+02 : f32
      %parallel_loop3A_275 = vector.broadcast %parallel_loop3A_274 : f32 to vector<16xf32>
      %parallel_loop3A_276 = arith.mulf %parallel_loop3A_273, %parallel_loop3A_275 : vector<16xf32>
      %parallel_loop3A_277 = arith.constant 1.000000e+00 : f32
      %parallel_loop3A_278 = vector.broadcast %parallel_loop3A_277 : f32 to vector<16xf32>
      %parallel_loop3A_279 = arith.addf %parallel_loop3A_246, %parallel_loop3A_278 : vector<16xf32>
      %parallel_loop3A_280 = arith.constant 6.400000e+01 : f32
      %parallel_loop3A_281 = vector.broadcast %parallel_loop3A_280 : f32 to vector<16xf32>
      %parallel_loop3A_282 = arith.mulf %parallel_loop3A_279, %parallel_loop3A_281 : vector<16xf32>
      %parallel_loop3A_283 = arith.constant 5.000000e-01 : f32
      %parallel_loop3A_284 = vector.broadcast %parallel_loop3A_283 : f32 to vector<16xf32>
      %parallel_loop3A_285 = arith.subf %parallel_loop3A_282, %parallel_loop3A_284 : vector<16xf32>
      %parallel_loop3A_286 = arith.constant 0x4B400000 : f32
      %parallel_loop3A_287 = vector.broadcast %parallel_loop3A_286 : f32 to vector<16xf32>
      %parallel_loop3A_288 = arith.addf %parallel_loop3A_285, %parallel_loop3A_287 : vector<16xf32>
      %parallel_loop3A_289 = arith.constant 0x4B400000 : f32
      %parallel_loop3A_290 = vector.broadcast %parallel_loop3A_289 : f32 to vector<16xf32>
      %parallel_loop3A_291 = arith.subf %parallel_loop3A_288, %parallel_loop3A_290 : vector<16xf32>
      %parallel_loop3A_292 = arith.constant 0.000000e+00 : f32
      %parallel_loop3A_293 = vector.broadcast %parallel_loop3A_292 : f32 to vector<16xf32>
      %parallel_loop3A_294 = arith.maximumf %parallel_loop3A_291, %parallel_loop3A_293 : vector<16xf32>
      %parallel_loop3A_295 = arith.constant 1.270000e+02 : f32
      %parallel_loop3A_296 = vector.broadcast %parallel_loop3A_295 : f32 to vector<16xf32>
      %parallel_loop3A_297 = arith.minimumf %parallel_loop3A_294, %parallel_loop3A_296 : vector<16xf32>
      %parallel_loop3A_298 = arith.addf %parallel_loop3A_276, %parallel_loop3A_297 : vector<16xf32>
      %parallel_loop3A_299 = arith.constant 1.280000e+02 : f32
      %parallel_loop3A_300 = vector.broadcast %parallel_loop3A_299 : f32 to vector<16xf32>
      %parallel_loop3A_301 = arith.mulf %parallel_loop3A_298, %parallel_loop3A_300 : vector<16xf32>
      %parallel_loop3A_302 = arith.constant 1.000000e+00 : f32
      %parallel_loop3A_303 = vector.broadcast %parallel_loop3A_302 : f32 to vector<16xf32>
      %parallel_loop3A_304 = arith.addf %parallel_loop3A_240, %parallel_loop3A_303 : vector<16xf32>
      %parallel_loop3A_305 = arith.constant 6.400000e+01 : f32
      %parallel_loop3A_306 = vector.broadcast %parallel_loop3A_305 : f32 to vector<16xf32>
      %parallel_loop3A_307 = arith.mulf %parallel_loop3A_304, %parallel_loop3A_306 : vector<16xf32>
      %parallel_loop3A_308 = arith.constant 5.000000e-01 : f32
      %parallel_loop3A_309 = vector.broadcast %parallel_loop3A_308 : f32 to vector<16xf32>
      %parallel_loop3A_310 = arith.subf %parallel_loop3A_307, %parallel_loop3A_309 : vector<16xf32>
      %parallel_loop3A_311 = arith.constant 0x4B400000 : f32
      %parallel_loop3A_312 = vector.broadcast %parallel_loop3A_311 : f32 to vector<16xf32>
      %parallel_loop3A_313 = arith.addf %parallel_loop3A_310, %parallel_loop3A_312 : vector<16xf32>
      %parallel_loop3A_314 = arith.constant 0x4B400000 : f32
      %parallel_loop3A_315 = vector.broadcast %parallel_loop3A_314 : f32 to vector<16xf32>
      %parallel_loop3A_316 = arith.subf %parallel_loop3A_313, %parallel_loop3A_315 : vector<16xf32>
      %parallel_loop3A_317 = arith.constant 0.000000e+00 : f32
      %parallel_loop3A_318 = vector.broadcast %parallel_loop3A_317 : f32 to vector<16xf32>
      %parallel_loop3A_319 = arith.maximumf %parallel_loop3A_316, %parallel_loop3A_318 : vector<16xf32>
      %parallel_loop3A_320 = arith.constant 1.270000e+02 : f32
      %parallel_loop3A_321 = vector.broadcast %parallel_loop3A_320 : f32 to vector<16xf32>
      %parallel_loop3A_322 = arith.minimumf %parallel_loop3A_319, %parallel_loop3A_321 : vector<16xf32>
      %parallel_loop3A_323 = arith.addf %parallel_loop3A_301, %parallel_loop3A_322 : vector<16xf32>
      %parallel_loop3A_324 = arith.fptosi %parallel_loop3A_323 : vector<16xf32> to vector<16xi32>
      %parallel_loop3A_325 = arith.index_cast %parallel_loop3A_230 : i32 to index
      %parallel_loop3A_326 = tpu.vector_load %arg8[%parallel_loop3A_325] {strides = array<i32>} : memref<8192xi32, #tpu.memory_space<vmem>>, vector<16xi32>,
      %parallel_loop3A_327 = vector.shape_cast %parallel_loop3A_326 : vector<16xi32> to vector<16xi32>
      %parallel_loop3A_328 = vector.shape_cast %parallel_loop3A_324 : vector<16xi32> to vector<16xi32>
      tpu.vector_store %arg8[%parallel_loop3A_325], %parallel_loop3A_328 {strides = array<i32>} : memref<8192xi32, #tpu.memory_space<vmem>>, vector<16xi32>,
      %parallel_loop3A_329 = math.absf %parallel_loop3A_240 : vector<16xf32>
      %parallel_loop3A_330 = math.absf %parallel_loop3A_246 : vector<16xf32>
      %parallel_loop3A_331 = arith.maximumf %parallel_loop3A_329, %parallel_loop3A_330 : vector<16xf32>
      %parallel_loop3A_332 = math.absf %parallel_loop3A_252 : vector<16xf32>
      %parallel_loop3A_333 = arith.maximumf %parallel_loop3A_331, %parallel_loop3A_332 : vector<16xf32>
      %parallel_loop3A_334 = arith.constant 1.000000e+00 : f32
      %parallel_loop3A_335 = vector.broadcast %parallel_loop3A_334 : f32 to vector<16xf32>
      %parallel_loop3A_336 = arith.cmpf ole, %parallel_loop3A_333, %parallel_loop3A_335 : vector<16xf32>
      %parallel_loop3A_337 = arith.constant 0.000000e+00 : f32
      %parallel_loop3A_338 = vector.broadcast %parallel_loop3A_337 : f32 to vector<16xf32>
      %parallel_loop3A_339 = arith.constant -2.000000e+00 : f32
      %parallel_loop3A_340 = vector.broadcast %parallel_loop3A_339 : f32 to vector<16xf32>
      %parallel_loop3A_341 = arith.select %parallel_loop3A_336, %parallel_loop3A_338, %parallel_loop3A_340 : vector<16xi1>, vector<16xf32>
      %parallel_loop3A_342 = arith.index_cast %parallel_loop3A_230 : i32 to index
      %parallel_loop3A_343 = tpu.vector_load %arg10[%parallel_loop3A_342] {strides = array<i32>} : memref<8192xf32, #tpu.memory_space<vmem>>, vector<16xf32>,
      %parallel_loop3A_344 = vector.shape_cast %parallel_loop3A_343 : vector<16xf32> to vector<16xf32>
      %parallel_loop3A_345 = vector.shape_cast %parallel_loop3A_341 : vector<16xf32> to vector<16xf32>
      tpu.vector_store %arg10[%parallel_loop3A_342], %parallel_loop3A_345 {strides = array<i32>} : memref<8192xf32, #tpu.memory_space<vmem>>, vector<16xf32>,
    } {sc.loop_unroll_factor = 4 : i64, sc.parallel_access}
    %dma_wait3A_204 = tpu.memref_slice %arg4[%add3A_192] : memref<2097152xf32, #tpu.memory_space<hbm>> -> memref<8192xf32, #tpu.memory_space<hbm>>
    %dma_wait3A_205 = tpu.memref_slice %arg4[%add3A_192] : memref<2097152xf32, #tpu.memory_space<hbm>> -> memref<8192xf32, #tpu.memory_space<hbm>>
    tpu.wait_dma2 semaphore(%arg16 : memref<!tpu.dma_semaphore, #tpu.memory_space<semaphore_mem>>) src(%arg12 : memref<8192xf32, #tpu.memory_space<vmem>>) dst(%dma_wait3A_205 : memref<8192xf32, #tpu.memory_space<hbm>>)
    %dma_start3A_206 = arith.constant 0 : i32
    %dma_start3A_207 = tpu.memref_slice %arg3[%dma_start3A_206] : memref<2097152xf32, #tpu.memory_space<hbm>> -> memref<2097152xf32, #tpu.memory_space<hbm>>
    tpu.enqueue_indirect_dma source(%dma_start3A_207 : memref<2097152xf32, #tpu.memory_space<hbm>>) target(%arg12 : memref<8192xf32, #tpu.memory_space<vmem>>) offsets(%arg8 : memref<8192xi32, #tpu.memory_space<vmem>>) semaphore(%arg14 : memref<!tpu.dma_semaphore, #tpu.memory_space<semaphore_mem>>)
    %dma_wait3A_208 = arith.constant 0 : i32
    %dma_wait3A_209 = tpu.memref_slice %arg3[%dma_wait3A_208] : memref<2097152xf32, #tpu.memory_space<hbm>> -> memref<2097152xf32, #tpu.memory_space<hbm>>
    tpu.wait_indirect_dma semaphore(%arg13 : memref<!tpu.dma_semaphore, #tpu.memory_space<semaphore_mem>>) src(%dma_wait3A_209 : memref<2097152xf32, #tpu.memory_space<hbm>>) dst(%arg11 : memref<8192xf32, #tpu.memory_space<vmem>>)
    %parallel_loop3A_210 = arith.constant 0 : i32
    %parallel_loop3A_211 = arith.constant 8192 : i32
    %parallel_loop3A_212 = arith.constant 16 : i32
    scf.for %parallel_loop3A_230 = %parallel_loop3A_210 to %parallel_loop3A_211 step %parallel_loop3A_212  : i32 {
      %parallel_loop3A_231 = arith.index_cast %parallel_loop3A_230 : i32 to index
      %parallel_loop3A_232 = tpu.vector_load %arg11[%parallel_loop3A_231] {strides = array<i32>} : memref<8192xf32, #tpu.memory_space<vmem>>, vector<16xf32>,
      %parallel_loop3A_233 = vector.shape_cast %parallel_loop3A_232 : vector<16xf32> to vector<16xf32>
      %parallel_loop3A_234 = arith.index_cast %parallel_loop3A_230 : i32 to index
      %parallel_loop3A_235 = tpu.vector_load %arg9[%parallel_loop3A_234] {strides = array<i32>} : memref<8192xf32, #tpu.memory_space<vmem>>, vector<16xf32>,
      %parallel_loop3A_236 = vector.shape_cast %parallel_loop3A_235 : vector<16xf32> to vector<16xf32>
      %parallel_loop3A_237 = arith.addf %parallel_loop3A_233, %parallel_loop3A_236 : vector<16xf32>
      %parallel_loop3A_238 = arith.index_cast %parallel_loop3A_230 : i32 to index
      %parallel_loop3A_239 = tpu.vector_load %arg11[%parallel_loop3A_238] {strides = array<i32>} : memref<8192xf32, #tpu.memory_space<vmem>>, vector<16xf32>,
      %parallel_loop3A_240 = vector.shape_cast %parallel_loop3A_239 : vector<16xf32> to vector<16xf32>
      %parallel_loop3A_241 = vector.shape_cast %parallel_loop3A_237 : vector<16xf32> to vector<16xf32>
      tpu.vector_store %arg11[%parallel_loop3A_238], %parallel_loop3A_241 {strides = array<i32>} : memref<8192xf32, #tpu.memory_space<vmem>>, vector<16xf32>,
    } {sc.loop_unroll_factor = 4 : i64, sc.parallel_access}
    %add3A_213 = arith.constant 49152 : i32
    %add3A_214 = arith.addi %mul3A_2, %add3A_213 : i32
    %dma_start3A_215 = tpu.memref_slice %arg4[%add3A_214] : memref<2097152xf32, #tpu.memory_space<hbm>> -> memref<8192xf32, #tpu.memory_space<hbm>>
    %dma_start3A_216 = tpu.memref_slice %arg4[%add3A_214] : memref<2097152xf32, #tpu.memory_space<hbm>> -> memref<8192xf32, #tpu.memory_space<hbm>>
    tpu.enqueue_dma source(%arg11 : memref<8192xf32, #tpu.memory_space<vmem>>) target(%dma_start3A_216 : memref<8192xf32, #tpu.memory_space<hbm>>) target_semaphore(%arg15 : memref<!tpu.dma_semaphore, #tpu.memory_space<semaphore_mem>>)
    %dma_wait3A_217 = arith.constant 0 : i32
    %dma_wait3A_218 = tpu.memref_slice %arg3[%dma_wait3A_217] : memref<2097152xf32, #tpu.memory_space<hbm>> -> memref<2097152xf32, #tpu.memory_space<hbm>>
    tpu.wait_indirect_dma semaphore(%arg14 : memref<!tpu.dma_semaphore, #tpu.memory_space<semaphore_mem>>) src(%dma_wait3A_218 : memref<2097152xf32, #tpu.memory_space<hbm>>) dst(%arg12 : memref<8192xf32, #tpu.memory_space<vmem>>)
    %parallel_loop3A_219 = arith.constant 0 : i32
    %parallel_loop3A_220 = arith.constant 8192 : i32
    %parallel_loop3A_221 = arith.constant 16 : i32
    scf.for %parallel_loop3A_230 = %parallel_loop3A_219 to %parallel_loop3A_220 step %parallel_loop3A_221  : i32 {
      %parallel_loop3A_231 = arith.index_cast %parallel_loop3A_230 : i32 to index
      %parallel_loop3A_232 = tpu.vector_load %arg12[%parallel_loop3A_231] {strides = array<i32>} : memref<8192xf32, #tpu.memory_space<vmem>>, vector<16xf32>,
      %parallel_loop3A_233 = vector.shape_cast %parallel_loop3A_232 : vector<16xf32> to vector<16xf32>
      %parallel_loop3A_234 = arith.index_cast %parallel_loop3A_230 : i32 to index
      %parallel_loop3A_235 = tpu.vector_load %arg10[%parallel_loop3A_234] {strides = array<i32>} : memref<8192xf32, #tpu.memory_space<vmem>>, vector<16xf32>,
      %parallel_loop3A_236 = vector.shape_cast %parallel_loop3A_235 : vector<16xf32> to vector<16xf32>
      %parallel_loop3A_237 = arith.addf %parallel_loop3A_233, %parallel_loop3A_236 : vector<16xf32>
      %parallel_loop3A_238 = arith.index_cast %parallel_loop3A_230 : i32 to index
      %parallel_loop3A_239 = tpu.vector_load %arg12[%parallel_loop3A_238] {strides = array<i32>} : memref<8192xf32, #tpu.memory_space<vmem>>, vector<16xf32>,
      %parallel_loop3A_240 = vector.shape_cast %parallel_loop3A_239 : vector<16xf32> to vector<16xf32>
      %parallel_loop3A_241 = vector.shape_cast %parallel_loop3A_237 : vector<16xf32> to vector<16xf32>
      tpu.vector_store %arg12[%parallel_loop3A_238], %parallel_loop3A_241 {strides = array<i32>} : memref<8192xf32, #tpu.memory_space<vmem>>, vector<16xf32>,
    } {sc.loop_unroll_factor = 4 : i64, sc.parallel_access}
    %dma_wait3A_222 = tpu.memref_slice %arg4[%add3A_214] : memref<2097152xf32, #tpu.memory_space<hbm>> -> memref<8192xf32, #tpu.memory_space<hbm>>
    %dma_wait3A_223 = tpu.memref_slice %arg4[%add3A_214] : memref<2097152xf32, #tpu.memory_space<hbm>> -> memref<8192xf32, #tpu.memory_space<hbm>>
    tpu.wait_dma2 semaphore(%arg15 : memref<!tpu.dma_semaphore, #tpu.memory_space<semaphore_mem>>) src(%arg11 : memref<8192xf32, #tpu.memory_space<vmem>>) dst(%dma_wait3A_223 : memref<8192xf32, #tpu.memory_space<hbm>>)
    %add3A_224 = arith.constant 57344 : i32
    %add3A_225 = arith.addi %mul3A_2, %add3A_224 : i32
    %dma_start3A_226 = tpu.memref_slice %arg4[%add3A_225] : memref<2097152xf32, #tpu.memory_space<hbm>> -> memref<8192xf32, #tpu.memory_space<hbm>>
    %dma_start3A_227 = tpu.memref_slice %arg4[%add3A_225] : memref<2097152xf32, #tpu.memory_space<hbm>> -> memref<8192xf32, #tpu.memory_space<hbm>>
    tpu.enqueue_dma source(%arg12 : memref<8192xf32, #tpu.memory_space<vmem>>) target(%dma_start3A_227 : memref<8192xf32, #tpu.memory_space<hbm>>) target_semaphore(%arg16 : memref<!tpu.dma_semaphore, #tpu.memory_space<semaphore_mem>>)
    %dma_wait3A_228 = tpu.memref_slice %arg4[%add3A_225] : memref<2097152xf32, #tpu.memory_space<hbm>> -> memref<8192xf32, #tpu.memory_space<hbm>>
    %dma_wait3A_229 = tpu.memref_slice %arg4[%add3A_225] : memref<2097152xf32, #tpu.memory_space<hbm>> -> memref<8192xf32, #tpu.memory_space<hbm>>
    tpu.wait_dma2 semaphore(%arg16 : memref<!tpu.dma_semaphore, #tpu.memory_space<semaphore_mem>>) src(%arg12 : memref<8192xf32, #tpu.memory_space<vmem>>) dst(%dma_wait3A_229 : memref<8192xf32, #tpu.memory_space<hbm>>)
    return
  }
}

module attributes {stable_mosaic.version = 14 : i64} {
  func.func @_tcb_body(%arg0: i32, %arg1: memref<512x128xf32, #tpu.memory_space<vmem>>) attributes {dimension_semantics = [#tpu.dimension_semantics<arbitrary>], iteration_bounds = array<i64: 32>, scalar_prefetch = 0 : i64, scratch_operands = 0 : i64, tpu.core_type = #tpu.core_type<tc>, window_params = [{transform_indices = @transform_0, window_bounds = array<i64: 512, 128>}]} {
    %iota3A = tpu.iota {dimensions = array<i32: 0>} : vector<512x128xi32>
    %iota3A_0 = tpu.iota {dimensions = array<i32: 1>} : vector<512x128xi32>
    %mul3A = arith.constant 512 : i32
    %mul3A_1 = arith.muli %mul3A, %arg0 : i32
    %add3A = vector.broadcast %mul3A_1 : i32 to vector<512x128xi32>
    %add3A_2 = arith.addi %add3A, %iota3A : vector<512x128xi32>
    %mul3A_3 = arith.constant 128 : i32
    %mul3A_4 = vector.broadcast %mul3A_3 : i32 to vector<512x128xi32>
    %mul3A_5 = arith.muli %add3A_2, %mul3A_4 : vector<512x128xi32>
    %add3A_6 = arith.addi %mul3A_5, %iota3A_0 : vector<512x128xi32>
    %broadcast_in_dim3A = arith.constant 0 : i32
    %broadcast_in_dim3A_7 = vector.broadcast %broadcast_in_dim3A : i32 to vector<512x128xi32>
    %add3A_8 = arith.constant 0 : i32
    %add3A_9 = vector.broadcast %add3A_8 : i32 to vector<512x128xi32>
    %add3A_10 = arith.addi %broadcast_in_dim3A_7, %add3A_9 : vector<512x128xi32>
    %add3A_11 = arith.constant 42 : i32
    %add3A_12 = vector.broadcast %add3A_11 : i32 to vector<512x128xi32>
    %add3A_13 = arith.addi %add3A_6, %add3A_12 : vector<512x128xi32>
    %add3A_14 = arith.addi %add3A_10, %add3A_13 : vector<512x128xi32>
    %shift_left3A = arith.constant 13 : i32
    %shift_left3A_15 = vector.broadcast %shift_left3A : i32 to vector<512x128xi32>
    %shift_left3A_16 = arith.shli %add3A_13, %shift_left3A_15 : vector<512x128xi32>
    %shift_right_logical3A = arith.constant 19 : i32
    %shift_right_logical3A_17 = vector.broadcast %shift_right_logical3A : i32 to vector<512x128xi32>
    %shift_right_logical3A_18 = arith.shrui %add3A_13, %shift_right_logical3A_17 : vector<512x128xi32>
    %or3A = arith.ori %shift_left3A_16, %shift_right_logical3A_18 : vector<512x128xi32>
    %xor3A = arith.xori %add3A_14, %or3A : vector<512x128xi32>
    %add3A_19 = arith.addi %add3A_14, %xor3A : vector<512x128xi32>
    %shift_left3A_20 = arith.constant 15 : i32
    %shift_left3A_21 = vector.broadcast %shift_left3A_20 : i32 to vector<512x128xi32>
    %shift_left3A_22 = arith.shli %xor3A, %shift_left3A_21 : vector<512x128xi32>
    %shift_right_logical3A_23 = arith.constant 17 : i32
    %shift_right_logical3A_24 = vector.broadcast %shift_right_logical3A_23 : i32 to vector<512x128xi32>
    %shift_right_logical3A_25 = arith.shrui %xor3A, %shift_right_logical3A_24 : vector<512x128xi32>
    %or3A_26 = arith.ori %shift_left3A_22, %shift_right_logical3A_25 : vector<512x128xi32>
    %xor3A_27 = arith.xori %add3A_19, %or3A_26 : vector<512x128xi32>
    %add3A_28 = arith.addi %add3A_19, %xor3A_27 : vector<512x128xi32>
    %shift_left3A_29 = arith.constant 26 : i32
    %shift_left3A_30 = vector.broadcast %shift_left3A_29 : i32 to vector<512x128xi32>
    %shift_left3A_31 = arith.shli %xor3A_27, %shift_left3A_30 : vector<512x128xi32>
    %shift_right_logical3A_32 = arith.constant 6 : i32
    %shift_right_logical3A_33 = vector.broadcast %shift_right_logical3A_32 : i32 to vector<512x128xi32>
    %shift_right_logical3A_34 = arith.shrui %xor3A_27, %shift_right_logical3A_33 : vector<512x128xi32>
    %or3A_35 = arith.ori %shift_left3A_31, %shift_right_logical3A_34 : vector<512x128xi32>
    %xor3A_36 = arith.xori %add3A_28, %or3A_35 : vector<512x128xi32>
    %add3A_37 = arith.addi %add3A_28, %xor3A_36 : vector<512x128xi32>
    %shift_left3A_38 = arith.constant 6 : i32
    %shift_left3A_39 = vector.broadcast %shift_left3A_38 : i32 to vector<512x128xi32>
    %shift_left3A_40 = arith.shli %xor3A_36, %shift_left3A_39 : vector<512x128xi32>
    %shift_right_logical3A_41 = arith.constant 26 : i32
    %shift_right_logical3A_42 = vector.broadcast %shift_right_logical3A_41 : i32 to vector<512x128xi32>
    %shift_right_logical3A_43 = arith.shrui %xor3A_36, %shift_right_logical3A_42 : vector<512x128xi32>
    %or3A_44 = arith.ori %shift_left3A_40, %shift_right_logical3A_43 : vector<512x128xi32>
    %xor3A_45 = arith.xori %add3A_37, %or3A_44 : vector<512x128xi32>
    %add3A_46 = arith.constant 42 : i32
    %add3A_47 = vector.broadcast %add3A_46 : i32 to vector<512x128xi32>
    %add3A_48 = arith.addi %add3A_37, %add3A_47 : vector<512x128xi32>
    %add3A_49 = arith.constant 466689008 : i32
    %add3A_50 = vector.broadcast %add3A_49 : i32 to vector<512x128xi32>
    %add3A_51 = arith.addi %xor3A_45, %add3A_50 : vector<512x128xi32>
    %add3A_52 = arith.constant 1 : i32
    %add3A_53 = vector.broadcast %add3A_52 : i32 to vector<512x128xi32>
    %add3A_54 = arith.addi %add3A_51, %add3A_53 : vector<512x128xi32>
    %add3A_55 = arith.addi %add3A_48, %add3A_54 : vector<512x128xi32>
    %shift_left3A_56 = arith.constant 17 : i32
    %shift_left3A_57 = vector.broadcast %shift_left3A_56 : i32 to vector<512x128xi32>
    %shift_left3A_58 = arith.shli %add3A_54, %shift_left3A_57 : vector<512x128xi32>
    %shift_right_logical3A_59 = arith.constant 15 : i32
    %shift_right_logical3A_60 = vector.broadcast %shift_right_logical3A_59 : i32 to vector<512x128xi32>
    %shift_right_logical3A_61 = arith.shrui %add3A_54, %shift_right_logical3A_60 : vector<512x128xi32>
    %or3A_62 = arith.ori %shift_left3A_58, %shift_right_logical3A_61 : vector<512x128xi32>
    %xor3A_63 = arith.xori %add3A_55, %or3A_62 : vector<512x128xi32>
    %add3A_64 = arith.addi %add3A_55, %xor3A_63 : vector<512x128xi32>
    %shift_left3A_65 = arith.constant 29 : i32
    %shift_left3A_66 = vector.broadcast %shift_left3A_65 : i32 to vector<512x128xi32>
    %shift_left3A_67 = arith.shli %xor3A_63, %shift_left3A_66 : vector<512x128xi32>
    %shift_right_logical3A_68 = arith.constant 3 : i32
    %shift_right_logical3A_69 = vector.broadcast %shift_right_logical3A_68 : i32 to vector<512x128xi32>
    %shift_right_logical3A_70 = arith.shrui %xor3A_63, %shift_right_logical3A_69 : vector<512x128xi32>
    %or3A_71 = arith.ori %shift_left3A_67, %shift_right_logical3A_70 : vector<512x128xi32>
    %xor3A_72 = arith.xori %add3A_64, %or3A_71 : vector<512x128xi32>
    %add3A_73 = arith.addi %add3A_64, %xor3A_72 : vector<512x128xi32>
    %shift_left3A_74 = arith.constant 16 : i32
    %shift_left3A_75 = vector.broadcast %shift_left3A_74 : i32 to vector<512x128xi32>
    %shift_left3A_76 = arith.shli %xor3A_72, %shift_left3A_75 : vector<512x128xi32>
    %shift_right_logical3A_77 = arith.constant 16 : i32
    %shift_right_logical3A_78 = vector.broadcast %shift_right_logical3A_77 : i32 to vector<512x128xi32>
    %shift_right_logical3A_79 = arith.shrui %xor3A_72, %shift_right_logical3A_78 : vector<512x128xi32>
    %or3A_80 = arith.ori %shift_left3A_76, %shift_right_logical3A_79 : vector<512x128xi32>
    %xor3A_81 = arith.xori %add3A_73, %or3A_80 : vector<512x128xi32>
    %add3A_82 = arith.addi %add3A_73, %xor3A_81 : vector<512x128xi32>
    %shift_left3A_83 = arith.constant 24 : i32
    %shift_left3A_84 = vector.broadcast %shift_left3A_83 : i32 to vector<512x128xi32>
    %shift_left3A_85 = arith.shli %xor3A_81, %shift_left3A_84 : vector<512x128xi32>
    %shift_right_logical3A_86 = arith.constant 8 : i32
    %shift_right_logical3A_87 = vector.broadcast %shift_right_logical3A_86 : i32 to vector<512x128xi32>
    %shift_right_logical3A_88 = arith.shrui %xor3A_81, %shift_right_logical3A_87 : vector<512x128xi32>
    %or3A_89 = arith.ori %shift_left3A_85, %shift_right_logical3A_88 : vector<512x128xi32>
    %xor3A_90 = arith.xori %add3A_82, %or3A_89 : vector<512x128xi32>
    %add3A_91 = arith.constant 466689008 : i32
    %add3A_92 = vector.broadcast %add3A_91 : i32 to vector<512x128xi32>
    %add3A_93 = arith.addi %add3A_82, %add3A_92 : vector<512x128xi32>
    %add3A_94 = arith.constant 0 : i32
    %add3A_95 = vector.broadcast %add3A_94 : i32 to vector<512x128xi32>
    %add3A_96 = arith.addi %xor3A_90, %add3A_95 : vector<512x128xi32>
    %add3A_97 = arith.constant 2 : i32
    %add3A_98 = vector.broadcast %add3A_97 : i32 to vector<512x128xi32>
    %add3A_99 = arith.addi %add3A_96, %add3A_98 : vector<512x128xi32>
    %add3A_100 = arith.addi %add3A_93, %add3A_99 : vector<512x128xi32>
    %shift_left3A_101 = arith.constant 13 : i32
    %shift_left3A_102 = vector.broadcast %shift_left3A_101 : i32 to vector<512x128xi32>
    %shift_left3A_103 = arith.shli %add3A_99, %shift_left3A_102 : vector<512x128xi32>
    %shift_right_logical3A_104 = arith.constant 19 : i32
    %shift_right_logical3A_105 = vector.broadcast %shift_right_logical3A_104 : i32 to vector<512x128xi32>
    %shift_right_logical3A_106 = arith.shrui %add3A_99, %shift_right_logical3A_105 : vector<512x128xi32>
    %or3A_107 = arith.ori %shift_left3A_103, %shift_right_logical3A_106 : vector<512x128xi32>
    %xor3A_108 = arith.xori %add3A_100, %or3A_107 : vector<512x128xi32>
    %add3A_109 = arith.addi %add3A_100, %xor3A_108 : vector<512x128xi32>
    %shift_left3A_110 = arith.constant 15 : i32
    %shift_left3A_111 = vector.broadcast %shift_left3A_110 : i32 to vector<512x128xi32>
    %shift_left3A_112 = arith.shli %xor3A_108, %shift_left3A_111 : vector<512x128xi32>
    %shift_right_logical3A_113 = arith.constant 17 : i32
    %shift_right_logical3A_114 = vector.broadcast %shift_right_logical3A_113 : i32 to vector<512x128xi32>
    %shift_right_logical3A_115 = arith.shrui %xor3A_108, %shift_right_logical3A_114 : vector<512x128xi32>
    %or3A_116 = arith.ori %shift_left3A_112, %shift_right_logical3A_115 : vector<512x128xi32>
    %xor3A_117 = arith.xori %add3A_109, %or3A_116 : vector<512x128xi32>
    %add3A_118 = arith.addi %add3A_109, %xor3A_117 : vector<512x128xi32>
    %shift_left3A_119 = arith.constant 26 : i32
    %shift_left3A_120 = vector.broadcast %shift_left3A_119 : i32 to vector<512x128xi32>
    %shift_left3A_121 = arith.shli %xor3A_117, %shift_left3A_120 : vector<512x128xi32>
    %shift_right_logical3A_122 = arith.constant 6 : i32
    %shift_right_logical3A_123 = vector.broadcast %shift_right_logical3A_122 : i32 to vector<512x128xi32>
    %shift_right_logical3A_124 = arith.shrui %xor3A_117, %shift_right_logical3A_123 : vector<512x128xi32>
    %or3A_125 = arith.ori %shift_left3A_121, %shift_right_logical3A_124 : vector<512x128xi32>
    %xor3A_126 = arith.xori %add3A_118, %or3A_125 : vector<512x128xi32>
    %add3A_127 = arith.addi %add3A_118, %xor3A_126 : vector<512x128xi32>
    %shift_left3A_128 = arith.constant 6 : i32
    %shift_left3A_129 = vector.broadcast %shift_left3A_128 : i32 to vector<512x128xi32>
    %shift_left3A_130 = arith.shli %xor3A_126, %shift_left3A_129 : vector<512x128xi32>
    %shift_right_logical3A_131 = arith.constant 26 : i32
    %shift_right_logical3A_132 = vector.broadcast %shift_right_logical3A_131 : i32 to vector<512x128xi32>
    %shift_right_logical3A_133 = arith.shrui %xor3A_126, %shift_right_logical3A_132 : vector<512x128xi32>
    %or3A_134 = arith.ori %shift_left3A_130, %shift_right_logical3A_133 : vector<512x128xi32>
    %xor3A_135 = arith.xori %add3A_127, %or3A_134 : vector<512x128xi32>
    %add3A_136 = arith.constant 0 : i32
    %add3A_137 = vector.broadcast %add3A_136 : i32 to vector<512x128xi32>
    %add3A_138 = arith.addi %add3A_127, %add3A_137 : vector<512x128xi32>
    %add3A_139 = arith.constant 42 : i32
    %add3A_140 = vector.broadcast %add3A_139 : i32 to vector<512x128xi32>
    %add3A_141 = arith.addi %xor3A_135, %add3A_140 : vector<512x128xi32>
    %add3A_142 = arith.constant 3 : i32
    %add3A_143 = vector.broadcast %add3A_142 : i32 to vector<512x128xi32>
    %add3A_144 = arith.addi %add3A_141, %add3A_143 : vector<512x128xi32>
    %add3A_145 = arith.addi %add3A_138, %add3A_144 : vector<512x128xi32>
    %shift_left3A_146 = arith.constant 17 : i32
    %shift_left3A_147 = vector.broadcast %shift_left3A_146 : i32 to vector<512x128xi32>
    %shift_left3A_148 = arith.shli %add3A_144, %shift_left3A_147 : vector<512x128xi32>
    %shift_right_logical3A_149 = arith.constant 15 : i32
    %shift_right_logical3A_150 = vector.broadcast %shift_right_logical3A_149 : i32 to vector<512x128xi32>
    %shift_right_logical3A_151 = arith.shrui %add3A_144, %shift_right_logical3A_150 : vector<512x128xi32>
    %or3A_152 = arith.ori %shift_left3A_148, %shift_right_logical3A_151 : vector<512x128xi32>
    %xor3A_153 = arith.xori %add3A_145, %or3A_152 : vector<512x128xi32>
    %add3A_154 = arith.addi %add3A_145, %xor3A_153 : vector<512x128xi32>
    %shift_left3A_155 = arith.constant 29 : i32
    %shift_left3A_156 = vector.broadcast %shift_left3A_155 : i32 to vector<512x128xi32>
    %shift_left3A_157 = arith.shli %xor3A_153, %shift_left3A_156 : vector<512x128xi32>
    %shift_right_logical3A_158 = arith.constant 3 : i32
    %shift_right_logical3A_159 = vector.broadcast %shift_right_logical3A_158 : i32 to vector<512x128xi32>
    %shift_right_logical3A_160 = arith.shrui %xor3A_153, %shift_right_logical3A_159 : vector<512x128xi32>
    %or3A_161 = arith.ori %shift_left3A_157, %shift_right_logical3A_160 : vector<512x128xi32>
    %xor3A_162 = arith.xori %add3A_154, %or3A_161 : vector<512x128xi32>
    %add3A_163 = arith.addi %add3A_154, %xor3A_162 : vector<512x128xi32>
    %shift_left3A_164 = arith.constant 16 : i32
    %shift_left3A_165 = vector.broadcast %shift_left3A_164 : i32 to vector<512x128xi32>
    %shift_left3A_166 = arith.shli %xor3A_162, %shift_left3A_165 : vector<512x128xi32>
    %shift_right_logical3A_167 = arith.constant 16 : i32
    %shift_right_logical3A_168 = vector.broadcast %shift_right_logical3A_167 : i32 to vector<512x128xi32>
    %shift_right_logical3A_169 = arith.shrui %xor3A_162, %shift_right_logical3A_168 : vector<512x128xi32>
    %or3A_170 = arith.ori %shift_left3A_166, %shift_right_logical3A_169 : vector<512x128xi32>
    %xor3A_171 = arith.xori %add3A_163, %or3A_170 : vector<512x128xi32>
    %add3A_172 = arith.addi %add3A_163, %xor3A_171 : vector<512x128xi32>
    %shift_left3A_173 = arith.constant 24 : i32
    %shift_left3A_174 = vector.broadcast %shift_left3A_173 : i32 to vector<512x128xi32>
    %shift_left3A_175 = arith.shli %xor3A_171, %shift_left3A_174 : vector<512x128xi32>
    %shift_right_logical3A_176 = arith.constant 8 : i32
    %shift_right_logical3A_177 = vector.broadcast %shift_right_logical3A_176 : i32 to vector<512x128xi32>
    %shift_right_logical3A_178 = arith.shrui %xor3A_171, %shift_right_logical3A_177 : vector<512x128xi32>
    %or3A_179 = arith.ori %shift_left3A_175, %shift_right_logical3A_178 : vector<512x128xi32>
    %xor3A_180 = arith.xori %add3A_172, %or3A_179 : vector<512x128xi32>
    %add3A_181 = arith.constant 42 : i32
    %add3A_182 = vector.broadcast %add3A_181 : i32 to vector<512x128xi32>
    %add3A_183 = arith.addi %add3A_172, %add3A_182 : vector<512x128xi32>
    %add3A_184 = arith.constant 466689008 : i32
    %add3A_185 = vector.broadcast %add3A_184 : i32 to vector<512x128xi32>
    %add3A_186 = arith.addi %xor3A_180, %add3A_185 : vector<512x128xi32>
    %add3A_187 = arith.constant 4 : i32
    %add3A_188 = vector.broadcast %add3A_187 : i32 to vector<512x128xi32>
    %add3A_189 = arith.addi %add3A_186, %add3A_188 : vector<512x128xi32>
    %add3A_190 = arith.addi %add3A_183, %add3A_189 : vector<512x128xi32>
    %shift_left3A_191 = arith.constant 13 : i32
    %shift_left3A_192 = vector.broadcast %shift_left3A_191 : i32 to vector<512x128xi32>
    %shift_left3A_193 = arith.shli %add3A_189, %shift_left3A_192 : vector<512x128xi32>
    %shift_right_logical3A_194 = arith.constant 19 : i32
    %shift_right_logical3A_195 = vector.broadcast %shift_right_logical3A_194 : i32 to vector<512x128xi32>
    %shift_right_logical3A_196 = arith.shrui %add3A_189, %shift_right_logical3A_195 : vector<512x128xi32>
    %or3A_197 = arith.ori %shift_left3A_193, %shift_right_logical3A_196 : vector<512x128xi32>
    %xor3A_198 = arith.xori %add3A_190, %or3A_197 : vector<512x128xi32>
    %add3A_199 = arith.addi %add3A_190, %xor3A_198 : vector<512x128xi32>
    %shift_left3A_200 = arith.constant 15 : i32
    %shift_left3A_201 = vector.broadcast %shift_left3A_200 : i32 to vector<512x128xi32>
    %shift_left3A_202 = arith.shli %xor3A_198, %shift_left3A_201 : vector<512x128xi32>
    %shift_right_logical3A_203 = arith.constant 17 : i32
    %shift_right_logical3A_204 = vector.broadcast %shift_right_logical3A_203 : i32 to vector<512x128xi32>
    %shift_right_logical3A_205 = arith.shrui %xor3A_198, %shift_right_logical3A_204 : vector<512x128xi32>
    %or3A_206 = arith.ori %shift_left3A_202, %shift_right_logical3A_205 : vector<512x128xi32>
    %xor3A_207 = arith.xori %add3A_199, %or3A_206 : vector<512x128xi32>
    %add3A_208 = arith.addi %add3A_199, %xor3A_207 : vector<512x128xi32>
    %shift_left3A_209 = arith.constant 26 : i32
    %shift_left3A_210 = vector.broadcast %shift_left3A_209 : i32 to vector<512x128xi32>
    %shift_left3A_211 = arith.shli %xor3A_207, %shift_left3A_210 : vector<512x128xi32>
    %shift_right_logical3A_212 = arith.constant 6 : i32
    %shift_right_logical3A_213 = vector.broadcast %shift_right_logical3A_212 : i32 to vector<512x128xi32>
    %shift_right_logical3A_214 = arith.shrui %xor3A_207, %shift_right_logical3A_213 : vector<512x128xi32>
    %or3A_215 = arith.ori %shift_left3A_211, %shift_right_logical3A_214 : vector<512x128xi32>
    %xor3A_216 = arith.xori %add3A_208, %or3A_215 : vector<512x128xi32>
    %add3A_217 = arith.addi %add3A_208, %xor3A_216 : vector<512x128xi32>
    %shift_left3A_218 = arith.constant 6 : i32
    %shift_left3A_219 = vector.broadcast %shift_left3A_218 : i32 to vector<512x128xi32>
    %shift_left3A_220 = arith.shli %xor3A_216, %shift_left3A_219 : vector<512x128xi32>
    %shift_right_logical3A_221 = arith.constant 26 : i32
    %shift_right_logical3A_222 = vector.broadcast %shift_right_logical3A_221 : i32 to vector<512x128xi32>
    %shift_right_logical3A_223 = arith.shrui %xor3A_216, %shift_right_logical3A_222 : vector<512x128xi32>
    %or3A_224 = arith.ori %shift_left3A_220, %shift_right_logical3A_223 : vector<512x128xi32>
    %xor3A_225 = arith.xori %add3A_217, %or3A_224 : vector<512x128xi32>
    %add3A_226 = arith.constant 466689008 : i32
    %add3A_227 = vector.broadcast %add3A_226 : i32 to vector<512x128xi32>
    %add3A_228 = arith.addi %add3A_217, %add3A_227 : vector<512x128xi32>
    %add3A_229 = arith.constant 0 : i32
    %add3A_230 = vector.broadcast %add3A_229 : i32 to vector<512x128xi32>
    %add3A_231 = arith.addi %xor3A_225, %add3A_230 : vector<512x128xi32>
    %add3A_232 = arith.constant 5 : i32
    %add3A_233 = vector.broadcast %add3A_232 : i32 to vector<512x128xi32>
    %add3A_234 = arith.addi %add3A_231, %add3A_233 : vector<512x128xi32>
    %xor3A_235 = arith.xori %add3A_228, %add3A_234 : vector<512x128xi32>
    %shift_right_logical3A_236 = arith.constant 9 : i32
    %shift_right_logical3A_237 = vector.broadcast %shift_right_logical3A_236 : i32 to vector<512x128xi32>
    %shift_right_logical3A_238 = arith.shrui %xor3A_235, %shift_right_logical3A_237 : vector<512x128xi32>
    %or3A_239 = arith.constant 1065353216 : i32
    %or3A_240 = vector.broadcast %or3A_239 : i32 to vector<512x128xi32>
    %or3A_241 = arith.ori %shift_right_logical3A_238, %or3A_240 : vector<512x128xi32>
    %bitcast_convert_type3A = tpu.bitcast %or3A_241 : vector<512x128xi32> -> vector<512x128xf32>
    %sub3A = arith.constant 1.000000e+00 : f32
    %sub3A_242 = vector.broadcast %sub3A : f32 to vector<512x128xf32>
    %sub3A_243 = arith.subf %bitcast_convert_type3A, %sub3A_242 : vector<512x128xf32>
    %neg3A = arith.constant 0.000000e+00 : f32
    %neg3A_244 = vector.broadcast %neg3A : f32 to vector<512x128xf32>
    %neg3A_245 = arith.subf %neg3A_244, %sub3A_243 : vector<512x128xf32>
    %log1p3A = math.log1p %neg3A_245 : vector<512x128xf32>
    %neg3A_246 = arith.constant 0.000000e+00 : f32
    %neg3A_247 = vector.broadcast %neg3A_246 : f32 to vector<512x128xf32>
    %neg3A_248 = arith.subf %neg3A_247, %log1p3A : vector<512x128xf32>
    %sub3A_249 = arith.constant 9.99999974E-5 : f32
    %sub3A_250 = vector.broadcast %sub3A_249 : f32 to vector<512x128xf32>
    %sub3A_251 = arith.subf %neg3A_248, %sub3A_250 : vector<512x128xf32>
    %min3A = arith.constant 0.00999999977 : f32
    %min3A_252 = vector.broadcast %min3A : f32 to vector<512x128xf32>
    %min3A_253 = arith.minimumf %min3A_252, %sub3A_251 : vector<512x128xf32>
    %swap3A = arith.constant 0 : index
    %swap3A_254 = arith.constant 0 : index
    %swap3A_255 = vector.load %arg1[%swap3A, %swap3A_254] : memref<512x128xf32, #tpu.memory_space<vmem>>, vector<512x128xf32>
    tpu.vector_store %arg1[%swap3A, %swap3A_254], %min3A_253 {strides = array<i32>} : memref<512x128xf32, #tpu.memory_space<vmem>>, vector<512x128xf32>,
    return
  }
  func.func @transform_0(%arg0: i32) -> (i32, i32) {
    %c0_i32 = arith.constant 0 : i32
    %c0_i32_0 = arith.constant 0 : i32
    return %arg0, %c0_i32 : i32, i32
  }
}

module attributes {stable_mosaic.version = 14 : i64} {
  func.func @_tcc_body(%arg0: i32, %arg1: memref<512x128xf32, #tpu.memory_space<vmem>>, %arg2: memref<512x128xf32, #tpu.memory_space<vmem>>, %arg3: memref<512x128xi8, #tpu.memory_space<vmem>>) attributes {dimension_semantics = [#tpu.dimension_semantics<arbitrary>], iteration_bounds = array<i64: 32>, scalar_prefetch = 0 : i64, scratch_operands = 0 : i64, tpu.core_type = #tpu.core_type<tc>, window_params = [{transform_indices = @transform_0, window_bounds = array<i64: 512, 128>}, {transform_indices = @transform_1, window_bounds = array<i64: 512, 128>}, {transform_indices = @transform_2, window_bounds = array<i64: 512, 128>}]} {
    %get3A = arith.constant 0 : index
    %get3A_0 = arith.constant 0 : index
    %get3A_1 = vector.load %arg1[%get3A, %get3A_0] : memref<512x128xf32, #tpu.memory_space<vmem>>, vector<512x128xf32>
    %get3A_2 = arith.constant 0 : index
    %get3A_3 = arith.constant 0 : index
    %get3A_4 = vector.load %arg2[%get3A_2, %get3A_3] : memref<512x128xf32, #tpu.memory_space<vmem>>, vector<512x128xf32>
    %gt3A = arith.cmpf ogt, %get3A_1, %get3A_4 : vector<512x128xf32>
    %convert_element_type3A = arith.extui %gt3A : vector<512x128xi1> to vector<512x128xi8>
    %swap3A = arith.constant 0 : index
    %swap3A_5 = arith.constant 0 : index
    %swap3A_6 = vector.load %arg3[%swap3A, %swap3A_5] : memref<512x128xi8, #tpu.memory_space<vmem>>, vector<512x128xi8>
    tpu.vector_store %arg3[%swap3A, %swap3A_5], %convert_element_type3A {strides = array<i32>} : memref<512x128xi8, #tpu.memory_space<vmem>>, vector<512x128xi8>,
    return
  }
  func.func @transform_0(%arg0: i32) -> (i32, i32) {
    %c0_i32 = arith.constant 0 : i32
    %c0_i32_0 = arith.constant 0 : i32
    return %arg0, %c0_i32 : i32, i32
  }
  func.func @transform_1(%arg0: i32) -> (i32, i32) {
    %c0_i32 = arith.constant 0 : i32
    %c0_i32_0 = arith.constant 0 : i32
    return %arg0, %c0_i32 : i32, i32
  }
  func.func @transform_2(%arg0: i32) -> (i32, i32) {
    %c0_i32 = arith.constant 0 : i32
    %c0_i32_0 = arith.constant 0 : i32
    return %arg0, %c0_i32 : i32, i32
  }
}

</mosaic_0001>

<sc_bundles>
// kernel: kernel.5.cloned.1.call-start
scs
__scs_entry_jumppad:
0x0: {  	(pc) =	sbr.rel $0x88, $3  }
0x1: {  	(tag) =	ssettag $0x0;
	lr =	simm.s32 $0x1  }
0x2: {  	[smem:$0x3F9F] =	sst lr;
	_ =	strace $0xD0000000  }
0x3: {  	_ = 	snop  }
0x4: {  	_ = 	snop  }
0x5: {  	_ = 	snop  }
0x6: {  	_ = 	snop  }
0x7: {  	_ = 	snop  }
__scs_overlays_trampoline_lowered:
0x8: {  	[smem:$0x3FAE] =	sst s0  }
0x9: {  	[smem:$0x3FAF] =	sst s1  }
0xa: {  	[smem:$0x3FB0] =	sst s2  }
0xb: {  	[smem:$0x3FB1] =	sst s3  }
0xc: {  	[smem:$0x3FB2] =	sst s4  }
0xd: {  	[smem:$0x3FB3] =	sst s5  }
0xe: {  	[smem:$0x3FB4] =	sst s6  }
0xf: {  	[smem:$0x3FB5] =	sst s7  }
0x10: {  	[smem:$0x3FB6] =	sst s8  }
0x11: {  	[smem:$0x3FB7] =	sst s9;
	s0 =	simm.s32 @!p0 $0x0  }
0x12: {  	s1 =	sld [smem:$0x3F9D];
	s0 =	simm.s32 @p0 $0x1  }
0x13: {  	[smem:$0x3FB8] =	sst s0;
	s0 =	simm.s32 @!p1 $0x0  }
0x14: {  	s2 =	sld [smem:$0x3F9C];
	s0 =	simm.s32 @p1 $0x1  }
0x15: {  	[smem:$0x3FB9] =	sst s0;
	s0 =	simm.s32 @!p2 $0x0  }
0x16: {  	s3 =	sld [smem:$0x3FDB];
	s0 =	simm.s32 @p2 $0x1  }
0x17: {  	s4 =	simm.s32 $0x1BF5;
	[smem:$0x3FBB] =	sst s0  }
0x18: {  	s0 =	sld [smem:$0x3F9E];
	_ =	swait.ge [sflag:s4], $0x0  }
0x19: {  	s7 =	sld [smem:$0x3F9F]  }
0x1a: {  	s8 =	sadd.s32 $0xFFFFE003, lr  }
0x1b: {  	s9 =	sadd.s32 $0xFFFFFEF7, lr;
	s5 =	simm.s32 $0xFFFFFFFF;
	p2 =	slt.u32 s8, $0xFFFFF086  }
0x1c: {  	p1 =	slt.u32 s9, $0xF7A;
	s5 =	simm.s32 @!p2 $0x0  }
0x1d: {  	s5 =	simm.s32 @p1 $0x1;
	p0 =	seq.s32 s7, s2  }
0x1e: {  	s7 =	smul.u32 @!p0 $0xF7A, s2;
	p2 =	seq.s32 @!p0 s5, $0x0  }
0x1f: {  	s9 =	smul.u32 $0xF7A, s1;
	s8 =	simm.s32 @!p0 $0x1BF5;
	p2 =	por !p2, p0  }
0x20: {  	[sflag:s8] =	ssyncset.s32 @!p0 $0xFFFFF086;
	s6 =	sadd.s32 @!p0 s3, s7;
	s7 =	simm.s32 @!p0 $0x108  }
0x21: {  	s3 =	sadd.s32 s3, s9;
	s6 =	sadd.s32 @!p0 $0x88, s6;
	s7 =	simm.s32 @p2 $0x1082  }
0x22: {  	[simem:s7], [sflag:s8] =	dma.local @!p0 [hbm:s6], $0xF7A  }
0x23: {  	s9 =	sor.u32 $0xD0000000, s2;
	s6 =	simm.s32 $0x108;
	_ =	swait.ge @!p0 [sflag:s8], $0x0  }
0x24: {  	s3 =	sadd.s32 $0x88, s3;
	s6 =	simm.s32 @!p1 $0x1082;
	[sflag:s4] =	ssyncset.s32 $0xFFFFF086  }
0x25: {  	[simem:s6], [sflag:s4] =	dma.local [hbm:s3], $0xF7A  }
0x26: {  	[smem:$0x3F9F] =	sst s1;
	(tag) =	ssettag s2;
	_ =	strace s9  }
0x27: {  	s1 =	sld [smem:$0x3FAF]  }
0x28: {  	s2 =	sld [smem:$0x3FB0]  }
0x29: {  	s4 =	sld [smem:$0x3FB2]  }
0x2a: {  	p0 =	seq.s32 s5, $0x0;
	s5 =	sld [smem:$0x3FB3]  }
0x2b: {  	s6 =	sld [smem:$0x3FB4]  }
0x2c: {  	s7 =	sld [smem:$0x3FB5]  }
0x2d: {  	s3 =	simm.s32 $0x108;
	s8 =	sld [smem:$0x3FB6]  }
0x2e: {  	s3 =	simm.s32 @!p0 $0x1082;
	s9 =	sld [smem:$0x3FB7]  }
0x2f: {  	lr =	sadd.s32 s0, s3;
	s0 =	sld [smem:$0x3FAE]  }
0x30: {  	s3 =	sld [smem:$0x3FB1]  }
0x31: {  	[smem:$0x3FBA] =	sst s10  }
0x32: {  	s10 =	sld [smem:$0x3FB8];
	_ =	sdelay $0x3  }
0x33: {  	p0 =	seq.s32 s10, $0x1;
	s10 =	sld [smem:$0x3FBA];
	_ =	sdelay $0x3  }
0x34: {  	[smem:$0x3FBA] =	sst s10  }
0x35: {  	s10 =	sld [smem:$0x3FB9];
	_ =	sdelay $0x3  }
0x36: {  	p1 =	seq.s32 s10, $0x1;
	s10 =	sld [smem:$0x3FBA];
	_ =	sdelay $0x3  }
0x37: {  	[smem:$0x3FBA] =	sst s10  }
0x38: {  	s10 =	sld [smem:$0x3FBB]  }
0x39: {  	_ = 	snop;
	(pc) =	sbr.ind lr, $3  }
0x3a: {  	_ = 	snop  }
0x3b: {  	_ = 	snop  }
0x3c: {  	p2 =	seq.s32 s10, $0x1;
	s10 =	sld [smem:$0x3FBA]  }
0x3d: {  	_ =	shalt  }
0x3e: {  	_ =	shalt  }
0x3f: {  	_ =	shalt  }
0x40: {  	_ =	shalt  }
0x41: {  	_ =	shalt  }
0x42: {  	_ =	shalt  }
0x43: {  	_ =	shalt  }
0x44: {  	_ =	shalt  }
0x45: {  	_ =	shalt  }
0x46: {  	_ =	shalt  }
0x47: {  	_ =	shalt  }
0x48: {  	_ =	shalt  }
0x49: {  	_ =	shalt  }
0x4a: {  	_ =	shalt  }
0x4b: {  	_ =	shalt  }
0x4c: {  	_ =	shalt  }
0x4d: {  	_ =	shalt  }
0x4e: {  	_ =	shalt  }
0x4f: {  	_ =	shalt  }
0x50: {  	_ =	shalt  }
0x51: {  	_ =	shalt  }
0x52: {  	_ =	shalt  }
0x53: {  	_ =	shalt  }
0x54: {  	_ =	shalt  }
0x55: {  	_ =	shalt  }
0x56: {  	_ =	shalt  }
0x57: {  	_ =	shalt  }
0x58: {  	_ =	shalt  }
0x59: {  	_ =	shalt  }
0x5a: {  	_ =	shalt  }
0x5b: {  	_ =	shalt  }
0x5c: {  	_ =	shalt  }
0x5d: {  	_ =	shalt  }
0x5e: {  	_ =	shalt  }
0x5f: {  	_ =	shalt  }
0x60: {  	_ =	shalt  }
0x61: {  	_ =	shalt  }
0x62: {  	_ =	shalt  }
0x63: {  	_ =	shalt  }
0x64: {  	_ =	shalt  }
0x65: {  	_ =	shalt  }
0x66: {  	_ =	shalt  }
0x67: {  	_ =	shalt  }
0x68: {  	_ =	shalt  }
0x69: {  	_ =	shalt  }
0x6a: {  	_ =	shalt  }
0x6b: {  	_ =	shalt  }
0x6c: {  	_ =	shalt  }
0x6d: {  	_ =	shalt  }
0x6e: {  	_ =	shalt  }
0x6f: {  	_ =	shalt  }
0x70: {  	_ =	shalt  }
0x71: {  	_ =	shalt  }
0x72: {  	_ =	shalt  }
0x73: {  	_ =	shalt  }
0x74: {  	_ =	shalt  }
0x75: {  	_ =	shalt  }
0x76: {  	_ =	shalt  }
0x77: {  	_ =	shalt  }
0x78: {  	_ =	shalt  }
0x79: {  	_ =	shalt  }
0x7a: {  	_ =	shalt  }
0x7b: {  	_ =	shalt  }
0x7c: {  	_ =	shalt  }
0x7d: {  	_ =	shalt  }
0x7e: {  	_ =	shalt  }
0x7f: {  	_ =	shalt  }
0x80: {  	_ =	shalt  }
0x81: {  	_ =	shalt  }
0x82: {  	_ =	shalt  }
0x83: {  	_ =	shalt  }
0x84: {  	_ =	shalt  }
0x85: {  	_ =	shalt  }
0x86: {  	_ =	shalt  }
0x87: {  	_ =	shalt  }
.Lfunc_end0:
.L_simem_size_0:
called_computation_lowered:
.L_overlay_start_0:
0x88: {  	s2 =	sld [smem:$0x3FD9]  }
0x89: {  	s3 =	sld [smem:$0x3FFE];
	_ =	sdelay $0x1  }
0x8a: {  	s1 =	srdreg.scid  }
0x8b: {  	s0 =	sand.u32 $0x1, s1  }
0x8c: {  	s17 =	sshll.u32 s0, $0xA;
	s2 =	sadd.s32 s3, s2  }
0x8d: {  	s2 =	sadd.s32 s2, s17  }
0x8e: {  	[smem:$0x3FC6] =	sst s2  }
0x8f: {  	_ = 	snop  }
0x90: {  	s2 =	sld [smem:$0x3FC8];
	(tm) =	ssettm $0x1  }
0x91: {  	s18 =	sld [smem:$0x3FFB];
	_ =	sdelay $0x3  }
0x92: {  	_ =	strace s18  }
0x93: {  	s3 =	sld [smem:$0x3FFC];
	_ =	sdelay $0x3  }
0x94: {  	_ =	strace s3  }
0x95: {  	s3 =	sld [smem:$0x3FFD];
	_ =	sdelay $0x3  }
0x96: {  	_ =	strace s3  }
0x97: {  	_ =	strace $0x8FFFFFFF  }
0x98: {  	s19 =	sld [smem:$0x3FDB];
	_ =	sdelay $0x1  }
0x99: {  	s4 =	simm.s32 $_scs_section_size  }
0x9a: {  	s5 =	simm.s32 $_size__tile_overlayer_lowered;
	s6 =	simm.s32 $_tile_overlayer_lowered  }
0x9b: {  	s22 =	simm.s32 $0x1BFF;
	s21 =	sshll.u32 s6, $0x1;
	s3 =	sadd.s32 s4, s19  }
0x9c: {  	s7 =	simm.s32 $0x0;
	s20 =	sshll.u32 s5, $0x1;
	s5 =	sadd.s32 s21, s3  }
0x9d: {  	[timem:s7], [sflag:s22] =	dma.local [hbm:s5], s20  }
0x9e: {  	_ =	swait.ge [sflag:s22], s20  }
0x9f: {  	s4 =	ssub.s32 $0x0, s20;
	[sflag:s22] =	ssyncset.done $0x0  }
0xa0: {  	[sflag:s22] =	ssyncadd.s32 s4;
	_ =	sdelay $0x1  }
0xa1: {  	s23 =	simm.s32 $0x1B8B  }
0xa2: {  	_ =	swait.ge [sflag:s23], $0x1  }
0xa3: {  	[sflag:s23] =	ssyncset.done $0x0  }
0xa4: {  	s25 =	simm.s32 $0x1B8E;
	s24 =	sld [smem:$0x3FFE];
	[sflag:s23] =	ssyncadd.s32 $0xFFFFFFFF  }
0xa5: {  	s26 =	simm.s32 $execute0_lowered;
	[smem:$0x3FD2] =	sst s25  }
0xa6: {  	s5 =	sshll.u32 s26, $0x1;
	_ =	strace $0x80000046;
	[dreg:$0x1] =	wrdreg $0xFFFFFFFF  }
0xa7: {  	s28 =	simm.s32 $_size_execute0_lowered;
	s3 =	sadd.s32 s3, s5;
	[dreg:$0x0] =	wrdreg $0x0  }
0xa8: {  	s5 =	sshll.u32 s28, $0x1;
	[dreg:$0x2] =	wrdreg s3  }
0xa9: {  	[dreg:$0x3] =	wrdreg s5  }
0xaa: {  	[dreg:$0x4] =	wrdreg $0xC0  }
0xab: {  	_ =	task [dreg:s7], $0x5FFFF  }
0xac: {  	[dreg:$0x1] =	wrdreg $0xFFFFFFFF  }
0xad: {  	[dreg:$0x0] =	wrdreg $0x60  }
0xae: {  	[dreg:$0x2] =	wrdreg s24  }
0xaf: {  	[dreg:$0x3] =	wrdreg s2  }
0xb0: {  	[dreg:$0x4] =	wrdreg $0x9  }
0xb1: {  	_ =	task.clear_ibuf [dreg:s7], $0x5FFFF;
	_ =	strace $0x90000046  }
0xb2: {  	s29 =	simm.s32 $0x9;
	_ =	strace $0x80000048  }
0xb3: {  	_ =	swait.ge [sflag:s29], $0x1  }
0xb4: {  	[sflag:s29] =	ssyncadd.s32 $0xFFFFFFFF  }
0xb5: {  	_ =	strace $0x90000048  }
0xb6: {  	_ =	sfence  }
0xb7: {  	s30 =	sld [smem:$0x0];
	_ =	sdelay $0x2  }
0xb8: {  	s31 =	sshll.u32 s1, $0xD;
	s1 =	sshrl.u32 s1, $0x2  }
0xb9: {  	s3 =	sand.u32 $0x4000, s31;
	s1 =	sadd.s32 s1, s30  }
0xba: {  	s0 =	sor.u32 s3, s0;
	s1 =	sshll.u32 s1, $0x11  }
0xbb: {  	s0 =	sor.u32 s1, s0  }
0xbc: {  	s0 =	sadd.s32 $0x8F2B, s0  }
0xbd: {  	[sflag:s0] =	ssyncadd.remote.s32 $0x1  }
0xbe: {  	_ =	sfence.sel $0xFFFF  }
0xbf: {  	[dreg:$0x0] =	wrdreg $0xFFFFFFFF;
	(pc) =	sbr.abs _section_cstart, $3  }
0xc0: {  	[dreg:$0x1] =	wrdreg $0xFFFFFFFF  }
0xc1: {  	_ =	task.clear_ibuf [dreg:s7], $0x2FFFF;
	_ =	strace $0x9FFFFFFF  }
0xc2: {  	(tm) =	ssettm $0x7FFFFFFF  }
0xc3: {  	_ =	shalt  }
tec
execute0_lowered:
.L_overlay_start_1:
0x0: {  	(tag) =	ssettag $0x1  }
0x1: {  	s1 =	srdreg.scid  }
0x2: {  	s3 =	stileid.u32;
	s1 =	sand.u32 $0x1, s1  }
0x3: {  	s4 =	sshll.u32 s3, $0xE;
	s5 =	sshll.u32 s1, $0xD  }
0x4: {  	s0 =	rddreg [dreg:$0x0];
	s4 =	sor.u32 s5, s4  }
0x5: {  	s2 =	rddreg [dreg:$0x1];
	s3 =	simm.s32 $0x0;
	s0 =	sadd.s32 s4, s0  }
0x6: {  	[smem:$0x7FF] =	sst s3;
	s12 =	sadd.s32 $0x600, s0  }
0x7: {  	_ =	strace $0x80000047;
	s13 =	sadd.s32 $0xA00, s0;
	[dreg:$0x3] =	wrdreg s12  }
0x8: {  	s14 =	sadd.s32 $0xE00, s0;
	[dreg:$0x4] =	wrdreg s13  }
0x9: {  	s15 =	sadd.s32 $0xC0600, s0;
	[dreg:$0x5] =	wrdreg s14  }
0xa: {  	s16 =	sadd.s32 $0x1200, s0;
	[dreg:$0x6] =	wrdreg s15  }
0xb: {  	s17 =	sadd.s32 $0xC0A00, s0;
	[dreg:$0x7] =	wrdreg s16  }
0xc: {  	s18 =	sadd.s32 $0x1600, s0;
	[dreg:$0x8] =	wrdreg s17  }
0xd: {  	s19 =	sadd.s32 $0xC0E00, s0;
	[dreg:$0x9] =	wrdreg s18  }
0xe: {  	s20 =	sadd.s32 $0x1A00, s0;
	[dreg:$0xa] =	wrdreg s19  }
0xf: {  	s28 =	simm.s32 $0x5;
	s21 =	sadd.s32 $0xC1200, s0;
	[dreg:$0xb] =	wrdreg s20  }
0x10: {  	s29 =	simm.s32 $0xE000;
	s22 =	sadd.s32 $0x1E00, s0;
	[dreg:$0xc] =	wrdreg s21  }
0x11: {  	s30 =	simm.s32 $0x16000;
	s23 =	sadd.s32 $0xC1600, s0;
	[dreg:$0xd] =	wrdreg s22  }
0x12: {  	s31 =	simm.s32 $0x1;
	s24 =	sadd.s32 $0x2200, s0;
	[dreg:$0xe] =	wrdreg s23  }
0x13: {  	s1 =	ssub.s32 $0x2, s1;
	s25 =	sadd.s32 $0xC1A00, s0;
	[dreg:$0xf] =	wrdreg s24  }
0x14: {  	s11 =	sshrl.u32 s1, $0x1;
	s26 =	sadd.s32 $0xC1E00, s0;
	[dreg:$0x10] =	wrdreg s25  }
0x15: {  	s5 =	simm.s32 $0x0;
	s0 =	sadd.s32 $0xC2200, s0;
	[dreg:$0x11] =	wrdreg s26  }
0x16: {  	s1 =	ssub.s32 s1, s11;
	s4 =	simm.s32 $0x4;
	[dreg:$0x12] =	wrdreg s0  }
0x17: {  	s20 =	smax.u32 s1, $0x1;
	s21 =	simm.s32 $0x2000;
	s22 =	simm.s32 $0x200000  }
0x18: {  	s23 =	simm.s32 $0x6;
	s24 =	simm.s32 $0x6000;
	s25 =	simm.s32 $0xC000  }
0x19: {  	v0 =	vimm.f32 $-2.000000000e+00;
	s26 =	simm.s32 $0x14000;
	s0 =	simm.s32 $0x3;
	s1 =	simm.s32 $0x2  }
.LBB2_1:
0x1a: {  	s6 =	rddreg [dreg:$0x3]  }
0x1b: {  	[tilespmem:s3], [sflag:$0x6] =	stream.strided.gather [hbm4b:s6+s21], $0x6000, s22, s21, $0x38;
	[tilespmem:$0x18000] =	vst v63  }
0x1c: {  	_ =	swait.ge [sflag:s23], $0x6000  }
0x1d: {  	[sflag:s23] =	ssyncset.done $0x0  }
0x1e: {  	s7 =	simm.s32 $0x20;
	s13 =	rddreg [dreg:$0x4];
	[sflag:s23] =	ssyncadd.s32 $0xFFFFA000  }
0x1f: {  	[tilespmem:s24], [sflag:$0x5] =	stream.strided.gather [hbm4b:s13+s21], $0x6000, s22, s21, $0x38;
	[tilespmem:$0x18000] =	vst v63  }
0x20: {  	s6 =	simm.s32 $0x0;
	v2 =	vld [tilespmem:s7+$0xFFFFFFF0]  }
0x21: {  	s8 =	simm.s32 $0x10;
	s9 =	sand.u32 $0x1F80, s6;
	v1 =	vld [tilespmem:s7+$0x0]  }
0x22: {  	s8 =	sand.u32 $0x50, s8;
	s10 =	sor.u32 $0x2000, s9;
	v3 =	vld [tilespmem:s7+$0xFFFFFFE0]  }
0x23: {  	s9 =	sor.u32 $0x4000, s9;
	s12 =	sor.u32 s8, s10;
	v4 =	vld [tilespmem:s7+$0x10]  }
0x24: {  	s11 =	simm.s32 $0x20;
	s15 =	sand.u32 $0x40, s6;
	s8 =	sor.u32 s8, s9;
	v5 =	vld [tilespmem:s12+$0x0]  }
0x25: {  	s14 =	simm.s32 $0x30;
	s19 =	sor.u32 s15, s9;
	s7 =	sand.u32 $0x60, s11;
	v6 =	vld [tilespmem:s8+$0x0]  }
0x26: {  	s11 =	sand.u32 $0x70, s14;
	v20 =	vld [tilespmem:s19+$0x0];
	s16 =	sor.u32 s7, s10  }
0x27: {  	s18 =	sor.u32 s11, s9;
	v8 =	vld [tilespmem:s16+$0x0]  }
0x28: {  	v16 =	vld [tilespmem:s18+$0x0]  }
0x29: {  	v7 =	vadd.f32 $1.000000000e+00, v2;
	v2 =	vand.u32 $0x7FFFFFFF, v2;
	v9 =	vadd.f32 $1.000000000e+00, v1  }
0x2a: {  	v11 =	vadd.f32 $1.000000000e+00, v3;
	v12 =	vand.u32 $0x7FFFFFFF, v3;
	v13 =	vadd.f32 $1.000000000e+00, v4  }
0x2b: {  	v14 =	vadd.f32 $1.000000000e+00, v5;
	v15 =	vadd.f32 $1.000000000e+00, v6;
	v3 =	vmul.f32 $6.400000000e+01, v7  }
0x2c: {  	s13 =	sor.u32 s15, s10;
	v52 =	vadd.f32 $1.000000000e+00, v20;
	v7 =	vmul.f32 $6.400000000e+01, v9;
	v11 =	vmul.f32 $6.400000000e+01, v11  }
0x2d: {  	v10 =	vld [tilespmem:s13+$0x0];
	v15 =	vmul.f32 $6.400000000e+01, v15;
	v18 =	vadd.f32 $1.000000000e+00, v8;
	v19 =	vadd.f32 $1.000000000e+00, v16  }
0x2e: {  	v14 =	vmul.f32 $6.400000000e+01, v14;
	v3 =	vadd.f32 $-5.000000000e-01, v3;
	v7 =	vadd.f32 $-5.000000000e-01, v7  }
0x2f: {  	s17 =	sor.u32 s11, s10;
	v13 =	vmul.f32 $6.400000000e+01, v13;
	v11 =	vadd.f32 $-5.000000000e-01, v11;
	v15 =	vadd.f32 $-5.000000000e-01, v15  }
0x30: {  	v9 =	vld [tilespmem:s17+$0x0];
	v18 =	vmul.f32 $6.400000000e+01, v18;
	v14 =	vadd.f32 $-5.000000000e-01, v14;
	v19 =	vmul.f32 $6.400000000e+01, v19  }
0x31: {  	v13 =	vadd.f32 $-5.000000000e-01, v13;
	v17 =	vadd.f32 $1.258291200e+07, v3;
	v3 =	vand.u32 $0x7FFFFFFF, v5  }
0x32: {  	v5 =	vand.u32 $0x7FFFFFFF, v10;
	v10 =	vadd.f32 $1.000000000e+00, v10;
	v18 =	vadd.f32 $-5.000000000e-01, v18  }
0x33: {  	v4 =	vand.u32 $0x7FFFFFFF, v4;
	v11 =	vadd.f32 $1.258291200e+07, v11;
	v15 =	vadd.f32 $1.258291200e+07, v15  }
0x34: {  	v6 =	vand.u32 $0x7FFFFFFF, v6;
	v53 =	vadd.f32 $1.258291200e+07, v14;
	v19 =	vadd.f32 $-5.000000000e-01, v19  }
0x35: {  	v2 =	vmax.f32 v2, v3;
	v3 =	vadd.f32 $1.000000000e+00, v9;
	v9 =	vand.u32 $0x7FFFFFFF, v9  }
0x36: {  	v7 =	vadd.f32 $1.258291200e+07, v7;
	v13 =	vadd.f32 $1.258291200e+07, v13;
	v9 =	vmax.f32 v4, v9  }
0x37: {  	v4 =	vmax.f32 v12, v5;
	v5 =	vadd.f32 $-1.258291200e+07, v15;
	v54 =	vadd.f32 $-1.258291200e+07, v17  }
0x38: {  	s7 =	sor.u32 s7, s9;
	v10 =	vmul.f32 $6.400000000e+01, v10;
	v12 =	vadd.f32 $-1.258291200e+07, v53;
	v19 =	vadd.f32 $1.258291200e+07, v19  }
0x39: {  	v6 =	vmax.f32 v2, v6;
	v2 =	vld [tilespmem:s7+$0x0];
	v7 =	vadd.f32 $-1.258291200e+07, v7;
	v11 =	vadd.f32 $-1.258291200e+07, v11  }
0x3a: {  	v13 =	vadd.f32 $-1.258291200e+07, v13;
	v3 =	vmul.f32 $6.400000000e+01, v3;
	vm0 =	vle.f32 v6, $1.000000000e+00  }
0x3b: {  	v5 =	vmax.f32 v5, $0.0e+00;
	v14 =	vmax.f32 v54, $0.0e+00;
	v10 =	vadd.f32 $-5.000000000e-01, v10  }
0x3c: {  	v12 =	vmax.f32 v12, $0.0e+00;
	v21 =	vadd.f32 $-5.000000000e-01, v3;
	v3 =	vadd.f32 $1.258291200e+07, v18  }
0x3d: {  	v59 =	vadd.f32 $-1.258291200e+07, v19;
	v60 =	vsel vm0, $0x0, v0;
	v7 =	vmax.f32 v7, $0.0e+00  }
0x3e: {  	v11 =	vmax.f32 v11, $0.0e+00;
	v18 =	vadd.f32 $-1.258291200e+07, v3;
	v57 =	vadd.f32 $1.000000000e+00, v2  }
0x3f: {  	v5 =	vmin.f32 v5, $1.270000000e+02;
	v3 =	vand.u32 $0x7FFFFFFF, v8;
	v8 =	vand.u32 $0x7FFFFFFF, v16  }
0x40: {  	v16 =	vmul.f32 $6.400000000e+01, v52;
	v55 =	vmax.f32 v18, $0.0e+00;
	v18 =	vmul.f32 $6.400000000e+01, v57  }
0x41: {  	v14 =	vmin.f32 v14, $1.270000000e+02;
	v12 =	vmin.f32 v12, $1.270000000e+02;
	v5 =	vmul.f32 $1.280000000e+02, v5  }
0x42: {  	v63 =	vmin.f32 v7, $1.270000000e+02;
	v16 =	vadd.f32 $-5.000000000e-01, v16;
	v58 =	vadd.f32 $-5.000000000e-01, v18  }
0x43: {  	v7 =	vmin.f32 v11, $1.270000000e+02;
	v10 =	vadd.f32 $1.258291200e+07, v10;
	v5 =	vadd.f32 v5, v12  }
0x44: {  	v62 =	vmax.f32 v59, $0.0e+00;
	v16 =	vadd.f32 $1.258291200e+07, v16;
	v12 =	vadd.f32 $1.258291200e+07, v58  }
0x45: {  	v56 =	vadd.f32 $1.258291200e+07, v21;
	v10 =	vadd.f32 $-1.258291200e+07, v10;
	v5 =	vmul.f32 $1.280000000e+02, v5  }
0x46: {  	v8 =	vmax.f32 v9, v8;
	v16 =	vadd.f32 $-1.258291200e+07, v16;
	v6 =	vadd.f32 $-1.258291200e+07, v12  }
0x47: {  	v17 =	vadd.f32 $-1.258291200e+07, v56;
	v15 =	vmin.f32 v55, $1.270000000e+02;
	v5 =	vadd.f32 v5, v14  }
0x48: {  	v10 =	vmax.f32 v10, $0.0e+00;
	v61 =	vmax.f32 v16, $0.0e+00;
	v6 =	vmax.f32 v6, $0.0e+00  }
0x49: {  	v5 =	vtrunc.f32 v5;
	v12 =	vmin.f32 v61, $1.270000000e+02;
	v6 =	vmin.f32 v6, $1.270000000e+02  }
0x4a: {  	v17 =	vmax.f32 v17, $0.0e+00;
	v12 =	vmul.f32 $1.280000000e+02, v12;
	v6 =	vmul.f32 $1.280000000e+02, v6  }
0x4b: {  	v10 =	vmin.f32 v10, $1.270000000e+02;
	v5 =	vcvt.f32.s32 v5;
	v16 =	vmin.f32 v62, $1.270000000e+02  }
0x4c: {  	s8 =	simm.s32 $0xC020;
	v16 =	vmul.f32 $1.280000000e+02, v16;
	v10 =	vadd.f32 v12, v10;
	v6 =	vadd.f32 v6, v15  }
0x4d: {  	vm15 =	vle.f32 v8, $1.000000000e+00;
	v17 =	vmin.f32 v17, $1.270000000e+02;
	[tilespmem:s8+$0xFFFFFFF0] =	vst v5;
	v5 =	vmax.f32 v13, $0.0e+00  }
0x4e: {  	v11 =	vadd.f32 v16, v17;
	v10 =	vmul.f32 $1.280000000e+02, v10;
	v15 =	vmul.f32 $1.280000000e+02, v6  }
0x4f: {  	s7 =	simm.s32 $0x10020;
	v9 =	vand.u32 $0x7FFFFFFF, v20;
	v8 =	vmin.f32 v5, $1.270000000e+02;
	v5 =	vsel vm15, $0x0, v0  }
0x50: {  	s9 =	simm.s32 $0xC060;
	s10 =	simm.s32 $0x10060;
	s11 =	simm.s32 $0x60;
	[tilespmem:s7+$0xFFFFFFF0] =	vst v60;
	v6 =	vmul.f32 $1.280000000e+02, v11;
	v7 =	vadd.f32 v10, v7;
	v10 =	vadd.f32 v15, v63  }
.LBB2_2:
0x51: {  	s12 =	sadd.s32 $0x50, s6  }
0x52: {  	v11 =	vld [tilespmem:s11+$0xFFFFFFF0];
	s13 =	sadd.s32 $0x70, s6;
	v4 =	vmax.f32 v4, v9;
	v9 =	vand.u32 $0x7FFFFFFF, v1;
	v2 =	vand.u32 $0x7FFFFFFF, v2;
	s14 =	smov.u32 s6;
	s6 =	sadd.s32 $0x40, s6  }
0x53: {  	s15 =	sand.u32 $0x1F80, s6;
	s12 =	sand.u32 $0x50, s12;
	s14 =	sadd.s32 $0x60, s14;
	v1 =	vld [tilespmem:s11+$0x0];
	vm0 =	vle.f32 v4, $1.000000000e+00;
	v4 =	vtrunc.f32 v10;
	v3 =	vmax.f32 v9, v3  }
0x54: {  	v9 =	vld [tilespmem:s11+$0xFFFFFFE0];
	s16 =	sor.u32 $0x2000, s15;
	s15 =	sor.u32 $0x4000, s15;
	s14 =	sand.u32 $0x60, s14;
	v10 =	vsel vm0, $0x0, v0;
	v2 =	vmax.f32 v3, v2;
	v3 =	vadd.f32 v6, v8  }
0x55: {  	v7 =	vtrunc.f32 v7;
	s17 =	sand.u32 $0x40, s6;
	s13 =	sand.u32 $0x70, s13;
	v4 =	vcvt.f32.s32 v4;
	s18 =	sor.u32 s12, s16;
	v6 =	vld [tilespmem:s11+$0x10];
	vm0 =	vle.f32 v2, $1.000000000e+00  }
0x56: {  	v7 =	vcvt.f32.s32 v7;
	s19 =	sor.u32 s17, s16;
	s12 =	sor.u32 s12, s15;
	v2 =	vld [tilespmem:s18+$0x0];
	s18 =	sor.u32 s14, s15;
	v3 =	vtrunc.f32 v3  }
0x57: {  	v8 =	vld [tilespmem:s12+$0x0];
	v12 =	vadd.f32 $1.000000000e+00, v11;
	s12 =	sor.u32 s14, s16;
	s14 =	sor.u32 s13, s16;
	s13 =	sor.u32 s13, s15;
	[tilespmem:s8+$0x0] =	vst v4;
	v3 =	vcvt.f32.s32 v3  }
0x58: {  	p0 =	slt.u32 s6, $0x1FC0;
	s15 =	sor.u32 s17, s15;
	v4 =	vand.u32 $0x7FFFFFFF, v11;
	v11 =	vld [tilespmem:s12+$0x0];
	v13 =	vadd.f32 $1.000000000e+00, v1;
	[tilespmem:s8+$0xFFFFFFE0] =	vst v7;
	v7 =	vsel vm0, $0x0, v0  }
0x59: {  	v14 =	vld [tilespmem:s19+$0x0];
	v15 =	vadd.f32 $1.000000000e+00, v9;
	v9 =	vand.u32 $0x7FFFFFFF, v9;
	v12 =	vmul.f32 $6.400000000e+01, v12;
	[tilespmem:s8+$0x10] =	vst v3;
	s8 =	smov.u32 s9  }
0x5a: {  	v3 =	vmul.f32 $6.400000000e+01, v13;
	v13 =	vld [tilespmem:s14+$0x0];
	v16 =	vadd.f32 $1.000000000e+00, v6;
	v6 =	vand.u32 $0x7FFFFFFF, v6;
	[tilespmem:s7+$0x10] =	vst v5  }
0x5b: {  	v5 =	vld [tilespmem:s15+$0x0];
	v15 =	vmul.f32 $6.400000000e+01, v15;
	v17 =	vadd.f32 $1.000000000e+00, v2;
	v12 =	vadd.f32 $-5.000000000e-01, v12;
	[tilespmem:s7+$0xFFFFFFE0] =	vst v10  }
0x5c: {  	v10 =	vadd.f32 $1.000000000e+00, v8;
	v18 =	vadd.f32 $-5.000000000e-01, v3;
	v19 =	vld [tilespmem:s13+$0x0];
	v3 =	vmul.f32 $6.400000000e+01, v16;
	[tilespmem:s7+$0x0] =	vst v7;
	s7 =	smov.u32 s10  }
0x5d: {  	v16 =	vand.u32 $0x7FFFFFFF, v2;
	v7 =	vmul.f32 $6.400000000e+01, v17;
	v12 =	vadd.f32 $1.258291200e+07, v12;
	v2 =	vld [tilespmem:s18+$0x0]  }
0x5e: {  	v20 =	vadd.f32 $1.000000000e+00, v11;
	v17 =	vand.u32 $0x7FFFFFFF, v14;
	v10 =	vmul.f32 $6.400000000e+01, v10  }
0x5f: {  	v15 =	vadd.f32 $-5.000000000e-01, v15;
	v4 =	vmax.f32 v4, v16;
	v16 =	vadd.f32 $1.000000000e+00, v13  }
0x60: {  	v20 =	vmul.f32 $6.400000000e+01, v20;
	v13 =	vand.u32 $0x7FFFFFFF, v13;
	v10 =	vadd.f32 $-5.000000000e-01, v10  }
0x61: {  	v14 =	vadd.f32 $1.000000000e+00, v14;
	v21 =	vadd.f32 $1.000000000e+00, v19;
	v16 =	vmul.f32 $6.400000000e+01, v16  }
0x62: {  	v8 =	vand.u32 $0x7FFFFFFF, v8;
	v7 =	vadd.f32 $-5.000000000e-01, v7;
	v20 =	vadd.f32 $-5.000000000e-01, v20  }
0x63: {  	v22 =	vadd.f32 $-5.000000000e-01, v3;
	v21 =	vmul.f32 $6.400000000e+01, v21;
	v16 =	vadd.f32 $-5.000000000e-01, v16  }
0x64: {  	v15 =	vadd.f32 $1.258291200e+07, v15;
	v14 =	vmul.f32 $6.400000000e+01, v14;
	v3 =	vadd.f32 $1.258291200e+07, v20  }
0x65: {  	v8 =	vmax.f32 v4, v8;
	v6 =	vmax.f32 v6, v13;
	v10 =	vadd.f32 $1.258291200e+07, v10  }
0x66: {  	v13 =	vadd.f32 $-1.258291200e+07, v3;
	v3 =	vand.u32 $0x7FFFFFFF, v11;
	v11 =	vand.u32 $0x7FFFFFFF, v19  }
0x67: {  	v4 =	vmax.f32 v9, v17;
	v9 =	vadd.f32 $-1.258291200e+07, v10;
	v19 =	vadd.f32 $1.000000000e+00, v5  }
0x68: {  	v7 =	vadd.f32 $1.258291200e+07, v7;
	v10 =	vadd.f32 $-1.258291200e+07, v12;
	v12 =	vmax.f32 v13, $0.0e+00  }
0x69: {  	v16 =	vadd.f32 $1.258291200e+07, v16;
	v9 =	vmax.f32 v9, $0.0e+00;
	v13 =	vmul.f32 $6.400000000e+01, v19  }
0x6a: {  	v7 =	vadd.f32 $-1.258291200e+07, v7;
	v10 =	vmax.f32 v10, $0.0e+00;
	v12 =	vmin.f32 v12, $1.270000000e+02  }
0x6b: {  	v17 =	vadd.f32 $1.000000000e+00, v2;
	v10 =	vmin.f32 v10, $1.270000000e+02;
	v16 =	vadd.f32 $-1.258291200e+07, v16  }
0x6c: {  	v7 =	vmax.f32 v7, $0.0e+00;
	v9 =	vmin.f32 v9, $1.270000000e+02;
	v19 =	vadd.f32 $-5.000000000e-01, v21  }
0x6d: {  	v14 =	vadd.f32 $-5.000000000e-01, v14;
	v17 =	vmul.f32 $6.400000000e+01, v17;
	v9 =	vmul.f32 $1.280000000e+02, v9  }
0x6e: {  	v7 =	vmin.f32 v7, $1.270000000e+02;
	v13 =	vadd.f32 $-5.000000000e-01, v13;
	v19 =	vadd.f32 $1.258291200e+07, v19  }
0x6f: {  	v16 =	vmax.f32 v16, $0.0e+00;
	v7 =	vadd.f32 v9, v7;
	v9 =	vadd.f32 $-5.000000000e-01, v17  }
0x70: {  	v14 =	vadd.f32 $1.258291200e+07, v14;
	v16 =	vmin.f32 v16, $1.270000000e+02;
	v13 =	vadd.f32 $1.258291200e+07, v13  }
0x71: {  	v17 =	vadd.f32 $-1.258291200e+07, v19;
	v7 =	vmul.f32 $1.280000000e+02, v7;
	v9 =	vadd.f32 $1.258291200e+07, v9  }
0x72: {  	vm0 =	vle.f32 v8, $1.000000000e+00;
	v14 =	vadd.f32 $-1.258291200e+07, v14;
	v13 =	vadd.f32 $-1.258291200e+07, v13  }
0x73: {  	v8 =	vsel vm0, $0x0, v0;
	v7 =	vadd.f32 v7, v10;
	v9 =	vadd.f32 $-1.258291200e+07, v9  }
0x74: {  	v10 =	vmax.f32 v13, $0.0e+00;
	v13 =	vmax.f32 v14, $0.0e+00;
	v14 =	vadd.f32 $1.258291200e+07, v18  }
0x75: {  	v13 =	vmin.f32 v13, $1.270000000e+02;
	v7 =	vtrunc.f32 v7;
	v9 =	vmax.f32 v9, $0.0e+00  }
0x76: {  	v17 =	vmax.f32 v17, $0.0e+00;
	v18 =	vadd.f32 $1.258291200e+07, v22;
	v7 =	vcvt.f32.s32 v7  }
0x77: {  	v17 =	vmin.f32 v17, $1.270000000e+02;
	v10 =	vmin.f32 v10, $1.270000000e+02;
	v14 =	vadd.f32 $-1.258291200e+07, v14  }
0x78: {  	v15 =	vadd.f32 $-1.258291200e+07, v15;
	v10 =	vmul.f32 $1.280000000e+02, v10;
	[tilespmem:s9+$0xFFFFFFF0] =	vst v7;
	v7 =	vmin.f32 v9, $1.270000000e+02  }
0x79: {  	v9 =	vmul.f32 $1.280000000e+02, v17;
	[tilespmem:s10+$0xFFFFFFF0] =	vst v8;
	v7 =	vmul.f32 $1.280000000e+02, v7;
	v8 =	vmax.f32 v14, $0.0e+00  }
0x7a: {  	v10 =	vadd.f32 v10, v13;
	v13 =	vmax.f32 v15, $0.0e+00;
	v8 =	vmin.f32 v8, $1.270000000e+02  }
.Ltmp0:
0x7b: {  	v13 =	vmin.f32 v13, $1.270000000e+02;
	v9 =	vadd.f32 v9, v16;
	v7 =	vadd.f32 v7, v12;
	(pc) =	sbr.rel @p0 .LBB2_2-.Ltmp0, $4  }
0x7c: {  	v11 =	vmax.f32 v6, v11;
	v10 =	vmul.f32 $1.280000000e+02, v10;
	v12 =	vadd.f32 $-1.258291200e+07, v18  }
0x7d: {  	vm0 =	vle.f32 v11, $1.000000000e+00;
	v6 =	vmul.f32 $1.280000000e+02, v9;
	v14 =	vmul.f32 $1.280000000e+02, v7  }
0x7e: {  	v9 =	vand.u32 $0x7FFFFFFF, v5;
	v7 =	vadd.f32 v10, v13;
	v5 =	vmax.f32 v12, $0.0e+00  }
0x7f: {  	s11 =	sadd.s32 $0x40, s11;
	s9 =	sadd.s32 $0x40, s9;
	s10 =	sadd.s32 $0x40, s10;
	v10 =	vadd.f32 v14, v8;
	v8 =	vmin.f32 v5, $1.270000000e+02;
	v5 =	vsel vm0, $0x0, v0  }
0x80: {  	v6 =	vadd.f32 v6, v8;
	v7 =	vtrunc.f32 v7  }
0x81: {  	v1 =	vand.u32 $0x7FFFFFFF, v1;
	v10 =	vtrunc.f32 v10;
	v7 =	vcvt.f32.s32 v7  }
0x82: {  	v4 =	vmax.f32 v4, v9;
	v2 =	vand.u32 $0x7FFFFFFF, v2;
	v8 =	vcvt.f32.s32 v10  }
0x83: {  	v1 =	vmax.f32 v1, v3;
	vm0 =	vle.f32 v4, $1.000000000e+00;
	v6 =	vtrunc.f32 v6;
	[tilespmem:s8+$0xFFFFFFE0] =	vst v7  }
0x84: {  	v1 =	vmax.f32 v1, v2;
	v2 =	vsel vm0, $0x0, v0;
	v6 =	vcvt.f32.s32 v6;
	[tilespmem:s8+$0x0] =	vst v8  }
0x85: {  	vm13 =	vle.f32 v1, $1.000000000e+00;
	[tilespmem:s7+$0xFFFFFFE0] =	vst v2  }
0x86: {  	v1 =	vsel vm13, $0x0, v0;
	[tilespmem:s8+$0x10] =	vst v6  }
0x87: {  	[tilespmem:s7+$0x0] =	vst v1  }
0x88: {  	[tilespmem:s7+$0x10] =	vst v5  }
0x89: {  	[tilespmem:s26], [sflag:$0x1] =	stream.indirect.gather [hbm4b:s2+s21], $0x1, s25, s21, $0xb8;
	[tilespmem:$0x18000] =	vst v63  }
0x8a: {  	_ =	swait.ge [sflag:s28], $0x6000  }
0x8b: {  	[sflag:s28] =	ssyncset.done $0x0  }
0x8c: {  	s19 =	simm.s32 $0x6020;
	s6 =	rddreg [dreg:$0x5];
	[sflag:s28] =	ssyncadd.s32 $0xFFFFA000  }
0x8d: {  	[tilespmem:s3], [sflag:$0x5] =	stream.strided.gather [hbm4b:s6+s21], $0x6000, s22, s21, $0x38;
	[tilespmem:$0x18000] =	vst v63  }
0x8e: {  	s6 =	simm.s32 $0x0;
	v2 =	vld [tilespmem:s19+$0xFFFFFFF0]  }
0x8f: {  	s13 =	simm.s32 $0x10;
	s9 =	sand.u32 $0x1F80, s6;
	v1 =	vld [tilespmem:s19+$0x0]  }
0x90: {  	s8 =	sand.u32 $0x50, s13;
	v3 =	vld [tilespmem:s19+$0xFFFFFFE0];
	s10 =	sor.u32 $0x8000, s9  }
0x91: {  	s11 =	simm.s32 $0x20;
	v4 =	vld [tilespmem:s19+$0x10];
	s9 =	sor.u32 $0xA000, s9;
	s12 =	sor.u32 s8, s10  }
0x92: {  	s14 =	simm.s32 $0x30;
	s7 =	sand.u32 $0x60, s11;
	s8 =	sor.u32 s8, s9;
	v5 =	vld [tilespmem:s12+$0x0]  }
0x93: {  	s11 =	sand.u32 $0x70, s14;
	s16 =	sor.u32 s7, s10;
	v6 =	vld [tilespmem:s8+$0x0]  }
0x94: {  	s15 =	sand.u32 $0x40, s6;
	s18 =	sor.u32 s11, s9;
	v8 =	vld [tilespmem:s16+$0x0]  }
0x95: {  	s19 =	sor.u32 s15, s9;
	v16 =	vld [tilespmem:s18+$0x0]  }
0x96: {  	v20 =	vld [tilespmem:s19+$0x0]  }
0x97: {  	v7 =	vadd.f32 $1.000000000e+00, v2;
	v2 =	vand.u32 $0x7FFFFFFF, v2;
	v9 =	vadd.f32 $1.000000000e+00, v1  }
0x98: {  	v11 =	vadd.f32 $1.000000000e+00, v3;
	v12 =	vand.u32 $0x7FFFFFFF, v3;
	v13 =	vadd.f32 $1.000000000e+00, v4  }
0x99: {  	s13 =	sor.u32 s15, s10;
	v3 =	vmul.f32 $6.400000000e+01, v7;
	v7 =	vmul.f32 $6.400000000e+01, v9;
	v14 =	vadd.f32 $1.000000000e+00, v5  }
0x9a: {  	v10 =	vld [tilespmem:s13+$0x0];
	v11 =	vmul.f32 $6.400000000e+01, v11;
	v15 =	vadd.f32 $1.000000000e+00, v6;
	v18 =	vadd.f32 $1.000000000e+00, v8  }
0x9b: {  	s17 =	sor.u32 s11, s10;
	v13 =	vmul.f32 $6.400000000e+01, v13;
	v19 =	vadd.f32 $1.000000000e+00, v16;
	v52 =	vadd.f32 $1.000000000e+00, v20  }
0x9c: {  	v4 =	vand.u32 $0x7FFFFFFF, v4;
	v9 =	vld [tilespmem:s17+$0x0];
	v3 =	vadd.f32 $-5.000000000e-01, v3;
	v7 =	vadd.f32 $-5.000000000e-01, v7  }
0x9d: {  	v11 =	vadd.f32 $-5.000000000e-01, v11;
	v13 =	vadd.f32 $-5.000000000e-01, v13;
	v14 =	vmul.f32 $6.400000000e+01, v14  }
0x9e: {  	v15 =	vmul.f32 $6.400000000e+01, v15;
	v18 =	vmul.f32 $6.400000000e+01, v18;
	v17 =	vadd.f32 $1.258291200e+07, v3  }
0x9f: {  	v3 =	vand.u32 $0x7FFFFFFF, v5;
	v5 =	vand.u32 $0x7FFFFFFF, v10;
	v10 =	vadd.f32 $1.000000000e+00, v10  }
0xa0: {  	v19 =	vmul.f32 $6.400000000e+01, v19;
	v11 =	vadd.f32 $1.258291200e+07, v11;
	v7 =	vadd.f32 $1.258291200e+07, v7  }
0xa1: {  	v13 =	vadd.f32 $1.258291200e+07, v13;
	v2 =	vmax.f32 v2, v3;
	v3 =	vadd.f32 $1.000000000e+00, v9  }
0xa2: {  	v6 =	vand.u32 $0x7FFFFFFF, v6;
	v15 =	vadd.f32 $-5.000000000e-01, v15;
	v14 =	vadd.f32 $-5.000000000e-01, v14  }
0xa3: {  	v9 =	vand.u32 $0x7FFFFFFF, v9;
	v18 =	vadd.f32 $-5.000000000e-01, v18;
	v19 =	vadd.f32 $-5.000000000e-01, v19  }
0xa4: {  	v10 =	vmul.f32 $6.400000000e+01, v10;
	v6 =	vmax.f32 v2, v6;
	v54 =	vadd.f32 $-1.258291200e+07, v17  }
0xa5: {  	v9 =	vmax.f32 v4, v9;
	v7 =	vadd.f32 $-1.258291200e+07, v7;
	v11 =	vadd.f32 $-1.258291200e+07, v11  }
0xa6: {  	s7 =	sor.u32 s7, s9;
	v4 =	vmax.f32 v12, v5;
	v13 =	vadd.f32 $-1.258291200e+07, v13;
	v15 =	vadd.f32 $1.258291200e+07, v15  }
0xa7: {  	v2 =	vld [tilespmem:s7+$0x0];
	v3 =	vmul.f32 $6.400000000e+01, v3;
	v53 =	vadd.f32 $1.258291200e+07, v14;
	v19 =	vadd.f32 $1.258291200e+07, v19  }
0xa8: {  	vm14 =	vle.f32 v6, $1.000000000e+00;
	v14 =	vmax.f32 v54, $0.0e+00;
	v10 =	vadd.f32 $-5.000000000e-01, v10  }
0xa9: {  	v60 =	vsel vm14, $0x0, v0;
	v7 =	vmax.f32 v7, $0.0e+00;
	v21 =	vadd.f32 $-5.000000000e-01, v3  }
0xaa: {  	v11 =	vmax.f32 v11, $0.0e+00;
	v3 =	vadd.f32 $1.258291200e+07, v18;
	v5 =	vadd.f32 $-1.258291200e+07, v15  }
0xab: {  	v12 =	vadd.f32 $-1.258291200e+07, v53;
	v14 =	vmin.f32 v14, $1.270000000e+02;
	v59 =	vadd.f32 $-1.258291200e+07, v19  }
0xac: {  	v18 =	vadd.f32 $-1.258291200e+07, v3;
	v3 =	vand.u32 $0x7FFFFFFF, v8;
	v57 =	vadd.f32 $1.000000000e+00, v2  }
0xad: {  	v8 =	vand.u32 $0x7FFFFFFF, v16;
	v16 =	vmul.f32 $6.400000000e+01, v52;
	v5 =	vmax.f32 v5, $0.0e+00  }
0xae: {  	v5 =	vmin.f32 v5, $1.270000000e+02;
	v55 =	vmax.f32 v18, $0.0e+00;
	v18 =	vmul.f32 $6.400000000e+01, v57  }
0xaf: {  	v10 =	vadd.f32 $1.258291200e+07, v10;
	v12 =	vmax.f32 v12, $0.0e+00;
	v5 =	vmul.f32 $1.280000000e+02, v5  }
0xb0: {  	v12 =	vmin.f32 v12, $1.270000000e+02;
	v16 =	vadd.f32 $-5.000000000e-01, v16;
	v58 =	vadd.f32 $-5.000000000e-01, v18  }
0xb1: {  	v63 =	vmin.f32 v7, $1.270000000e+02;
	v56 =	vadd.f32 $1.258291200e+07, v21;
	v5 =	vadd.f32 v5, v12  }
0xb2: {  	v62 =	vmax.f32 v59, $0.0e+00;
	v16 =	vadd.f32 $1.258291200e+07, v16;
	v12 =	vadd.f32 $1.258291200e+07, v58  }
0xb3: {  	v10 =	vadd.f32 $-1.258291200e+07, v10;
	v8 =	vmax.f32 v9, v8;
	v17 =	vadd.f32 $-1.258291200e+07, v56  }
0xb4: {  	v15 =	vmin.f32 v55, $1.270000000e+02;
	v16 =	vadd.f32 $-1.258291200e+07, v16;
	v6 =	vadd.f32 $-1.258291200e+07, v12  }
0xb5: {  	v10 =	vmax.f32 v10, $0.0e+00;
	v17 =	vmax.f32 v17, $0.0e+00;
	v5 =	vmul.f32 $1.280000000e+02, v5  }
0xb6: {  	v10 =	vmin.f32 v10, $1.270000000e+02;
	v61 =	vmax.f32 v16, $0.0e+00;
	v6 =	vmax.f32 v6, $0.0e+00  }
0xb7: {  	v5 =	vadd.f32 v5, v14;
	v12 =	vmin.f32 v61, $1.270000000e+02;
	v6 =	vmin.f32 v6, $1.270000000e+02  }
0xb8: {  	v16 =	vmin.f32 v62, $1.270000000e+02;
	v12 =	vmul.f32 $1.280000000e+02, v12;
	v6 =	vmul.f32 $1.280000000e+02, v6  }
0xb9: {  	v17 =	vmin.f32 v17, $1.270000000e+02;
	v16 =	vmul.f32 $1.280000000e+02, v16;
	v5 =	vtrunc.f32 v5  }
0xba: {  	v5 =	vcvt.f32.s32 v5;
	v10 =	vadd.f32 v12, v10;
	v6 =	vadd.f32 v6, v15  }
0xbb: {  	s8 =	simm.s32 $0xE020;
	v7 =	vmin.f32 v11, $1.270000000e+02;
	vm15 =	vle.f32 v8, $1.000000000e+00;
	v11 =	vadd.f32 v16, v17  }
0xbc: {  	[tilespmem:s8+$0xFFFFFFF0] =	vst v5;
	v5 =	vmax.f32 v13, $0.0e+00;
	v10 =	vmul.f32 $1.280000000e+02, v10;
	v15 =	vmul.f32 $1.280000000e+02, v6  }
0xbd: {  	s7 =	simm.s32 $0x12020;
	v9 =	vand.u32 $0x7FFFFFFF, v20;
	v8 =	vmin.f32 v5, $1.270000000e+02;
	v5 =	vsel vm15, $0x0, v0  }
0xbe: {  	s9 =	simm.s32 $0xE060;
	s10 =	simm.s32 $0x12060;
	s11 =	simm.s32 $0x6060;
	[tilespmem:s7+$0xFFFFFFF0] =	vst v60;
	v6 =	vmul.f32 $1.280000000e+02, v11;
	v7 =	vadd.f32 v10, v7;
	v10 =	vadd.f32 v15, v63  }
.LBB2_4:
0xbf: {  	s12 =	sadd.s32 $0x50, s6  }
0xc0: {  	v11 =	vld [tilespmem:s11+$0xFFFFFFF0];
	s13 =	sadd.s32 $0x70, s6;
	v4 =	vmax.f32 v4, v9;
	v9 =	vand.u32 $0x7FFFFFFF, v1;
	v2 =	vand.u32 $0x7FFFFFFF, v2;
	s14 =	smov.u32 s6;
	s6 =	sadd.s32 $0x40, s6  }
0xc1: {  	s15 =	sand.u32 $0x1F80, s6;
	s12 =	sand.u32 $0x50, s12;
	s14 =	sadd.s32 $0x60, s14;
	v1 =	vld [tilespmem:s11+$0x0];
	vm0 =	vle.f32 v4, $1.000000000e+00;
	v4 =	vtrunc.f32 v10;
	v3 =	vmax.f32 v9, v3  }
0xc2: {  	v9 =	vld [tilespmem:s11+$0xFFFFFFE0];
	s16 =	sor.u32 $0x8000, s15;
	s15 =	sor.u32 $0xA000, s15;
	s14 =	sand.u32 $0x60, s14;
	v10 =	vsel vm0, $0x0, v0;
	v2 =	vmax.f32 v3, v2;
	v3 =	vadd.f32 v6, v8  }
0xc3: {  	v7 =	vtrunc.f32 v7;
	s17 =	sand.u32 $0x40, s6;
	s13 =	sand.u32 $0x70, s13;
	v4 =	vcvt.f32.s32 v4;
	s18 =	sor.u32 s12, s16;
	v6 =	vld [tilespmem:s11+$0x10];
	vm0 =	vle.f32 v2, $1.000000000e+00  }
0xc4: {  	v7 =	vcvt.f32.s32 v7;
	s19 =	sor.u32 s17, s16;
	s12 =	sor.u32 s12, s15;
	v2 =	vld [tilespmem:s18+$0x0];
	s18 =	sor.u32 s14, s15;
	v3 =	vtrunc.f32 v3  }
0xc5: {  	v8 =	vld [tilespmem:s12+$0x0];
	v12 =	vadd.f32 $1.000000000e+00, v11;
	s12 =	sor.u32 s14, s16;
	s14 =	sor.u32 s13, s16;
	s13 =	sor.u32 s13, s15;
	[tilespmem:s8+$0x0] =	vst v4;
	v3 =	vcvt.f32.s32 v3  }
0xc6: {  	p0 =	slt.u32 s6, $0x1FC0;
	s15 =	sor.u32 s17, s15;
	v4 =	vand.u32 $0x7FFFFFFF, v11;
	v11 =	vld [tilespmem:s12+$0x0];
	v13 =	vadd.f32 $1.000000000e+00, v1;
	[tilespmem:s8+$0xFFFFFFE0] =	vst v7;
	v7 =	vsel vm0, $0x0, v0  }
0xc7: {  	v14 =	vld [tilespmem:s19+$0x0];
	v15 =	vadd.f32 $1.000000000e+00, v9;
	v9 =	vand.u32 $0x7FFFFFFF, v9;
	v12 =	vmul.f32 $6.400000000e+01, v12;
	[tilespmem:s8+$0x10] =	vst v3;
	s8 =	smov.u32 s9  }
0xc8: {  	v3 =	vmul.f32 $6.400000000e+01, v13;
	v13 =	vld [tilespmem:s14+$0x0];
	v16 =	vadd.f32 $1.000000000e+00, v6;
	v6 =	vand.u32 $0x7FFFFFFF, v6;
	[tilespmem:s7+$0x10] =	vst v5  }
0xc9: {  	v5 =	vld [tilespmem:s15+$0x0];
	v15 =	vmul.f32 $6.400000000e+01, v15;
	v17 =	vadd.f32 $1.000000000e+00, v2;
	v12 =	vadd.f32 $-5.000000000e-01, v12;
	[tilespmem:s7+$0xFFFFFFE0] =	vst v10  }
0xca: {  	v10 =	vadd.f32 $1.000000000e+00, v8;
	v18 =	vadd.f32 $-5.000000000e-01, v3;
	v19 =	vld [tilespmem:s13+$0x0];
	v3 =	vmul.f32 $6.400000000e+01, v16;
	[tilespmem:s7+$0x0] =	vst v7;
	s7 =	smov.u32 s10  }
0xcb: {  	v16 =	vand.u32 $0x7FFFFFFF, v2;
	v7 =	vmul.f32 $6.400000000e+01, v17;
	v12 =	vadd.f32 $1.258291200e+07, v12;
	v2 =	vld [tilespmem:s18+$0x0]  }
0xcc: {  	v20 =	vadd.f32 $1.000000000e+00, v11;
	v17 =	vand.u32 $0x7FFFFFFF, v14;
	v10 =	vmul.f32 $6.400000000e+01, v10  }
0xcd: {  	v15 =	vadd.f32 $-5.000000000e-01, v15;
	v4 =	vmax.f32 v4, v16;
	v16 =	vadd.f32 $1.000000000e+00, v13  }
0xce: {  	v20 =	vmul.f32 $6.400000000e+01, v20;
	v13 =	vand.u32 $0x7FFFFFFF, v13;
	v10 =	vadd.f32 $-5.000000000e-01, v10  }
0xcf: {  	v14 =	vadd.f32 $1.000000000e+00, v14;
	v21 =	vadd.f32 $1.000000000e+00, v19;
	v16 =	vmul.f32 $6.400000000e+01, v16  }
0xd0: {  	v8 =	vand.u32 $0x7FFFFFFF, v8;
	v7 =	vadd.f32 $-5.000000000e-01, v7;
	v20 =	vadd.f32 $-5.000000000e-01, v20  }
0xd1: {  	v22 =	vadd.f32 $-5.000000000e-01, v3;
	v21 =	vmul.f32 $6.400000000e+01, v21;
	v16 =	vadd.f32 $-5.000000000e-01, v16  }
0xd2: {  	v15 =	vadd.f32 $1.258291200e+07, v15;
	v14 =	vmul.f32 $6.400000000e+01, v14;
	v3 =	vadd.f32 $1.258291200e+07, v20  }
0xd3: {  	v8 =	vmax.f32 v4, v8;
	v6 =	vmax.f32 v6, v13;
	v10 =	vadd.f32 $1.258291200e+07, v10  }
0xd4: {  	v13 =	vadd.f32 $-1.258291200e+07, v3;
	v3 =	vand.u32 $0x7FFFFFFF, v11;
	v11 =	vand.u32 $0x7FFFFFFF, v19  }
0xd5: {  	v4 =	vmax.f32 v9, v17;
	v9 =	vadd.f32 $-1.258291200e+07, v10;
	v19 =	vadd.f32 $1.000000000e+00, v5  }
0xd6: {  	v7 =	vadd.f32 $1.258291200e+07, v7;
	v10 =	vadd.f32 $-1.258291200e+07, v12;
	v12 =	vmax.f32 v13, $0.0e+00  }
0xd7: {  	v16 =	vadd.f32 $1.258291200e+07, v16;
	v9 =	vmax.f32 v9, $0.0e+00;
	v13 =	vmul.f32 $6.400000000e+01, v19  }
0xd8: {  	v7 =	vadd.f32 $-1.258291200e+07, v7;
	v10 =	vmax.f32 v10, $0.0e+00;
	v12 =	vmin.f32 v12, $1.270000000e+02  }
0xd9: {  	v17 =	vadd.f32 $1.000000000e+00, v2;
	v10 =	vmin.f32 v10, $1.270000000e+02;
	v16 =	vadd.f32 $-1.258291200e+07, v16  }
0xda: {  	v7 =	vmax.f32 v7, $0.0e+00;
	v9 =	vmin.f32 v9, $1.270000000e+02;
	v19 =	vadd.f32 $-5.000000000e-01, v21  }
0xdb: {  	v14 =	vadd.f32 $-5.000000000e-01, v14;
	v17 =	vmul.f32 $6.400000000e+01, v17;
	v9 =	vmul.f32 $1.280000000e+02, v9  }
0xdc: {  	v7 =	vmin.f32 v7, $1.270000000e+02;
	v13 =	vadd.f32 $-5.000000000e-01, v13;
	v19 =	vadd.f32 $1.258291200e+07, v19  }
0xdd: {  	v16 =	vmax.f32 v16, $0.0e+00;
	v7 =	vadd.f32 v9, v7;
	v9 =	vadd.f32 $-5.000000000e-01, v17  }
0xde: {  	v14 =	vadd.f32 $1.258291200e+07, v14;
	v16 =	vmin.f32 v16, $1.270000000e+02;
	v13 =	vadd.f32 $1.258291200e+07, v13  }
0xdf: {  	v17 =	vadd.f32 $-1.258291200e+07, v19;
	v7 =	vmul.f32 $1.280000000e+02, v7;
	v9 =	vadd.f32 $1.258291200e+07, v9  }
0xe0: {  	vm0 =	vle.f32 v8, $1.000000000e+00;
	v14 =	vadd.f32 $-1.258291200e+07, v14;
	v13 =	vadd.f32 $-1.258291200e+07, v13  }
0xe1: {  	v8 =	vsel vm0, $0x0, v0;
	v7 =	vadd.f32 v7, v10;
	v9 =	vadd.f32 $-1.258291200e+07, v9  }
0xe2: {  	v10 =	vmax.f32 v13, $0.0e+00;
	v13 =	vmax.f32 v14, $0.0e+00;
	v14 =	vadd.f32 $1.258291200e+07, v18  }
0xe3: {  	v13 =	vmin.f32 v13, $1.270000000e+02;
	v7 =	vtrunc.f32 v7;
	v9 =	vmax.f32 v9, $0.0e+00  }
0xe4: {  	v17 =	vmax.f32 v17, $0.0e+00;
	v18 =	vadd.f32 $1.258291200e+07, v22;
	v7 =	vcvt.f32.s32 v7  }
0xe5: {  	v17 =	vmin.f32 v17, $1.270000000e+02;
	v10 =	vmin.f32 v10, $1.270000000e+02;
	v14 =	vadd.f32 $-1.258291200e+07, v14  }
0xe6: {  	v15 =	vadd.f32 $-1.258291200e+07, v15;
	v10 =	vmul.f32 $1.280000000e+02, v10;
	[tilespmem:s9+$0xFFFFFFF0] =	vst v7;
	v7 =	vmin.f32 v9, $1.270000000e+02  }
0xe7: {  	v9 =	vmul.f32 $1.280000000e+02, v17;
	[tilespmem:s10+$0xFFFFFFF0] =	vst v8;
	v7 =	vmul.f32 $1.280000000e+02, v7;
	v8 =	vmax.f32 v14, $0.0e+00  }
0xe8: {  	v10 =	vadd.f32 v10, v13;
	v13 =	vmax.f32 v15, $0.0e+00;
	v8 =	vmin.f32 v8, $1.270000000e+02  }
.Ltmp1:
0xe9: {  	v13 =	vmin.f32 v13, $1.270000000e+02;
	v9 =	vadd.f32 v9, v16;
	v7 =	vadd.f32 v7, v12;
	(pc) =	sbr.rel @p0 .LBB2_4-.Ltmp1, $4  }
0xea: {  	v11 =	vmax.f32 v6, v11;
	v10 =	vmul.f32 $1.280000000e+02, v10;
	v12 =	vadd.f32 $-1.258291200e+07, v18  }
0xeb: {  	vm0 =	vle.f32 v11, $1.000000000e+00;
	v6 =	vmul.f32 $1.280000000e+02, v9;
	v14 =	vmul.f32 $1.280000000e+02, v7  }
0xec: {  	v9 =	vand.u32 $0x7FFFFFFF, v5;
	v7 =	vadd.f32 v10, v13;
	v5 =	vmax.f32 v12, $0.0e+00  }
0xed: {  	s11 =	sadd.s32 $0x40, s11;
	s9 =	sadd.s32 $0x40, s9;
	s10 =	sadd.s32 $0x40, s10;
	v10 =	vadd.f32 v14, v8;
	v8 =	vmin.f32 v5, $1.270000000e+02;
	v5 =	vsel vm0, $0x0, v0  }
0xee: {  	v6 =	vadd.f32 v6, v8;
	v7 =	vtrunc.f32 v7  }
0xef: {  	v1 =	vand.u32 $0x7FFFFFFF, v1;
	v10 =	vtrunc.f32 v10;
	v7 =	vcvt.f32.s32 v7  }
0xf0: {  	v4 =	vmax.f32 v4, v9;
	v2 =	vand.u32 $0x7FFFFFFF, v2;
	v8 =	vcvt.f32.s32 v10  }
0xf1: {  	v1 =	vmax.f32 v1, v3;
	vm0 =	vle.f32 v4, $1.000000000e+00;
	v6 =	vtrunc.f32 v6;
	[tilespmem:s8+$0xFFFFFFE0] =	vst v7  }
0xf2: {  	v1 =	vmax.f32 v1, v2;
	v2 =	vsel vm0, $0x0, v0;
	v6 =	vcvt.f32.s32 v6;
	[tilespmem:s8+$0x0] =	vst v8  }
0xf3: {  	vm15 =	vle.f32 v1, $1.000000000e+00;
	[tilespmem:s7+$0xFFFFFFE0] =	vst v2  }
0xf4: {  	v1 =	vsel vm15, $0x0, v0;
	[tilespmem:s8+$0x10] =	vst v6  }
0xf5: {  	[tilespmem:s7+$0x0] =	vst v1  }
0xf6: {  	[tilespmem:s7+$0x10] =	vst v5  }
0xf7: {  	[tilespmem:s30], [sflag:$0x2] =	stream.indirect.gather [hbm4b:s2+s21], $0x1, s29, s21, $0xb8;
	[tilespmem:$0x18000] =	vst v63  }
0xf8: {  	_ =	swait.ge [sflag:s31], $0x2000  }
0xf9: {  	[sflag:s31] =	ssyncset.done $0x0  }
0xfa: {  	s6 =	simm.s32 $0x14020;
	[sflag:s31] =	ssyncadd.s32 $0xFFFFE000  }
0xfb: {  	s7 =	simm.s32 $0x10020;
	v6 =	vld [tilespmem:s6+$0x10]  }
0xfc: {  	v7 =	vld [tilespmem:s7+$0x10]  }
0xfd: {  	v3 =	vld [tilespmem:s7+$0xFFFFFFE0]  }
0xfe: {  	v1 =	vld [tilespmem:s6+$0xFFFFFFF0]  }
0xff: {  	v5 =	vld [tilespmem:s7+$0xFFFFFFF0]  }
0x100: {  	v2 =	vld [tilespmem:s6+$0x0]  }
0x101: {  	v4 =	vld [tilespmem:s7+$0x0];
	v7 =	vadd.f32 v7, v6  }
0x102: {  	s9 =	simm.s32 $0x14060;
	s8 =	simm.s32 $0x0;
	v6 =	vld [tilespmem:s6+$0xFFFFFFE0]  }
.LBB2_6:
0x103: {  	v8 =	vld [tilespmem:s9+$0x10];
	[tilespmem:s6+$0x10] =	vst v7;
	s7 =	sadd.s32 $0x40, s7  }
0x104: {  	s8 =	sadd.s32 $0x40, s8;
	v7 =	vld [tilespmem:s7+$0x10];
	v5 =	vadd.f32 v5, v1  }
0x105: {  	p0 =	slt.u32 s8, $0x1FC0;
	v9 =	vld [tilespmem:s7+$0xFFFFFFE0]  }
.Ltmp2:
0x106: {  	v1 =	vld [tilespmem:s9+$0xFFFFFFF0];
	[tilespmem:s6+$0xFFFFFFF0] =	vst v5;
	v4 =	vadd.f32 v4, v2;
	(pc) =	sbr.rel @p0 .LBB2_6-.Ltmp2, $4  }
0x107: {  	v5 =	vld [tilespmem:s7+$0xFFFFFFF0];
	v10 =	vadd.f32 v3, v6  }
0x108: {  	v2 =	vld [tilespmem:s9+$0x0];
	[tilespmem:s6+$0x0] =	vst v4  }
0x109: {  	v4 =	vld [tilespmem:s7+$0x0];
	v7 =	vadd.f32 v7, v8;
	[tilespmem:s6+$0xFFFFFFE0] =	vst v10;
	s6 =	smov.u32 s9  }
0x10a: {  	s9 =	sadd.s32 $0x40, s9;
	v6 =	vld [tilespmem:s6+$0xFFFFFFE0];
	v3 =	vmov v9  }
0x10b: {  	_ =	sdelay $0x1  }
0x10c: {  	v1 =	vadd.f32 v5, v1  }
0x10d: {  	[tilespmem:s6+$0x10] =	vst v7;
	v2 =	vadd.f32 v4, v2  }
0x10e: {  	[tilespmem:s6+$0xFFFFFFF0] =	vst v1;
	v1 =	vadd.f32 v3, v6  }
0x10f: {  	[tilespmem:s6+$0x0] =	vst v2  }
0x110: {  	[tilespmem:s6+$0xFFFFFFE0] =	vst v1  }
0x111: {  	s6 =	rddreg [dreg:$0x6]  }
0x112: {  	[hbm4b:s6+s3] =	stream.linear.scatter [tilespmem:s26], [sflag:$0x3], $0x2000, $0x38;
	[tilespmem:$0x18000] =	vst v63  }
0x113: {  	_ =	swait.ge [sflag:s28], $0x6000  }
0x114: {  	[sflag:s28] =	ssyncset.done $0x0  }
0x115: {  	s7 =	simm.s32 $0x20;
	s13 =	rddreg [dreg:$0x7];
	[sflag:s28] =	ssyncadd.s32 $0xFFFFA000  }
0x116: {  	[tilespmem:s24], [sflag:$0x5] =	stream.strided.gather [hbm4b:s13+s21], $0x6000, s22, s21, $0x38;
	[tilespmem:$0x18000] =	vst v63  }
0x117: {  	s6 =	simm.s32 $0x0;
	v2 =	vld [tilespmem:s7+$0xFFFFFFF0]  }
0x118: {  	s8 =	simm.s32 $0x10;
	s9 =	sand.u32 $0x1F80, s6;
	v1 =	vld [tilespmem:s7+$0x0]  }
0x119: {  	s8 =	sand.u32 $0x50, s8;
	s10 =	sor.u32 $0x2000, s9;
	v3 =	vld [tilespmem:s7+$0xFFFFFFE0]  }
0x11a: {  	s9 =	sor.u32 $0x4000, s9;
	s12 =	sor.u32 s8, s10;
	v4 =	vld [tilespmem:s7+$0x10]  }
0x11b: {  	s11 =	simm.s32 $0x20;
	s15 =	sand.u32 $0x40, s6;
	s8 =	sor.u32 s8, s9;
	v5 =	vld [tilespmem:s12+$0x0]  }
0x11c: {  	s14 =	simm.s32 $0x30;
	s19 =	sor.u32 s15, s9;
	s7 =	sand.u32 $0x60, s11;
	v6 =	vld [tilespmem:s8+$0x0]  }
0x11d: {  	s11 =	sand.u32 $0x70, s14;
	v20 =	vld [tilespmem:s19+$0x0];
	s16 =	sor.u32 s7, s10  }
0x11e: {  	s18 =	sor.u32 s11, s9;
	v8 =	vld [tilespmem:s16+$0x0]  }
0x11f: {  	v16 =	vld [tilespmem:s18+$0x0]  }
0x120: {  	v7 =	vadd.f32 $1.000000000e+00, v2;
	v2 =	vand.u32 $0x7FFFFFFF, v2;
	v9 =	vadd.f32 $1.000000000e+00, v1  }
0x121: {  	v11 =	vadd.f32 $1.000000000e+00, v3;
	v12 =	vand.u32 $0x7FFFFFFF, v3;
	v13 =	vadd.f32 $1.000000000e+00, v4  }
0x122: {  	v14 =	vadd.f32 $1.000000000e+00, v5;
	v15 =	vadd.f32 $1.000000000e+00, v6;
	v3 =	vmul.f32 $6.400000000e+01, v7  }
0x123: {  	s13 =	sor.u32 s15, s10;
	v52 =	vadd.f32 $1.000000000e+00, v20;
	v7 =	vmul.f32 $6.400000000e+01, v9;
	v11 =	vmul.f32 $6.400000000e+01, v11  }
0x124: {  	v10 =	vld [tilespmem:s13+$0x0];
	v15 =	vmul.f32 $6.400000000e+01, v15;
	v18 =	vadd.f32 $1.000000000e+00, v8;
	v19 =	vadd.f32 $1.000000000e+00, v16  }
0x125: {  	v14 =	vmul.f32 $6.400000000e+01, v14;
	v3 =	vadd.f32 $-5.000000000e-01, v3;
	v7 =	vadd.f32 $-5.000000000e-01, v7  }
0x126: {  	s17 =	sor.u32 s11, s10;
	v13 =	vmul.f32 $6.400000000e+01, v13;
	v11 =	vadd.f32 $-5.000000000e-01, v11;
	v15 =	vadd.f32 $-5.000000000e-01, v15  }
0x127: {  	v9 =	vld [tilespmem:s17+$0x0];
	v18 =	vmul.f32 $6.400000000e+01, v18;
	v14 =	vadd.f32 $-5.000000000e-01, v14;
	v19 =	vmul.f32 $6.400000000e+01, v19  }
0x128: {  	v13 =	vadd.f32 $-5.000000000e-01, v13;
	v17 =	vadd.f32 $1.258291200e+07, v3;
	v3 =	vand.u32 $0x7FFFFFFF, v5  }
0x129: {  	v5 =	vand.u32 $0x7FFFFFFF, v10;
	v10 =	vadd.f32 $1.000000000e+00, v10;
	v18 =	vadd.f32 $-5.000000000e-01, v18  }
0x12a: {  	v4 =	vand.u32 $0x7FFFFFFF, v4;
	v11 =	vadd.f32 $1.258291200e+07, v11;
	v15 =	vadd.f32 $1.258291200e+07, v15  }
0x12b: {  	v6 =	vand.u32 $0x7FFFFFFF, v6;
	v53 =	vadd.f32 $1.258291200e+07, v14;
	v19 =	vadd.f32 $-5.000000000e-01, v19  }
0x12c: {  	v2 =	vmax.f32 v2, v3;
	v3 =	vadd.f32 $1.000000000e+00, v9;
	v9 =	vand.u32 $0x7FFFFFFF, v9  }
0x12d: {  	v7 =	vadd.f32 $1.258291200e+07, v7;
	v13 =	vadd.f32 $1.258291200e+07, v13;
	v9 =	vmax.f32 v4, v9  }
0x12e: {  	v4 =	vmax.f32 v12, v5;
	v5 =	vadd.f32 $-1.258291200e+07, v15;
	v54 =	vadd.f32 $-1.258291200e+07, v17  }
0x12f: {  	s7 =	sor.u32 s7, s9;
	v10 =	vmul.f32 $6.400000000e+01, v10;
	v12 =	vadd.f32 $-1.258291200e+07, v53;
	v19 =	vadd.f32 $1.258291200e+07, v19  }
0x130: {  	v6 =	vmax.f32 v2, v6;
	v2 =	vld [tilespmem:s7+$0x0];
	v7 =	vadd.f32 $-1.258291200e+07, v7;
	v11 =	vadd.f32 $-1.258291200e+07, v11  }
0x131: {  	v13 =	vadd.f32 $-1.258291200e+07, v13;
	v3 =	vmul.f32 $6.400000000e+01, v3;
	vm0 =	vle.f32 v6, $1.000000000e+00  }
0x132: {  	v5 =	vmax.f32 v5, $0.0e+00;
	v14 =	vmax.f32 v54, $0.0e+00;
	v10 =	vadd.f32 $-5.000000000e-01, v10  }
0x133: {  	v12 =	vmax.f32 v12, $0.0e+00;
	v21 =	vadd.f32 $-5.000000000e-01, v3;
	v3 =	vadd.f32 $1.258291200e+07, v18  }
0x134: {  	v59 =	vadd.f32 $-1.258291200e+07, v19;
	v60 =	vsel vm0, $0x0, v0;
	v7 =	vmax.f32 v7, $0.0e+00  }
0x135: {  	v11 =	vmax.f32 v11, $0.0e+00;
	v18 =	vadd.f32 $-1.258291200e+07, v3;
	v57 =	vadd.f32 $1.000000000e+00, v2  }
0x136: {  	v5 =	vmin.f32 v5, $1.270000000e+02;
	v3 =	vand.u32 $0x7FFFFFFF, v8;
	v8 =	vand.u32 $0x7FFFFFFF, v16  }
0x137: {  	v16 =	vmul.f32 $6.400000000e+01, v52;
	v55 =	vmax.f32 v18, $0.0e+00;
	v18 =	vmul.f32 $6.400000000e+01, v57  }
0x138: {  	v14 =	vmin.f32 v14, $1.270000000e+02;
	v12 =	vmin.f32 v12, $1.270000000e+02;
	v5 =	vmul.f32 $1.280000000e+02, v5  }
0x139: {  	v63 =	vmin.f32 v7, $1.270000000e+02;
	v16 =	vadd.f32 $-5.000000000e-01, v16;
	v58 =	vadd.f32 $-5.000000000e-01, v18  }
0x13a: {  	v7 =	vmin.f32 v11, $1.270000000e+02;
	v10 =	vadd.f32 $1.258291200e+07, v10;
	v5 =	vadd.f32 v5, v12  }
0x13b: {  	v62 =	vmax.f32 v59, $0.0e+00;
	v16 =	vadd.f32 $1.258291200e+07, v16;
	v12 =	vadd.f32 $1.258291200e+07, v58  }
0x13c: {  	v56 =	vadd.f32 $1.258291200e+07, v21;
	v10 =	vadd.f32 $-1.258291200e+07, v10;
	v5 =	vmul.f32 $1.280000000e+02, v5  }
0x13d: {  	v8 =	vmax.f32 v9, v8;
	v16 =	vadd.f32 $-1.258291200e+07, v16;
	v6 =	vadd.f32 $-1.258291200e+07, v12  }
0x13e: {  	v17 =	vadd.f32 $-1.258291200e+07, v56;
	v15 =	vmin.f32 v55, $1.270000000e+02;
	v5 =	vadd.f32 v5, v14  }
0x13f: {  	v10 =	vmax.f32 v10, $0.0e+00;
	v61 =	vmax.f32 v16, $0.0e+00;
	v6 =	vmax.f32 v6, $0.0e+00  }
0x140: {  	v5 =	vtrunc.f32 v5;
	v12 =	vmin.f32 v61, $1.270000000e+02;
	v6 =	vmin.f32 v6, $1.270000000e+02  }
0x141: {  	v17 =	vmax.f32 v17, $0.0e+00;
	v12 =	vmul.f32 $1.280000000e+02, v12;
	v6 =	vmul.f32 $1.280000000e+02, v6  }
0x142: {  	v10 =	vmin.f32 v10, $1.270000000e+02;
	v5 =	vcvt.f32.s32 v5;
	v16 =	vmin.f32 v62, $1.270000000e+02  }
0x143: {  	s8 =	simm.s32 $0xC020;
	v16 =	vmul.f32 $1.280000000e+02, v16;
	v10 =	vadd.f32 v12, v10;
	v6 =	vadd.f32 v6, v15  }
0x144: {  	vm15 =	vle.f32 v8, $1.000000000e+00;
	v17 =	vmin.f32 v17, $1.270000000e+02;
	[tilespmem:s8+$0xFFFFFFF0] =	vst v5;
	v5 =	vmax.f32 v13, $0.0e+00  }
0x145: {  	v11 =	vadd.f32 v16, v17;
	v10 =	vmul.f32 $1.280000000e+02, v10;
	v15 =	vmul.f32 $1.280000000e+02, v6  }
0x146: {  	s7 =	simm.s32 $0x10020;
	v9 =	vand.u32 $0x7FFFFFFF, v20;
	v8 =	vmin.f32 v5, $1.270000000e+02;
	v5 =	vsel vm15, $0x0, v0  }
0x147: {  	s9 =	simm.s32 $0xC060;
	s10 =	simm.s32 $0x10060;
	s11 =	simm.s32 $0x60;
	[tilespmem:s7+$0xFFFFFFF0] =	vst v60;
	v6 =	vmul.f32 $1.280000000e+02, v11;
	v7 =	vadd.f32 v10, v7;
	v10 =	vadd.f32 v15, v63  }
.LBB2_8:
0x148: {  	s12 =	sadd.s32 $0x50, s6  }
0x149: {  	v11 =	vld [tilespmem:s11+$0xFFFFFFF0];
	s13 =	sadd.s32 $0x70, s6;
	v4 =	vmax.f32 v4, v9;
	v9 =	vand.u32 $0x7FFFFFFF, v1;
	v2 =	vand.u32 $0x7FFFFFFF, v2;
	s14 =	smov.u32 s6;
	s6 =	sadd.s32 $0x40, s6  }
0x14a: {  	s15 =	sand.u32 $0x1F80, s6;
	s12 =	sand.u32 $0x50, s12;
	s14 =	sadd.s32 $0x60, s14;
	v1 =	vld [tilespmem:s11+$0x0];
	vm0 =	vle.f32 v4, $1.000000000e+00;
	v4 =	vtrunc.f32 v10;
	v3 =	vmax.f32 v9, v3  }
0x14b: {  	v9 =	vld [tilespmem:s11+$0xFFFFFFE0];
	s16 =	sor.u32 $0x2000, s15;
	s15 =	sor.u32 $0x4000, s15;
	s14 =	sand.u32 $0x60, s14;
	v10 =	vsel vm0, $0x0, v0;
	v2 =	vmax.f32 v3, v2;
	v3 =	vadd.f32 v6, v8  }
0x14c: {  	v7 =	vtrunc.f32 v7;
	s17 =	sand.u32 $0x40, s6;
	s13 =	sand.u32 $0x70, s13;
	v4 =	vcvt.f32.s32 v4;
	s18 =	sor.u32 s12, s16;
	v6 =	vld [tilespmem:s11+$0x10];
	vm0 =	vle.f32 v2, $1.000000000e+00  }
0x14d: {  	v7 =	vcvt.f32.s32 v7;
	s19 =	sor.u32 s17, s16;
	s12 =	sor.u32 s12, s15;
	v2 =	vld [tilespmem:s18+$0x0];
	s18 =	sor.u32 s14, s15;
	v3 =	vtrunc.f32 v3  }
0x14e: {  	v8 =	vld [tilespmem:s12+$0x0];
	v12 =	vadd.f32 $1.000000000e+00, v11;
	s12 =	sor.u32 s14, s16;
	s14 =	sor.u32 s13, s16;
	s13 =	sor.u32 s13, s15;
	[tilespmem:s8+$0x0] =	vst v4;
	v3 =	vcvt.f32.s32 v3  }
0x14f: {  	p0 =	slt.u32 s6, $0x1FC0;
	s15 =	sor.u32 s17, s15;
	v4 =	vand.u32 $0x7FFFFFFF, v11;
	v11 =	vld [tilespmem:s12+$0x0];
	v13 =	vadd.f32 $1.000000000e+00, v1;
	[tilespmem:s8+$0xFFFFFFE0] =	vst v7;
	v7 =	vsel vm0, $0x0, v0  }
0x150: {  	v14 =	vld [tilespmem:s19+$0x0];
	v15 =	vadd.f32 $1.000000000e+00, v9;
	v9 =	vand.u32 $0x7FFFFFFF, v9;
	v12 =	vmul.f32 $6.400000000e+01, v12;
	[tilespmem:s8+$0x10] =	vst v3;
	s8 =	smov.u32 s9  }
0x151: {  	v3 =	vmul.f32 $6.400000000e+01, v13;
	v13 =	vld [tilespmem:s14+$0x0];
	v16 =	vadd.f32 $1.000000000e+00, v6;
	v6 =	vand.u32 $0x7FFFFFFF, v6;
	[tilespmem:s7+$0x10] =	vst v5  }
0x152: {  	v5 =	vld [tilespmem:s15+$0x0];
	v15 =	vmul.f32 $6.400000000e+01, v15;
	v17 =	vadd.f32 $1.000000000e+00, v2;
	v12 =	vadd.f32 $-5.000000000e-01, v12;
	[tilespmem:s7+$0xFFFFFFE0] =	vst v10  }
0x153: {  	v10 =	vadd.f32 $1.000000000e+00, v8;
	v18 =	vadd.f32 $-5.000000000e-01, v3;
	v19 =	vld [tilespmem:s13+$0x0];
	v3 =	vmul.f32 $6.400000000e+01, v16;
	[tilespmem:s7+$0x0] =	vst v7;
	s7 =	smov.u32 s10  }
0x154: {  	v16 =	vand.u32 $0x7FFFFFFF, v2;
	v7 =	vmul.f32 $6.400000000e+01, v17;
	v12 =	vadd.f32 $1.258291200e+07, v12;
	v2 =	vld [tilespmem:s18+$0x0]  }
0x155: {  	v20 =	vadd.f32 $1.000000000e+00, v11;
	v17 =	vand.u32 $0x7FFFFFFF, v14;
	v10 =	vmul.f32 $6.400000000e+01, v10  }
0x156: {  	v15 =	vadd.f32 $-5.000000000e-01, v15;
	v4 =	vmax.f32 v4, v16;
	v16 =	vadd.f32 $1.000000000e+00, v13  }
0x157: {  	v20 =	vmul.f32 $6.400000000e+01, v20;
	v13 =	vand.u32 $0x7FFFFFFF, v13;
	v10 =	vadd.f32 $-5.000000000e-01, v10  }
0x158: {  	v14 =	vadd.f32 $1.000000000e+00, v14;
	v21 =	vadd.f32 $1.000000000e+00, v19;
	v16 =	vmul.f32 $6.400000000e+01, v16  }
0x159: {  	v8 =	vand.u32 $0x7FFFFFFF, v8;
	v7 =	vadd.f32 $-5.000000000e-01, v7;
	v20 =	vadd.f32 $-5.000000000e-01, v20  }
0x15a: {  	v22 =	vadd.f32 $-5.000000000e-01, v3;
	v21 =	vmul.f32 $6.400000000e+01, v21;
	v16 =	vadd.f32 $-5.000000000e-01, v16  }
0x15b: {  	v15 =	vadd.f32 $1.258291200e+07, v15;
	v14 =	vmul.f32 $6.400000000e+01, v14;
	v3 =	vadd.f32 $1.258291200e+07, v20  }
0x15c: {  	v8 =	vmax.f32 v4, v8;
	v6 =	vmax.f32 v6, v13;
	v10 =	vadd.f32 $1.258291200e+07, v10  }
0x15d: {  	v13 =	vadd.f32 $-1.258291200e+07, v3;
	v3 =	vand.u32 $0x7FFFFFFF, v11;
	v11 =	vand.u32 $0x7FFFFFFF, v19  }
0x15e: {  	v4 =	vmax.f32 v9, v17;
	v9 =	vadd.f32 $-1.258291200e+07, v10;
	v19 =	vadd.f32 $1.000000000e+00, v5  }
0x15f: {  	v7 =	vadd.f32 $1.258291200e+07, v7;
	v10 =	vadd.f32 $-1.258291200e+07, v12;
	v12 =	vmax.f32 v13, $0.0e+00  }
0x160: {  	v16 =	vadd.f32 $1.258291200e+07, v16;
	v9 =	vmax.f32 v9, $0.0e+00;
	v13 =	vmul.f32 $6.400000000e+01, v19  }
0x161: {  	v7 =	vadd.f32 $-1.258291200e+07, v7;
	v10 =	vmax.f32 v10, $0.0e+00;
	v12 =	vmin.f32 v12, $1.270000000e+02  }
0x162: {  	v17 =	vadd.f32 $1.000000000e+00, v2;
	v10 =	vmin.f32 v10, $1.270000000e+02;
	v16 =	vadd.f32 $-1.258291200e+07, v16  }
0x163: {  	v7 =	vmax.f32 v7, $0.0e+00;
	v9 =	vmin.f32 v9, $1.270000000e+02;
	v19 =	vadd.f32 $-5.000000000e-01, v21  }
0x164: {  	v14 =	vadd.f32 $-5.000000000e-01, v14;
	v17 =	vmul.f32 $6.400000000e+01, v17;
	v9 =	vmul.f32 $1.280000000e+02, v9  }
0x165: {  	v7 =	vmin.f32 v7, $1.270000000e+02;
	v13 =	vadd.f32 $-5.000000000e-01, v13;
	v19 =	vadd.f32 $1.258291200e+07, v19  }
0x166: {  	v16 =	vmax.f32 v16, $0.0e+00;
	v7 =	vadd.f32 v9, v7;
	v9 =	vadd.f32 $-5.000000000e-01, v17  }
0x167: {  	v14 =	vadd.f32 $1.258291200e+07, v14;
	v16 =	vmin.f32 v16, $1.270000000e+02;
	v13 =	vadd.f32 $1.258291200e+07, v13  }
0x168: {  	v17 =	vadd.f32 $-1.258291200e+07, v19;
	v7 =	vmul.f32 $1.280000000e+02, v7;
	v9 =	vadd.f32 $1.258291200e+07, v9  }
0x169: {  	vm0 =	vle.f32 v8, $1.000000000e+00;
	v14 =	vadd.f32 $-1.258291200e+07, v14;
	v13 =	vadd.f32 $-1.258291200e+07, v13  }
0x16a: {  	v8 =	vsel vm0, $0x0, v0;
	v7 =	vadd.f32 v7, v10;
	v9 =	vadd.f32 $-1.258291200e+07, v9  }
0x16b: {  	v10 =	vmax.f32 v13, $0.0e+00;
	v13 =	vmax.f32 v14, $0.0e+00;
	v14 =	vadd.f32 $1.258291200e+07, v18  }
0x16c: {  	v13 =	vmin.f32 v13, $1.270000000e+02;
	v7 =	vtrunc.f32 v7;
	v9 =	vmax.f32 v9, $0.0e+00  }
0x16d: {  	v17 =	vmax.f32 v17, $0.0e+00;
	v18 =	vadd.f32 $1.258291200e+07, v22;
	v7 =	vcvt.f32.s32 v7  }
0x16e: {  	v17 =	vmin.f32 v17, $1.270000000e+02;
	v10 =	vmin.f32 v10, $1.270000000e+02;
	v14 =	vadd.f32 $-1.258291200e+07, v14  }
0x16f: {  	v15 =	vadd.f32 $-1.258291200e+07, v15;
	v10 =	vmul.f32 $1.280000000e+02, v10;
	[tilespmem:s9+$0xFFFFFFF0] =	vst v7;
	v7 =	vmin.f32 v9, $1.270000000e+02  }
0x170: {  	v9 =	vmul.f32 $1.280000000e+02, v17;
	[tilespmem:s10+$0xFFFFFFF0] =	vst v8;
	v7 =	vmul.f32 $1.280000000e+02, v7;
	v8 =	vmax.f32 v14, $0.0e+00  }
0x171: {  	v10 =	vadd.f32 v10, v13;
	v13 =	vmax.f32 v15, $0.0e+00;
	v8 =	vmin.f32 v8, $1.270000000e+02  }
.Ltmp3:
0x172: {  	v13 =	vmin.f32 v13, $1.270000000e+02;
	v9 =	vadd.f32 v9, v16;
	v7 =	vadd.f32 v7, v12;
	(pc) =	sbr.rel @p0 .LBB2_8-.Ltmp3, $4  }
0x173: {  	v11 =	vmax.f32 v6, v11;
	v10 =	vmul.f32 $1.280000000e+02, v10;
	v12 =	vadd.f32 $-1.258291200e+07, v18  }
0x174: {  	vm0 =	vle.f32 v11, $1.000000000e+00;
	v6 =	vmul.f32 $1.280000000e+02, v9;
	v14 =	vmul.f32 $1.280000000e+02, v7  }
0x175: {  	v9 =	vand.u32 $0x7FFFFFFF, v5;
	v7 =	vadd.f32 v10, v13;
	v5 =	vmax.f32 v12, $0.0e+00  }
0x176: {  	s11 =	sadd.s32 $0x40, s11;
	s9 =	sadd.s32 $0x40, s9;
	s10 =	sadd.s32 $0x40, s10;
	v10 =	vadd.f32 v14, v8;
	v8 =	vmin.f32 v5, $1.270000000e+02;
	v5 =	vsel vm0, $0x0, v0  }
0x177: {  	v6 =	vadd.f32 v6, v8;
	v7 =	vtrunc.f32 v7  }
0x178: {  	v1 =	vand.u32 $0x7FFFFFFF, v1;
	v10 =	vtrunc.f32 v10;
	v7 =	vcvt.f32.s32 v7  }
0x179: {  	v4 =	vmax.f32 v4, v9;
	v2 =	vand.u32 $0x7FFFFFFF, v2;
	v8 =	vcvt.f32.s32 v10  }
0x17a: {  	v1 =	vmax.f32 v1, v3;
	vm0 =	vle.f32 v4, $1.000000000e+00;
	v6 =	vtrunc.f32 v6;
	[tilespmem:s8+$0xFFFFFFE0] =	vst v7  }
0x17b: {  	v1 =	vmax.f32 v1, v2;
	v2 =	vsel vm0, $0x0, v0;
	v6 =	vcvt.f32.s32 v6;
	[tilespmem:s8+$0x0] =	vst v8  }
0x17c: {  	vm15 =	vle.f32 v1, $1.000000000e+00;
	[tilespmem:s7+$0xFFFFFFE0] =	vst v2  }
0x17d: {  	v1 =	vsel vm15, $0x0, v0;
	[tilespmem:s8+$0x10] =	vst v6  }
0x17e: {  	[tilespmem:s7+$0x0] =	vst v1  }
0x17f: {  	[tilespmem:s7+$0x10] =	vst v5  }
0x180: {  	_ =	swait.ge [sflag:s0], $0x2000  }
0x181: {  	[sflag:s0] =	ssyncset.done $0x0  }
0x182: {  	[sflag:s0] =	ssyncadd.s32 $0xFFFFE000  }
0x183: {  	[tilespmem:s26], [sflag:$0x1] =	stream.indirect.gather [hbm4b:s2+s21], $0x1, s25, s21, $0xb8;
	[tilespmem:$0x18000] =	vst v63  }
0x184: {  	_ =	swait.ge [sflag:s1], $0x2000  }
0x185: {  	[sflag:s1] =	ssyncset.done $0x0  }
0x186: {  	s6 =	simm.s32 $0x16020;
	[sflag:s1] =	ssyncadd.s32 $0xFFFFE000  }
0x187: {  	s7 =	simm.s32 $0x12020;
	v6 =	vld [tilespmem:s6+$0x10]  }
0x188: {  	v7 =	vld [tilespmem:s7+$0x10]  }
0x189: {  	v3 =	vld [tilespmem:s7+$0xFFFFFFE0]  }
0x18a: {  	v1 =	vld [tilespmem:s6+$0xFFFFFFF0]  }
0x18b: {  	v5 =	vld [tilespmem:s7+$0xFFFFFFF0]  }
0x18c: {  	v2 =	vld [tilespmem:s6+$0x0]  }
0x18d: {  	v4 =	vld [tilespmem:s7+$0x0];
	v7 =	vadd.f32 v7, v6  }
0x18e: {  	s9 =	simm.s32 $0x16060;
	s8 =	simm.s32 $0x0;
	v6 =	vld [tilespmem:s6+$0xFFFFFFE0]  }
.LBB2_10:
0x18f: {  	v8 =	vld [tilespmem:s9+$0x10];
	[tilespmem:s6+$0x10] =	vst v7;
	s7 =	sadd.s32 $0x40, s7  }
0x190: {  	s8 =	sadd.s32 $0x40, s8;
	v7 =	vld [tilespmem:s7+$0x10];
	v5 =	vadd.f32 v5, v1  }
0x191: {  	p0 =	slt.u32 s8, $0x1FC0;
	v9 =	vld [tilespmem:s7+$0xFFFFFFE0]  }
.Ltmp4:
0x192: {  	v1 =	vld [tilespmem:s9+$0xFFFFFFF0];
	[tilespmem:s6+$0xFFFFFFF0] =	vst v5;
	v4 =	vadd.f32 v4, v2;
	(pc) =	sbr.rel @p0 .LBB2_10-.Ltmp4, $4  }
0x193: {  	v5 =	vld [tilespmem:s7+$0xFFFFFFF0];
	v10 =	vadd.f32 v3, v6  }
0x194: {  	v2 =	vld [tilespmem:s9+$0x0];
	[tilespmem:s6+$0x0] =	vst v4  }
0x195: {  	v4 =	vld [tilespmem:s7+$0x0];
	v7 =	vadd.f32 v7, v8;
	[tilespmem:s6+$0xFFFFFFE0] =	vst v10;
	s6 =	smov.u32 s9  }
0x196: {  	s9 =	sadd.s32 $0x40, s9;
	v6 =	vld [tilespmem:s6+$0xFFFFFFE0];
	v3 =	vmov v9  }
0x197: {  	_ =	sdelay $0x1  }
0x198: {  	v1 =	vadd.f32 v5, v1  }
0x199: {  	[tilespmem:s6+$0x10] =	vst v7;
	v2 =	vadd.f32 v4, v2  }
0x19a: {  	[tilespmem:s6+$0xFFFFFFF0] =	vst v1;
	v1 =	vadd.f32 v3, v6  }
0x19b: {  	[tilespmem:s6+$0x0] =	vst v2  }
0x19c: {  	[tilespmem:s6+$0xFFFFFFE0] =	vst v1  }
0x19d: {  	s6 =	rddreg [dreg:$0x8]  }
0x19e: {  	[hbm4b:s6+s3] =	stream.linear.scatter [tilespmem:s30], [sflag:$0x4], $0x2000, $0x38;
	[tilespmem:$0x18000] =	vst v63  }
0x19f: {  	_ =	swait.ge [sflag:s28], $0x6000  }
0x1a0: {  	[sflag:s28] =	ssyncset.done $0x0  }
0x1a1: {  	s7 =	simm.s32 $0x6020;
	s13 =	rddreg [dreg:$0x9];
	[sflag:s28] =	ssyncadd.s32 $0xFFFFA000  }
0x1a2: {  	[tilespmem:s3], [sflag:$0x5] =	stream.strided.gather [hbm4b:s13+s21], $0x6000, s22, s21, $0x38;
	[tilespmem:$0x18000] =	vst v63  }
0x1a3: {  	s6 =	simm.s32 $0x0;
	v2 =	vld [tilespmem:s7+$0xFFFFFFF0]  }
0x1a4: {  	s8 =	simm.s32 $0x10;
	s9 =	sand.u32 $0x1F80, s6;
	v1 =	vld [tilespmem:s7+$0x0]  }
0x1a5: {  	s8 =	sand.u32 $0x50, s8;
	s10 =	sor.u32 $0x8000, s9;
	v3 =	vld [tilespmem:s7+$0xFFFFFFE0]  }
0x1a6: {  	s9 =	sor.u32 $0xA000, s9;
	s12 =	sor.u32 s8, s10;
	v4 =	vld [tilespmem:s7+$0x10]  }
0x1a7: {  	s11 =	simm.s32 $0x20;
	s15 =	sand.u32 $0x40, s6;
	s8 =	sor.u32 s8, s9;
	v5 =	vld [tilespmem:s12+$0x0]  }
0x1a8: {  	s14 =	simm.s32 $0x30;
	s19 =	sor.u32 s15, s9;
	s7 =	sand.u32 $0x60, s11;
	v6 =	vld [tilespmem:s8+$0x0]  }
0x1a9: {  	s11 =	sand.u32 $0x70, s14;
	v20 =	vld [tilespmem:s19+$0x0];
	s16 =	sor.u32 s7, s10  }
0x1aa: {  	s18 =	sor.u32 s11, s9;
	v8 =	vld [tilespmem:s16+$0x0]  }
0x1ab: {  	v16 =	vld [tilespmem:s18+$0x0]  }
0x1ac: {  	v7 =	vadd.f32 $1.000000000e+00, v2;
	v2 =	vand.u32 $0x7FFFFFFF, v2;
	v9 =	vadd.f32 $1.000000000e+00, v1  }
0x1ad: {  	v11 =	vadd.f32 $1.000000000e+00, v3;
	v12 =	vand.u32 $0x7FFFFFFF, v3;
	v13 =	vadd.f32 $1.000000000e+00, v4  }
0x1ae: {  	v14 =	vadd.f32 $1.000000000e+00, v5;
	v15 =	vadd.f32 $1.000000000e+00, v6;
	v3 =	vmul.f32 $6.400000000e+01, v7  }
0x1af: {  	s13 =	sor.u32 s15, s10;
	v52 =	vadd.f32 $1.000000000e+00, v20;
	v7 =	vmul.f32 $6.400000000e+01, v9;
	v11 =	vmul.f32 $6.400000000e+01, v11  }
0x1b0: {  	v10 =	vld [tilespmem:s13+$0x0];
	v15 =	vmul.f32 $6.400000000e+01, v15;
	v18 =	vadd.f32 $1.000000000e+00, v8;
	v19 =	vadd.f32 $1.000000000e+00, v16  }
0x1b1: {  	v14 =	vmul.f32 $6.400000000e+01, v14;
	v3 =	vadd.f32 $-5.000000000e-01, v3;
	v7 =	vadd.f32 $-5.000000000e-01, v7  }
0x1b2: {  	s17 =	sor.u32 s11, s10;
	v13 =	vmul.f32 $6.400000000e+01, v13;
	v11 =	vadd.f32 $-5.000000000e-01, v11;
	v15 =	vadd.f32 $-5.000000000e-01, v15  }
0x1b3: {  	v9 =	vld [tilespmem:s17+$0x0];
	v18 =	vmul.f32 $6.400000000e+01, v18;
	v14 =	vadd.f32 $-5.000000000e-01, v14;
	v19 =	vmul.f32 $6.400000000e+01, v19  }
0x1b4: {  	v13 =	vadd.f32 $-5.000000000e-01, v13;
	v17 =	vadd.f32 $1.258291200e+07, v3;
	v3 =	vand.u32 $0x7FFFFFFF, v5  }
0x1b5: {  	v5 =	vand.u32 $0x7FFFFFFF, v10;
	v10 =	vadd.f32 $1.000000000e+00, v10;
	v18 =	vadd.f32 $-5.000000000e-01, v18  }
0x1b6: {  	v4 =	vand.u32 $0x7FFFFFFF, v4;
	v11 =	vadd.f32 $1.258291200e+07, v11;
	v15 =	vadd.f32 $1.258291200e+07, v15  }
0x1b7: {  	v6 =	vand.u32 $0x7FFFFFFF, v6;
	v53 =	vadd.f32 $1.258291200e+07, v14;
	v19 =	vadd.f32 $-5.000000000e-01, v19  }
0x1b8: {  	v2 =	vmax.f32 v2, v3;
	v3 =	vadd.f32 $1.000000000e+00, v9;
	v9 =	vand.u32 $0x7FFFFFFF, v9  }
0x1b9: {  	v7 =	vadd.f32 $1.258291200e+07, v7;
	v13 =	vadd.f32 $1.258291200e+07, v13;
	v9 =	vmax.f32 v4, v9  }
0x1ba: {  	v4 =	vmax.f32 v12, v5;
	v5 =	vadd.f32 $-1.258291200e+07, v15;
	v54 =	vadd.f32 $-1.258291200e+07, v17  }
0x1bb: {  	s7 =	sor.u32 s7, s9;
	v10 =	vmul.f32 $6.400000000e+01, v10;
	v12 =	vadd.f32 $-1.258291200e+07, v53;
	v19 =	vadd.f32 $1.258291200e+07, v19  }
0x1bc: {  	v6 =	vmax.f32 v2, v6;
	v2 =	vld [tilespmem:s7+$0x0];
	v7 =	vadd.f32 $-1.258291200e+07, v7;
	v11 =	vadd.f32 $-1.258291200e+07, v11  }
0x1bd: {  	v13 =	vadd.f32 $-1.258291200e+07, v13;
	v3 =	vmul.f32 $6.400000000e+01, v3;
	vm0 =	vle.f32 v6, $1.000000000e+00  }
0x1be: {  	v5 =	vmax.f32 v5, $0.0e+00;
	v14 =	vmax.f32 v54, $0.0e+00;
	v10 =	vadd.f32 $-5.000000000e-01, v10  }
0x1bf: {  	v12 =	vmax.f32 v12, $0.0e+00;
	v21 =	vadd.f32 $-5.000000000e-01, v3;
	v3 =	vadd.f32 $1.258291200e+07, v18  }
0x1c0: {  	v59 =	vadd.f32 $-1.258291200e+07, v19;
	v60 =	vsel vm0, $0x0, v0;
	v7 =	vmax.f32 v7, $0.0e+00  }
0x1c1: {  	v11 =	vmax.f32 v11, $0.0e+00;
	v18 =	vadd.f32 $-1.258291200e+07, v3;
	v57 =	vadd.f32 $1.000000000e+00, v2  }
0x1c2: {  	v5 =	vmin.f32 v5, $1.270000000e+02;
	v3 =	vand.u32 $0x7FFFFFFF, v8;
	v8 =	vand.u32 $0x7FFFFFFF, v16  }
0x1c3: {  	v16 =	vmul.f32 $6.400000000e+01, v52;
	v55 =	vmax.f32 v18, $0.0e+00;
	v18 =	vmul.f32 $6.400000000e+01, v57  }
0x1c4: {  	v14 =	vmin.f32 v14, $1.270000000e+02;
	v12 =	vmin.f32 v12, $1.270000000e+02;
	v5 =	vmul.f32 $1.280000000e+02, v5  }
0x1c5: {  	v63 =	vmin.f32 v7, $1.270000000e+02;
	v16 =	vadd.f32 $-5.000000000e-01, v16;
	v58 =	vadd.f32 $-5.000000000e-01, v18  }
0x1c6: {  	v7 =	vmin.f32 v11, $1.270000000e+02;
	v10 =	vadd.f32 $1.258291200e+07, v10;
	v5 =	vadd.f32 v5, v12  }
0x1c7: {  	v62 =	vmax.f32 v59, $0.0e+00;
	v16 =	vadd.f32 $1.258291200e+07, v16;
	v12 =	vadd.f32 $1.258291200e+07, v58  }
0x1c8: {  	v56 =	vadd.f32 $1.258291200e+07, v21;
	v10 =	vadd.f32 $-1.258291200e+07, v10;
	v5 =	vmul.f32 $1.280000000e+02, v5  }
0x1c9: {  	v8 =	vmax.f32 v9, v8;
	v16 =	vadd.f32 $-1.258291200e+07, v16;
	v6 =	vadd.f32 $-1.258291200e+07, v12  }
0x1ca: {  	v17 =	vadd.f32 $-1.258291200e+07, v56;
	v15 =	vmin.f32 v55, $1.270000000e+02;
	v5 =	vadd.f32 v5, v14  }
0x1cb: {  	v10 =	vmax.f32 v10, $0.0e+00;
	v61 =	vmax.f32 v16, $0.0e+00;
	v6 =	vmax.f32 v6, $0.0e+00  }
0x1cc: {  	v5 =	vtrunc.f32 v5;
	v12 =	vmin.f32 v61, $1.270000000e+02;
	v6 =	vmin.f32 v6, $1.270000000e+02  }
0x1cd: {  	v17 =	vmax.f32 v17, $0.0e+00;
	v12 =	vmul.f32 $1.280000000e+02, v12;
	v6 =	vmul.f32 $1.280000000e+02, v6  }
0x1ce: {  	v10 =	vmin.f32 v10, $1.270000000e+02;
	v5 =	vcvt.f32.s32 v5;
	v16 =	vmin.f32 v62, $1.270000000e+02  }
0x1cf: {  	s8 =	simm.s32 $0xE020;
	v16 =	vmul.f32 $1.280000000e+02, v16;
	v10 =	vadd.f32 v12, v10;
	v6 =	vadd.f32 v6, v15  }
0x1d0: {  	vm15 =	vle.f32 v8, $1.000000000e+00;
	v17 =	vmin.f32 v17, $1.270000000e+02;
	[tilespmem:s8+$0xFFFFFFF0] =	vst v5;
	v5 =	vmax.f32 v13, $0.0e+00  }
0x1d1: {  	v11 =	vadd.f32 v16, v17;
	v10 =	vmul.f32 $1.280000000e+02, v10;
	v15 =	vmul.f32 $1.280000000e+02, v6  }
0x1d2: {  	s7 =	simm.s32 $0x12020;
	v9 =	vand.u32 $0x7FFFFFFF, v20;
	v8 =	vmin.f32 v5, $1.270000000e+02;
	v5 =	vsel vm15, $0x0, v0  }
0x1d3: {  	s9 =	simm.s32 $0xE060;
	s10 =	simm.s32 $0x12060;
	s11 =	simm.s32 $0x6060;
	[tilespmem:s7+$0xFFFFFFF0] =	vst v60;
	v6 =	vmul.f32 $1.280000000e+02, v11;
	v7 =	vadd.f32 v10, v7;
	v10 =	vadd.f32 v15, v63  }
.LBB2_12:
0x1d4: {  	s12 =	sadd.s32 $0x50, s6  }
0x1d5: {  	v11 =	vld [tilespmem:s11+$0xFFFFFFF0];
	s13 =	sadd.s32 $0x70, s6;
	v4 =	vmax.f32 v4, v9;
	v9 =	vand.u32 $0x7FFFFFFF, v1;
	v2 =	vand.u32 $0x7FFFFFFF, v2;
	s14 =	smov.u32 s6;
	s6 =	sadd.s32 $0x40, s6  }
0x1d6: {  	s15 =	sand.u32 $0x1F80, s6;
	s12 =	sand.u32 $0x50, s12;
	s14 =	sadd.s32 $0x60, s14;
	v1 =	vld [tilespmem:s11+$0x0];
	vm0 =	vle.f32 v4, $1.000000000e+00;
	v4 =	vtrunc.f32 v10;
	v3 =	vmax.f32 v9, v3  }
0x1d7: {  	v9 =	vld [tilespmem:s11+$0xFFFFFFE0];
	s16 =	sor.u32 $0x8000, s15;
	s15 =	sor.u32 $0xA000, s15;
	s14 =	sand.u32 $0x60, s14;
	v10 =	vsel vm0, $0x0, v0;
	v2 =	vmax.f32 v3, v2;
	v3 =	vadd.f32 v6, v8  }
0x1d8: {  	v7 =	vtrunc.f32 v7;
	s17 =	sand.u32 $0x40, s6;
	s13 =	sand.u32 $0x70, s13;
	v4 =	vcvt.f32.s32 v4;
	s18 =	sor.u32 s12, s16;
	v6 =	vld [tilespmem:s11+$0x10];
	vm0 =	vle.f32 v2, $1.000000000e+00  }
0x1d9: {  	v7 =	vcvt.f32.s32 v7;
	s19 =	sor.u32 s17, s16;
	s12 =	sor.u32 s12, s15;
	v2 =	vld [tilespmem:s18+$0x0];
	s18 =	sor.u32 s14, s15;
	v3 =	vtrunc.f32 v3  }
0x1da: {  	v8 =	vld [tilespmem:s12+$0x0];
	v12 =	vadd.f32 $1.000000000e+00, v11;
	s12 =	sor.u32 s14, s16;
	s14 =	sor.u32 s13, s16;
	s13 =	sor.u32 s13, s15;
	[tilespmem:s8+$0x0] =	vst v4;
	v3 =	vcvt.f32.s32 v3  }
0x1db: {  	p0 =	slt.u32 s6, $0x1FC0;
	s15 =	sor.u32 s17, s15;
	v4 =	vand.u32 $0x7FFFFFFF, v11;
	v11 =	vld [tilespmem:s12+$0x0];
	v13 =	vadd.f32 $1.000000000e+00, v1;
	[tilespmem:s8+$0xFFFFFFE0] =	vst v7;
	v7 =	vsel vm0, $0x0, v0  }
0x1dc: {  	v14 =	vld [tilespmem:s19+$0x0];
	v15 =	vadd.f32 $1.000000000e+00, v9;
	v9 =	vand.u32 $0x7FFFFFFF, v9;
	v12 =	vmul.f32 $6.400000000e+01, v12;
	[tilespmem:s8+$0x10] =	vst v3;
	s8 =	smov.u32 s9  }
0x1dd: {  	v3 =	vmul.f32 $6.400000000e+01, v13;
	v13 =	vld [tilespmem:s14+$0x0];
	v16 =	vadd.f32 $1.000000000e+00, v6;
	v6 =	vand.u32 $0x7FFFFFFF, v6;
	[tilespmem:s7+$0x10] =	vst v5  }
0x1de: {  	v5 =	vld [tilespmem:s15+$0x0];
	v15 =	vmul.f32 $6.400000000e+01, v15;
	v17 =	vadd.f32 $1.000000000e+00, v2;
	v12 =	vadd.f32 $-5.000000000e-01, v12;
	[tilespmem:s7+$0xFFFFFFE0] =	vst v10  }
0x1df: {  	v10 =	vadd.f32 $1.000000000e+00, v8;
	v18 =	vadd.f32 $-5.000000000e-01, v3;
	v19 =	vld [tilespmem:s13+$0x0];
	v3 =	vmul.f32 $6.400000000e+01, v16;
	[tilespmem:s7+$0x0] =	vst v7;
	s7 =	smov.u32 s10  }
0x1e0: {  	v16 =	vand.u32 $0x7FFFFFFF, v2;
	v7 =	vmul.f32 $6.400000000e+01, v17;
	v12 =	vadd.f32 $1.258291200e+07, v12;
	v2 =	vld [tilespmem:s18+$0x0]  }
0x1e1: {  	v20 =	vadd.f32 $1.000000000e+00, v11;
	v17 =	vand.u32 $0x7FFFFFFF, v14;
	v10 =	vmul.f32 $6.400000000e+01, v10  }
0x1e2: {  	v15 =	vadd.f32 $-5.000000000e-01, v15;
	v4 =	vmax.f32 v4, v16;
	v16 =	vadd.f32 $1.000000000e+00, v13  }
0x1e3: {  	v20 =	vmul.f32 $6.400000000e+01, v20;
	v13 =	vand.u32 $0x7FFFFFFF, v13;
	v10 =	vadd.f32 $-5.000000000e-01, v10  }
0x1e4: {  	v14 =	vadd.f32 $1.000000000e+00, v14;
	v21 =	vadd.f32 $1.000000000e+00, v19;
	v16 =	vmul.f32 $6.400000000e+01, v16  }
0x1e5: {  	v8 =	vand.u32 $0x7FFFFFFF, v8;
	v7 =	vadd.f32 $-5.000000000e-01, v7;
	v20 =	vadd.f32 $-5.000000000e-01, v20  }
0x1e6: {  	v22 =	vadd.f32 $-5.000000000e-01, v3;
	v21 =	vmul.f32 $6.400000000e+01, v21;
	v16 =	vadd.f32 $-5.000000000e-01, v16  }
0x1e7: {  	v15 =	vadd.f32 $1.258291200e+07, v15;
	v14 =	vmul.f32 $6.400000000e+01, v14;
	v3 =	vadd.f32 $1.258291200e+07, v20  }
0x1e8: {  	v8 =	vmax.f32 v4, v8;
	v6 =	vmax.f32 v6, v13;
	v10 =	vadd.f32 $1.258291200e+07, v10  }
0x1e9: {  	v13 =	vadd.f32 $-1.258291200e+07, v3;
	v3 =	vand.u32 $0x7FFFFFFF, v11;
	v11 =	vand.u32 $0x7FFFFFFF, v19  }
0x1ea: {  	v4 =	vmax.f32 v9, v17;
	v9 =	vadd.f32 $-1.258291200e+07, v10;
	v19 =	vadd.f32 $1.000000000e+00, v5  }
0x1eb: {  	v7 =	vadd.f32 $1.258291200e+07, v7;
	v10 =	vadd.f32 $-1.258291200e+07, v12;
	v12 =	vmax.f32 v13, $0.0e+00  }
0x1ec: {  	v16 =	vadd.f32 $1.258291200e+07, v16;
	v9 =	vmax.f32 v9, $0.0e+00;
	v13 =	vmul.f32 $6.400000000e+01, v19  }
0x1ed: {  	v7 =	vadd.f32 $-1.258291200e+07, v7;
	v10 =	vmax.f32 v10, $0.0e+00;
	v12 =	vmin.f32 v12, $1.270000000e+02  }
0x1ee: {  	v17 =	vadd.f32 $1.000000000e+00, v2;
	v10 =	vmin.f32 v10, $1.270000000e+02;
	v16 =	vadd.f32 $-1.258291200e+07, v16  }
0x1ef: {  	v7 =	vmax.f32 v7, $0.0e+00;
	v9 =	vmin.f32 v9, $1.270000000e+02;
	v19 =	vadd.f32 $-5.000000000e-01, v21  }
0x1f0: {  	v14 =	vadd.f32 $-5.000000000e-01, v14;
	v17 =	vmul.f32 $6.400000000e+01, v17;
	v9 =	vmul.f32 $1.280000000e+02, v9  }
0x1f1: {  	v7 =	vmin.f32 v7, $1.270000000e+02;
	v13 =	vadd.f32 $-5.000000000e-01, v13;
	v19 =	vadd.f32 $1.258291200e+07, v19  }
0x1f2: {  	v16 =	vmax.f32 v16, $0.0e+00;
	v7 =	vadd.f32 v9, v7;
	v9 =	vadd.f32 $-5.000000000e-01, v17  }
0x1f3: {  	v14 =	vadd.f32 $1.258291200e+07, v14;
	v16 =	vmin.f32 v16, $1.270000000e+02;
	v13 =	vadd.f32 $1.258291200e+07, v13  }
0x1f4: {  	v17 =	vadd.f32 $-1.258291200e+07, v19;
	v7 =	vmul.f32 $1.280000000e+02, v7;
	v9 =	vadd.f32 $1.258291200e+07, v9  }
0x1f5: {  	vm0 =	vle.f32 v8, $1.000000000e+00;
	v14 =	vadd.f32 $-1.258291200e+07, v14;
	v13 =	vadd.f32 $-1.258291200e+07, v13  }
0x1f6: {  	v8 =	vsel vm0, $0x0, v0;
	v7 =	vadd.f32 v7, v10;
	v9 =	vadd.f32 $-1.258291200e+07, v9  }
0x1f7: {  	v10 =	vmax.f32 v13, $0.0e+00;
	v13 =	vmax.f32 v14, $0.0e+00;
	v14 =	vadd.f32 $1.258291200e+07, v18  }
0x1f8: {  	v13 =	vmin.f32 v13, $1.270000000e+02;
	v7 =	vtrunc.f32 v7;
	v9 =	vmax.f32 v9, $0.0e+00  }
0x1f9: {  	v17 =	vmax.f32 v17, $0.0e+00;
	v18 =	vadd.f32 $1.258291200e+07, v22;
	v7 =	vcvt.f32.s32 v7  }
0x1fa: {  	v17 =	vmin.f32 v17, $1.270000000e+02;
	v10 =	vmin.f32 v10, $1.270000000e+02;
	v14 =	vadd.f32 $-1.258291200e+07, v14  }
0x1fb: {  	v15 =	vadd.f32 $-1.258291200e+07, v15;
	v10 =	vmul.f32 $1.280000000e+02, v10;
	[tilespmem:s9+$0xFFFFFFF0] =	vst v7;
	v7 =	vmin.f32 v9, $1.270000000e+02  }
0x1fc: {  	v9 =	vmul.f32 $1.280000000e+02, v17;
	[tilespmem:s10+$0xFFFFFFF0] =	vst v8;
	v7 =	vmul.f32 $1.280000000e+02, v7;
	v8 =	vmax.f32 v14, $0.0e+00  }
0x1fd: {  	v10 =	vadd.f32 v10, v13;
	v13 =	vmax.f32 v15, $0.0e+00;
	v8 =	vmin.f32 v8, $1.270000000e+02  }
.Ltmp5:
0x1fe: {  	v13 =	vmin.f32 v13, $1.270000000e+02;
	v9 =	vadd.f32 v9, v16;
	v7 =	vadd.f32 v7, v12;
	(pc) =	sbr.rel @p0 .LBB2_12-.Ltmp5, $4  }
0x1ff: {  	v11 =	vmax.f32 v6, v11;
	v10 =	vmul.f32 $1.280000000e+02, v10;
	v12 =	vadd.f32 $-1.258291200e+07, v18  }
0x200: {  	vm0 =	vle.f32 v11, $1.000000000e+00;
	v6 =	vmul.f32 $1.280000000e+02, v9;
	v14 =	vmul.f32 $1.280000000e+02, v7  }
0x201: {  	v9 =	vand.u32 $0x7FFFFFFF, v5;
	v7 =	vadd.f32 v10, v13;
	v5 =	vmax.f32 v12, $0.0e+00  }
0x202: {  	s11 =	sadd.s32 $0x40, s11;
	s9 =	sadd.s32 $0x40, s9;
	s10 =	sadd.s32 $0x40, s10;
	v10 =	vadd.f32 v14, v8;
	v8 =	vmin.f32 v5, $1.270000000e+02;
	v5 =	vsel vm0, $0x0, v0  }
0x203: {  	v6 =	vadd.f32 v6, v8;
	v7 =	vtrunc.f32 v7  }
0x204: {  	v1 =	vand.u32 $0x7FFFFFFF, v1;
	v10 =	vtrunc.f32 v10;
	v7 =	vcvt.f32.s32 v7  }
0x205: {  	v4 =	vmax.f32 v4, v9;
	v2 =	vand.u32 $0x7FFFFFFF, v2;
	v8 =	vcvt.f32.s32 v10  }
0x206: {  	v1 =	vmax.f32 v1, v3;
	vm0 =	vle.f32 v4, $1.000000000e+00;
	v6 =	vtrunc.f32 v6;
	[tilespmem:s8+$0xFFFFFFE0] =	vst v7  }
0x207: {  	v1 =	vmax.f32 v1, v2;
	v2 =	vsel vm0, $0x0, v0;
	v6 =	vcvt.f32.s32 v6;
	[tilespmem:s8+$0x0] =	vst v8  }
0x208: {  	vm15 =	vle.f32 v1, $1.000000000e+00;
	[tilespmem:s7+$0xFFFFFFE0] =	vst v2  }
0x209: {  	v1 =	vsel vm15, $0x0, v0;
	[tilespmem:s8+$0x10] =	vst v6  }
0x20a: {  	[tilespmem:s7+$0x0] =	vst v1  }
0x20b: {  	[tilespmem:s7+$0x10] =	vst v5  }
0x20c: {  	_ =	swait.ge [sflag:s4], $0x2000  }
0x20d: {  	[sflag:s4] =	ssyncset.done $0x0  }
0x20e: {  	[sflag:s4] =	ssyncadd.s32 $0xFFFFE000  }
0x20f: {  	[tilespmem:s30], [sflag:$0x2] =	stream.indirect.gather [hbm4b:s2+s21], $0x1, s29, s21, $0xb8;
	[tilespmem:$0x18000] =	vst v63  }
0x210: {  	_ =	swait.ge [sflag:s31], $0x2000  }
0x211: {  	[sflag:s31] =	ssyncset.done $0x0  }
0x212: {  	s6 =	simm.s32 $0x14020;
	[sflag:s31] =	ssyncadd.s32 $0xFFFFE000  }
0x213: {  	s7 =	simm.s32 $0x10020;
	v6 =	vld [tilespmem:s6+$0x10]  }
0x214: {  	v7 =	vld [tilespmem:s7+$0x10]  }
0x215: {  	v3 =	vld [tilespmem:s7+$0xFFFFFFE0]  }
0x216: {  	v1 =	vld [tilespmem:s6+$0xFFFFFFF0]  }
0x217: {  	v5 =	vld [tilespmem:s7+$0xFFFFFFF0]  }
0x218: {  	v2 =	vld [tilespmem:s6+$0x0]  }
0x219: {  	v4 =	vld [tilespmem:s7+$0x0];
	v7 =	vadd.f32 v7, v6  }
0x21a: {  	s9 =	simm.s32 $0x14060;
	s8 =	simm.s32 $0x0;
	v6 =	vld [tilespmem:s6+$0xFFFFFFE0]  }
.LBB2_14:
0x21b: {  	v8 =	vld [tilespmem:s9+$0x10];
	[tilespmem:s6+$0x10] =	vst v7;
	s7 =	sadd.s32 $0x40, s7  }
0x21c: {  	s8 =	sadd.s32 $0x40, s8;
	v7 =	vld [tilespmem:s7+$0x10];
	v5 =	vadd.f32 v5, v1  }
0x21d: {  	p0 =	slt.u32 s8, $0x1FC0;
	v9 =	vld [tilespmem:s7+$0xFFFFFFE0]  }
.Ltmp6:
0x21e: {  	v1 =	vld [tilespmem:s9+$0xFFFFFFF0];
	[tilespmem:s6+$0xFFFFFFF0] =	vst v5;
	v4 =	vadd.f32 v4, v2;
	(pc) =	sbr.rel @p0 .LBB2_14-.Ltmp6, $4  }
0x21f: {  	v5 =	vld [tilespmem:s7+$0xFFFFFFF0];
	v10 =	vadd.f32 v3, v6  }
0x220: {  	v2 =	vld [tilespmem:s9+$0x0];
	[tilespmem:s6+$0x0] =	vst v4  }
0x221: {  	v4 =	vld [tilespmem:s7+$0x0];
	v7 =	vadd.f32 v7, v8;
	[tilespmem:s6+$0xFFFFFFE0] =	vst v10;
	s6 =	smov.u32 s9  }
0x222: {  	s9 =	sadd.s32 $0x40, s9;
	v6 =	vld [tilespmem:s6+$0xFFFFFFE0];
	v3 =	vmov v9  }
0x223: {  	_ =	sdelay $0x1  }
0x224: {  	v1 =	vadd.f32 v5, v1  }
0x225: {  	[tilespmem:s6+$0x10] =	vst v7;
	v2 =	vadd.f32 v4, v2  }
0x226: {  	[tilespmem:s6+$0xFFFFFFF0] =	vst v1;
	v1 =	vadd.f32 v3, v6  }
0x227: {  	[tilespmem:s6+$0x0] =	vst v2  }
0x228: {  	[tilespmem:s6+$0xFFFFFFE0] =	vst v1  }
0x229: {  	s6 =	rddreg [dreg:$0xa]  }
0x22a: {  	[hbm4b:s6+s3] =	stream.linear.scatter [tilespmem:s26], [sflag:$0x3], $0x2000, $0x38;
	[tilespmem:$0x18000] =	vst v63  }
0x22b: {  	_ =	swait.ge [sflag:s28], $0x6000  }
0x22c: {  	[sflag:s28] =	ssyncset.done $0x0  }
0x22d: {  	s7 =	simm.s32 $0x20;
	s13 =	rddreg [dreg:$0xb];
	[sflag:s28] =	ssyncadd.s32 $0xFFFFA000  }
0x22e: {  	[tilespmem:s24], [sflag:$0x5] =	stream.strided.gather [hbm4b:s13+s21], $0x6000, s22, s21, $0x38;
	[tilespmem:$0x18000] =	vst v63  }
0x22f: {  	s6 =	simm.s32 $0x0;
	v2 =	vld [tilespmem:s7+$0xFFFFFFF0]  }
0x230: {  	s8 =	simm.s32 $0x10;
	s9 =	sand.u32 $0x1F80, s6;
	v1 =	vld [tilespmem:s7+$0x0]  }
0x231: {  	s8 =	sand.u32 $0x50, s8;
	s10 =	sor.u32 $0x2000, s9;
	v3 =	vld [tilespmem:s7+$0xFFFFFFE0]  }
0x232: {  	s9 =	sor.u32 $0x4000, s9;
	s12 =	sor.u32 s8, s10;
	v4 =	vld [tilespmem:s7+$0x10]  }
0x233: {  	s11 =	simm.s32 $0x20;
	s15 =	sand.u32 $0x40, s6;
	s8 =	sor.u32 s8, s9;
	v5 =	vld [tilespmem:s12+$0x0]  }
0x234: {  	s14 =	simm.s32 $0x30;
	s19 =	sor.u32 s15, s9;
	s7 =	sand.u32 $0x60, s11;
	v6 =	vld [tilespmem:s8+$0x0]  }
0x235: {  	s11 =	sand.u32 $0x70, s14;
	v20 =	vld [tilespmem:s19+$0x0];
	s16 =	sor.u32 s7, s10  }
0x236: {  	s18 =	sor.u32 s11, s9;
	v8 =	vld [tilespmem:s16+$0x0]  }
0x237: {  	v16 =	vld [tilespmem:s18+$0x0]  }
0x238: {  	v7 =	vadd.f32 $1.000000000e+00, v2;
	v2 =	vand.u32 $0x7FFFFFFF, v2;
	v9 =	vadd.f32 $1.000000000e+00, v1  }
0x239: {  	v11 =	vadd.f32 $1.000000000e+00, v3;
	v12 =	vand.u32 $0x7FFFFFFF, v3;
	v13 =	vadd.f32 $1.000000000e+00, v4  }
0x23a: {  	v14 =	vadd.f32 $1.000000000e+00, v5;
	v15 =	vadd.f32 $1.000000000e+00, v6;
	v3 =	vmul.f32 $6.400000000e+01, v7  }
0x23b: {  	s13 =	sor.u32 s15, s10;
	v52 =	vadd.f32 $1.000000000e+00, v20;
	v7 =	vmul.f32 $6.400000000e+01, v9;
	v11 =	vmul.f32 $6.400000000e+01, v11  }
0x23c: {  	v10 =	vld [tilespmem:s13+$0x0];
	v15 =	vmul.f32 $6.400000000e+01, v15;
	v18 =	vadd.f32 $1.000000000e+00, v8;
	v19 =	vadd.f32 $1.000000000e+00, v16  }
0x23d: {  	v14 =	vmul.f32 $6.400000000e+01, v14;
	v3 =	vadd.f32 $-5.000000000e-01, v3;
	v7 =	vadd.f32 $-5.000000000e-01, v7  }
0x23e: {  	s17 =	sor.u32 s11, s10;
	v13 =	vmul.f32 $6.400000000e+01, v13;
	v11 =	vadd.f32 $-5.000000000e-01, v11;
	v15 =	vadd.f32 $-5.000000000e-01, v15  }
0x23f: {  	v9 =	vld [tilespmem:s17+$0x0];
	v18 =	vmul.f32 $6.400000000e+01, v18;
	v14 =	vadd.f32 $-5.000000000e-01, v14;
	v19 =	vmul.f32 $6.400000000e+01, v19  }
0x240: {  	v13 =	vadd.f32 $-5.000000000e-01, v13;
	v17 =	vadd.f32 $1.258291200e+07, v3;
	v3 =	vand.u32 $0x7FFFFFFF, v5  }
0x241: {  	v5 =	vand.u32 $0x7FFFFFFF, v10;
	v10 =	vadd.f32 $1.000000000e+00, v10;
	v18 =	vadd.f32 $-5.000000000e-01, v18  }
0x242: {  	v4 =	vand.u32 $0x7FFFFFFF, v4;
	v11 =	vadd.f32 $1.258291200e+07, v11;
	v15 =	vadd.f32 $1.258291200e+07, v15  }
0x243: {  	v6 =	vand.u32 $0x7FFFFFFF, v6;
	v53 =	vadd.f32 $1.258291200e+07, v14;
	v19 =	vadd.f32 $-5.000000000e-01, v19  }
0x244: {  	v2 =	vmax.f32 v2, v3;
	v3 =	vadd.f32 $1.000000000e+00, v9;
	v9 =	vand.u32 $0x7FFFFFFF, v9  }
0x245: {  	v7 =	vadd.f32 $1.258291200e+07, v7;
	v13 =	vadd.f32 $1.258291200e+07, v13;
	v9 =	vmax.f32 v4, v9  }
0x246: {  	v4 =	vmax.f32 v12, v5;
	v5 =	vadd.f32 $-1.258291200e+07, v15;
	v54 =	vadd.f32 $-1.258291200e+07, v17  }
0x247: {  	s7 =	sor.u32 s7, s9;
	v10 =	vmul.f32 $6.400000000e+01, v10;
	v12 =	vadd.f32 $-1.258291200e+07, v53;
	v19 =	vadd.f32 $1.258291200e+07, v19  }
0x248: {  	v6 =	vmax.f32 v2, v6;
	v2 =	vld [tilespmem:s7+$0x0];
	v7 =	vadd.f32 $-1.258291200e+07, v7;
	v11 =	vadd.f32 $-1.258291200e+07, v11  }
0x249: {  	v13 =	vadd.f32 $-1.258291200e+07, v13;
	v3 =	vmul.f32 $6.400000000e+01, v3;
	vm0 =	vle.f32 v6, $1.000000000e+00  }
0x24a: {  	v5 =	vmax.f32 v5, $0.0e+00;
	v14 =	vmax.f32 v54, $0.0e+00;
	v10 =	vadd.f32 $-5.000000000e-01, v10  }
0x24b: {  	v12 =	vmax.f32 v12, $0.0e+00;
	v21 =	vadd.f32 $-5.000000000e-01, v3;
	v3 =	vadd.f32 $1.258291200e+07, v18  }
0x24c: {  	v59 =	vadd.f32 $-1.258291200e+07, v19;
	v60 =	vsel vm0, $0x0, v0;
	v7 =	vmax.f32 v7, $0.0e+00  }
0x24d: {  	v11 =	vmax.f32 v11, $0.0e+00;
	v18 =	vadd.f32 $-1.258291200e+07, v3;
	v57 =	vadd.f32 $1.000000000e+00, v2  }
0x24e: {  	v5 =	vmin.f32 v5, $1.270000000e+02;
	v3 =	vand.u32 $0x7FFFFFFF, v8;
	v8 =	vand.u32 $0x7FFFFFFF, v16  }
0x24f: {  	v16 =	vmul.f32 $6.400000000e+01, v52;
	v55 =	vmax.f32 v18, $0.0e+00;
	v18 =	vmul.f32 $6.400000000e+01, v57  }
0x250: {  	v14 =	vmin.f32 v14, $1.270000000e+02;
	v12 =	vmin.f32 v12, $1.270000000e+02;
	v5 =	vmul.f32 $1.280000000e+02, v5  }
0x251: {  	v63 =	vmin.f32 v7, $1.270000000e+02;
	v16 =	vadd.f32 $-5.000000000e-01, v16;
	v58 =	vadd.f32 $-5.000000000e-01, v18  }
0x252: {  	v7 =	vmin.f32 v11, $1.270000000e+02;
	v10 =	vadd.f32 $1.258291200e+07, v10;
	v5 =	vadd.f32 v5, v12  }
0x253: {  	v62 =	vmax.f32 v59, $0.0e+00;
	v16 =	vadd.f32 $1.258291200e+07, v16;
	v12 =	vadd.f32 $1.258291200e+07, v58  }
0x254: {  	v56 =	vadd.f32 $1.258291200e+07, v21;
	v10 =	vadd.f32 $-1.258291200e+07, v10;
	v5 =	vmul.f32 $1.280000000e+02, v5  }
0x255: {  	v8 =	vmax.f32 v9, v8;
	v16 =	vadd.f32 $-1.258291200e+07, v16;
	v6 =	vadd.f32 $-1.258291200e+07, v12  }
0x256: {  	v17 =	vadd.f32 $-1.258291200e+07, v56;
	v15 =	vmin.f32 v55, $1.270000000e+02;
	v5 =	vadd.f32 v5, v14  }
0x257: {  	v10 =	vmax.f32 v10, $0.0e+00;
	v61 =	vmax.f32 v16, $0.0e+00;
	v6 =	vmax.f32 v6, $0.0e+00  }
0x258: {  	v5 =	vtrunc.f32 v5;
	v12 =	vmin.f32 v61, $1.270000000e+02;
	v6 =	vmin.f32 v6, $1.270000000e+02  }
0x259: {  	v17 =	vmax.f32 v17, $0.0e+00;
	v12 =	vmul.f32 $1.280000000e+02, v12;
	v6 =	vmul.f32 $1.280000000e+02, v6  }
0x25a: {  	v10 =	vmin.f32 v10, $1.270000000e+02;
	v5 =	vcvt.f32.s32 v5;
	v16 =	vmin.f32 v62, $1.270000000e+02  }
0x25b: {  	s8 =	simm.s32 $0xC020;
	v16 =	vmul.f32 $1.280000000e+02, v16;
	v10 =	vadd.f32 v12, v10;
	v6 =	vadd.f32 v6, v15  }
0x25c: {  	vm15 =	vle.f32 v8, $1.000000000e+00;
	v17 =	vmin.f32 v17, $1.270000000e+02;
	[tilespmem:s8+$0xFFFFFFF0] =	vst v5;
	v5 =	vmax.f32 v13, $0.0e+00  }
0x25d: {  	v11 =	vadd.f32 v16, v17;
	v10 =	vmul.f32 $1.280000000e+02, v10;
	v15 =	vmul.f32 $1.280000000e+02, v6  }
0x25e: {  	s7 =	simm.s32 $0x10020;
	v9 =	vand.u32 $0x7FFFFFFF, v20;
	v8 =	vmin.f32 v5, $1.270000000e+02;
	v5 =	vsel vm15, $0x0, v0  }
0x25f: {  	s9 =	simm.s32 $0xC060;
	s10 =	simm.s32 $0x10060;
	s11 =	simm.s32 $0x60;
	[tilespmem:s7+$0xFFFFFFF0] =	vst v60;
	v6 =	vmul.f32 $1.280000000e+02, v11;
	v7 =	vadd.f32 v10, v7;
	v10 =	vadd.f32 v15, v63  }
.LBB2_16:
0x260: {  	s12 =	sadd.s32 $0x50, s6  }
0x261: {  	v11 =	vld [tilespmem:s11+$0xFFFFFFF0];
	s13 =	sadd.s32 $0x70, s6;
	v4 =	vmax.f32 v4, v9;
	v9 =	vand.u32 $0x7FFFFFFF, v1;
	v2 =	vand.u32 $0x7FFFFFFF, v2;
	s14 =	smov.u32 s6;
	s6 =	sadd.s32 $0x40, s6  }
0x262: {  	s15 =	sand.u32 $0x1F80, s6;
	s12 =	sand.u32 $0x50, s12;
	s14 =	sadd.s32 $0x60, s14;
	v1 =	vld [tilespmem:s11+$0x0];
	vm0 =	vle.f32 v4, $1.000000000e+00;
	v4 =	vtrunc.f32 v10;
	v3 =	vmax.f32 v9, v3  }
0x263: {  	v9 =	vld [tilespmem:s11+$0xFFFFFFE0];
	s16 =	sor.u32 $0x2000, s15;
	s15 =	sor.u32 $0x4000, s15;
	s14 =	sand.u32 $0x60, s14;
	v10 =	vsel vm0, $0x0, v0;
	v2 =	vmax.f32 v3, v2;
	v3 =	vadd.f32 v6, v8  }
0x264: {  	v7 =	vtrunc.f32 v7;
	s17 =	sand.u32 $0x40, s6;
	s13 =	sand.u32 $0x70, s13;
	v4 =	vcvt.f32.s32 v4;
	s18 =	sor.u32 s12, s16;
	v6 =	vld [tilespmem:s11+$0x10];
	vm0 =	vle.f32 v2, $1.000000000e+00  }
0x265: {  	v7 =	vcvt.f32.s32 v7;
	s19 =	sor.u32 s17, s16;
	s12 =	sor.u32 s12, s15;
	v2 =	vld [tilespmem:s18+$0x0];
	s18 =	sor.u32 s14, s15;
	v3 =	vtrunc.f32 v3  }
0x266: {  	v8 =	vld [tilespmem:s12+$0x0];
	v12 =	vadd.f32 $1.000000000e+00, v11;
	s12 =	sor.u32 s14, s16;
	s14 =	sor.u32 s13, s16;
	s13 =	sor.u32 s13, s15;
	[tilespmem:s8+$0x0] =	vst v4;
	v3 =	vcvt.f32.s32 v3  }
0x267: {  	p0 =	slt.u32 s6, $0x1FC0;
	s15 =	sor.u32 s17, s15;
	v4 =	vand.u32 $0x7FFFFFFF, v11;
	v11 =	vld [tilespmem:s12+$0x0];
	v13 =	vadd.f32 $1.000000000e+00, v1;
	[tilespmem:s8+$0xFFFFFFE0] =	vst v7;
	v7 =	vsel vm0, $0x0, v0  }
0x268: {  	v14 =	vld [tilespmem:s19+$0x0];
	v15 =	vadd.f32 $1.000000000e+00, v9;
	v9 =	vand.u32 $0x7FFFFFFF, v9;
	v12 =	vmul.f32 $6.400000000e+01, v12;
	[tilespmem:s8+$0x10] =	vst v3;
	s8 =	smov.u32 s9  }
0x269: {  	v3 =	vmul.f32 $6.400000000e+01, v13;
	v13 =	vld [tilespmem:s14+$0x0];
	v16 =	vadd.f32 $1.000000000e+00, v6;
	v6 =	vand.u32 $0x7FFFFFFF, v6;
	[tilespmem:s7+$0x10] =	vst v5  }
0x26a: {  	v5 =	vld [tilespmem:s15+$0x0];
	v15 =	vmul.f32 $6.400000000e+01, v15;
	v17 =	vadd.f32 $1.000000000e+00, v2;
	v12 =	vadd.f32 $-5.000000000e-01, v12;
	[tilespmem:s7+$0xFFFFFFE0] =	vst v10  }
0x26b: {  	v10 =	vadd.f32 $1.000000000e+00, v8;
	v18 =	vadd.f32 $-5.000000000e-01, v3;
	v19 =	vld [tilespmem:s13+$0x0];
	v3 =	vmul.f32 $6.400000000e+01, v16;
	[tilespmem:s7+$0x0] =	vst v7;
	s7 =	smov.u32 s10  }
0x26c: {  	v16 =	vand.u32 $0x7FFFFFFF, v2;
	v7 =	vmul.f32 $6.400000000e+01, v17;
	v12 =	vadd.f32 $1.258291200e+07, v12;
	v2 =	vld [tilespmem:s18+$0x0]  }
0x26d: {  	v20 =	vadd.f32 $1.000000000e+00, v11;
	v17 =	vand.u32 $0x7FFFFFFF, v14;
	v10 =	vmul.f32 $6.400000000e+01, v10  }
0x26e: {  	v15 =	vadd.f32 $-5.000000000e-01, v15;
	v4 =	vmax.f32 v4, v16;
	v16 =	vadd.f32 $1.000000000e+00, v13  }
0x26f: {  	v20 =	vmul.f32 $6.400000000e+01, v20;
	v13 =	vand.u32 $0x7FFFFFFF, v13;
	v10 =	vadd.f32 $-5.000000000e-01, v10  }
0x270: {  	v14 =	vadd.f32 $1.000000000e+00, v14;
	v21 =	vadd.f32 $1.000000000e+00, v19;
	v16 =	vmul.f32 $6.400000000e+01, v16  }
0x271: {  	v8 =	vand.u32 $0x7FFFFFFF, v8;
	v7 =	vadd.f32 $-5.000000000e-01, v7;
	v20 =	vadd.f32 $-5.000000000e-01, v20  }
0x272: {  	v22 =	vadd.f32 $-5.000000000e-01, v3;
	v21 =	vmul.f32 $6.400000000e+01, v21;
	v16 =	vadd.f32 $-5.000000000e-01, v16  }
0x273: {  	v15 =	vadd.f32 $1.258291200e+07, v15;
	v14 =	vmul.f32 $6.400000000e+01, v14;
	v3 =	vadd.f32 $1.258291200e+07, v20  }
0x274: {  	v8 =	vmax.f32 v4, v8;
	v6 =	vmax.f32 v6, v13;
	v10 =	vadd.f32 $1.258291200e+07, v10  }
0x275: {  	v13 =	vadd.f32 $-1.258291200e+07, v3;
	v3 =	vand.u32 $0x7FFFFFFF, v11;
	v11 =	vand.u32 $0x7FFFFFFF, v19  }
0x276: {  	v4 =	vmax.f32 v9, v17;
	v9 =	vadd.f32 $-1.258291200e+07, v10;
	v19 =	vadd.f32 $1.000000000e+00, v5  }
0x277: {  	v7 =	vadd.f32 $1.258291200e+07, v7;
	v10 =	vadd.f32 $-1.258291200e+07, v12;
	v12 =	vmax.f32 v13, $0.0e+00  }
0x278: {  	v16 =	vadd.f32 $1.258291200e+07, v16;
	v9 =	vmax.f32 v9, $0.0e+00;
	v13 =	vmul.f32 $6.400000000e+01, v19  }
0x279: {  	v7 =	vadd.f32 $-1.258291200e+07, v7;
	v10 =	vmax.f32 v10, $0.0e+00;
	v12 =	vmin.f32 v12, $1.270000000e+02  }
0x27a: {  	v17 =	vadd.f32 $1.000000000e+00, v2;
	v10 =	vmin.f32 v10, $1.270000000e+02;
	v16 =	vadd.f32 $-1.258291200e+07, v16  }
0x27b: {  	v7 =	vmax.f32 v7, $0.0e+00;
	v9 =	vmin.f32 v9, $1.270000000e+02;
	v19 =	vadd.f32 $-5.000000000e-01, v21  }
0x27c: {  	v14 =	vadd.f32 $-5.000000000e-01, v14;
	v17 =	vmul.f32 $6.400000000e+01, v17;
	v9 =	vmul.f32 $1.280000000e+02, v9  }
0x27d: {  	v7 =	vmin.f32 v7, $1.270000000e+02;
	v13 =	vadd.f32 $-5.000000000e-01, v13;
	v19 =	vadd.f32 $1.258291200e+07, v19  }
0x27e: {  	v16 =	vmax.f32 v16, $0.0e+00;
	v7 =	vadd.f32 v9, v7;
	v9 =	vadd.f32 $-5.000000000e-01, v17  }
0x27f: {  	v14 =	vadd.f32 $1.258291200e+07, v14;
	v16 =	vmin.f32 v16, $1.270000000e+02;
	v13 =	vadd.f32 $1.258291200e+07, v13  }
0x280: {  	v17 =	vadd.f32 $-1.258291200e+07, v19;
	v7 =	vmul.f32 $1.280000000e+02, v7;
	v9 =	vadd.f32 $1.258291200e+07, v9  }
0x281: {  	vm0 =	vle.f32 v8, $1.000000000e+00;
	v14 =	vadd.f32 $-1.258291200e+07, v14;
	v13 =	vadd.f32 $-1.258291200e+07, v13  }
0x282: {  	v8 =	vsel vm0, $0x0, v0;
	v7 =	vadd.f32 v7, v10;
	v9 =	vadd.f32 $-1.258291200e+07, v9  }
0x283: {  	v10 =	vmax.f32 v13, $0.0e+00;
	v13 =	vmax.f32 v14, $0.0e+00;
	v14 =	vadd.f32 $1.258291200e+07, v18  }
0x284: {  	v13 =	vmin.f32 v13, $1.270000000e+02;
	v7 =	vtrunc.f32 v7;
	v9 =	vmax.f32 v9, $0.0e+00  }
0x285: {  	v17 =	vmax.f32 v17, $0.0e+00;
	v18 =	vadd.f32 $1.258291200e+07, v22;
	v7 =	vcvt.f32.s32 v7  }
0x286: {  	v17 =	vmin.f32 v17, $1.270000000e+02;
	v10 =	vmin.f32 v10, $1.270000000e+02;
	v14 =	vadd.f32 $-1.258291200e+07, v14  }
0x287: {  	v15 =	vadd.f32 $-1.258291200e+07, v15;
	v10 =	vmul.f32 $1.280000000e+02, v10;
	[tilespmem:s9+$0xFFFFFFF0] =	vst v7;
	v7 =	vmin.f32 v9, $1.270000000e+02  }
0x288: {  	v9 =	vmul.f32 $1.280000000e+02, v17;
	[tilespmem:s10+$0xFFFFFFF0] =	vst v8;
	v7 =	vmul.f32 $1.280000000e+02, v7;
	v8 =	vmax.f32 v14, $0.0e+00  }
0x289: {  	v10 =	vadd.f32 v10, v13;
	v13 =	vmax.f32 v15, $0.0e+00;
	v8 =	vmin.f32 v8, $1.270000000e+02  }
.Ltmp7:
0x28a: {  	v13 =	vmin.f32 v13, $1.270000000e+02;
	v9 =	vadd.f32 v9, v16;
	v7 =	vadd.f32 v7, v12;
	(pc) =	sbr.rel @p0 .LBB2_16-.Ltmp7, $4  }
0x28b: {  	v11 =	vmax.f32 v6, v11;
	v10 =	vmul.f32 $1.280000000e+02, v10;
	v12 =	vadd.f32 $-1.258291200e+07, v18  }
0x28c: {  	vm0 =	vle.f32 v11, $1.000000000e+00;
	v6 =	vmul.f32 $1.280000000e+02, v9;
	v14 =	vmul.f32 $1.280000000e+02, v7  }
0x28d: {  	v9 =	vand.u32 $0x7FFFFFFF, v5;
	v7 =	vadd.f32 v10, v13;
	v5 =	vmax.f32 v12, $0.0e+00  }
0x28e: {  	s11 =	sadd.s32 $0x40, s11;
	s9 =	sadd.s32 $0x40, s9;
	s10 =	sadd.s32 $0x40, s10;
	v10 =	vadd.f32 v14, v8;
	v8 =	vmin.f32 v5, $1.270000000e+02;
	v5 =	vsel vm0, $0x0, v0  }
0x28f: {  	v6 =	vadd.f32 v6, v8;
	v7 =	vtrunc.f32 v7  }
0x290: {  	v1 =	vand.u32 $0x7FFFFFFF, v1;
	v10 =	vtrunc.f32 v10;
	v7 =	vcvt.f32.s32 v7  }
0x291: {  	v4 =	vmax.f32 v4, v9;
	v2 =	vand.u32 $0x7FFFFFFF, v2;
	v8 =	vcvt.f32.s32 v10  }
0x292: {  	v1 =	vmax.f32 v1, v3;
	vm0 =	vle.f32 v4, $1.000000000e+00;
	v6 =	vtrunc.f32 v6;
	[tilespmem:s8+$0xFFFFFFE0] =	vst v7  }
0x293: {  	v1 =	vmax.f32 v1, v2;
	v2 =	vsel vm0, $0x0, v0;
	v6 =	vcvt.f32.s32 v6;
	[tilespmem:s8+$0x0] =	vst v8  }
0x294: {  	vm15 =	vle.f32 v1, $1.000000000e+00;
	[tilespmem:s7+$0xFFFFFFE0] =	vst v2  }
0x295: {  	v1 =	vsel vm15, $0x0, v0;
	[tilespmem:s8+$0x10] =	vst v6  }
0x296: {  	[tilespmem:s7+$0x0] =	vst v1  }
0x297: {  	[tilespmem:s7+$0x10] =	vst v5  }
0x298: {  	_ =	swait.ge [sflag:s0], $0x2000  }
0x299: {  	[sflag:s0] =	ssyncset.done $0x0  }
0x29a: {  	[sflag:s0] =	ssyncadd.s32 $0xFFFFE000  }
0x29b: {  	[tilespmem:s26], [sflag:$0x1] =	stream.indirect.gather [hbm4b:s2+s21], $0x1, s25, s21, $0xb8;
	[tilespmem:$0x18000] =	vst v63  }
0x29c: {  	_ =	swait.ge [sflag:s1], $0x2000  }
0x29d: {  	[sflag:s1] =	ssyncset.done $0x0  }
0x29e: {  	s6 =	simm.s32 $0x16020;
	[sflag:s1] =	ssyncadd.s32 $0xFFFFE000  }
0x29f: {  	s7 =	simm.s32 $0x12020;
	v6 =	vld [tilespmem:s6+$0x10]  }
0x2a0: {  	v7 =	vld [tilespmem:s7+$0x10]  }
0x2a1: {  	v3 =	vld [tilespmem:s7+$0xFFFFFFE0]  }
0x2a2: {  	v1 =	vld [tilespmem:s6+$0xFFFFFFF0]  }
0x2a3: {  	v5 =	vld [tilespmem:s7+$0xFFFFFFF0]  }
0x2a4: {  	v2 =	vld [tilespmem:s6+$0x0]  }
0x2a5: {  	v4 =	vld [tilespmem:s7+$0x0];
	v7 =	vadd.f32 v7, v6  }
0x2a6: {  	s9 =	simm.s32 $0x16060;
	s8 =	simm.s32 $0x0;
	v6 =	vld [tilespmem:s6+$0xFFFFFFE0]  }
.LBB2_18:
0x2a7: {  	v8 =	vld [tilespmem:s9+$0x10];
	[tilespmem:s6+$0x10] =	vst v7;
	s7 =	sadd.s32 $0x40, s7  }
0x2a8: {  	s8 =	sadd.s32 $0x40, s8;
	v7 =	vld [tilespmem:s7+$0x10];
	v5 =	vadd.f32 v5, v1  }
0x2a9: {  	p0 =	slt.u32 s8, $0x1FC0;
	v9 =	vld [tilespmem:s7+$0xFFFFFFE0]  }
.Ltmp8:
0x2aa: {  	v1 =	vld [tilespmem:s9+$0xFFFFFFF0];
	[tilespmem:s6+$0xFFFFFFF0] =	vst v5;
	v4 =	vadd.f32 v4, v2;
	(pc) =	sbr.rel @p0 .LBB2_18-.Ltmp8, $4  }
0x2ab: {  	v5 =	vld [tilespmem:s7+$0xFFFFFFF0];
	v10 =	vadd.f32 v3, v6  }
0x2ac: {  	v2 =	vld [tilespmem:s9+$0x0];
	[tilespmem:s6+$0x0] =	vst v4  }
0x2ad: {  	v4 =	vld [tilespmem:s7+$0x0];
	v7 =	vadd.f32 v7, v8;
	[tilespmem:s6+$0xFFFFFFE0] =	vst v10;
	s6 =	smov.u32 s9  }
0x2ae: {  	s9 =	sadd.s32 $0x40, s9;
	v6 =	vld [tilespmem:s6+$0xFFFFFFE0];
	v3 =	vmov v9  }
0x2af: {  	_ =	sdelay $0x1  }
0x2b0: {  	v1 =	vadd.f32 v5, v1  }
0x2b1: {  	[tilespmem:s6+$0x10] =	vst v7;
	v2 =	vadd.f32 v4, v2  }
0x2b2: {  	[tilespmem:s6+$0xFFFFFFF0] =	vst v1;
	v1 =	vadd.f32 v3, v6  }
0x2b3: {  	[tilespmem:s6+$0x0] =	vst v2  }
0x2b4: {  	[tilespmem:s6+$0xFFFFFFE0] =	vst v1  }
0x2b5: {  	s6 =	rddreg [dreg:$0xc]  }
0x2b6: {  	[hbm4b:s6+s3] =	stream.linear.scatter [tilespmem:s30], [sflag:$0x4], $0x2000, $0x38;
	[tilespmem:$0x18000] =	vst v63  }
0x2b7: {  	_ =	swait.ge [sflag:s28], $0x6000  }
0x2b8: {  	[sflag:s28] =	ssyncset.done $0x0  }
0x2b9: {  	s7 =	simm.s32 $0x6020;
	s13 =	rddreg [dreg:$0xd];
	[sflag:s28] =	ssyncadd.s32 $0xFFFFA000  }
0x2ba: {  	[tilespmem:s3], [sflag:$0x5] =	stream.strided.gather [hbm4b:s13+s21], $0x6000, s22, s21, $0x38;
	[tilespmem:$0x18000] =	vst v63  }
0x2bb: {  	s6 =	simm.s32 $0x0;
	v2 =	vld [tilespmem:s7+$0xFFFFFFF0]  }
0x2bc: {  	s8 =	simm.s32 $0x10;
	s9 =	sand.u32 $0x1F80, s6;
	v1 =	vld [tilespmem:s7+$0x0]  }
0x2bd: {  	s8 =	sand.u32 $0x50, s8;
	s10 =	sor.u32 $0x8000, s9;
	v3 =	vld [tilespmem:s7+$0xFFFFFFE0]  }
0x2be: {  	s9 =	sor.u32 $0xA000, s9;
	s12 =	sor.u32 s8, s10;
	v4 =	vld [tilespmem:s7+$0x10]  }
0x2bf: {  	s11 =	simm.s32 $0x20;
	s15 =	sand.u32 $0x40, s6;
	s8 =	sor.u32 s8, s9;
	v5 =	vld [tilespmem:s12+$0x0]  }
0x2c0: {  	s14 =	simm.s32 $0x30;
	s19 =	sor.u32 s15, s9;
	s7 =	sand.u32 $0x60, s11;
	v6 =	vld [tilespmem:s8+$0x0]  }
0x2c1: {  	s11 =	sand.u32 $0x70, s14;
	v20 =	vld [tilespmem:s19+$0x0];
	s16 =	sor.u32 s7, s10  }
0x2c2: {  	s18 =	sor.u32 s11, s9;
	v8 =	vld [tilespmem:s16+$0x0]  }
0x2c3: {  	v16 =	vld [tilespmem:s18+$0x0]  }
0x2c4: {  	v7 =	vadd.f32 $1.000000000e+00, v2;
	v2 =	vand.u32 $0x7FFFFFFF, v2;
	v9 =	vadd.f32 $1.000000000e+00, v1  }
0x2c5: {  	v11 =	vadd.f32 $1.000000000e+00, v3;
	v12 =	vand.u32 $0x7FFFFFFF, v3;
	v13 =	vadd.f32 $1.000000000e+00, v4  }
0x2c6: {  	v14 =	vadd.f32 $1.000000000e+00, v5;
	v15 =	vadd.f32 $1.000000000e+00, v6;
	v3 =	vmul.f32 $6.400000000e+01, v7  }
0x2c7: {  	s13 =	sor.u32 s15, s10;
	v52 =	vadd.f32 $1.000000000e+00, v20;
	v7 =	vmul.f32 $6.400000000e+01, v9;
	v11 =	vmul.f32 $6.400000000e+01, v11  }
0x2c8: {  	v10 =	vld [tilespmem:s13+$0x0];
	v15 =	vmul.f32 $6.400000000e+01, v15;
	v18 =	vadd.f32 $1.000000000e+00, v8;
	v19 =	vadd.f32 $1.000000000e+00, v16  }
0x2c9: {  	v14 =	vmul.f32 $6.400000000e+01, v14;
	v3 =	vadd.f32 $-5.000000000e-01, v3;
	v7 =	vadd.f32 $-5.000000000e-01, v7  }
0x2ca: {  	s17 =	sor.u32 s11, s10;
	v13 =	vmul.f32 $6.400000000e+01, v13;
	v11 =	vadd.f32 $-5.000000000e-01, v11;
	v15 =	vadd.f32 $-5.000000000e-01, v15  }
0x2cb: {  	v9 =	vld [tilespmem:s17+$0x0];
	v18 =	vmul.f32 $6.400000000e+01, v18;
	v14 =	vadd.f32 $-5.000000000e-01, v14;
	v19 =	vmul.f32 $6.400000000e+01, v19  }
0x2cc: {  	v13 =	vadd.f32 $-5.000000000e-01, v13;
	v17 =	vadd.f32 $1.258291200e+07, v3;
	v3 =	vand.u32 $0x7FFFFFFF, v5  }
0x2cd: {  	v5 =	vand.u32 $0x7FFFFFFF, v10;
	v10 =	vadd.f32 $1.000000000e+00, v10;
	v18 =	vadd.f32 $-5.000000000e-01, v18  }
0x2ce: {  	v4 =	vand.u32 $0x7FFFFFFF, v4;
	v11 =	vadd.f32 $1.258291200e+07, v11;
	v15 =	vadd.f32 $1.258291200e+07, v15  }
0x2cf: {  	v6 =	vand.u32 $0x7FFFFFFF, v6;
	v53 =	vadd.f32 $1.258291200e+07, v14;
	v19 =	vadd.f32 $-5.000000000e-01, v19  }
0x2d0: {  	v2 =	vmax.f32 v2, v3;
	v3 =	vadd.f32 $1.000000000e+00, v9;
	v9 =	vand.u32 $0x7FFFFFFF, v9  }
0x2d1: {  	v7 =	vadd.f32 $1.258291200e+07, v7;
	v13 =	vadd.f32 $1.258291200e+07, v13;
	v9 =	vmax.f32 v4, v9  }
0x2d2: {  	v4 =	vmax.f32 v12, v5;
	v5 =	vadd.f32 $-1.258291200e+07, v15;
	v54 =	vadd.f32 $-1.258291200e+07, v17  }
0x2d3: {  	s7 =	sor.u32 s7, s9;
	v10 =	vmul.f32 $6.400000000e+01, v10;
	v12 =	vadd.f32 $-1.258291200e+07, v53;
	v19 =	vadd.f32 $1.258291200e+07, v19  }
0x2d4: {  	v6 =	vmax.f32 v2, v6;
	v2 =	vld [tilespmem:s7+$0x0];
	v7 =	vadd.f32 $-1.258291200e+07, v7;
	v11 =	vadd.f32 $-1.258291200e+07, v11  }
0x2d5: {  	v13 =	vadd.f32 $-1.258291200e+07, v13;
	v3 =	vmul.f32 $6.400000000e+01, v3;
	vm0 =	vle.f32 v6, $1.000000000e+00  }
0x2d6: {  	v5 =	vmax.f32 v5, $0.0e+00;
	v14 =	vmax.f32 v54, $0.0e+00;
	v10 =	vadd.f32 $-5.000000000e-01, v10  }
0x2d7: {  	v12 =	vmax.f32 v12, $0.0e+00;
	v21 =	vadd.f32 $-5.000000000e-01, v3;
	v3 =	vadd.f32 $1.258291200e+07, v18  }
0x2d8: {  	v59 =	vadd.f32 $-1.258291200e+07, v19;
	v60 =	vsel vm0, $0x0, v0;
	v7 =	vmax.f32 v7, $0.0e+00  }
0x2d9: {  	v11 =	vmax.f32 v11, $0.0e+00;
	v18 =	vadd.f32 $-1.258291200e+07, v3;
	v57 =	vadd.f32 $1.000000000e+00, v2  }
0x2da: {  	v5 =	vmin.f32 v5, $1.270000000e+02;
	v3 =	vand.u32 $0x7FFFFFFF, v8;
	v8 =	vand.u32 $0x7FFFFFFF, v16  }
0x2db: {  	v16 =	vmul.f32 $6.400000000e+01, v52;
	v55 =	vmax.f32 v18, $0.0e+00;
	v18 =	vmul.f32 $6.400000000e+01, v57  }
0x2dc: {  	v14 =	vmin.f32 v14, $1.270000000e+02;
	v12 =	vmin.f32 v12, $1.270000000e+02;
	v5 =	vmul.f32 $1.280000000e+02, v5  }
0x2dd: {  	v63 =	vmin.f32 v7, $1.270000000e+02;
	v16 =	vadd.f32 $-5.000000000e-01, v16;
	v58 =	vadd.f32 $-5.000000000e-01, v18  }
0x2de: {  	v7 =	vmin.f32 v11, $1.270000000e+02;
	v10 =	vadd.f32 $1.258291200e+07, v10;
	v5 =	vadd.f32 v5, v12  }
0x2df: {  	v62 =	vmax.f32 v59, $0.0e+00;
	v16 =	vadd.f32 $1.258291200e+07, v16;
	v12 =	vadd.f32 $1.258291200e+07, v58  }
0x2e0: {  	v56 =	vadd.f32 $1.258291200e+07, v21;
	v10 =	vadd.f32 $-1.258291200e+07, v10;
	v5 =	vmul.f32 $1.280000000e+02, v5  }
0x2e1: {  	v8 =	vmax.f32 v9, v8;
	v16 =	vadd.f32 $-1.258291200e+07, v16;
	v6 =	vadd.f32 $-1.258291200e+07, v12  }
0x2e2: {  	v17 =	vadd.f32 $-1.258291200e+07, v56;
	v15 =	vmin.f32 v55, $1.270000000e+02;
	v5 =	vadd.f32 v5, v14  }
0x2e3: {  	v10 =	vmax.f32 v10, $0.0e+00;
	v61 =	vmax.f32 v16, $0.0e+00;
	v6 =	vmax.f32 v6, $0.0e+00  }
0x2e4: {  	v5 =	vtrunc.f32 v5;
	v12 =	vmin.f32 v61, $1.270000000e+02;
	v6 =	vmin.f32 v6, $1.270000000e+02  }
0x2e5: {  	v17 =	vmax.f32 v17, $0.0e+00;
	v12 =	vmul.f32 $1.280000000e+02, v12;
	v6 =	vmul.f32 $1.280000000e+02, v6  }
0x2e6: {  	v10 =	vmin.f32 v10, $1.270000000e+02;
	v5 =	vcvt.f32.s32 v5;
	v16 =	vmin.f32 v62, $1.270000000e+02  }
0x2e7: {  	s8 =	simm.s32 $0xE020;
	v16 =	vmul.f32 $1.280000000e+02, v16;
	v10 =	vadd.f32 v12, v10;
	v6 =	vadd.f32 v6, v15  }
0x2e8: {  	vm15 =	vle.f32 v8, $1.000000000e+00;
	v17 =	vmin.f32 v17, $1.270000000e+02;
	[tilespmem:s8+$0xFFFFFFF0] =	vst v5;
	v5 =	vmax.f32 v13, $0.0e+00  }
0x2e9: {  	v11 =	vadd.f32 v16, v17;
	v10 =	vmul.f32 $1.280000000e+02, v10;
	v15 =	vmul.f32 $1.280000000e+02, v6  }
0x2ea: {  	s7 =	simm.s32 $0x12020;
	v9 =	vand.u32 $0x7FFFFFFF, v20;
	v8 =	vmin.f32 v5, $1.270000000e+02;
	v5 =	vsel vm15, $0x0, v0  }
0x2eb: {  	s9 =	simm.s32 $0xE060;
	s10 =	simm.s32 $0x12060;
	s11 =	simm.s32 $0x6060;
	[tilespmem:s7+$0xFFFFFFF0] =	vst v60;
	v6 =	vmul.f32 $1.280000000e+02, v11;
	v7 =	vadd.f32 v10, v7;
	v10 =	vadd.f32 v15, v63  }
.LBB2_20:
0x2ec: {  	s12 =	sadd.s32 $0x50, s6  }
0x2ed: {  	v11 =	vld [tilespmem:s11+$0xFFFFFFF0];
	s13 =	sadd.s32 $0x70, s6;
	v4 =	vmax.f32 v4, v9;
	v9 =	vand.u32 $0x7FFFFFFF, v1;
	v2 =	vand.u32 $0x7FFFFFFF, v2;
	s14 =	smov.u32 s6;
	s6 =	sadd.s32 $0x40, s6  }
0x2ee: {  	s15 =	sand.u32 $0x1F80, s6;
	s12 =	sand.u32 $0x50, s12;
	s14 =	sadd.s32 $0x60, s14;
	v1 =	vld [tilespmem:s11+$0x0];
	vm0 =	vle.f32 v4, $1.000000000e+00;
	v4 =	vtrunc.f32 v10;
	v3 =	vmax.f32 v9, v3  }
0x2ef: {  	v9 =	vld [tilespmem:s11+$0xFFFFFFE0];
	s16 =	sor.u32 $0x8000, s15;
	s15 =	sor.u32 $0xA000, s15;
	s14 =	sand.u32 $0x60, s14;
	v10 =	vsel vm0, $0x0, v0;
	v2 =	vmax.f32 v3, v2;
	v3 =	vadd.f32 v6, v8  }
0x2f0: {  	v7 =	vtrunc.f32 v7;
	s17 =	sand.u32 $0x40, s6;
	s13 =	sand.u32 $0x70, s13;
	v4 =	vcvt.f32.s32 v4;
	s18 =	sor.u32 s12, s16;
	v6 =	vld [tilespmem:s11+$0x10];
	vm0 =	vle.f32 v2, $1.000000000e+00  }
0x2f1: {  	v7 =	vcvt.f32.s32 v7;
	s19 =	sor.u32 s17, s16;
	s12 =	sor.u32 s12, s15;
	v2 =	vld [tilespmem:s18+$0x0];
	s18 =	sor.u32 s14, s15;
	v3 =	vtrunc.f32 v3  }
0x2f2: {  	v8 =	vld [tilespmem:s12+$0x0];
	v12 =	vadd.f32 $1.000000000e+00, v11;
	s12 =	sor.u32 s14, s16;
	s14 =	sor.u32 s13, s16;
	s13 =	sor.u32 s13, s15;
	[tilespmem:s8+$0x0] =	vst v4;
	v3 =	vcvt.f32.s32 v3  }
0x2f3: {  	p0 =	slt.u32 s6, $0x1FC0;
	s15 =	sor.u32 s17, s15;
	v4 =	vand.u32 $0x7FFFFFFF, v11;
	v11 =	vld [tilespmem:s12+$0x0];
	v13 =	vadd.f32 $1.000000000e+00, v1;
	[tilespmem:s8+$0xFFFFFFE0] =	vst v7;
	v7 =	vsel vm0, $0x0, v0  }
0x2f4: {  	v14 =	vld [tilespmem:s19+$0x0];
	v15 =	vadd.f32 $1.000000000e+00, v9;
	v9 =	vand.u32 $0x7FFFFFFF, v9;
	v12 =	vmul.f32 $6.400000000e+01, v12;
	[tilespmem:s8+$0x10] =	vst v3;
	s8 =	smov.u32 s9  }
0x2f5: {  	v3 =	vmul.f32 $6.400000000e+01, v13;
	v13 =	vld [tilespmem:s14+$0x0];
	v16 =	vadd.f32 $1.000000000e+00, v6;
	v6 =	vand.u32 $0x7FFFFFFF, v6;
	[tilespmem:s7+$0x10] =	vst v5  }
0x2f6: {  	v5 =	vld [tilespmem:s15+$0x0];
	v15 =	vmul.f32 $6.400000000e+01, v15;
	v17 =	vadd.f32 $1.000000000e+00, v2;
	v12 =	vadd.f32 $-5.000000000e-01, v12;
	[tilespmem:s7+$0xFFFFFFE0] =	vst v10  }
0x2f7: {  	v10 =	vadd.f32 $1.000000000e+00, v8;
	v18 =	vadd.f32 $-5.000000000e-01, v3;
	v19 =	vld [tilespmem:s13+$0x0];
	v3 =	vmul.f32 $6.400000000e+01, v16;
	[tilespmem:s7+$0x0] =	vst v7;
	s7 =	smov.u32 s10  }
0x2f8: {  	v16 =	vand.u32 $0x7FFFFFFF, v2;
	v7 =	vmul.f32 $6.400000000e+01, v17;
	v12 =	vadd.f32 $1.258291200e+07, v12;
	v2 =	vld [tilespmem:s18+$0x0]  }
0x2f9: {  	v20 =	vadd.f32 $1.000000000e+00, v11;
	v17 =	vand.u32 $0x7FFFFFFF, v14;
	v10 =	vmul.f32 $6.400000000e+01, v10  }
0x2fa: {  	v15 =	vadd.f32 $-5.000000000e-01, v15;
	v4 =	vmax.f32 v4, v16;
	v16 =	vadd.f32 $1.000000000e+00, v13  }
0x2fb: {  	v20 =	vmul.f32 $6.400000000e+01, v20;
	v13 =	vand.u32 $0x7FFFFFFF, v13;
	v10 =	vadd.f32 $-5.000000000e-01, v10  }
0x2fc: {  	v14 =	vadd.f32 $1.000000000e+00, v14;
	v21 =	vadd.f32 $1.000000000e+00, v19;
	v16 =	vmul.f32 $6.400000000e+01, v16  }
0x2fd: {  	v8 =	vand.u32 $0x7FFFFFFF, v8;
	v7 =	vadd.f32 $-5.000000000e-01, v7;
	v20 =	vadd.f32 $-5.000000000e-01, v20  }
0x2fe: {  	v22 =	vadd.f32 $-5.000000000e-01, v3;
	v21 =	vmul.f32 $6.400000000e+01, v21;
	v16 =	vadd.f32 $-5.000000000e-01, v16  }
0x2ff: {  	v15 =	vadd.f32 $1.258291200e+07, v15;
	v14 =	vmul.f32 $6.400000000e+01, v14;
	v3 =	vadd.f32 $1.258291200e+07, v20  }
0x300: {  	v8 =	vmax.f32 v4, v8;
	v6 =	vmax.f32 v6, v13;
	v10 =	vadd.f32 $1.258291200e+07, v10  }
0x301: {  	v13 =	vadd.f32 $-1.258291200e+07, v3;
	v3 =	vand.u32 $0x7FFFFFFF, v11;
	v11 =	vand.u32 $0x7FFFFFFF, v19  }
0x302: {  	v4 =	vmax.f32 v9, v17;
	v9 =	vadd.f32 $-1.258291200e+07, v10;
	v19 =	vadd.f32 $1.000000000e+00, v5  }
0x303: {  	v7 =	vadd.f32 $1.258291200e+07, v7;
	v10 =	vadd.f32 $-1.258291200e+07, v12;
	v12 =	vmax.f32 v13, $0.0e+00  }
0x304: {  	v16 =	vadd.f32 $1.258291200e+07, v16;
	v9 =	vmax.f32 v9, $0.0e+00;
	v13 =	vmul.f32 $6.400000000e+01, v19  }
0x305: {  	v7 =	vadd.f32 $-1.258291200e+07, v7;
	v10 =	vmax.f32 v10, $0.0e+00;
	v12 =	vmin.f32 v12, $1.270000000e+02  }
0x306: {  	v17 =	vadd.f32 $1.000000000e+00, v2;
	v10 =	vmin.f32 v10, $1.270000000e+02;
	v16 =	vadd.f32 $-1.258291200e+07, v16  }
0x307: {  	v7 =	vmax.f32 v7, $0.0e+00;
	v9 =	vmin.f32 v9, $1.270000000e+02;
	v19 =	vadd.f32 $-5.000000000e-01, v21  }
0x308: {  	v14 =	vadd.f32 $-5.000000000e-01, v14;
	v17 =	vmul.f32 $6.400000000e+01, v17;
	v9 =	vmul.f32 $1.280000000e+02, v9  }
0x309: {  	v7 =	vmin.f32 v7, $1.270000000e+02;
	v13 =	vadd.f32 $-5.000000000e-01, v13;
	v19 =	vadd.f32 $1.258291200e+07, v19  }
0x30a: {  	v16 =	vmax.f32 v16, $0.0e+00;
	v7 =	vadd.f32 v9, v7;
	v9 =	vadd.f32 $-5.000000000e-01, v17  }
0x30b: {  	v14 =	vadd.f32 $1.258291200e+07, v14;
	v16 =	vmin.f32 v16, $1.270000000e+02;
	v13 =	vadd.f32 $1.258291200e+07, v13  }
0x30c: {  	v17 =	vadd.f32 $-1.258291200e+07, v19;
	v7 =	vmul.f32 $1.280000000e+02, v7;
	v9 =	vadd.f32 $1.258291200e+07, v9  }
0x30d: {  	vm0 =	vle.f32 v8, $1.000000000e+00;
	v14 =	vadd.f32 $-1.258291200e+07, v14;
	v13 =	vadd.f32 $-1.258291200e+07, v13  }
0x30e: {  	v8 =	vsel vm0, $0x0, v0;
	v7 =	vadd.f32 v7, v10;
	v9 =	vadd.f32 $-1.258291200e+07, v9  }
0x30f: {  	v10 =	vmax.f32 v13, $0.0e+00;
	v13 =	vmax.f32 v14, $0.0e+00;
	v14 =	vadd.f32 $1.258291200e+07, v18  }
0x310: {  	v13 =	vmin.f32 v13, $1.270000000e+02;
	v7 =	vtrunc.f32 v7;
	v9 =	vmax.f32 v9, $0.0e+00  }
0x311: {  	v17 =	vmax.f32 v17, $0.0e+00;
	v18 =	vadd.f32 $1.258291200e+07, v22;
	v7 =	vcvt.f32.s32 v7  }
0x312: {  	v17 =	vmin.f32 v17, $1.270000000e+02;
	v10 =	vmin.f32 v10, $1.270000000e+02;
	v14 =	vadd.f32 $-1.258291200e+07, v14  }
0x313: {  	v15 =	vadd.f32 $-1.258291200e+07, v15;
	v10 =	vmul.f32 $1.280000000e+02, v10;
	[tilespmem:s9+$0xFFFFFFF0] =	vst v7;
	v7 =	vmin.f32 v9, $1.270000000e+02  }
0x314: {  	v9 =	vmul.f32 $1.280000000e+02, v17;
	[tilespmem:s10+$0xFFFFFFF0] =	vst v8;
	v7 =	vmul.f32 $1.280000000e+02, v7;
	v8 =	vmax.f32 v14, $0.0e+00  }
0x315: {  	v10 =	vadd.f32 v10, v13;
	v13 =	vmax.f32 v15, $0.0e+00;
	v8 =	vmin.f32 v8, $1.270000000e+02  }
.Ltmp9:
0x316: {  	v13 =	vmin.f32 v13, $1.270000000e+02;
	v9 =	vadd.f32 v9, v16;
	v7 =	vadd.f32 v7, v12;
	(pc) =	sbr.rel @p0 .LBB2_20-.Ltmp9, $4  }
0x317: {  	v11 =	vmax.f32 v6, v11;
	v10 =	vmul.f32 $1.280000000e+02, v10;
	v12 =	vadd.f32 $-1.258291200e+07, v18  }
0x318: {  	vm0 =	vle.f32 v11, $1.000000000e+00;
	v6 =	vmul.f32 $1.280000000e+02, v9;
	v14 =	vmul.f32 $1.280000000e+02, v7  }
0x319: {  	v9 =	vand.u32 $0x7FFFFFFF, v5;
	v7 =	vadd.f32 v10, v13;
	v5 =	vmax.f32 v12, $0.0e+00  }
0x31a: {  	s11 =	sadd.s32 $0x40, s11;
	s9 =	sadd.s32 $0x40, s9;
	s10 =	sadd.s32 $0x40, s10;
	v10 =	vadd.f32 v14, v8;
	v8 =	vmin.f32 v5, $1.270000000e+02;
	v5 =	vsel vm0, $0x0, v0  }
0x31b: {  	v6 =	vadd.f32 v6, v8;
	v7 =	vtrunc.f32 v7  }
0x31c: {  	v1 =	vand.u32 $0x7FFFFFFF, v1;
	v10 =	vtrunc.f32 v10;
	v7 =	vcvt.f32.s32 v7  }
0x31d: {  	v4 =	vmax.f32 v4, v9;
	v2 =	vand.u32 $0x7FFFFFFF, v2;
	v8 =	vcvt.f32.s32 v10  }
0x31e: {  	v1 =	vmax.f32 v1, v3;
	vm0 =	vle.f32 v4, $1.000000000e+00;
	v6 =	vtrunc.f32 v6;
	[tilespmem:s8+$0xFFFFFFE0] =	vst v7  }
0x31f: {  	v1 =	vmax.f32 v1, v2;
	v2 =	vsel vm0, $0x0, v0;
	v6 =	vcvt.f32.s32 v6;
	[tilespmem:s8+$0x0] =	vst v8  }
0x320: {  	vm15 =	vle.f32 v1, $1.000000000e+00;
	[tilespmem:s7+$0xFFFFFFE0] =	vst v2  }
0x321: {  	v1 =	vsel vm15, $0x0, v0;
	[tilespmem:s8+$0x10] =	vst v6  }
0x322: {  	[tilespmem:s7+$0x0] =	vst v1  }
0x323: {  	[tilespmem:s7+$0x10] =	vst v5  }
0x324: {  	_ =	swait.ge [sflag:s4], $0x2000  }
0x325: {  	[sflag:s4] =	ssyncset.done $0x0  }
0x326: {  	[sflag:s4] =	ssyncadd.s32 $0xFFFFE000  }
0x327: {  	[tilespmem:s30], [sflag:$0x2] =	stream.indirect.gather [hbm4b:s2+s21], $0x1, s29, s21, $0xb8;
	[tilespmem:$0x18000] =	vst v63  }
0x328: {  	_ =	swait.ge [sflag:s31], $0x2000  }
0x329: {  	[sflag:s31] =	ssyncset.done $0x0  }
0x32a: {  	s6 =	simm.s32 $0x14020;
	[sflag:s31] =	ssyncadd.s32 $0xFFFFE000  }
0x32b: {  	s7 =	simm.s32 $0x10020;
	v6 =	vld [tilespmem:s6+$0x10]  }
0x32c: {  	v7 =	vld [tilespmem:s7+$0x10]  }
0x32d: {  	v3 =	vld [tilespmem:s7+$0xFFFFFFE0]  }
0x32e: {  	v1 =	vld [tilespmem:s6+$0xFFFFFFF0]  }
0x32f: {  	v5 =	vld [tilespmem:s7+$0xFFFFFFF0]  }
0x330: {  	v2 =	vld [tilespmem:s6+$0x0]  }
0x331: {  	v4 =	vld [tilespmem:s7+$0x0];
	v7 =	vadd.f32 v7, v6  }
0x332: {  	s9 =	simm.s32 $0x14060;
	s8 =	simm.s32 $0x0;
	v6 =	vld [tilespmem:s6+$0xFFFFFFE0]  }
.LBB2_22:
0x333: {  	v8 =	vld [tilespmem:s9+$0x10];
	[tilespmem:s6+$0x10] =	vst v7;
	s7 =	sadd.s32 $0x40, s7  }
0x334: {  	s8 =	sadd.s32 $0x40, s8;
	v7 =	vld [tilespmem:s7+$0x10];
	v5 =	vadd.f32 v5, v1  }
0x335: {  	p0 =	slt.u32 s8, $0x1FC0;
	v9 =	vld [tilespmem:s7+$0xFFFFFFE0]  }
.Ltmp10:
0x336: {  	v1 =	vld [tilespmem:s9+$0xFFFFFFF0];
	[tilespmem:s6+$0xFFFFFFF0] =	vst v5;
	v4 =	vadd.f32 v4, v2;
	(pc) =	sbr.rel @p0 .LBB2_22-.Ltmp10, $4  }
0x337: {  	v5 =	vld [tilespmem:s7+$0xFFFFFFF0];
	v10 =	vadd.f32 v3, v6  }
0x338: {  	v2 =	vld [tilespmem:s9+$0x0];
	[tilespmem:s6+$0x0] =	vst v4  }
0x339: {  	v4 =	vld [tilespmem:s7+$0x0];
	v7 =	vadd.f32 v7, v8;
	[tilespmem:s6+$0xFFFFFFE0] =	vst v10;
	s6 =	smov.u32 s9  }
0x33a: {  	s9 =	sadd.s32 $0x40, s9;
	v6 =	vld [tilespmem:s6+$0xFFFFFFE0];
	v3 =	vmov v9  }
0x33b: {  	_ =	sdelay $0x1  }
0x33c: {  	v1 =	vadd.f32 v5, v1  }
0x33d: {  	[tilespmem:s6+$0x10] =	vst v7;
	v2 =	vadd.f32 v4, v2  }
0x33e: {  	[tilespmem:s6+$0xFFFFFFF0] =	vst v1;
	v1 =	vadd.f32 v3, v6  }
0x33f: {  	[tilespmem:s6+$0x0] =	vst v2  }
0x340: {  	[tilespmem:s6+$0xFFFFFFE0] =	vst v1  }
0x341: {  	s6 =	rddreg [dreg:$0xe]  }
0x342: {  	[hbm4b:s6+s3] =	stream.linear.scatter [tilespmem:s26], [sflag:$0x3], $0x2000, $0x38;
	[tilespmem:$0x18000] =	vst v63  }
0x343: {  	_ =	swait.ge [sflag:s28], $0x6000  }
0x344: {  	[sflag:s28] =	ssyncset.done $0x0  }
0x345: {  	s7 =	simm.s32 $0x20;
	s13 =	rddreg [dreg:$0xf];
	[sflag:s28] =	ssyncadd.s32 $0xFFFFA000  }
0x346: {  	[tilespmem:s24], [sflag:$0x5] =	stream.strided.gather [hbm4b:s13+s21], $0x6000, s22, s21, $0x38;
	[tilespmem:$0x18000] =	vst v63  }
0x347: {  	s6 =	simm.s32 $0x0;
	v2 =	vld [tilespmem:s7+$0xFFFFFFF0]  }
0x348: {  	s8 =	simm.s32 $0x10;
	s9 =	sand.u32 $0x1F80, s6;
	v1 =	vld [tilespmem:s7+$0x0]  }
0x349: {  	s8 =	sand.u32 $0x50, s8;
	s10 =	sor.u32 $0x2000, s9;
	v3 =	vld [tilespmem:s7+$0xFFFFFFE0]  }
0x34a: {  	s9 =	sor.u32 $0x4000, s9;
	s12 =	sor.u32 s8, s10;
	v4 =	vld [tilespmem:s7+$0x10]  }
0x34b: {  	s11 =	simm.s32 $0x20;
	s15 =	sand.u32 $0x40, s6;
	s8 =	sor.u32 s8, s9;
	v5 =	vld [tilespmem:s12+$0x0]  }
0x34c: {  	s14 =	simm.s32 $0x30;
	s19 =	sor.u32 s15, s9;
	s7 =	sand.u32 $0x60, s11;
	v6 =	vld [tilespmem:s8+$0x0]  }
0x34d: {  	s11 =	sand.u32 $0x70, s14;
	v20 =	vld [tilespmem:s19+$0x0];
	s16 =	sor.u32 s7, s10  }
0x34e: {  	s18 =	sor.u32 s11, s9;
	v8 =	vld [tilespmem:s16+$0x0]  }
0x34f: {  	v16 =	vld [tilespmem:s18+$0x0]  }
0x350: {  	v7 =	vadd.f32 $1.000000000e+00, v2;
	v2 =	vand.u32 $0x7FFFFFFF, v2;
	v9 =	vadd.f32 $1.000000000e+00, v1  }
0x351: {  	v11 =	vadd.f32 $1.000000000e+00, v3;
	v12 =	vand.u32 $0x7FFFFFFF, v3;
	v13 =	vadd.f32 $1.000000000e+00, v4  }
0x352: {  	v14 =	vadd.f32 $1.000000000e+00, v5;
	v15 =	vadd.f32 $1.000000000e+00, v6;
	v3 =	vmul.f32 $6.400000000e+01, v7  }
0x353: {  	s13 =	sor.u32 s15, s10;
	v52 =	vadd.f32 $1.000000000e+00, v20;
	v7 =	vmul.f32 $6.400000000e+01, v9;
	v11 =	vmul.f32 $6.400000000e+01, v11  }
0x354: {  	v10 =	vld [tilespmem:s13+$0x0];
	v15 =	vmul.f32 $6.400000000e+01, v15;
	v18 =	vadd.f32 $1.000000000e+00, v8;
	v19 =	vadd.f32 $1.000000000e+00, v16  }
0x355: {  	v14 =	vmul.f32 $6.400000000e+01, v14;
	v3 =	vadd.f32 $-5.000000000e-01, v3;
	v7 =	vadd.f32 $-5.000000000e-01, v7  }
0x356: {  	s17 =	sor.u32 s11, s10;
	v13 =	vmul.f32 $6.400000000e+01, v13;
	v11 =	vadd.f32 $-5.000000000e-01, v11;
	v15 =	vadd.f32 $-5.000000000e-01, v15  }
0x357: {  	v9 =	vld [tilespmem:s17+$0x0];
	v18 =	vmul.f32 $6.400000000e+01, v18;
	v14 =	vadd.f32 $-5.000000000e-01, v14;
	v19 =	vmul.f32 $6.400000000e+01, v19  }
0x358: {  	v13 =	vadd.f32 $-5.000000000e-01, v13;
	v17 =	vadd.f32 $1.258291200e+07, v3;
	v3 =	vand.u32 $0x7FFFFFFF, v5  }
0x359: {  	v5 =	vand.u32 $0x7FFFFFFF, v10;
	v10 =	vadd.f32 $1.000000000e+00, v10;
	v18 =	vadd.f32 $-5.000000000e-01, v18  }
0x35a: {  	v4 =	vand.u32 $0x7FFFFFFF, v4;
	v11 =	vadd.f32 $1.258291200e+07, v11;
	v15 =	vadd.f32 $1.258291200e+07, v15  }
0x35b: {  	v6 =	vand.u32 $0x7FFFFFFF, v6;
	v53 =	vadd.f32 $1.258291200e+07, v14;
	v19 =	vadd.f32 $-5.000000000e-01, v19  }
0x35c: {  	v2 =	vmax.f32 v2, v3;
	v3 =	vadd.f32 $1.000000000e+00, v9;
	v9 =	vand.u32 $0x7FFFFFFF, v9  }
0x35d: {  	v7 =	vadd.f32 $1.258291200e+07, v7;
	v13 =	vadd.f32 $1.258291200e+07, v13;
	v9 =	vmax.f32 v4, v9  }
0x35e: {  	v4 =	vmax.f32 v12, v5;
	v5 =	vadd.f32 $-1.258291200e+07, v15;
	v54 =	vadd.f32 $-1.258291200e+07, v17  }
0x35f: {  	s7 =	sor.u32 s7, s9;
	v10 =	vmul.f32 $6.400000000e+01, v10;
	v12 =	vadd.f32 $-1.258291200e+07, v53;
	v19 =	vadd.f32 $1.258291200e+07, v19  }
0x360: {  	v6 =	vmax.f32 v2, v6;
	v2 =	vld [tilespmem:s7+$0x0];
	v7 =	vadd.f32 $-1.258291200e+07, v7;
	v11 =	vadd.f32 $-1.258291200e+07, v11  }
0x361: {  	v13 =	vadd.f32 $-1.258291200e+07, v13;
	v3 =	vmul.f32 $6.400000000e+01, v3;
	vm0 =	vle.f32 v6, $1.000000000e+00  }
0x362: {  	v5 =	vmax.f32 v5, $0.0e+00;
	v14 =	vmax.f32 v54, $0.0e+00;
	v10 =	vadd.f32 $-5.000000000e-01, v10  }
0x363: {  	v12 =	vmax.f32 v12, $0.0e+00;
	v21 =	vadd.f32 $-5.000000000e-01, v3;
	v3 =	vadd.f32 $1.258291200e+07, v18  }
0x364: {  	v59 =	vadd.f32 $-1.258291200e+07, v19;
	v60 =	vsel vm0, $0x0, v0;
	v7 =	vmax.f32 v7, $0.0e+00  }
0x365: {  	v11 =	vmax.f32 v11, $0.0e+00;
	v18 =	vadd.f32 $-1.258291200e+07, v3;
	v57 =	vadd.f32 $1.000000000e+00, v2  }
0x366: {  	v5 =	vmin.f32 v5, $1.270000000e+02;
	v3 =	vand.u32 $0x7FFFFFFF, v8;
	v8 =	vand.u32 $0x7FFFFFFF, v16  }
0x367: {  	v16 =	vmul.f32 $6.400000000e+01, v52;
	v55 =	vmax.f32 v18, $0.0e+00;
	v18 =	vmul.f32 $6.400000000e+01, v57  }
0x368: {  	v14 =	vmin.f32 v14, $1.270000000e+02;
	v12 =	vmin.f32 v12, $1.270000000e+02;
	v5 =	vmul.f32 $1.280000000e+02, v5  }
0x369: {  	v63 =	vmin.f32 v7, $1.270000000e+02;
	v16 =	vadd.f32 $-5.000000000e-01, v16;
	v58 =	vadd.f32 $-5.000000000e-01, v18  }
0x36a: {  	v7 =	vmin.f32 v11, $1.270000000e+02;
	v10 =	vadd.f32 $1.258291200e+07, v10;
	v5 =	vadd.f32 v5, v12  }
0x36b: {  	v62 =	vmax.f32 v59, $0.0e+00;
	v16 =	vadd.f32 $1.258291200e+07, v16;
	v12 =	vadd.f32 $1.258291200e+07, v58  }
0x36c: {  	v56 =	vadd.f32 $1.258291200e+07, v21;
	v10 =	vadd.f32 $-1.258291200e+07, v10;
	v5 =	vmul.f32 $1.280000000e+02, v5  }
0x36d: {  	v8 =	vmax.f32 v9, v8;
	v16 =	vadd.f32 $-1.258291200e+07, v16;
	v6 =	vadd.f32 $-1.258291200e+07, v12  }
0x36e: {  	v17 =	vadd.f32 $-1.258291200e+07, v56;
	v15 =	vmin.f32 v55, $1.270000000e+02;
	v5 =	vadd.f32 v5, v14  }
0x36f: {  	v10 =	vmax.f32 v10, $0.0e+00;
	v61 =	vmax.f32 v16, $0.0e+00;
	v6 =	vmax.f32 v6, $0.0e+00  }
0x370: {  	v5 =	vtrunc.f32 v5;
	v12 =	vmin.f32 v61, $1.270000000e+02;
	v6 =	vmin.f32 v6, $1.270000000e+02  }
0x371: {  	v17 =	vmax.f32 v17, $0.0e+00;
	v12 =	vmul.f32 $1.280000000e+02, v12;
	v6 =	vmul.f32 $1.280000000e+02, v6  }
0x372: {  	v10 =	vmin.f32 v10, $1.270000000e+02;
	v5 =	vcvt.f32.s32 v5;
	v16 =	vmin.f32 v62, $1.270000000e+02  }
0x373: {  	s8 =	simm.s32 $0xC020;
	v16 =	vmul.f32 $1.280000000e+02, v16;
	v10 =	vadd.f32 v12, v10;
	v6 =	vadd.f32 v6, v15  }
0x374: {  	vm15 =	vle.f32 v8, $1.000000000e+00;
	v17 =	vmin.f32 v17, $1.270000000e+02;
	[tilespmem:s8+$0xFFFFFFF0] =	vst v5;
	v5 =	vmax.f32 v13, $0.0e+00  }
0x375: {  	v11 =	vadd.f32 v16, v17;
	v10 =	vmul.f32 $1.280000000e+02, v10;
	v15 =	vmul.f32 $1.280000000e+02, v6  }
0x376: {  	s7 =	simm.s32 $0x10020;
	v9 =	vand.u32 $0x7FFFFFFF, v20;
	v8 =	vmin.f32 v5, $1.270000000e+02;
	v5 =	vsel vm15, $0x0, v0  }
0x377: {  	s9 =	simm.s32 $0xC060;
	s10 =	simm.s32 $0x10060;
	s11 =	simm.s32 $0x60;
	[tilespmem:s7+$0xFFFFFFF0] =	vst v60;
	v6 =	vmul.f32 $1.280000000e+02, v11;
	v7 =	vadd.f32 v10, v7;
	v10 =	vadd.f32 v15, v63  }
.LBB2_24:
0x378: {  	s12 =	sadd.s32 $0x50, s6  }
0x379: {  	v11 =	vld [tilespmem:s11+$0xFFFFFFF0];
	s13 =	sadd.s32 $0x70, s6;
	v4 =	vmax.f32 v4, v9;
	v9 =	vand.u32 $0x7FFFFFFF, v1;
	v2 =	vand.u32 $0x7FFFFFFF, v2;
	s14 =	smov.u32 s6;
	s6 =	sadd.s32 $0x40, s6  }
0x37a: {  	s15 =	sand.u32 $0x1F80, s6;
	s12 =	sand.u32 $0x50, s12;
	s14 =	sadd.s32 $0x60, s14;
	v1 =	vld [tilespmem:s11+$0x0];
	vm0 =	vle.f32 v4, $1.000000000e+00;
	v4 =	vtrunc.f32 v10;
	v3 =	vmax.f32 v9, v3  }
0x37b: {  	v9 =	vld [tilespmem:s11+$0xFFFFFFE0];
	s16 =	sor.u32 $0x2000, s15;
	s15 =	sor.u32 $0x4000, s15;
	s14 =	sand.u32 $0x60, s14;
	v10 =	vsel vm0, $0x0, v0;
	v2 =	vmax.f32 v3, v2;
	v3 =	vadd.f32 v6, v8  }
0x37c: {  	v7 =	vtrunc.f32 v7;
	s17 =	sand.u32 $0x40, s6;
	s13 =	sand.u32 $0x70, s13;
	v4 =	vcvt.f32.s32 v4;
	s18 =	sor.u32 s12, s16;
	v6 =	vld [tilespmem:s11+$0x10];
	vm0 =	vle.f32 v2, $1.000000000e+00  }
0x37d: {  	v7 =	vcvt.f32.s32 v7;
	s19 =	sor.u32 s17, s16;
	s12 =	sor.u32 s12, s15;
	v2 =	vld [tilespmem:s18+$0x0];
	s18 =	sor.u32 s14, s15;
	v3 =	vtrunc.f32 v3  }
0x37e: {  	v8 =	vld [tilespmem:s12+$0x0];
	v12 =	vadd.f32 $1.000000000e+00, v11;
	s12 =	sor.u32 s14, s16;
	s14 =	sor.u32 s13, s16;
	s13 =	sor.u32 s13, s15;
	[tilespmem:s8+$0x0] =	vst v4;
	v3 =	vcvt.f32.s32 v3  }
0x37f: {  	p0 =	slt.u32 s6, $0x1FC0;
	s15 =	sor.u32 s17, s15;
	v4 =	vand.u32 $0x7FFFFFFF, v11;
	v11 =	vld [tilespmem:s12+$0x0];
	v13 =	vadd.f32 $1.000000000e+00, v1;
	[tilespmem:s8+$0xFFFFFFE0] =	vst v7;
	v7 =	vsel vm0, $0x0, v0  }
0x380: {  	v14 =	vld [tilespmem:s19+$0x0];
	v15 =	vadd.f32 $1.000000000e+00, v9;
	v9 =	vand.u32 $0x7FFFFFFF, v9;
	v12 =	vmul.f32 $6.400000000e+01, v12;
	[tilespmem:s8+$0x10] =	vst v3;
	s8 =	smov.u32 s9  }
0x381: {  	v3 =	vmul.f32 $6.400000000e+01, v13;
	v13 =	vld [tilespmem:s14+$0x0];
	v16 =	vadd.f32 $1.000000000e+00, v6;
	v6 =	vand.u32 $0x7FFFFFFF, v6;
	[tilespmem:s7+$0x10] =	vst v5  }
0x382: {  	v5 =	vld [tilespmem:s15+$0x0];
	v15 =	vmul.f32 $6.400000000e+01, v15;
	v17 =	vadd.f32 $1.000000000e+00, v2;
	v12 =	vadd.f32 $-5.000000000e-01, v12;
	[tilespmem:s7+$0xFFFFFFE0] =	vst v10  }
0x383: {  	v10 =	vadd.f32 $1.000000000e+00, v8;
	v18 =	vadd.f32 $-5.000000000e-01, v3;
	v19 =	vld [tilespmem:s13+$0x0];
	v3 =	vmul.f32 $6.400000000e+01, v16;
	[tilespmem:s7+$0x0] =	vst v7;
	s7 =	smov.u32 s10  }
0x384: {  	v16 =	vand.u32 $0x7FFFFFFF, v2;
	v7 =	vmul.f32 $6.400000000e+01, v17;
	v12 =	vadd.f32 $1.258291200e+07, v12;
	v2 =	vld [tilespmem:s18+$0x0]  }
0x385: {  	v20 =	vadd.f32 $1.000000000e+00, v11;
	v17 =	vand.u32 $0x7FFFFFFF, v14;
	v10 =	vmul.f32 $6.400000000e+01, v10  }
0x386: {  	v15 =	vadd.f32 $-5.000000000e-01, v15;
	v4 =	vmax.f32 v4, v16;
	v16 =	vadd.f32 $1.000000000e+00, v13  }
0x387: {  	v20 =	vmul.f32 $6.400000000e+01, v20;
	v13 =	vand.u32 $0x7FFFFFFF, v13;
	v10 =	vadd.f32 $-5.000000000e-01, v10  }
0x388: {  	v14 =	vadd.f32 $1.000000000e+00, v14;
	v21 =	vadd.f32 $1.000000000e+00, v19;
	v16 =	vmul.f32 $6.400000000e+01, v16  }
0x389: {  	v8 =	vand.u32 $0x7FFFFFFF, v8;
	v7 =	vadd.f32 $-5.000000000e-01, v7;
	v20 =	vadd.f32 $-5.000000000e-01, v20  }
0x38a: {  	v22 =	vadd.f32 $-5.000000000e-01, v3;
	v21 =	vmul.f32 $6.400000000e+01, v21;
	v16 =	vadd.f32 $-5.000000000e-01, v16  }
0x38b: {  	v15 =	vadd.f32 $1.258291200e+07, v15;
	v14 =	vmul.f32 $6.400000000e+01, v14;
	v3 =	vadd.f32 $1.258291200e+07, v20  }
0x38c: {  	v8 =	vmax.f32 v4, v8;
	v6 =	vmax.f32 v6, v13;
	v10 =	vadd.f32 $1.258291200e+07, v10  }
0x38d: {  	v13 =	vadd.f32 $-1.258291200e+07, v3;
	v3 =	vand.u32 $0x7FFFFFFF, v11;
	v11 =	vand.u32 $0x7FFFFFFF, v19  }
0x38e: {  	v4 =	vmax.f32 v9, v17;
	v9 =	vadd.f32 $-1.258291200e+07, v10;
	v19 =	vadd.f32 $1.000000000e+00, v5  }
0x38f: {  	v7 =	vadd.f32 $1.258291200e+07, v7;
	v10 =	vadd.f32 $-1.258291200e+07, v12;
	v12 =	vmax.f32 v13, $0.0e+00  }
0x390: {  	v16 =	vadd.f32 $1.258291200e+07, v16;
	v9 =	vmax.f32 v9, $0.0e+00;
	v13 =	vmul.f32 $6.400000000e+01, v19  }
0x391: {  	v7 =	vadd.f32 $-1.258291200e+07, v7;
	v10 =	vmax.f32 v10, $0.0e+00;
	v12 =	vmin.f32 v12, $1.270000000e+02  }
0x392: {  	v17 =	vadd.f32 $1.000000000e+00, v2;
	v10 =	vmin.f32 v10, $1.270000000e+02;
	v16 =	vadd.f32 $-1.258291200e+07, v16  }
0x393: {  	v7 =	vmax.f32 v7, $0.0e+00;
	v9 =	vmin.f32 v9, $1.270000000e+02;
	v19 =	vadd.f32 $-5.000000000e-01, v21  }
0x394: {  	v14 =	vadd.f32 $-5.000000000e-01, v14;
	v17 =	vmul.f32 $6.400000000e+01, v17;
	v9 =	vmul.f32 $1.280000000e+02, v9  }
0x395: {  	v7 =	vmin.f32 v7, $1.270000000e+02;
	v13 =	vadd.f32 $-5.000000000e-01, v13;
	v19 =	vadd.f32 $1.258291200e+07, v19  }
0x396: {  	v16 =	vmax.f32 v16, $0.0e+00;
	v7 =	vadd.f32 v9, v7;
	v9 =	vadd.f32 $-5.000000000e-01, v17  }
0x397: {  	v14 =	vadd.f32 $1.258291200e+07, v14;
	v16 =	vmin.f32 v16, $1.270000000e+02;
	v13 =	vadd.f32 $1.258291200e+07, v13  }
0x398: {  	v17 =	vadd.f32 $-1.258291200e+07, v19;
	v7 =	vmul.f32 $1.280000000e+02, v7;
	v9 =	vadd.f32 $1.258291200e+07, v9  }
0x399: {  	vm0 =	vle.f32 v8, $1.000000000e+00;
	v14 =	vadd.f32 $-1.258291200e+07, v14;
	v13 =	vadd.f32 $-1.258291200e+07, v13  }
0x39a: {  	v8 =	vsel vm0, $0x0, v0;
	v7 =	vadd.f32 v7, v10;
	v9 =	vadd.f32 $-1.258291200e+07, v9  }
0x39b: {  	v10 =	vmax.f32 v13, $0.0e+00;
	v13 =	vmax.f32 v14, $0.0e+00;
	v14 =	vadd.f32 $1.258291200e+07, v18  }
0x39c: {  	v13 =	vmin.f32 v13, $1.270000000e+02;
	v7 =	vtrunc.f32 v7;
	v9 =	vmax.f32 v9, $0.0e+00  }
0x39d: {  	v17 =	vmax.f32 v17, $0.0e+00;
	v18 =	vadd.f32 $1.258291200e+07, v22;
	v7 =	vcvt.f32.s32 v7  }
0x39e: {  	v17 =	vmin.f32 v17, $1.270000000e+02;
	v10 =	vmin.f32 v10, $1.270000000e+02;
	v14 =	vadd.f32 $-1.258291200e+07, v14  }
0x39f: {  	v15 =	vadd.f32 $-1.258291200e+07, v15;
	v10 =	vmul.f32 $1.280000000e+02, v10;
	[tilespmem:s9+$0xFFFFFFF0] =	vst v7;
	v7 =	vmin.f32 v9, $1.270000000e+02  }
0x3a0: {  	v9 =	vmul.f32 $1.280000000e+02, v17;
	[tilespmem:s10+$0xFFFFFFF0] =	vst v8;
	v7 =	vmul.f32 $1.280000000e+02, v7;
	v8 =	vmax.f32 v14, $0.0e+00  }
0x3a1: {  	v10 =	vadd.f32 v10, v13;
	v13 =	vmax.f32 v15, $0.0e+00;
	v8 =	vmin.f32 v8, $1.270000000e+02  }
.Ltmp11:
0x3a2: {  	v13 =	vmin.f32 v13, $1.270000000e+02;
	v9 =	vadd.f32 v9, v16;
	v7 =	vadd.f32 v7, v12;
	(pc) =	sbr.rel @p0 .LBB2_24-.Ltmp11, $4  }
0x3a3: {  	v11 =	vmax.f32 v6, v11;
	v10 =	vmul.f32 $1.280000000e+02, v10;
	v12 =	vadd.f32 $-1.258291200e+07, v18  }
0x3a4: {  	vm0 =	vle.f32 v11, $1.000000000e+00;
	v6 =	vmul.f32 $1.280000000e+02, v9;
	v14 =	vmul.f32 $1.280000000e+02, v7  }
0x3a5: {  	v9 =	vand.u32 $0x7FFFFFFF, v5;
	v7 =	vadd.f32 v10, v13;
	v5 =	vmax.f32 v12, $0.0e+00  }
0x3a6: {  	s11 =	sadd.s32 $0x40, s11;
	s9 =	sadd.s32 $0x40, s9;
	s10 =	sadd.s32 $0x40, s10;
	v10 =	vadd.f32 v14, v8;
	v8 =	vmin.f32 v5, $1.270000000e+02;
	v5 =	vsel vm0, $0x0, v0  }
0x3a7: {  	v6 =	vadd.f32 v6, v8;
	v7 =	vtrunc.f32 v7  }
0x3a8: {  	v1 =	vand.u32 $0x7FFFFFFF, v1;
	v10 =	vtrunc.f32 v10;
	v7 =	vcvt.f32.s32 v7  }
0x3a9: {  	v4 =	vmax.f32 v4, v9;
	v2 =	vand.u32 $0x7FFFFFFF, v2;
	v8 =	vcvt.f32.s32 v10  }
0x3aa: {  	v1 =	vmax.f32 v1, v3;
	vm0 =	vle.f32 v4, $1.000000000e+00;
	v6 =	vtrunc.f32 v6;
	[tilespmem:s8+$0xFFFFFFE0] =	vst v7  }
0x3ab: {  	v1 =	vmax.f32 v1, v2;
	v2 =	vsel vm0, $0x0, v0;
	v6 =	vcvt.f32.s32 v6;
	[tilespmem:s8+$0x0] =	vst v8  }
0x3ac: {  	vm15 =	vle.f32 v1, $1.000000000e+00;
	[tilespmem:s7+$0xFFFFFFE0] =	vst v2  }
0x3ad: {  	v1 =	vsel vm15, $0x0, v0;
	[tilespmem:s8+$0x10] =	vst v6  }
0x3ae: {  	[tilespmem:s7+$0x0] =	vst v1  }
0x3af: {  	[tilespmem:s7+$0x10] =	vst v5  }
0x3b0: {  	_ =	swait.ge [sflag:s0], $0x2000  }
0x3b1: {  	[sflag:s0] =	ssyncset.done $0x0  }
0x3b2: {  	[sflag:s0] =	ssyncadd.s32 $0xFFFFE000  }
0x3b3: {  	[tilespmem:s26], [sflag:$0x1] =	stream.indirect.gather [hbm4b:s2+s21], $0x1, s25, s21, $0xb8;
	[tilespmem:$0x18000] =	vst v63  }
0x3b4: {  	_ =	swait.ge [sflag:s1], $0x2000  }
0x3b5: {  	[sflag:s1] =	ssyncset.done $0x0  }
0x3b6: {  	s6 =	simm.s32 $0x16020;
	[sflag:s1] =	ssyncadd.s32 $0xFFFFE000  }
0x3b7: {  	s7 =	simm.s32 $0x12020;
	v6 =	vld [tilespmem:s6+$0x10]  }
0x3b8: {  	v7 =	vld [tilespmem:s7+$0x10]  }
0x3b9: {  	v3 =	vld [tilespmem:s7+$0xFFFFFFE0]  }
0x3ba: {  	v1 =	vld [tilespmem:s6+$0xFFFFFFF0]  }
0x3bb: {  	v5 =	vld [tilespmem:s7+$0xFFFFFFF0]  }
0x3bc: {  	v2 =	vld [tilespmem:s6+$0x0]  }
0x3bd: {  	v4 =	vld [tilespmem:s7+$0x0];
	v7 =	vadd.f32 v7, v6  }
0x3be: {  	s9 =	simm.s32 $0x16060;
	s8 =	simm.s32 $0x0;
	v6 =	vld [tilespmem:s6+$0xFFFFFFE0]  }
.LBB2_26:
0x3bf: {  	v8 =	vld [tilespmem:s9+$0x10];
	[tilespmem:s6+$0x10] =	vst v7;
	s7 =	sadd.s32 $0x40, s7  }
0x3c0: {  	s8 =	sadd.s32 $0x40, s8;
	v7 =	vld [tilespmem:s7+$0x10];
	v5 =	vadd.f32 v5, v1  }
0x3c1: {  	p0 =	slt.u32 s8, $0x1FC0;
	v9 =	vld [tilespmem:s7+$0xFFFFFFE0]  }
.Ltmp12:
0x3c2: {  	v1 =	vld [tilespmem:s9+$0xFFFFFFF0];
	[tilespmem:s6+$0xFFFFFFF0] =	vst v5;
	v4 =	vadd.f32 v4, v2;
	(pc) =	sbr.rel @p0 .LBB2_26-.Ltmp12, $4  }
0x3c3: {  	v5 =	vld [tilespmem:s7+$0xFFFFFFF0];
	v10 =	vadd.f32 v3, v6  }
0x3c4: {  	v2 =	vld [tilespmem:s9+$0x0];
	[tilespmem:s6+$0x0] =	vst v4  }
0x3c5: {  	v4 =	vld [tilespmem:s7+$0x0];
	v7 =	vadd.f32 v7, v8;
	[tilespmem:s6+$0xFFFFFFE0] =	vst v10;
	s6 =	smov.u32 s9  }
0x3c6: {  	s9 =	sadd.s32 $0x40, s9;
	v6 =	vld [tilespmem:s6+$0xFFFFFFE0];
	v3 =	vmov v9  }
0x3c7: {  	_ =	sdelay $0x1  }
0x3c8: {  	v1 =	vadd.f32 v5, v1  }
0x3c9: {  	[tilespmem:s6+$0x10] =	vst v7;
	v2 =	vadd.f32 v4, v2  }
0x3ca: {  	[tilespmem:s6+$0xFFFFFFF0] =	vst v1;
	v1 =	vadd.f32 v3, v6  }
0x3cb: {  	[tilespmem:s6+$0x0] =	vst v2  }
0x3cc: {  	[tilespmem:s6+$0xFFFFFFE0] =	vst v1  }
0x3cd: {  	s6 =	rddreg [dreg:$0x10]  }
0x3ce: {  	[hbm4b:s6+s3] =	stream.linear.scatter [tilespmem:s30], [sflag:$0x4], $0x2000, $0x38;
	[tilespmem:$0x18000] =	vst v63  }
0x3cf: {  	_ =	swait.ge [sflag:s28], $0x6000  }
0x3d0: {  	[sflag:s28] =	ssyncset.done $0x0  }
0x3d1: {  	s7 =	simm.s32 $0x6020;
	[sflag:s28] =	ssyncadd.s32 $0xFFFFA000  }
0x3d2: {  	s6 =	simm.s32 $0x0;
	v2 =	vld [tilespmem:s7+$0xFFFFFFF0]  }
0x3d3: {  	s8 =	simm.s32 $0x10;
	s9 =	sand.u32 $0x1F80, s6;
	v1 =	vld [tilespmem:s7+$0x0]  }
0x3d4: {  	s8 =	sand.u32 $0x50, s8;
	s10 =	sor.u32 $0x8000, s9;
	v3 =	vld [tilespmem:s7+$0xFFFFFFE0]  }
0x3d5: {  	s9 =	sor.u32 $0xA000, s9;
	s12 =	sor.u32 s8, s10;
	v4 =	vld [tilespmem:s7+$0x10]  }
0x3d6: {  	s11 =	simm.s32 $0x20;
	s15 =	sand.u32 $0x40, s6;
	s8 =	sor.u32 s8, s9;
	v5 =	vld [tilespmem:s12+$0x0]  }
0x3d7: {  	s14 =	simm.s32 $0x30;
	s19 =	sor.u32 s15, s9;
	s7 =	sand.u32 $0x60, s11;
	v6 =	vld [tilespmem:s8+$0x0]  }
0x3d8: {  	s11 =	sand.u32 $0x70, s14;
	v20 =	vld [tilespmem:s19+$0x0];
	s16 =	sor.u32 s7, s10  }
0x3d9: {  	s18 =	sor.u32 s11, s9;
	v8 =	vld [tilespmem:s16+$0x0]  }
0x3da: {  	v16 =	vld [tilespmem:s18+$0x0]  }
0x3db: {  	v7 =	vadd.f32 $1.000000000e+00, v2;
	v2 =	vand.u32 $0x7FFFFFFF, v2;
	v9 =	vadd.f32 $1.000000000e+00, v1  }
0x3dc: {  	v11 =	vadd.f32 $1.000000000e+00, v3;
	v12 =	vand.u32 $0x7FFFFFFF, v3;
	v13 =	vadd.f32 $1.000000000e+00, v4  }
0x3dd: {  	v14 =	vadd.f32 $1.000000000e+00, v5;
	v15 =	vadd.f32 $1.000000000e+00, v6;
	v3 =	vmul.f32 $6.400000000e+01, v7  }
0x3de: {  	s13 =	sor.u32 s15, s10;
	v52 =	vadd.f32 $1.000000000e+00, v20;
	v7 =	vmul.f32 $6.400000000e+01, v9;
	v11 =	vmul.f32 $6.400000000e+01, v11  }
0x3df: {  	v10 =	vld [tilespmem:s13+$0x0];
	v15 =	vmul.f32 $6.400000000e+01, v15;
	v18 =	vadd.f32 $1.000000000e+00, v8;
	v19 =	vadd.f32 $1.000000000e+00, v16  }
0x3e0: {  	v14 =	vmul.f32 $6.400000000e+01, v14;
	v3 =	vadd.f32 $-5.000000000e-01, v3;
	v7 =	vadd.f32 $-5.000000000e-01, v7  }
0x3e1: {  	s17 =	sor.u32 s11, s10;
	v13 =	vmul.f32 $6.400000000e+01, v13;
	v11 =	vadd.f32 $-5.000000000e-01, v11;
	v15 =	vadd.f32 $-5.000000000e-01, v15  }
0x3e2: {  	v9 =	vld [tilespmem:s17+$0x0];
	v18 =	vmul.f32 $6.400000000e+01, v18;
	v14 =	vadd.f32 $-5.000000000e-01, v14;
	v19 =	vmul.f32 $6.400000000e+01, v19  }
0x3e3: {  	v13 =	vadd.f32 $-5.000000000e-01, v13;
	v17 =	vadd.f32 $1.258291200e+07, v3;
	v3 =	vand.u32 $0x7FFFFFFF, v5  }
0x3e4: {  	v5 =	vand.u32 $0x7FFFFFFF, v10;
	v10 =	vadd.f32 $1.000000000e+00, v10;
	v18 =	vadd.f32 $-5.000000000e-01, v18  }
0x3e5: {  	v4 =	vand.u32 $0x7FFFFFFF, v4;
	v11 =	vadd.f32 $1.258291200e+07, v11;
	v15 =	vadd.f32 $1.258291200e+07, v15  }
0x3e6: {  	v6 =	vand.u32 $0x7FFFFFFF, v6;
	v53 =	vadd.f32 $1.258291200e+07, v14;
	v19 =	vadd.f32 $-5.000000000e-01, v19  }
0x3e7: {  	v2 =	vmax.f32 v2, v3;
	v3 =	vadd.f32 $1.000000000e+00, v9;
	v9 =	vand.u32 $0x7FFFFFFF, v9  }
0x3e8: {  	v7 =	vadd.f32 $1.258291200e+07, v7;
	v13 =	vadd.f32 $1.258291200e+07, v13;
	v9 =	vmax.f32 v4, v9  }
0x3e9: {  	v4 =	vmax.f32 v12, v5;
	v5 =	vadd.f32 $-1.258291200e+07, v15;
	v54 =	vadd.f32 $-1.258291200e+07, v17  }
0x3ea: {  	s7 =	sor.u32 s7, s9;
	v10 =	vmul.f32 $6.400000000e+01, v10;
	v12 =	vadd.f32 $-1.258291200e+07, v53;
	v19 =	vadd.f32 $1.258291200e+07, v19  }
0x3eb: {  	v6 =	vmax.f32 v2, v6;
	v2 =	vld [tilespmem:s7+$0x0];
	v7 =	vadd.f32 $-1.258291200e+07, v7;
	v11 =	vadd.f32 $-1.258291200e+07, v11  }
0x3ec: {  	v13 =	vadd.f32 $-1.258291200e+07, v13;
	v3 =	vmul.f32 $6.400000000e+01, v3;
	vm0 =	vle.f32 v6, $1.000000000e+00  }
0x3ed: {  	v5 =	vmax.f32 v5, $0.0e+00;
	v14 =	vmax.f32 v54, $0.0e+00;
	v10 =	vadd.f32 $-5.000000000e-01, v10  }
0x3ee: {  	v12 =	vmax.f32 v12, $0.0e+00;
	v21 =	vadd.f32 $-5.000000000e-01, v3;
	v3 =	vadd.f32 $1.258291200e+07, v18  }
0x3ef: {  	v59 =	vadd.f32 $-1.258291200e+07, v19;
	v60 =	vsel vm0, $0x0, v0;
	v7 =	vmax.f32 v7, $0.0e+00  }
0x3f0: {  	v11 =	vmax.f32 v11, $0.0e+00;
	v18 =	vadd.f32 $-1.258291200e+07, v3;
	v57 =	vadd.f32 $1.000000000e+00, v2  }
0x3f1: {  	v5 =	vmin.f32 v5, $1.270000000e+02;
	v3 =	vand.u32 $0x7FFFFFFF, v8;
	v8 =	vand.u32 $0x7FFFFFFF, v16  }
0x3f2: {  	v16 =	vmul.f32 $6.400000000e+01, v52;
	v55 =	vmax.f32 v18, $0.0e+00;
	v18 =	vmul.f32 $6.400000000e+01, v57  }
0x3f3: {  	v14 =	vmin.f32 v14, $1.270000000e+02;
	v12 =	vmin.f32 v12, $1.270000000e+02;
	v5 =	vmul.f32 $1.280000000e+02, v5  }
0x3f4: {  	v63 =	vmin.f32 v7, $1.270000000e+02;
	v16 =	vadd.f32 $-5.000000000e-01, v16;
	v58 =	vadd.f32 $-5.000000000e-01, v18  }
0x3f5: {  	v7 =	vmin.f32 v11, $1.270000000e+02;
	v10 =	vadd.f32 $1.258291200e+07, v10;
	v5 =	vadd.f32 v5, v12  }
0x3f6: {  	v62 =	vmax.f32 v59, $0.0e+00;
	v16 =	vadd.f32 $1.258291200e+07, v16;
	v12 =	vadd.f32 $1.258291200e+07, v58  }
0x3f7: {  	v56 =	vadd.f32 $1.258291200e+07, v21;
	v10 =	vadd.f32 $-1.258291200e+07, v10;
	v5 =	vmul.f32 $1.280000000e+02, v5  }
0x3f8: {  	v8 =	vmax.f32 v9, v8;
	v16 =	vadd.f32 $-1.258291200e+07, v16;
	v6 =	vadd.f32 $-1.258291200e+07, v12  }
0x3f9: {  	v17 =	vadd.f32 $-1.258291200e+07, v56;
	v15 =	vmin.f32 v55, $1.270000000e+02;
	v5 =	vadd.f32 v5, v14  }
0x3fa: {  	v10 =	vmax.f32 v10, $0.0e+00;
	v61 =	vmax.f32 v16, $0.0e+00;
	v6 =	vmax.f32 v6, $0.0e+00  }
0x3fb: {  	v5 =	vtrunc.f32 v5;
	v12 =	vmin.f32 v61, $1.270000000e+02;
	v6 =	vmin.f32 v6, $1.270000000e+02  }
0x3fc: {  	v17 =	vmax.f32 v17, $0.0e+00;
	v12 =	vmul.f32 $1.280000000e+02, v12;
	v6 =	vmul.f32 $1.280000000e+02, v6  }
0x3fd: {  	v10 =	vmin.f32 v10, $1.270000000e+02;
	v5 =	vcvt.f32.s32 v5;
	v16 =	vmin.f32 v62, $1.270000000e+02  }
0x3fe: {  	s8 =	simm.s32 $0xE020;
	v16 =	vmul.f32 $1.280000000e+02, v16;
	v10 =	vadd.f32 v12, v10;
	v6 =	vadd.f32 v6, v15  }
0x3ff: {  	vm15 =	vle.f32 v8, $1.000000000e+00;
	v17 =	vmin.f32 v17, $1.270000000e+02;
	[tilespmem:s8+$0xFFFFFFF0] =	vst v5;
	v5 =	vmax.f32 v13, $0.0e+00  }
0x400: {  	v11 =	vadd.f32 v16, v17;
	v10 =	vmul.f32 $1.280000000e+02, v10;
	v15 =	vmul.f32 $1.280000000e+02, v6  }
0x401: {  	s7 =	simm.s32 $0x12020;
	v9 =	vand.u32 $0x7FFFFFFF, v20;
	v8 =	vmin.f32 v5, $1.270000000e+02;
	v5 =	vsel vm15, $0x0, v0  }
0x402: {  	s9 =	simm.s32 $0xE060;
	s10 =	simm.s32 $0x12060;
	s11 =	simm.s32 $0x6060;
	[tilespmem:s7+$0xFFFFFFF0] =	vst v60;
	v6 =	vmul.f32 $1.280000000e+02, v11;
	v7 =	vadd.f32 v10, v7;
	v10 =	vadd.f32 v15, v63  }
.LBB2_28:
0x403: {  	s12 =	sadd.s32 $0x50, s6  }
0x404: {  	v11 =	vld [tilespmem:s11+$0xFFFFFFF0];
	s13 =	sadd.s32 $0x70, s6;
	v4 =	vmax.f32 v4, v9;
	v9 =	vand.u32 $0x7FFFFFFF, v1;
	v2 =	vand.u32 $0x7FFFFFFF, v2;
	s14 =	smov.u32 s6;
	s6 =	sadd.s32 $0x40, s6  }
0x405: {  	s15 =	sand.u32 $0x1F80, s6;
	s12 =	sand.u32 $0x50, s12;
	s14 =	sadd.s32 $0x60, s14;
	v1 =	vld [tilespmem:s11+$0x0];
	vm0 =	vle.f32 v4, $1.000000000e+00;
	v4 =	vtrunc.f32 v10;
	v3 =	vmax.f32 v9, v3  }
0x406: {  	v9 =	vld [tilespmem:s11+$0xFFFFFFE0];
	s16 =	sor.u32 $0x8000, s15;
	s15 =	sor.u32 $0xA000, s15;
	s14 =	sand.u32 $0x60, s14;
	v10 =	vsel vm0, $0x0, v0;
	v2 =	vmax.f32 v3, v2;
	v3 =	vadd.f32 v6, v8  }
0x407: {  	v7 =	vtrunc.f32 v7;
	s17 =	sand.u32 $0x40, s6;
	s13 =	sand.u32 $0x70, s13;
	v4 =	vcvt.f32.s32 v4;
	s18 =	sor.u32 s12, s16;
	v6 =	vld [tilespmem:s11+$0x10];
	vm0 =	vle.f32 v2, $1.000000000e+00  }
0x408: {  	v7 =	vcvt.f32.s32 v7;
	s19 =	sor.u32 s17, s16;
	s12 =	sor.u32 s12, s15;
	v2 =	vld [tilespmem:s18+$0x0];
	s18 =	sor.u32 s14, s15;
	v3 =	vtrunc.f32 v3  }
0x409: {  	v8 =	vld [tilespmem:s12+$0x0];
	v12 =	vadd.f32 $1.000000000e+00, v11;
	s12 =	sor.u32 s14, s16;
	s14 =	sor.u32 s13, s16;
	s13 =	sor.u32 s13, s15;
	[tilespmem:s8+$0x0] =	vst v4;
	v3 =	vcvt.f32.s32 v3  }
0x40a: {  	p0 =	slt.u32 s6, $0x1FC0;
	s15 =	sor.u32 s17, s15;
	v4 =	vand.u32 $0x7FFFFFFF, v11;
	v11 =	vld [tilespmem:s12+$0x0];
	v13 =	vadd.f32 $1.000000000e+00, v1;
	[tilespmem:s8+$0xFFFFFFE0] =	vst v7;
	v7 =	vsel vm0, $0x0, v0  }
0x40b: {  	v14 =	vld [tilespmem:s19+$0x0];
	v15 =	vadd.f32 $1.000000000e+00, v9;
	v9 =	vand.u32 $0x7FFFFFFF, v9;
	v12 =	vmul.f32 $6.400000000e+01, v12;
	[tilespmem:s8+$0x10] =	vst v3;
	s8 =	smov.u32 s9  }
0x40c: {  	v3 =	vmul.f32 $6.400000000e+01, v13;
	v13 =	vld [tilespmem:s14+$0x0];
	v16 =	vadd.f32 $1.000000000e+00, v6;
	v6 =	vand.u32 $0x7FFFFFFF, v6;
	[tilespmem:s7+$0x10] =	vst v5  }
0x40d: {  	v5 =	vld [tilespmem:s15+$0x0];
	v15 =	vmul.f32 $6.400000000e+01, v15;
	v17 =	vadd.f32 $1.000000000e+00, v2;
	v12 =	vadd.f32 $-5.000000000e-01, v12;
	[tilespmem:s7+$0xFFFFFFE0] =	vst v10  }
0x40e: {  	v10 =	vadd.f32 $1.000000000e+00, v8;
	v18 =	vadd.f32 $-5.000000000e-01, v3;
	v19 =	vld [tilespmem:s13+$0x0];
	v3 =	vmul.f32 $6.400000000e+01, v16;
	[tilespmem:s7+$0x0] =	vst v7;
	s7 =	smov.u32 s10  }
0x40f: {  	v16 =	vand.u32 $0x7FFFFFFF, v2;
	v7 =	vmul.f32 $6.400000000e+01, v17;
	v12 =	vadd.f32 $1.258291200e+07, v12;
	v2 =	vld [tilespmem:s18+$0x0]  }
0x410: {  	v20 =	vadd.f32 $1.000000000e+00, v11;
	v17 =	vand.u32 $0x7FFFFFFF, v14;
	v10 =	vmul.f32 $6.400000000e+01, v10  }
0x411: {  	v15 =	vadd.f32 $-5.000000000e-01, v15;
	v4 =	vmax.f32 v4, v16;
	v16 =	vadd.f32 $1.000000000e+00, v13  }
0x412: {  	v20 =	vmul.f32 $6.400000000e+01, v20;
	v13 =	vand.u32 $0x7FFFFFFF, v13;
	v10 =	vadd.f32 $-5.000000000e-01, v10  }
0x413: {  	v14 =	vadd.f32 $1.000000000e+00, v14;
	v21 =	vadd.f32 $1.000000000e+00, v19;
	v16 =	vmul.f32 $6.400000000e+01, v16  }
0x414: {  	v8 =	vand.u32 $0x7FFFFFFF, v8;
	v7 =	vadd.f32 $-5.000000000e-01, v7;
	v20 =	vadd.f32 $-5.000000000e-01, v20  }
0x415: {  	v22 =	vadd.f32 $-5.000000000e-01, v3;
	v21 =	vmul.f32 $6.400000000e+01, v21;
	v16 =	vadd.f32 $-5.000000000e-01, v16  }
0x416: {  	v15 =	vadd.f32 $1.258291200e+07, v15;
	v14 =	vmul.f32 $6.400000000e+01, v14;
	v3 =	vadd.f32 $1.258291200e+07, v20  }
0x417: {  	v8 =	vmax.f32 v4, v8;
	v6 =	vmax.f32 v6, v13;
	v10 =	vadd.f32 $1.258291200e+07, v10  }
0x418: {  	v13 =	vadd.f32 $-1.258291200e+07, v3;
	v3 =	vand.u32 $0x7FFFFFFF, v11;
	v11 =	vand.u32 $0x7FFFFFFF, v19  }
0x419: {  	v4 =	vmax.f32 v9, v17;
	v9 =	vadd.f32 $-1.258291200e+07, v10;
	v19 =	vadd.f32 $1.000000000e+00, v5  }
0x41a: {  	v7 =	vadd.f32 $1.258291200e+07, v7;
	v10 =	vadd.f32 $-1.258291200e+07, v12;
	v12 =	vmax.f32 v13, $0.0e+00  }
0x41b: {  	v16 =	vadd.f32 $1.258291200e+07, v16;
	v9 =	vmax.f32 v9, $0.0e+00;
	v13 =	vmul.f32 $6.400000000e+01, v19  }
0x41c: {  	v7 =	vadd.f32 $-1.258291200e+07, v7;
	v10 =	vmax.f32 v10, $0.0e+00;
	v12 =	vmin.f32 v12, $1.270000000e+02  }
0x41d: {  	v17 =	vadd.f32 $1.000000000e+00, v2;
	v10 =	vmin.f32 v10, $1.270000000e+02;
	v16 =	vadd.f32 $-1.258291200e+07, v16  }
0x41e: {  	v7 =	vmax.f32 v7, $0.0e+00;
	v9 =	vmin.f32 v9, $1.270000000e+02;
	v19 =	vadd.f32 $-5.000000000e-01, v21  }
0x41f: {  	v14 =	vadd.f32 $-5.000000000e-01, v14;
	v17 =	vmul.f32 $6.400000000e+01, v17;
	v9 =	vmul.f32 $1.280000000e+02, v9  }
0x420: {  	v7 =	vmin.f32 v7, $1.270000000e+02;
	v13 =	vadd.f32 $-5.000000000e-01, v13;
	v19 =	vadd.f32 $1.258291200e+07, v19  }
0x421: {  	v16 =	vmax.f32 v16, $0.0e+00;
	v7 =	vadd.f32 v9, v7;
	v9 =	vadd.f32 $-5.000000000e-01, v17  }
0x422: {  	v14 =	vadd.f32 $1.258291200e+07, v14;
	v16 =	vmin.f32 v16, $1.270000000e+02;
	v13 =	vadd.f32 $1.258291200e+07, v13  }
0x423: {  	v17 =	vadd.f32 $-1.258291200e+07, v19;
	v7 =	vmul.f32 $1.280000000e+02, v7;
	v9 =	vadd.f32 $1.258291200e+07, v9  }
0x424: {  	vm0 =	vle.f32 v8, $1.000000000e+00;
	v14 =	vadd.f32 $-1.258291200e+07, v14;
	v13 =	vadd.f32 $-1.258291200e+07, v13  }
0x425: {  	v8 =	vsel vm0, $0x0, v0;
	v7 =	vadd.f32 v7, v10;
	v9 =	vadd.f32 $-1.258291200e+07, v9  }
0x426: {  	v10 =	vmax.f32 v13, $0.0e+00;
	v13 =	vmax.f32 v14, $0.0e+00;
	v14 =	vadd.f32 $1.258291200e+07, v18  }
0x427: {  	v13 =	vmin.f32 v13, $1.270000000e+02;
	v7 =	vtrunc.f32 v7;
	v9 =	vmax.f32 v9, $0.0e+00  }
0x428: {  	v17 =	vmax.f32 v17, $0.0e+00;
	v18 =	vadd.f32 $1.258291200e+07, v22;
	v7 =	vcvt.f32.s32 v7  }
0x429: {  	v17 =	vmin.f32 v17, $1.270000000e+02;
	v10 =	vmin.f32 v10, $1.270000000e+02;
	v14 =	vadd.f32 $-1.258291200e+07, v14  }
0x42a: {  	v15 =	vadd.f32 $-1.258291200e+07, v15;
	v10 =	vmul.f32 $1.280000000e+02, v10;
	[tilespmem:s9+$0xFFFFFFF0] =	vst v7;
	v7 =	vmin.f32 v9, $1.270000000e+02  }
0x42b: {  	v9 =	vmul.f32 $1.280000000e+02, v17;
	[tilespmem:s10+$0xFFFFFFF0] =	vst v8;
	v7 =	vmul.f32 $1.280000000e+02, v7;
	v8 =	vmax.f32 v14, $0.0e+00  }
0x42c: {  	v10 =	vadd.f32 v10, v13;
	v13 =	vmax.f32 v15, $0.0e+00;
	v8 =	vmin.f32 v8, $1.270000000e+02  }
.Ltmp13:
0x42d: {  	v13 =	vmin.f32 v13, $1.270000000e+02;
	v9 =	vadd.f32 v9, v16;
	v7 =	vadd.f32 v7, v12;
	(pc) =	sbr.rel @p0 .LBB2_28-.Ltmp13, $4  }
0x42e: {  	v11 =	vmax.f32 v6, v11;
	v10 =	vmul.f32 $1.280000000e+02, v10;
	v12 =	vadd.f32 $-1.258291200e+07, v18  }
0x42f: {  	vm0 =	vle.f32 v11, $1.000000000e+00;
	v6 =	vmul.f32 $1.280000000e+02, v9;
	v14 =	vmul.f32 $1.280000000e+02, v7  }
0x430: {  	v9 =	vand.u32 $0x7FFFFFFF, v5;
	v7 =	vadd.f32 v10, v13;
	v5 =	vmax.f32 v12, $0.0e+00  }
0x431: {  	s11 =	sadd.s32 $0x40, s11;
	s9 =	sadd.s32 $0x40, s9;
	s10 =	sadd.s32 $0x40, s10;
	v10 =	vadd.f32 v14, v8;
	v8 =	vmin.f32 v5, $1.270000000e+02;
	v5 =	vsel vm0, $0x0, v0  }
0x432: {  	v6 =	vadd.f32 v6, v8;
	v7 =	vtrunc.f32 v7  }
0x433: {  	v1 =	vand.u32 $0x7FFFFFFF, v1;
	v10 =	vtrunc.f32 v10;
	v7 =	vcvt.f32.s32 v7  }
0x434: {  	v4 =	vmax.f32 v4, v9;
	v2 =	vand.u32 $0x7FFFFFFF, v2;
	v8 =	vcvt.f32.s32 v10  }
0x435: {  	v1 =	vmax.f32 v1, v3;
	vm0 =	vle.f32 v4, $1.000000000e+00;
	v6 =	vtrunc.f32 v6;
	[tilespmem:s8+$0xFFFFFFE0] =	vst v7  }
0x436: {  	v1 =	vmax.f32 v1, v2;
	v2 =	vsel vm0, $0x0, v0;
	v6 =	vcvt.f32.s32 v6;
	[tilespmem:s8+$0x0] =	vst v8  }
0x437: {  	vm15 =	vle.f32 v1, $1.000000000e+00;
	[tilespmem:s7+$0xFFFFFFE0] =	vst v2  }
0x438: {  	v1 =	vsel vm15, $0x0, v0;
	[tilespmem:s8+$0x10] =	vst v6  }
0x439: {  	[tilespmem:s7+$0x0] =	vst v1  }
0x43a: {  	[tilespmem:s7+$0x10] =	vst v5  }
0x43b: {  	_ =	swait.ge [sflag:s4], $0x2000  }
0x43c: {  	[sflag:s4] =	ssyncset.done $0x0  }
0x43d: {  	[sflag:s4] =	ssyncadd.s32 $0xFFFFE000  }
0x43e: {  	[tilespmem:s30], [sflag:$0x2] =	stream.indirect.gather [hbm4b:s2+s21], $0x1, s29, s21, $0xb8;
	[tilespmem:$0x18000] =	vst v63  }
0x43f: {  	_ =	swait.ge [sflag:s31], $0x2000  }
0x440: {  	[sflag:s31] =	ssyncset.done $0x0  }
0x441: {  	s6 =	simm.s32 $0x14020;
	[sflag:s31] =	ssyncadd.s32 $0xFFFFE000  }
0x442: {  	s7 =	simm.s32 $0x10020;
	v6 =	vld [tilespmem:s6+$0x10]  }
0x443: {  	v7 =	vld [tilespmem:s7+$0x10]  }
0x444: {  	v3 =	vld [tilespmem:s7+$0xFFFFFFE0]  }
0x445: {  	v1 =	vld [tilespmem:s6+$0xFFFFFFF0]  }
0x446: {  	v5 =	vld [tilespmem:s7+$0xFFFFFFF0]  }
0x447: {  	v2 =	vld [tilespmem:s6+$0x0]  }
0x448: {  	v4 =	vld [tilespmem:s7+$0x0];
	v7 =	vadd.f32 v7, v6  }
0x449: {  	s9 =	simm.s32 $0x14060;
	s8 =	simm.s32 $0x0;
	v6 =	vld [tilespmem:s6+$0xFFFFFFE0]  }
.LBB2_30:
0x44a: {  	v8 =	vld [tilespmem:s9+$0x10];
	[tilespmem:s6+$0x10] =	vst v7;
	s7 =	sadd.s32 $0x40, s7  }
0x44b: {  	s8 =	sadd.s32 $0x40, s8;
	v7 =	vld [tilespmem:s7+$0x10];
	v5 =	vadd.f32 v5, v1  }
0x44c: {  	p0 =	slt.u32 s8, $0x1FC0;
	v9 =	vld [tilespmem:s7+$0xFFFFFFE0]  }
.Ltmp14:
0x44d: {  	v1 =	vld [tilespmem:s9+$0xFFFFFFF0];
	[tilespmem:s6+$0xFFFFFFF0] =	vst v5;
	v4 =	vadd.f32 v4, v2;
	(pc) =	sbr.rel @p0 .LBB2_30-.Ltmp14, $4  }
0x44e: {  	v5 =	vld [tilespmem:s7+$0xFFFFFFF0];
	v10 =	vadd.f32 v3, v6  }
0x44f: {  	v2 =	vld [tilespmem:s9+$0x0];
	[tilespmem:s6+$0x0] =	vst v4  }
0x450: {  	v4 =	vld [tilespmem:s7+$0x0];
	v7 =	vadd.f32 v7, v8;
	[tilespmem:s6+$0xFFFFFFE0] =	vst v10;
	s6 =	smov.u32 s9  }
0x451: {  	s9 =	sadd.s32 $0x40, s9;
	v6 =	vld [tilespmem:s6+$0xFFFFFFE0];
	v3 =	vmov v9  }
0x452: {  	_ =	sdelay $0x1  }
0x453: {  	v1 =	vadd.f32 v5, v1  }
0x454: {  	[tilespmem:s6+$0x10] =	vst v7;
	v2 =	vadd.f32 v4, v2  }
0x455: {  	[tilespmem:s6+$0xFFFFFFF0] =	vst v1;
	v1 =	vadd.f32 v3, v6  }
0x456: {  	[tilespmem:s6+$0x0] =	vst v2  }
0x457: {  	[tilespmem:s6+$0xFFFFFFE0] =	vst v1  }
0x458: {  	s6 =	rddreg [dreg:$0x11]  }
0x459: {  	[hbm4b:s6+s3] =	stream.linear.scatter [tilespmem:s26], [sflag:$0x3], $0x2000, $0x38;
	[tilespmem:$0x18000] =	vst v63  }
0x45a: {  	_ =	swait.ge [sflag:s1], $0x2000  }
0x45b: {  	[sflag:s1] =	ssyncset.done $0x0  }
0x45c: {  	s6 =	simm.s32 $0x16020;
	[sflag:s1] =	ssyncadd.s32 $0xFFFFE000  }
0x45d: {  	s7 =	simm.s32 $0x12020;
	v6 =	vld [tilespmem:s6+$0x10]  }
0x45e: {  	v7 =	vld [tilespmem:s7+$0x10]  }
0x45f: {  	v3 =	vld [tilespmem:s7+$0xFFFFFFE0]  }
0x460: {  	v1 =	vld [tilespmem:s6+$0xFFFFFFF0]  }
0x461: {  	v5 =	vld [tilespmem:s7+$0xFFFFFFF0]  }
0x462: {  	v2 =	vld [tilespmem:s6+$0x0]  }
0x463: {  	v4 =	vld [tilespmem:s7+$0x0];
	v7 =	vadd.f32 v7, v6  }
0x464: {  	s8 =	simm.s32 $0x0;
	s9 =	simm.s32 $0x16060;
	v6 =	vld [tilespmem:s6+$0xFFFFFFE0]  }
.LBB2_32:
0x465: {  	v8 =	vld [tilespmem:s9+$0x10];
	[tilespmem:s6+$0x10] =	vst v7;
	s7 =	sadd.s32 $0x40, s7  }
0x466: {  	s8 =	sadd.s32 $0x40, s8;
	v7 =	vld [tilespmem:s7+$0x10];
	v5 =	vadd.f32 v5, v1  }
0x467: {  	p0 =	slt.u32 s8, $0x1FC0;
	v9 =	vld [tilespmem:s7+$0xFFFFFFE0]  }
.Ltmp15:
0x468: {  	v1 =	vld [tilespmem:s9+$0xFFFFFFF0];
	[tilespmem:s6+$0xFFFFFFF0] =	vst v5;
	v4 =	vadd.f32 v4, v2;
	(pc) =	sbr.rel @p0 .LBB2_32-.Ltmp15, $4  }
0x469: {  	v5 =	vld [tilespmem:s7+$0xFFFFFFF0];
	v10 =	vadd.f32 v3, v6  }
0x46a: {  	v2 =	vld [tilespmem:s9+$0x0];
	[tilespmem:s6+$0x0] =	vst v4  }
0x46b: {  	v4 =	vld [tilespmem:s7+$0x0];
	v7 =	vadd.f32 v7, v8;
	[tilespmem:s6+$0xFFFFFFE0] =	vst v10;
	s6 =	smov.u32 s9  }
0x46c: {  	s9 =	sadd.s32 $0x40, s9;
	v6 =	vld [tilespmem:s6+$0xFFFFFFE0];
	v3 =	vmov v9  }
0x46d: {  	_ =	sdelay $0x1  }
0x46e: {  	v1 =	vadd.f32 v5, v1  }
0x46f: {  	[tilespmem:s6+$0x10] =	vst v7;
	v2 =	vadd.f32 v4, v2  }
0x470: {  	[tilespmem:s6+$0xFFFFFFF0] =	vst v1;
	v1 =	vadd.f32 v3, v6  }
0x471: {  	[tilespmem:s6+$0x0] =	vst v2  }
0x472: {  	[tilespmem:s6+$0xFFFFFFE0] =	vst v1  }
0x473: {  	s5 =	sadd.s32 $0x1, s5;
	_ =	swait.ge [sflag:s0], $0x2000  }
0x474: {  	p0 =	sne.s32 s5, s20;
	[sflag:s0] =	ssyncset.done $0x0  }
.Ltmp16:
0x475: {  	s19 =	rddreg [dreg:$0x12];
	[sflag:s0] =	ssyncadd.s32 $0xFFFFE000;
	(pc) =	sbr.rel @p0 .LBB2_1-.Ltmp16, $4  }
0x476: {  	[hbm4b:s19+s3] =	stream.linear.scatter [tilespmem:s30], [sflag:$0x4], $0x2000, $0x38;
	[tilespmem:$0x18000] =	vst v63  }
0x477: {  	_ =	swait.ge [sflag:s4], $0x2000  }
0x478: {  	[sflag:s4] =	ssyncset.done $0x0  }
0x479: {  	[sflag:s4] =	ssyncadd.s32 $0xFFFFE000  }
0x47a: {  	_ =	sfence.sel $0x180000  }
0x47b: {  	[bflag:$0x0] =	sbarrier.arrive $0xFFFF  }
0x47c: {  	_ =	strace $0x90000047  }
0x47d: {  	s0 =	stileid.u32;
	[bflag:$0x2] =	sbarrier.arrive $0xFFFF  }
0x47e: {  	p0 =	sne.s32 s0, $0x0;
	s0 =	rddreg [dreg:$0x2]  }
0x47f: {  	s0 =	sadd.s32 @!p0 $0x100000, s0  }
0x480: {  	[sflag:s0] =	ssyncadd.tile.s32 @!p0 $0x1;
	_ =	shalt  }
.Lfunc_end2:
_tile_overlayer_lowered:
.L_overlay_start_2:
0x481: {  	(tag) =	ssettag $0x2  }
0x482: {  	s0 =	rddreg [dreg:$0x0];
	s2 =	stileid.u32  }
0x483: {  	s1 =	rddreg [dreg:$0x1];
	p0 =	sne.s32 s2, $0x0  }
0x484: {  	s3 =	rddreg [dreg:$0x2];
	[bflag:$0x3] =	sbarrier.arrive $0xFFFF;
	s2 =	simm.s32 @!p0 $0x1C06  }
0x485: {  	[timem:s3], [sflag:s2] =	dma.local @!p0 [hbm:s0], s1  }
0x486: {  	s0 =	simm.s32 @!p0 $0x6  }
0x487: {  	_ =	swait.ge @!p0 [sflag:s0], s1  }
0x488: {  	s1 =	ssub.s32 @!p0 $0x0, s1;
	[sflag:s0] =	ssyncset.done @!p0 $0x0  }
0x489: {  	[sflag:s0] =	ssyncadd.s32 @!p0 s1  }
0x48a: {  	[bflag:$0x3] =	sbarrier.arrive $0xFFFF  }
0x48b: {  	_ =	shalt  }

</sc_bundles>
